<compile_context>
chip_gen: v7x
topology: tpu7x:2x2x1
jax: 0.10.2.dev20260603
libtpu: 0.0.44.dev20260713+nightly
codegen_flags: <defaults>
</compile_context>

<pallas_src>
import functools

import jax
import jax.numpy as jnp
from jax import lax
from jax.experimental import pallas as pl
from jax.experimental.pallas import tpu as pltpu
from jax.experimental.pallas import tpu_sc as plsc

N = 10000
E = 320000
D_IN, D_HID, D_OUT = 128, 64, 6
NC, NS = 2, 16
NW = NC * NS
N_PAD = 10240
ROWS_T = N_PAD // NS
E_W = E // NW
_CHUNK_CFG = {64: (200, 5, 3), 16: (500, 5, 3)}
BN = 1024
NB = N_PAD // BN


def _ring_loop(rows, acc, src_v, dst_v, bufs, gsem, ssem, B, U, G, NCH):

    def gdesc(k, j):
        return pltpu.make_async_copy(rows.at[src_v.at[k]], bufs[j], gsem[j])

    def sdesc(k, j):
        return pltpu.make_async_copy(bufs[j], acc.at[dst_v.at[k]], ssem[j])

    for j in range(G):
        gdesc(j, j).start()

    def step(i, carry):
        for j in range(U):
            k = U * i + j
            gdesc(k, j).wait()
            sdesc(k, j).start(add=True)
            jj = (j + G) % U

            @pl.when(k >= U - G)
            def _():
                sdesc(k - (U - G), jj).wait()

            @pl.when(k + G < NCH)
            def _():
                gdesc(k + G, jj).start()

        return carry

    lax.fori_loop(0, NCH // U, step, 0)
    for t in range(U - G):
        k = NCH - (U - G) + t
        sdesc(k, k % U).wait()


@functools.lru_cache(maxsize=None)
def _make_spass(d):
    B, U, G = _CHUNK_CFG[d]
    NCH = E_W // B
    assert NCH % U == 0 and E_W % B == 0
    mesh = plsc.VectorSubcoreMesh(
        core_axis_name="c", subcore_axis_name="s", num_cores=NC, num_subcores=NS
    )

    @functools.partial(
        pl.kernel,
        out_type=jax.ShapeDtypeStruct((NC * N_PAD, d), jnp.float32),
        mesh=mesh,
        compiler_params=pltpu.CompilerParams(use_tc_tiling_on_sc=False),
        scratch_types=[
            pltpu.VMEM((NCH, B), jnp.int32),
            pltpu.VMEM((NCH, B), jnp.int32),
            *([pltpu.VMEM((B, d), jnp.float32)] * U),
            *([pltpu.SemaphoreType.DMA] * U),
            *([pltpu.SemaphoreType.DMA] * U),
            pltpu.VMEM_SHARED((N_PAD, d), jnp.float32),
        ],
    )
    def spass(src3, dst3, rows, zeros, out, src_v, dst_v, *rest):
        bufs = rest[:U]
        gsem = rest[U:2 * U]
        ssem = rest[2 * U:3 * U]
        acc = rest[3 * U]
        c = lax.axis_index("c")
        s = lax.axis_index("s")
        wid = c * NS + s
        row0 = s * ROWS_T

        pltpu.sync_copy(zeros.at[pl.ds(row0, ROWS_T)], acc.at[pl.ds(row0, ROWS_T)])
        pltpu.sync_copy(src3.at[wid], src_v)
        pltpu.sync_copy(dst3.at[wid], dst_v)
        plsc.subcore_barrier()
        _ring_loop(rows, acc, src_v, dst_v, bufs, gsem, ssem, B, U, G, NCH)
        plsc.subcore_barrier()
        pltpu.sync_copy(
            acc.at[pl.ds(row0, ROWS_T)],
            out.at[pl.ds(c * N_PAD + row0, ROWS_T)],
        )

    return spass


ROWS_W = N_PAD // NW


@functools.lru_cache(maxsize=None)
def _make_fused(d):
    B, U, G = _CHUNK_CFG[d]
    NCH = E_W // B
    R3C = 160
    assert NCH % U == 0 and ROWS_W % R3C == 0 and B >= R3C
    mesh = plsc.VectorSubcoreMesh(
        core_axis_name="c", subcore_axis_name="s", num_cores=NC, num_subcores=NS
    )

    @functools.partial(
        pl.kernel,
        out_type=(jax.ShapeDtypeStruct((NC * N_PAD, d), jnp.float32),
                  jax.ShapeDtypeStruct((N_PAD, d), jnp.float32)),
        mesh=mesh,
        compiler_params=pltpu.CompilerParams(
            use_tc_tiling_on_sc=False, needs_layout_passes=False
        ),
        scratch_types=[
            pltpu.VMEM((NCH, B), jnp.int32),
            pltpu.VMEM((NCH, B), jnp.int32),
            *([pltpu.VMEM((B, d), jnp.float32)] * U),
            *([pltpu.SemaphoreType.DMA] * U),
            *([pltpu.SemaphoreType.DMA] * U),
            pltpu.VMEM((ROWS_W,), jnp.float32),
            pltpu.SemaphoreType.REGULAR,
            pltpu.VMEM_SHARED((N_PAD, d), jnp.float32),
        ],
    )
    def fused(src3, dst3, u, dinv, zeros, out, u2, src_v, dst_v, *rest):
        bufs = rest[:U]
        gsem = rest[U:2 * U]
        ssem = rest[2 * U:3 * U]
        dinv_v = rest[3 * U]
        xsem = rest[3 * U + 1]
        acc = rest[3 * U + 2]
        c = lax.axis_index("c")
        s = lax.axis_index("s")
        wid = c * NS + s
        row0 = s * ROWS_T
        grow0 = wid * ROWS_W

        def cross_core_barrier():
            plsc.subcore_barrier()
            pl.semaphore_signal(xsem, 1, core_index=1 - c)
            pl.semaphore_wait(xsem, 1)

        pltpu.sync_copy(zeros.at[pl.ds(row0, ROWS_T)], acc.at[pl.ds(row0, ROWS_T)])
        pltpu.sync_copy(dinv.at[pl.ds(grow0, ROWS_W)], dinv_v)
        pltpu.sync_copy(src3.at[wid], src_v)
        pltpu.sync_copy(dst3.at[wid], dst_v)
        plsc.subcore_barrier()
        _ring_loop(u, acc, src_v, dst_v, bufs, gsem, ssem, B, U, G, NCH)
        plsc.subcore_barrier()
        pltpu.sync_copy(
            acc.at[pl.ds(row0, ROWS_T)],
            out.at[pl.ds(c * N_PAD + row0, ROWS_T)],
        )
        cross_core_barrier()

        for t in range(ROWS_W // R3C):
            r0 = grow0 + t * R3C
            cps = [
                pltpu.make_async_copy(out.at[pl.ds(r0, R3C)],
                                      bufs[0].at[pl.ds(0, R3C)], gsem[0]),
                pltpu.make_async_copy(out.at[pl.ds(N_PAD + r0, R3C)],
                                      bufs[1].at[pl.ds(0, R3C)], gsem[1]),
                pltpu.make_async_copy(u.at[pl.ds(r0, R3C)],
                                      bufs[2].at[pl.ds(0, R3C)], gsem[2]),
            ]
            for cp in cps:
                cp.start()
            for cp in cps:
                cp.wait()

            def rowbody(r, carry, _t=t):
                sp = plsc.load_gather(
                    dinv_v, [jnp.full((16,), _t * R3C + r, jnp.int32)]
                )
                sq = sp * sp
                for j in range(d // 16):
                    sl = pl.ds(j * 16, 16)
                    bufs[3][r, sl] = sq * (
                        bufs[0][r, sl] + bufs[1][r, sl] + bufs[2][r, sl]
                    )
                return carry

            lax.fori_loop(0, R3C, rowbody, 0)
            pltpu.sync_copy(bufs[3].at[pl.ds(0, R3C)], u2.at[pl.ds(r0, R3C)])

        cross_core_barrier()

        pltpu.sync_copy(zeros.at[pl.ds(row0, ROWS_T)], acc.at[pl.ds(row0, ROWS_T)])
        plsc.subcore_barrier()
        _ring_loop(u2, acc, src_v, dst_v, bufs, gsem, ssem, B, U, G, NCH)
        plsc.subcore_barrier()
        pltpu.sync_copy(
            acc.at[pl.ds(row0, ROWS_T)],
            out.at[pl.ds(c * N_PAD + row0, ROWS_T)],
        )

    return fused


def _row_spec(d, shift=0):
    return pl.BlockSpec((BN, d), lambda i, _s=shift: (i + _s, 0))


def _full_spec(shape):
    nd = len(shape)
    return pl.BlockSpec(shape, lambda i, _nd=nd: (0,) * nd)


def _tc_call(body, in_specs, out_shapes, out_specs):
    return pl.pallas_call(
        body,
        grid=(NB,),
        in_specs=in_specs,
        out_shape=out_shapes,
        out_specs=out_specs,
    )


def _tc_a(degp, x, w1):
    def body(p0_ref, p1_ref, x_ref, w1_ref, dinv_ref, u_ref):
        deg = 1.0 + p0_ref[:, 0:1] + p1_ref[:, 0:1]
        dinv = lax.rsqrt(deg)
        y1 = jnp.dot(x_ref[...], w1_ref[...], preferred_element_type=jnp.float32)
        dinv_ref[...] = dinv
        u_ref[...] = dinv * y1

    return _tc_call(
        body,
        [_row_spec(16), _row_spec(16, NB), _row_spec(D_IN), _full_spec((D_IN, D_HID))],
        (jax.ShapeDtypeStruct((N_PAD, 1), jnp.float32),
         jax.ShapeDtypeStruct((N_PAD, D_HID), jnp.float32)),
        (_row_spec(1), _row_spec(D_HID)),
    )(degp, degp, x, w1)


def _tc_call(body, in_specs, out_shapes, out_specs):
    return pl.pallas_call(
        body,
        grid=(NB,),
        in_specs=in_specs,
        out_shape=out_shapes,
        out_specs=out_specs,
    )


def _tc_a(degp, x, w1):
    def body(p0_ref, p1_ref, x_ref, w1_ref, dinv_ref, u_ref):
        deg = 1.0 + p0_ref[:, 0:1] + p1_ref[:, 0:1]
        dinv = lax.rsqrt(deg)
        y1 = jnp.dot(x_ref[...], w1_ref[...], preferred_element_type=jnp.float32)
        dinv_ref[...] = dinv
        u_ref[...] = dinv * y1

    return _tc_call(
        body,
        [_row_spec(16), _row_spec(16, NB), _row_spec(D_IN), _full_spec((D_IN, D_HID))],
        (jax.ShapeDtypeStruct((N_PAD, 1), jnp.float32),
         jax.ShapeDtypeStruct((N_PAD, D_HID), jnp.float32)),
        (_row_spec(1), _row_spec(D_HID)),
    )(degp, degp, x, w1)


def _tc_c(s, u2, dinv, b1, w2p):
    def body(s0_ref, s1_ref, u2_ref, dinv_ref, b1_ref, w2_ref, o_ref):
        dinv = dinv_ref[...]
        t = dinv * (s0_ref[...] + s1_ref[...] + u2_ref[...])
        h = jnp.maximum(t + b1_ref[...], 0.0)
        y2 = jnp.dot(h, w2_ref[...], preferred_element_type=jnp.float32)
        o_ref[...] = dinv * y2

    return _tc_call(
        body,
        [_row_spec(D_HID), _row_spec(D_HID, NB), _row_spec(D_HID), _row_spec(1),
         _full_spec((1, D_HID)), _full_spec((D_HID, 16))],
        jax.ShapeDtypeStruct((N_PAD, 16), jnp.float32),
        _row_spec(16),
    )(s, s, u2, dinv, b1, w2p)


def _tc_e(s, u4, dinv, b2p):
    def body(s0_ref, s1_ref, u4_ref, dinv_ref, b2_ref, o_ref):
        dinv = dinv_ref[...]
        o = dinv * (s0_ref[...] + s1_ref[...] + u4_ref[...]) + b2_ref[...]
        cols = lax.broadcasted_iota(jnp.int32, (BN, 16), 1)
        valid = cols < D_OUT
        m = jnp.max(jnp.where(valid, o, -jnp.inf), axis=1, keepdims=True)
        e = jnp.where(valid, jnp.exp(o - m), 0.0)
        lse = m + jnp.log(jnp.sum(e, axis=1, keepdims=True))
        o_ref[...] = o - lse

    return _tc_call(
        body,
        [_row_spec(16), _row_spec(16, NB), _row_spec(16), _row_spec(1),
         _full_spec((1, 16))],
        jax.ShapeDtypeStruct((N_PAD, 16), jnp.float32),
        _row_spec(16),
    )(s, s, u4, dinv, b2p)


def kernel(x, edge_index, W1, b1, W2, b2):
    def idx3(d):
        B, _, _ = _CHUNK_CFG[d]
        shape = (NW, E_W // B, B)
        return edge_index[0].reshape(shape), edge_index[1].reshape(shape)

    src64, dst64 = idx3(64)
    src16, dst16 = idx3(16)
    xp = jnp.zeros((N_PAD, D_IN), jnp.float32).at[:N].set(x)
    zeros64 = jnp.zeros((N_PAD, D_HID), jnp.float32)
    zeros16 = jnp.zeros((N_PAD, 16), jnp.float32)
    ones16 = jnp.ones((N_PAD, 16), jnp.float32)
    w2p = jnp.zeros((D_HID, 16), jnp.float32).at[:, :D_OUT].set(W2)
    b2p = jnp.zeros((1, 16), jnp.float32).at[0, :D_OUT].set(b2)

    spass16 = _make_spass(16)
    fused64 = _make_fused(D_HID)
    fused16 = _make_fused(16)

    degp = spass16(src16, dst16, ones16, zeros16)
    dinv, u = _tc_a(degp, xp, W1)
    dinv1d = dinv.reshape(N_PAD)
    s2, u2 = fused64(src64, dst64, u, dinv1d, zeros64)
    u3 = _tc_c(s2, u2, dinv, b1.reshape(1, D_HID), w2p)
    s4, u4 = fused16(src16, dst16, u3, dinv1d, zeros16)
    out = _tc_e(s4, u4, dinv, b2p)
    return out[:N, :D_OUT]

# --- scband reference (transcript-rebuilt; emitter-appended) ---
"""Pipeline reference for scband-sgnet-31903017074793 (READ-ONLY COPY).

The authoritative reference and input builder live on the scoring server;
editing this copy changes nothing except your own understanding.
"""

import jax, jax.numpy as jnp
import numpy as np

N = 10000
E = 320000
D_IN = 128
D_HID = 64
D_OUT = 6
K = 2


def gcn_norm(edge_index, n):
    loop = jnp.arange(n, dtype=edge_index.dtype)
    src = jnp.concatenate([edge_index[0], loop])
    dst = jnp.concatenate([edge_index[1], loop])
    deg = jnp.zeros((n,), jnp.float32).at[dst].add(1.0)
    dinv = jnp.where(deg > 0, jax.lax.rsqrt(jnp.maximum(deg, 1e-12)), 0.0)
    norm = dinv[src] * dinv[dst]
    return src, dst, norm


def propagate_k(x, src, dst, norm, k, n):
    for _ in range(k):
        msg = norm[:, None] * x[src]
        x = jnp.zeros((n, x.shape[1]), x.dtype).at[dst].add(msg)
    return x


def setup_inputs(seed: int = 0):
    key = jax.random.key(seed)
    k1, k2, k3, k4 = jax.random.split(key, 4)
    x = jax.random.normal(k1, (N, D_IN), jnp.float32)
    edge_index = jax.random.randint(k2, (2, E), 0, N, dtype=jnp.int32)
    W1 = jax.random.normal(k3, (D_IN, D_HID), jnp.float32) * (1.0 / np.sqrt(D_IN))
    b1 = jnp.zeros((D_HID,), jnp.float32)
    W2 = jax.random.normal(k4, (D_HID, D_OUT), jnp.float32) * (1.0 / np.sqrt(D_HID))
    b2 = jnp.zeros((D_OUT,), jnp.float32)
    return {"x": x, "edge_index": edge_index, "W1": W1, "b1": b1, "W2": W2, "b2": b2}


def reference(x, edge_index, W1, b1, W2, b2):
    n = x.shape[0]
    src, dst, norm = gcn_norm(edge_index, n)
    # SGConv layer 1: K propagations (with self-loops + symmetric norm), then linear
    h = propagate_k(x.astype(jnp.float32), src, dst, norm, K, n)
    h = h @ W1 + b1
    h = jax.nn.relu(h)
    # SGConv layer 2
    o = propagate_k(h, src, dst, norm, K, n)
    o = o @ W2 + b2
    return jax.nn.log_softmax(o, axis=1)

if __name__ == "__main__":
    import jax
    _d = setup_inputs()
    print(jax.jit(kernel)(*tuple(_d.values())))

</pallas_src>

<mosaic_0001>
#map = affine_map<(d0, d1) -> (0, 0, 0)>
#map1 = affine_map<(d0, d1) -> (0, 0)>
module attributes {stable_mosaic.version = 14 : i64} {
  func.func @spass(%arg0: i32, %arg1: i32, %arg2: memref<32x20x500xi32, #tpu.memory_space<hbm>>, %arg3: memref<32x20x500xi32, #tpu.memory_space<hbm>>, %arg4: memref<10240x16xf32, #tpu.memory_space<hbm>>, %arg5: memref<10240x16xf32, #tpu.memory_space<hbm>>, %arg6: memref<20480x16xf32, #tpu.memory_space<hbm>>, %arg7: memref<20x500xi32, #tpu.memory_space<vmem>>, %arg8: memref<20x500xi32, #tpu.memory_space<vmem>>, %arg9: memref<500x16xf32, #tpu.memory_space<vmem>>, %arg10: memref<500x16xf32, #tpu.memory_space<vmem>>, %arg11: memref<500x16xf32, #tpu.memory_space<vmem>>, %arg12: memref<500x16xf32, #tpu.memory_space<vmem>>, %arg13: memref<500x16xf32, #tpu.memory_space<vmem>>, %arg14: memref<!tpu.dma_semaphore, #tpu.memory_space<semaphore_mem>>, %arg15: memref<!tpu.dma_semaphore, #tpu.memory_space<semaphore_mem>>, %arg16: memref<!tpu.dma_semaphore, #tpu.memory_space<semaphore_mem>>, %arg17: memref<!tpu.dma_semaphore, #tpu.memory_space<semaphore_mem>>, %arg18: memref<!tpu.dma_semaphore, #tpu.memory_space<semaphore_mem>>, %arg19: memref<!tpu.dma_semaphore, #tpu.memory_space<semaphore_mem>>, %arg20: memref<!tpu.dma_semaphore, #tpu.memory_space<semaphore_mem>>, %arg21: memref<!tpu.dma_semaphore, #tpu.memory_space<semaphore_mem>>, %arg22: memref<!tpu.dma_semaphore, #tpu.memory_space<semaphore_mem>>, %arg23: memref<!tpu.dma_semaphore, #tpu.memory_space<semaphore_mem>>, %arg24: memref<10240x16xf32, #tpu.memory_space<vmem_shared>>) attributes {dimension_semantics = [#tpu.dimension_semantics<core_parallel>, #tpu.dimension_semantics<subcore_parallel>], iteration_bounds = array<i64: 2, 16>, scalar_prefetch = 0 : i64, scratch_operands = 18 : i64, tpu.core_type = #tpu.core_type<sc_vector_subcore>, window_params = [{transform_indices = #map}, {transform_indices = #map}, {transform_indices = #map1}, {transform_indices = #map1}, {transform_indices = #map1}]} {
    %mul3A = arith.constant 16 : i32
    %mul3A_0 = arith.muli %arg0, %mul3A : i32
    %add3A = arith.addi %mul3A_0, %arg1 : i32
    %mul3A_1 = arith.constant 640 : i32
    %mul3A_2 = arith.muli %arg1, %mul3A_1 : i32
    "tpu.region"() ({
      %run_scoped3A = tpu.sem_alloc : memref<!tpu.dma_semaphore, #tpu.memory_space<semaphore_mem>>
      %dma_start3A_45 = arith.constant 0 : i32
      %dma_start3A_46 = tpu.memref_slice %arg24[%mul3A_2, %dma_start3A_45] : memref<10240x16xf32, #tpu.memory_space<vmem_shared>> -> memref<640x16xf32, #tpu.memory_space<vmem_shared>>
      %dma_start3A_47 = arith.constant 0 : i32
      %dma_start3A_48 = tpu.memref_slice %arg5[%mul3A_2, %dma_start3A_47] : memref<10240x16xf32, #tpu.memory_space<hbm>> -> memref<640x16xf32, #tpu.memory_space<hbm>>
      tpu.enqueue_dma source(%dma_start3A_48 : memref<640x16xf32, #tpu.memory_space<hbm>>) target(%dma_start3A_46 : memref<640x16xf32, #tpu.memory_space<vmem_shared>>) target_semaphore(%run_scoped3A : memref<!tpu.dma_semaphore, #tpu.memory_space<semaphore_mem>>)
      %dma_wait3A_49 = arith.constant 0 : i32
      %dma_wait3A_50 = tpu.memref_slice %arg24[%mul3A_2, %dma_wait3A_49] : memref<10240x16xf32, #tpu.memory_space<vmem_shared>> -> memref<640x16xf32, #tpu.memory_space<vmem_shared>>
      %dma_wait3A_51 = arith.constant 0 : i32
      %dma_wait3A_52 = tpu.memref_slice %arg5[%mul3A_2, %dma_wait3A_51] : memref<10240x16xf32, #tpu.memory_space<hbm>> -> memref<640x16xf32, #tpu.memory_space<hbm>>
      tpu.wait_dma2 semaphore(%run_scoped3A : memref<!tpu.dma_semaphore, #tpu.memory_space<semaphore_mem>>) src(%dma_wait3A_52 : memref<640x16xf32, #tpu.memory_space<hbm>>) dst(%dma_wait3A_50 : memref<640x16xf32, #tpu.memory_space<vmem_shared>>)
      tpu.yield
    }) : () -> ()
    "tpu.region"() ({
      %run_scoped3A = tpu.sem_alloc : memref<!tpu.dma_semaphore, #tpu.memory_space<semaphore_mem>>
      %dma_start3A_45 = arith.constant 0 : i32
      %dma_start3A_46 = arith.constant 0 : i32
      %dma_start3A_47 = tpu.memref_slice %arg2[%add3A, %dma_start3A_45, %dma_start3A_46] : memref<32x20x500xi32, #tpu.memory_space<hbm>> -> memref<1x20x500xi32, #tpu.memory_space<hbm>>
      %dma_start3A_48 = tpu.memref_squeeze %dma_start3A_47 : memref<1x20x500xi32, #tpu.memory_space<hbm>> -> memref<20x500xi32, #tpu.memory_space<hbm>>
      %dma_start3A_49 = arith.constant 0 : i32
      %dma_start3A_50 = arith.constant 0 : i32
      %dma_start3A_51 = tpu.memref_slice %arg2[%add3A, %dma_start3A_49, %dma_start3A_50] : memref<32x20x500xi32, #tpu.memory_space<hbm>> -> memref<1x20x500xi32, #tpu.memory_space<hbm>>
      %dma_start3A_52 = tpu.memref_squeeze %dma_start3A_51 : memref<1x20x500xi32, #tpu.memory_space<hbm>> -> memref<20x500xi32, #tpu.memory_space<hbm>>
      tpu.enqueue_dma source(%dma_start3A_52 : memref<20x500xi32, #tpu.memory_space<hbm>>) target(%arg7 : memref<20x500xi32, #tpu.memory_space<vmem>>) target_semaphore(%run_scoped3A : memref<!tpu.dma_semaphore, #tpu.memory_space<semaphore_mem>>)
      %dma_wait3A_53 = arith.constant 0 : i32
      %dma_wait3A_54 = arith.constant 0 : i32
      %dma_wait3A_55 = tpu.memref_slice %arg2[%add3A, %dma_wait3A_53, %dma_wait3A_54] : memref<32x20x500xi32, #tpu.memory_space<hbm>> -> memref<1x20x500xi32, #tpu.memory_space<hbm>>
      %dma_wait3A_56 = tpu.memref_squeeze %dma_wait3A_55 : memref<1x20x500xi32, #tpu.memory_space<hbm>> -> memref<20x500xi32, #tpu.memory_space<hbm>>
      %dma_wait3A_57 = arith.constant 0 : i32
      %dma_wait3A_58 = arith.constant 0 : i32
      %dma_wait3A_59 = tpu.memref_slice %arg2[%add3A, %dma_wait3A_57, %dma_wait3A_58] : memref<32x20x500xi32, #tpu.memory_space<hbm>> -> memref<1x20x500xi32, #tpu.memory_space<hbm>>
      %dma_wait3A_60 = tpu.memref_squeeze %dma_wait3A_59 : memref<1x20x500xi32, #tpu.memory_space<hbm>> -> memref<20x500xi32, #tpu.memory_space<hbm>>
      tpu.wait_dma2 semaphore(%run_scoped3A : memref<!tpu.dma_semaphore, #tpu.memory_space<semaphore_mem>>) src(%dma_wait3A_60 : memref<20x500xi32, #tpu.memory_space<hbm>>) dst(%arg7 : memref<20x500xi32, #tpu.memory_space<vmem>>)
      tpu.yield
    }) : () -> ()
    "tpu.region"() ({
      %run_scoped3A = tpu.sem_alloc : memref<!tpu.dma_semaphore, #tpu.memory_space<semaphore_mem>>
      %dma_start3A_45 = arith.constant 0 : i32
      %dma_start3A_46 = arith.constant 0 : i32
      %dma_start3A_47 = tpu.memref_slice %arg3[%add3A, %dma_start3A_45, %dma_start3A_46] : memref<32x20x500xi32, #tpu.memory_space<hbm>> -> memref<1x20x500xi32, #tpu.memory_space<hbm>>
      %dma_start3A_48 = tpu.memref_squeeze %dma_start3A_47 : memref<1x20x500xi32, #tpu.memory_space<hbm>> -> memref<20x500xi32, #tpu.memory_space<hbm>>
      %dma_start3A_49 = arith.constant 0 : i32
      %dma_start3A_50 = arith.constant 0 : i32
      %dma_start3A_51 = tpu.memref_slice %arg3[%add3A, %dma_start3A_49, %dma_start3A_50] : memref<32x20x500xi32, #tpu.memory_space<hbm>> -> memref<1x20x500xi32, #tpu.memory_space<hbm>>
      %dma_start3A_52 = tpu.memref_squeeze %dma_start3A_51 : memref<1x20x500xi32, #tpu.memory_space<hbm>> -> memref<20x500xi32, #tpu.memory_space<hbm>>
      tpu.enqueue_dma source(%dma_start3A_52 : memref<20x500xi32, #tpu.memory_space<hbm>>) target(%arg8 : memref<20x500xi32, #tpu.memory_space<vmem>>) target_semaphore(%run_scoped3A : memref<!tpu.dma_semaphore, #tpu.memory_space<semaphore_mem>>)
      %dma_wait3A_53 = arith.constant 0 : i32
      %dma_wait3A_54 = arith.constant 0 : i32
      %dma_wait3A_55 = tpu.memref_slice %arg3[%add3A, %dma_wait3A_53, %dma_wait3A_54] : memref<32x20x500xi32, #tpu.memory_space<hbm>> -> memref<1x20x500xi32, #tpu.memory_space<hbm>>
      %dma_wait3A_56 = tpu.memref_squeeze %dma_wait3A_55 : memref<1x20x500xi32, #tpu.memory_space<hbm>> -> memref<20x500xi32, #tpu.memory_space<hbm>>
      %dma_wait3A_57 = arith.constant 0 : i32
      %dma_wait3A_58 = arith.constant 0 : i32
      %dma_wait3A_59 = tpu.memref_slice %arg3[%add3A, %dma_wait3A_57, %dma_wait3A_58] : memref<32x20x500xi32, #tpu.memory_space<hbm>> -> memref<1x20x500xi32, #tpu.memory_space<hbm>>
      %dma_wait3A_60 = tpu.memref_squeeze %dma_wait3A_59 : memref<1x20x500xi32, #tpu.memory_space<hbm>> -> memref<20x500xi32, #tpu.memory_space<hbm>>
      tpu.wait_dma2 semaphore(%run_scoped3A : memref<!tpu.dma_semaphore, #tpu.memory_space<semaphore_mem>>) src(%dma_wait3A_60 : memref<20x500xi32, #tpu.memory_space<hbm>>) dst(%arg8 : memref<20x500xi32, #tpu.memory_space<vmem>>)
      tpu.yield
    }) : () -> ()
    %barrier3A = arith.constant 0 : index
    tpu.barrier barrier_id(%barrier3A)
    %dma_start3A = arith.constant 0 : i32
    %dma_start3A_3 = arith.constant 0 : i32
    %dma_start3A_4 = tpu.memref_slice %arg7[%dma_start3A, %dma_start3A_3] : memref<20x500xi32, #tpu.memory_space<vmem>> -> memref<1x500xi32, #tpu.memory_space<vmem>>
    %dma_start3A_5 = tpu.memref_squeeze %dma_start3A_4 : memref<1x500xi32, #tpu.memory_space<vmem>> -> memref<500xi32, #tpu.memory_space<vmem>>
    %dma_start3A_6 = arith.constant 0 : i32
    %dma_start3A_7 = arith.constant 0 : i32
    %dma_start3A_8 = tpu.memref_slice %arg4[%dma_start3A_6, %dma_start3A_7] : memref<10240x16xf32, #tpu.memory_space<hbm>> -> memref<10240x16xf32, #tpu.memory_space<hbm>>
    tpu.enqueue_indirect_dma source(%dma_start3A_8 : memref<10240x16xf32, #tpu.memory_space<hbm>>) target(%arg9 : memref<500x16xf32, #tpu.memory_space<vmem>>) offsets(%dma_start3A_5 : memref<500xi32, #tpu.memory_space<vmem>>) semaphore(%arg14 : memref<!tpu.dma_semaphore, #tpu.memory_space<semaphore_mem>>)
    %dma_start3A_9 = arith.constant 1 : i32
    %dma_start3A_10 = arith.constant 0 : i32
    %dma_start3A_11 = tpu.memref_slice %arg7[%dma_start3A_9, %dma_start3A_10] : memref<20x500xi32, #tpu.memory_space<vmem>> -> memref<1x500xi32, #tpu.memory_space<vmem>>
    %dma_start3A_12 = tpu.memref_squeeze %dma_start3A_11 : memref<1x500xi32, #tpu.memory_space<vmem>> -> memref<500xi32, #tpu.memory_space<vmem>>
    %dma_start3A_13 = arith.constant 0 : i32
    %dma_start3A_14 = arith.constant 0 : i32
    %dma_start3A_15 = tpu.memref_slice %arg4[%dma_start3A_13, %dma_start3A_14] : memref<10240x16xf32, #tpu.memory_space<hbm>> -> memref<10240x16xf32, #tpu.memory_space<hbm>>
    tpu.enqueue_indirect_dma source(%dma_start3A_15 : memref<10240x16xf32, #tpu.memory_space<hbm>>) target(%arg10 : memref<500x16xf32, #tpu.memory_space<vmem>>) offsets(%dma_start3A_12 : memref<500xi32, #tpu.memory_space<vmem>>) semaphore(%arg15 : memref<!tpu.dma_semaphore, #tpu.memory_space<semaphore_mem>>)
    %dma_start3A_16 = arith.constant 2 : i32
    %dma_start3A_17 = arith.constant 0 : i32
    %dma_start3A_18 = tpu.memref_slice %arg7[%dma_start3A_16, %dma_start3A_17] : memref<20x500xi32, #tpu.memory_space<vmem>> -> memref<1x500xi32, #tpu.memory_space<vmem>>
    %dma_start3A_19 = tpu.memref_squeeze %dma_start3A_18 : memref<1x500xi32, #tpu.memory_space<vmem>> -> memref<500xi32, #tpu.memory_space<vmem>>
    %dma_start3A_20 = arith.constant 0 : i32
    %dma_start3A_21 = arith.constant 0 : i32
    %dma_start3A_22 = tpu.memref_slice %arg4[%dma_start3A_20, %dma_start3A_21] : memref<10240x16xf32, #tpu.memory_space<hbm>> -> memref<10240x16xf32, #tpu.memory_space<hbm>>
    tpu.enqueue_indirect_dma source(%dma_start3A_22 : memref<10240x16xf32, #tpu.memory_space<hbm>>) target(%arg11 : memref<500x16xf32, #tpu.memory_space<vmem>>) offsets(%dma_start3A_19 : memref<500xi32, #tpu.memory_space<vmem>>) semaphore(%arg16 : memref<!tpu.dma_semaphore, #tpu.memory_space<semaphore_mem>>)
    %scan3A = arith.constant 0 : i32
    %scan3A_23 = arith.constant 0 : i32
    %scan3A_24 = arith.constant 4 : i32
    %scan3A_25 = arith.addi %scan3A_23, %scan3A_24 : i32
    %scan3A_26 = arith.constant 1 : i32
    scf.for %scan3A_45 = %scan3A_23 to %scan3A_25 step %scan3A_26  : i32 {
      %mul3A_46 = arith.constant 5 : i32
      %mul3A_47 = arith.muli %mul3A_46, %scan3A_45 : i32
      %add3A_48 = arith.constant 0 : i32
      %add3A_49 = arith.addi %mul3A_47, %add3A_48 : i32
      %dma_wait3A_50 = arith.constant 0 : i32
      %dma_wait3A_51 = tpu.memref_slice %arg7[%add3A_49, %dma_wait3A_50] : memref<20x500xi32, #tpu.memory_space<vmem>> -> memref<1x500xi32, #tpu.memory_space<vmem>>
      %dma_wait3A_52 = tpu.memref_squeeze %dma_wait3A_51 : memref<1x500xi32, #tpu.memory_space<vmem>> -> memref<500xi32, #tpu.memory_space<vmem>>
      %dma_wait3A_53 = arith.constant 0 : i32
      %dma_wait3A_54 = arith.constant 0 : i32
      %dma_wait3A_55 = tpu.memref_slice %arg4[%dma_wait3A_53, %dma_wait3A_54] : memref<10240x16xf32, #tpu.memory_space<hbm>> -> memref<10240x16xf32, #tpu.memory_space<hbm>>
      tpu.wait_indirect_dma semaphore(%arg14 : memref<!tpu.dma_semaphore, #tpu.memory_space<semaphore_mem>>) src(%dma_wait3A_55 : memref<10240x16xf32, #tpu.memory_space<hbm>>) dst(%arg9 : memref<500x16xf32, #tpu.memory_space<vmem>>)
      %dma_start3A_56 = arith.constant 0 : i32
      %dma_start3A_57 = tpu.memref_slice %arg8[%add3A_49, %dma_start3A_56] : memref<20x500xi32, #tpu.memory_space<vmem>> -> memref<1x500xi32, #tpu.memory_space<vmem>>
      %dma_start3A_58 = tpu.memref_squeeze %dma_start3A_57 : memref<1x500xi32, #tpu.memory_space<vmem>> -> memref<500xi32, #tpu.memory_space<vmem>>
      %dma_start3A_59 = arith.constant 0 : i32
      %dma_start3A_60 = arith.constant 0 : i32
      %dma_start3A_61 = tpu.memref_slice %arg24[%dma_start3A_59, %dma_start3A_60] : memref<10240x16xf32, #tpu.memory_space<vmem_shared>> -> memref<10240x16xf32, #tpu.memory_space<vmem_shared>>
      tpu.enqueue_indirect_dma source(%arg9 : memref<500x16xf32, #tpu.memory_space<vmem>>) target(%dma_start3A_61 : memref<10240x16xf32, #tpu.memory_space<vmem_shared>>) offsets(%dma_start3A_58 : memref<500xi32, #tpu.memory_space<vmem>>) semaphore(%arg19 : memref<!tpu.dma_semaphore, #tpu.memory_space<semaphore_mem>>) {add = true}
      %ge3A = arith.constant 2 : i32
      %ge3A_62 = arith.cmpi sge, %add3A_49, %ge3A : i32
      %convert_element_type3A = arith.extui %ge3A_62 : i1 to i32
      %cond3A = arith.constant 0 : i32
      %cond3A_63 = arith.cmpi ne, %convert_element_type3A, %cond3A : i32
      scf.if %cond3A_63 {
        %sub3A = arith.constant 2 : i32
        %sub3A_182 = arith.subi %add3A_49, %sub3A : i32
        %dma_wait3A_183 = arith.constant 0 : i32
        %dma_wait3A_184 = tpu.memref_slice %arg8[%sub3A_182, %dma_wait3A_183] : memref<20x500xi32, #tpu.memory_space<vmem>> -> memref<1x500xi32, #tpu.memory_space<vmem>>
        %dma_wait3A_185 = tpu.memref_squeeze %dma_wait3A_184 : memref<1x500xi32, #tpu.memory_space<vmem>> -> memref<500xi32, #tpu.memory_space<vmem>>
        %dma_wait3A_186 = arith.constant 0 : i32
        %dma_wait3A_187 = arith.constant 0 : i32
        %dma_wait3A_188 = tpu.memref_slice %arg24[%dma_wait3A_186, %dma_wait3A_187] : memref<10240x16xf32, #tpu.memory_space<vmem_shared>> -> memref<10240x16xf32, #tpu.memory_space<vmem_shared>>
        tpu.wait_indirect_dma semaphore(%arg22 : memref<!tpu.dma_semaphore, #tpu.memory_space<semaphore_mem>>) src(%arg12 : memref<500x16xf32, #tpu.memory_space<vmem>>) dst(%dma_wait3A_188 : memref<10240x16xf32, #tpu.memory_space<vmem_shared>>)
      } else {
      }
      %add3A_64 = arith.constant 3 : i32
      %add3A_65 = arith.addi %add3A_49, %add3A_64 : i32
      %lt3A = arith.constant 20 : i32
      %lt3A_66 = arith.cmpi slt, %add3A_65, %lt3A : i32
      %convert_element_type3A_67 = arith.extui %lt3A_66 : i1 to i32
      %cond3A_68 = arith.constant 0 : i32
      %cond3A_69 = arith.cmpi ne, %convert_element_type3A_67, %cond3A_68 : i32
      scf.if %cond3A_69 {
        %add3A_182 = arith.constant 3 : i32
        %add3A_183 = arith.addi %add3A_49, %add3A_182 : i32
        %dma_start3A_184 = arith.constant 0 : i32
        %dma_start3A_185 = tpu.memref_slice %arg7[%add3A_183, %dma_start3A_184] : memref<20x500xi32, #tpu.memory_space<vmem>> -> memref<1x500xi32, #tpu.memory_space<vmem>>
        %dma_start3A_186 = tpu.memref_squeeze %dma_start3A_185 : memref<1x500xi32, #tpu.memory_space<vmem>> -> memref<500xi32, #tpu.memory_space<vmem>>
        %dma_start3A_187 = arith.constant 0 : i32
        %dma_start3A_188 = arith.constant 0 : i32
        %dma_start3A_189 = tpu.memref_slice %arg4[%dma_start3A_187, %dma_start3A_188] : memref<10240x16xf32, #tpu.memory_space<hbm>> -> memref<10240x16xf32, #tpu.memory_space<hbm>>
        tpu.enqueue_indirect_dma source(%dma_start3A_189 : memref<10240x16xf32, #tpu.memory_space<hbm>>) target(%arg12 : memref<500x16xf32, #tpu.memory_space<vmem>>) offsets(%dma_start3A_186 : memref<500xi32, #tpu.memory_space<vmem>>) semaphore(%arg17 : memref<!tpu.dma_semaphore, #tpu.memory_space<semaphore_mem>>)
      } else {
      }
      %mul3A_70 = arith.constant 5 : i32
      %mul3A_71 = arith.muli %mul3A_70, %scan3A_45 : i32
      %add3A_72 = arith.constant 1 : i32
      %add3A_73 = arith.addi %mul3A_71, %add3A_72 : i32
      %dma_wait3A_74 = arith.constant 0 : i32
      %dma_wait3A_75 = tpu.memref_slice %arg7[%add3A_73, %dma_wait3A_74] : memref<20x500xi32, #tpu.memory_space<vmem>> -> memref<1x500xi32, #tpu.memory_space<vmem>>
      %dma_wait3A_76 = tpu.memref_squeeze %dma_wait3A_75 : memref<1x500xi32, #tpu.memory_space<vmem>> -> memref<500xi32, #tpu.memory_space<vmem>>
      %dma_wait3A_77 = arith.constant 0 : i32
      %dma_wait3A_78 = arith.constant 0 : i32
      %dma_wait3A_79 = tpu.memref_slice %arg4[%dma_wait3A_77, %dma_wait3A_78] : memref<10240x16xf32, #tpu.memory_space<hbm>> -> memref<10240x16xf32, #tpu.memory_space<hbm>>
      tpu.wait_indirect_dma semaphore(%arg15 : memref<!tpu.dma_semaphore, #tpu.memory_space<semaphore_mem>>) src(%dma_wait3A_79 : memref<10240x16xf32, #tpu.memory_space<hbm>>) dst(%arg10 : memref<500x16xf32, #tpu.memory_space<vmem>>)
      %dma_start3A_80 = arith.constant 0 : i32
      %dma_start3A_81 = tpu.memref_slice %arg8[%add3A_73, %dma_start3A_80] : memref<20x500xi32, #tpu.memory_space<vmem>> -> memref<1x500xi32, #tpu.memory_space<vmem>>
      %dma_start3A_82 = tpu.memref_squeeze %dma_start3A_81 : memref<1x500xi32, #tpu.memory_space<vmem>> -> memref<500xi32, #tpu.memory_space<vmem>>
      %dma_start3A_83 = arith.constant 0 : i32
      %dma_start3A_84 = arith.constant 0 : i32
      %dma_start3A_85 = tpu.memref_slice %arg24[%dma_start3A_83, %dma_start3A_84] : memref<10240x16xf32, #tpu.memory_space<vmem_shared>> -> memref<10240x16xf32, #tpu.memory_space<vmem_shared>>
      tpu.enqueue_indirect_dma source(%arg10 : memref<500x16xf32, #tpu.memory_space<vmem>>) target(%dma_start3A_85 : memref<10240x16xf32, #tpu.memory_space<vmem_shared>>) offsets(%dma_start3A_82 : memref<500xi32, #tpu.memory_space<vmem>>) semaphore(%arg20 : memref<!tpu.dma_semaphore, #tpu.memory_space<semaphore_mem>>) {add = true}
      %ge3A_86 = arith.constant 2 : i32
      %ge3A_87 = arith.cmpi sge, %add3A_73, %ge3A_86 : i32
      %convert_element_type3A_88 = arith.extui %ge3A_87 : i1 to i32
      %cond3A_89 = arith.constant 0 : i32
      %cond3A_90 = arith.cmpi ne, %convert_element_type3A_88, %cond3A_89 : i32
      scf.if %cond3A_90 {
        %sub3A = arith.constant 2 : i32
        %sub3A_182 = arith.subi %add3A_73, %sub3A : i32
        %dma_wait3A_183 = arith.constant 0 : i32
        %dma_wait3A_184 = tpu.memref_slice %arg8[%sub3A_182, %dma_wait3A_183] : memref<20x500xi32, #tpu.memory_space<vmem>> -> memref<1x500xi32, #tpu.memory_space<vmem>>
        %dma_wait3A_185 = tpu.memref_squeeze %dma_wait3A_184 : memref<1x500xi32, #tpu.memory_space<vmem>> -> memref<500xi32, #tpu.memory_space<vmem>>
        %dma_wait3A_186 = arith.constant 0 : i32
        %dma_wait3A_187 = arith.constant 0 : i32
        %dma_wait3A_188 = tpu.memref_slice %arg24[%dma_wait3A_186, %dma_wait3A_187] : memref<10240x16xf32, #tpu.memory_space<vmem_shared>> -> memref<10240x16xf32, #tpu.memory_space<vmem_shared>>
        tpu.wait_indirect_dma semaphore(%arg23 : memref<!tpu.dma_semaphore, #tpu.memory_space<semaphore_mem>>) src(%arg13 : memref<500x16xf32, #tpu.memory_space<vmem>>) dst(%dma_wait3A_188 : memref<10240x16xf32, #tpu.memory_space<vmem_shared>>)
      } else {
      }
      %add3A_91 = arith.constant 3 : i32
      %add3A_92 = arith.addi %add3A_73, %add3A_91 : i32
      %lt3A_93 = arith.constant 20 : i32
      %lt3A_94 = arith.cmpi slt, %add3A_92, %lt3A_93 : i32
      %convert_element_type3A_95 = arith.extui %lt3A_94 : i1 to i32
      %cond3A_96 = arith.constant 0 : i32
      %cond3A_97 = arith.cmpi ne, %convert_element_type3A_95, %cond3A_96 : i32
      scf.if %cond3A_97 {
        %add3A_182 = arith.constant 3 : i32
        %add3A_183 = arith.addi %add3A_73, %add3A_182 : i32
        %dma_start3A_184 = arith.constant 0 : i32
        %dma_start3A_185 = tpu.memref_slice %arg7[%add3A_183, %dma_start3A_184] : memref<20x500xi32, #tpu.memory_space<vmem>> -> memref<1x500xi32, #tpu.memory_space<vmem>>
        %dma_start3A_186 = tpu.memref_squeeze %dma_start3A_185 : memref<1x500xi32, #tpu.memory_space<vmem>> -> memref<500xi32, #tpu.memory_space<vmem>>
        %dma_start3A_187 = arith.constant 0 : i32
        %dma_start3A_188 = arith.constant 0 : i32
        %dma_start3A_189 = tpu.memref_slice %arg4[%dma_start3A_187, %dma_start3A_188] : memref<10240x16xf32, #tpu.memory_space<hbm>> -> memref<10240x16xf32, #tpu.memory_space<hbm>>
        tpu.enqueue_indirect_dma source(%dma_start3A_189 : memref<10240x16xf32, #tpu.memory_space<hbm>>) target(%arg13 : memref<500x16xf32, #tpu.memory_space<vmem>>) offsets(%dma_start3A_186 : memref<500xi32, #tpu.memory_space<vmem>>) semaphore(%arg18 : memref<!tpu.dma_semaphore, #tpu.memory_space<semaphore_mem>>)
      } else {
      }
      %mul3A_98 = arith.constant 5 : i32
      %mul3A_99 = arith.muli %mul3A_98, %scan3A_45 : i32
      %add3A_100 = arith.constant 2 : i32
      %add3A_101 = arith.addi %mul3A_99, %add3A_100 : i32
      %dma_wait3A_102 = arith.constant 0 : i32
      %dma_wait3A_103 = tpu.memref_slice %arg7[%add3A_101, %dma_wait3A_102] : memref<20x500xi32, #tpu.memory_space<vmem>> -> memref<1x500xi32, #tpu.memory_space<vmem>>
      %dma_wait3A_104 = tpu.memref_squeeze %dma_wait3A_103 : memref<1x500xi32, #tpu.memory_space<vmem>> -> memref<500xi32, #tpu.memory_space<vmem>>
      %dma_wait3A_105 = arith.constant 0 : i32
      %dma_wait3A_106 = arith.constant 0 : i32
      %dma_wait3A_107 = tpu.memref_slice %arg4[%dma_wait3A_105, %dma_wait3A_106] : memref<10240x16xf32, #tpu.memory_space<hbm>> -> memref<10240x16xf32, #tpu.memory_space<hbm>>
      tpu.wait_indirect_dma semaphore(%arg16 : memref<!tpu.dma_semaphore, #tpu.memory_space<semaphore_mem>>) src(%dma_wait3A_107 : memref<10240x16xf32, #tpu.memory_space<hbm>>) dst(%arg11 : memref<500x16xf32, #tpu.memory_space<vmem>>)
      %dma_start3A_108 = arith.constant 0 : i32
      %dma_start3A_109 = tpu.memref_slice %arg8[%add3A_101, %dma_start3A_108] : memref<20x500xi32, #tpu.memory_space<vmem>> -> memref<1x500xi32, #tpu.memory_space<vmem>>
      %dma_start3A_110 = tpu.memref_squeeze %dma_start3A_109 : memref<1x500xi32, #tpu.memory_space<vmem>> -> memref<500xi32, #tpu.memory_space<vmem>>
      %dma_start3A_111 = arith.constant 0 : i32
      %dma_start3A_112 = arith.constant 0 : i32
      %dma_start3A_113 = tpu.memref_slice %arg24[%dma_start3A_111, %dma_start3A_112] : memref<10240x16xf32, #tpu.memory_space<vmem_shared>> -> memref<10240x16xf32, #tpu.memory_space<vmem_shared>>
      tpu.enqueue_indirect_dma source(%arg11 : memref<500x16xf32, #tpu.memory_space<vmem>>) target(%dma_start3A_113 : memref<10240x16xf32, #tpu.memory_space<vmem_shared>>) offsets(%dma_start3A_110 : memref<500xi32, #tpu.memory_space<vmem>>) semaphore(%arg21 : memref<!tpu.dma_semaphore, #tpu.memory_space<semaphore_mem>>) {add = true}
      %ge3A_114 = arith.constant 2 : i32
      %ge3A_115 = arith.cmpi sge, %add3A_101, %ge3A_114 : i32
      %convert_element_type3A_116 = arith.extui %ge3A_115 : i1 to i32
      %cond3A_117 = arith.constant 0 : i32
      %cond3A_118 = arith.cmpi ne, %convert_element_type3A_116, %cond3A_117 : i32
      scf.if %cond3A_118 {
        %sub3A = arith.constant 2 : i32
        %sub3A_182 = arith.subi %add3A_101, %sub3A : i32
        %dma_wait3A_183 = arith.constant 0 : i32
        %dma_wait3A_184 = tpu.memref_slice %arg8[%sub3A_182, %dma_wait3A_183] : memref<20x500xi32, #tpu.memory_space<vmem>> -> memref<1x500xi32, #tpu.memory_space<vmem>>
        %dma_wait3A_185 = tpu.memref_squeeze %dma_wait3A_184 : memref<1x500xi32, #tpu.memory_space<vmem>> -> memref<500xi32, #tpu.memory_space<vmem>>
        %dma_wait3A_186 = arith.constant 0 : i32
        %dma_wait3A_187 = arith.constant 0 : i32
        %dma_wait3A_188 = tpu.memref_slice %arg24[%dma_wait3A_186, %dma_wait3A_187] : memref<10240x16xf32, #tpu.memory_space<vmem_shared>> -> memref<10240x16xf32, #tpu.memory_space<vmem_shared>>
        tpu.wait_indirect_dma semaphore(%arg19 : memref<!tpu.dma_semaphore, #tpu.memory_space<semaphore_mem>>) src(%arg9 : memref<500x16xf32, #tpu.memory_space<vmem>>) dst(%dma_wait3A_188 : memref<10240x16xf32, #tpu.memory_space<vmem_shared>>)
      } else {
      }
      %add3A_119 = arith.constant 3 : i32
      %add3A_120 = arith.addi %add3A_101, %add3A_119 : i32
      %lt3A_121 = arith.constant 20 : i32
      %lt3A_122 = arith.cmpi slt, %add3A_120, %lt3A_121 : i32
      %convert_element_type3A_123 = arith.extui %lt3A_122 : i1 to i32
      %cond3A_124 = arith.constant 0 : i32
      %cond3A_125 = arith.cmpi ne, %convert_element_type3A_123, %cond3A_124 : i32
      scf.if %cond3A_125 {
        %add3A_182 = arith.constant 3 : i32
        %add3A_183 = arith.addi %add3A_101, %add3A_182 : i32
        %dma_start3A_184 = arith.constant 0 : i32
        %dma_start3A_185 = tpu.memref_slice %arg7[%add3A_183, %dma_start3A_184] : memref<20x500xi32, #tpu.memory_space<vmem>> -> memref<1x500xi32, #tpu.memory_space<vmem>>
        %dma_start3A_186 = tpu.memref_squeeze %dma_start3A_185 : memref<1x500xi32, #tpu.memory_space<vmem>> -> memref<500xi32, #tpu.memory_space<vmem>>
        %dma_start3A_187 = arith.constant 0 : i32
        %dma_start3A_188 = arith.constant 0 : i32
        %dma_start3A_189 = tpu.memref_slice %arg4[%dma_start3A_187, %dma_start3A_188] : memref<10240x16xf32, #tpu.memory_space<hbm>> -> memref<10240x16xf32, #tpu.memory_space<hbm>>
        tpu.enqueue_indirect_dma source(%dma_start3A_189 : memref<10240x16xf32, #tpu.memory_space<hbm>>) target(%arg9 : memref<500x16xf32, #tpu.memory_space<vmem>>) offsets(%dma_start3A_186 : memref<500xi32, #tpu.memory_space<vmem>>) semaphore(%arg14 : memref<!tpu.dma_semaphore, #tpu.memory_space<semaphore_mem>>)
      } else {
      }
      %mul3A_126 = arith.constant 5 : i32
      %mul3A_127 = arith.muli %mul3A_126, %scan3A_45 : i32
      %add3A_128 = arith.constant 3 : i32
      %add3A_129 = arith.addi %mul3A_127, %add3A_128 : i32
      %dma_wait3A_130 = arith.constant 0 : i32
      %dma_wait3A_131 = tpu.memref_slice %arg7[%add3A_129, %dma_wait3A_130] : memref<20x500xi32, #tpu.memory_space<vmem>> -> memref<1x500xi32, #tpu.memory_space<vmem>>
      %dma_wait3A_132 = tpu.memref_squeeze %dma_wait3A_131 : memref<1x500xi32, #tpu.memory_space<vmem>> -> memref<500xi32, #tpu.memory_space<vmem>>
      %dma_wait3A_133 = arith.constant 0 : i32
      %dma_wait3A_134 = arith.constant 0 : i32
      %dma_wait3A_135 = tpu.memref_slice %arg4[%dma_wait3A_133, %dma_wait3A_134] : memref<10240x16xf32, #tpu.memory_space<hbm>> -> memref<10240x16xf32, #tpu.memory_space<hbm>>
      tpu.wait_indirect_dma semaphore(%arg17 : memref<!tpu.dma_semaphore, #tpu.memory_space<semaphore_mem>>) src(%dma_wait3A_135 : memref<10240x16xf32, #tpu.memory_space<hbm>>) dst(%arg12 : memref<500x16xf32, #tpu.memory_space<vmem>>)
      %dma_start3A_136 = arith.constant 0 : i32
      %dma_start3A_137 = tpu.memref_slice %arg8[%add3A_129, %dma_start3A_136] : memref<20x500xi32, #tpu.memory_space<vmem>> -> memref<1x500xi32, #tpu.memory_space<vmem>>
      %dma_start3A_138 = tpu.memref_squeeze %dma_start3A_137 : memref<1x500xi32, #tpu.memory_space<vmem>> -> memref<500xi32, #tpu.memory_space<vmem>>
      %dma_start3A_139 = arith.constant 0 : i32
      %dma_start3A_140 = arith.constant 0 : i32
      %dma_start3A_141 = tpu.memref_slice %arg24[%dma_start3A_139, %dma_start3A_140] : memref<10240x16xf32, #tpu.memory_space<vmem_shared>> -> memref<10240x16xf32, #tpu.memory_space<vmem_shared>>
      tpu.enqueue_indirect_dma source(%arg12 : memref<500x16xf32, #tpu.memory_space<vmem>>) target(%dma_start3A_141 : memref<10240x16xf32, #tpu.memory_space<vmem_shared>>) offsets(%dma_start3A_138 : memref<500xi32, #tpu.memory_space<vmem>>) semaphore(%arg22 : memref<!tpu.dma_semaphore, #tpu.memory_space<semaphore_mem>>) {add = true}
      %ge3A_142 = arith.constant 2 : i32
      %ge3A_143 = arith.cmpi sge, %add3A_129, %ge3A_142 : i32
      %convert_element_type3A_144 = arith.extui %ge3A_143 : i1 to i32
      %cond3A_145 = arith.constant 0 : i32
      %cond3A_146 = arith.cmpi ne, %convert_element_type3A_144, %cond3A_145 : i32
      scf.if %cond3A_146 {
        %sub3A = arith.constant 2 : i32
        %sub3A_182 = arith.subi %add3A_129, %sub3A : i32
        %dma_wait3A_183 = arith.constant 0 : i32
        %dma_wait3A_184 = tpu.memref_slice %arg8[%sub3A_182, %dma_wait3A_183] : memref<20x500xi32, #tpu.memory_space<vmem>> -> memref<1x500xi32, #tpu.memory_space<vmem>>
        %dma_wait3A_185 = tpu.memref_squeeze %dma_wait3A_184 : memref<1x500xi32, #tpu.memory_space<vmem>> -> memref<500xi32, #tpu.memory_space<vmem>>
        %dma_wait3A_186 = arith.constant 0 : i32
        %dma_wait3A_187 = arith.constant 0 : i32
        %dma_wait3A_188 = tpu.memref_slice %arg24[%dma_wait3A_186, %dma_wait3A_187] : memref<10240x16xf32, #tpu.memory_space<vmem_shared>> -> memref<10240x16xf32, #tpu.memory_space<vmem_shared>>
        tpu.wait_indirect_dma semaphore(%arg20 : memref<!tpu.dma_semaphore, #tpu.memory_space<semaphore_mem>>) src(%arg10 : memref<500x16xf32, #tpu.memory_space<vmem>>) dst(%dma_wait3A_188 : memref<10240x16xf32, #tpu.memory_space<vmem_shared>>)
      } else {
      }
      %add3A_147 = arith.constant 3 : i32
      %add3A_148 = arith.addi %add3A_129, %add3A_147 : i32
      %lt3A_149 = arith.constant 20 : i32
      %lt3A_150 = arith.cmpi slt, %add3A_148, %lt3A_149 : i32
      %convert_element_type3A_151 = arith.extui %lt3A_150 : i1 to i32
      %cond3A_152 = arith.constant 0 : i32
      %cond3A_153 = arith.cmpi ne, %convert_element_type3A_151, %cond3A_152 : i32
      scf.if %cond3A_153 {
        %add3A_182 = arith.constant 3 : i32
        %add3A_183 = arith.addi %add3A_129, %add3A_182 : i32
        %dma_start3A_184 = arith.constant 0 : i32
        %dma_start3A_185 = tpu.memref_slice %arg7[%add3A_183, %dma_start3A_184] : memref<20x500xi32, #tpu.memory_space<vmem>> -> memref<1x500xi32, #tpu.memory_space<vmem>>
        %dma_start3A_186 = tpu.memref_squeeze %dma_start3A_185 : memref<1x500xi32, #tpu.memory_space<vmem>> -> memref<500xi32, #tpu.memory_space<vmem>>
        %dma_start3A_187 = arith.constant 0 : i32
        %dma_start3A_188 = arith.constant 0 : i32
        %dma_start3A_189 = tpu.memref_slice %arg4[%dma_start3A_187, %dma_start3A_188] : memref<10240x16xf32, #tpu.memory_space<hbm>> -> memref<10240x16xf32, #tpu.memory_space<hbm>>
        tpu.enqueue_indirect_dma source(%dma_start3A_189 : memref<10240x16xf32, #tpu.memory_space<hbm>>) target(%arg10 : memref<500x16xf32, #tpu.memory_space<vmem>>) offsets(%dma_start3A_186 : memref<500xi32, #tpu.memory_space<vmem>>) semaphore(%arg15 : memref<!tpu.dma_semaphore, #tpu.memory_space<semaphore_mem>>)
      } else {
      }
      %mul3A_154 = arith.constant 5 : i32
      %mul3A_155 = arith.muli %mul3A_154, %scan3A_45 : i32
      %add3A_156 = arith.constant 4 : i32
      %add3A_157 = arith.addi %mul3A_155, %add3A_156 : i32
      %dma_wait3A_158 = arith.constant 0 : i32
      %dma_wait3A_159 = tpu.memref_slice %arg7[%add3A_157, %dma_wait3A_158] : memref<20x500xi32, #tpu.memory_space<vmem>> -> memref<1x500xi32, #tpu.memory_space<vmem>>
      %dma_wait3A_160 = tpu.memref_squeeze %dma_wait3A_159 : memref<1x500xi32, #tpu.memory_space<vmem>> -> memref<500xi32, #tpu.memory_space<vmem>>
      %dma_wait3A_161 = arith.constant 0 : i32
      %dma_wait3A_162 = arith.constant 0 : i32
      %dma_wait3A_163 = tpu.memref_slice %arg4[%dma_wait3A_161, %dma_wait3A_162] : memref<10240x16xf32, #tpu.memory_space<hbm>> -> memref<10240x16xf32, #tpu.memory_space<hbm>>
      tpu.wait_indirect_dma semaphore(%arg18 : memref<!tpu.dma_semaphore, #tpu.memory_space<semaphore_mem>>) src(%dma_wait3A_163 : memref<10240x16xf32, #tpu.memory_space<hbm>>) dst(%arg13 : memref<500x16xf32, #tpu.memory_space<vmem>>)
      %dma_start3A_164 = arith.constant 0 : i32
      %dma_start3A_165 = tpu.memref_slice %arg8[%add3A_157, %dma_start3A_164] : memref<20x500xi32, #tpu.memory_space<vmem>> -> memref<1x500xi32, #tpu.memory_space<vmem>>
      %dma_start3A_166 = tpu.memref_squeeze %dma_start3A_165 : memref<1x500xi32, #tpu.memory_space<vmem>> -> memref<500xi32, #tpu.memory_space<vmem>>
      %dma_start3A_167 = arith.constant 0 : i32
      %dma_start3A_168 = arith.constant 0 : i32
      %dma_start3A_169 = tpu.memref_slice %arg24[%dma_start3A_167, %dma_start3A_168] : memref<10240x16xf32, #tpu.memory_space<vmem_shared>> -> memref<10240x16xf32, #tpu.memory_space<vmem_shared>>
      tpu.enqueue_indirect_dma source(%arg13 : memref<500x16xf32, #tpu.memory_space<vmem>>) target(%dma_start3A_169 : memref<10240x16xf32, #tpu.memory_space<vmem_shared>>) offsets(%dma_start3A_166 : memref<500xi32, #tpu.memory_space<vmem>>) semaphore(%arg23 : memref<!tpu.dma_semaphore, #tpu.memory_space<semaphore_mem>>) {add = true}
      %ge3A_170 = arith.constant 2 : i32
      %ge3A_171 = arith.cmpi sge, %add3A_157, %ge3A_170 : i32
      %convert_element_type3A_172 = arith.extui %ge3A_171 : i1 to i32
      %cond3A_173 = arith.constant 0 : i32
      %cond3A_174 = arith.cmpi ne, %convert_element_type3A_172, %cond3A_173 : i32
      scf.if %cond3A_174 {
        %sub3A = arith.constant 2 : i32
        %sub3A_182 = arith.subi %add3A_157, %sub3A : i32
        %dma_wait3A_183 = arith.constant 0 : i32
        %dma_wait3A_184 = tpu.memref_slice %arg8[%sub3A_182, %dma_wait3A_183] : memref<20x500xi32, #tpu.memory_space<vmem>> -> memref<1x500xi32, #tpu.memory_space<vmem>>
        %dma_wait3A_185 = tpu.memref_squeeze %dma_wait3A_184 : memref<1x500xi32, #tpu.memory_space<vmem>> -> memref<500xi32, #tpu.memory_space<vmem>>
        %dma_wait3A_186 = arith.constant 0 : i32
        %dma_wait3A_187 = arith.constant 0 : i32
        %dma_wait3A_188 = tpu.memref_slice %arg24[%dma_wait3A_186, %dma_wait3A_187] : memref<10240x16xf32, #tpu.memory_space<vmem_shared>> -> memref<10240x16xf32, #tpu.memory_space<vmem_shared>>
        tpu.wait_indirect_dma semaphore(%arg21 : memref<!tpu.dma_semaphore, #tpu.memory_space<semaphore_mem>>) src(%arg11 : memref<500x16xf32, #tpu.memory_space<vmem>>) dst(%dma_wait3A_188 : memref<10240x16xf32, #tpu.memory_space<vmem_shared>>)
      } else {
      }
      %add3A_175 = arith.constant 3 : i32
      %add3A_176 = arith.addi %add3A_157, %add3A_175 : i32
      %lt3A_177 = arith.constant 20 : i32
      %lt3A_178 = arith.cmpi slt, %add3A_176, %lt3A_177 : i32
      %convert_element_type3A_179 = arith.extui %lt3A_178 : i1 to i32
      %cond3A_180 = arith.constant 0 : i32
      %cond3A_181 = arith.cmpi ne, %convert_element_type3A_179, %cond3A_180 : i32
      scf.if %cond3A_181 {
        %add3A_182 = arith.constant 3 : i32
        %add3A_183 = arith.addi %add3A_157, %add3A_182 : i32
        %dma_start3A_184 = arith.constant 0 : i32
        %dma_start3A_185 = tpu.memref_slice %arg7[%add3A_183, %dma_start3A_184] : memref<20x500xi32, #tpu.memory_space<vmem>> -> memref<1x500xi32, #tpu.memory_space<vmem>>
        %dma_start3A_186 = tpu.memref_squeeze %dma_start3A_185 : memref<1x500xi32, #tpu.memory_space<vmem>> -> memref<500xi32, #tpu.memory_space<vmem>>
        %dma_start3A_187 = arith.constant 0 : i32
        %dma_start3A_188 = arith.constant 0 : i32
        %dma_start3A_189 = tpu.memref_slice %arg4[%dma_start3A_187, %dma_start3A_188] : memref<10240x16xf32, #tpu.memory_space<hbm>> -> memref<10240x16xf32, #tpu.memory_space<hbm>>
        tpu.enqueue_indirect_dma source(%dma_start3A_189 : memref<10240x16xf32, #tpu.memory_space<hbm>>) target(%arg11 : memref<500x16xf32, #tpu.memory_space<vmem>>) offsets(%dma_start3A_186 : memref<500xi32, #tpu.memory_space<vmem>>) semaphore(%arg16 : memref<!tpu.dma_semaphore, #tpu.memory_space<semaphore_mem>>)
      } else {
      }
    }
    %scan3A_27 = arith.constant 4 : i32
    %dma_wait3A = arith.constant 18 : i32
    %dma_wait3A_28 = arith.constant 0 : i32
    %dma_wait3A_29 = tpu.memref_slice %arg8[%dma_wait3A, %dma_wait3A_28] : memref<20x500xi32, #tpu.memory_space<vmem>> -> memref<1x500xi32, #tpu.memory_space<vmem>>
    %dma_wait3A_30 = tpu.memref_squeeze %dma_wait3A_29 : memref<1x500xi32, #tpu.memory_space<vmem>> -> memref<500xi32, #tpu.memory_space<vmem>>
    %dma_wait3A_31 = arith.constant 0 : i32
    %dma_wait3A_32 = arith.constant 0 : i32
    %dma_wait3A_33 = tpu.memref_slice %arg24[%dma_wait3A_31, %dma_wait3A_32] : memref<10240x16xf32, #tpu.memory_space<vmem_shared>> -> memref<10240x16xf32, #tpu.memory_space<vmem_shared>>
    tpu.wait_indirect_dma semaphore(%arg22 : memref<!tpu.dma_semaphore, #tpu.memory_space<semaphore_mem>>) src(%arg12 : memref<500x16xf32, #tpu.memory_space<vmem>>) dst(%dma_wait3A_33 : memref<10240x16xf32, #tpu.memory_space<vmem_shared>>)
    %dma_wait3A_34 = arith.constant 19 : i32
    %dma_wait3A_35 = arith.constant 0 : i32
    %dma_wait3A_36 = tpu.memref_slice %arg8[%dma_wait3A_34, %dma_wait3A_35] : memref<20x500xi32, #tpu.memory_space<vmem>> -> memref<1x500xi32, #tpu.memory_space<vmem>>
    %dma_wait3A_37 = tpu.memref_squeeze %dma_wait3A_36 : memref<1x500xi32, #tpu.memory_space<vmem>> -> memref<500xi32, #tpu.memory_space<vmem>>
    %dma_wait3A_38 = arith.constant 0 : i32
    %dma_wait3A_39 = arith.constant 0 : i32
    %dma_wait3A_40 = tpu.memref_slice %arg24[%dma_wait3A_38, %dma_wait3A_39] : memref<10240x16xf32, #tpu.memory_space<vmem_shared>> -> memref<10240x16xf32, #tpu.memory_space<vmem_shared>>
    tpu.wait_indirect_dma semaphore(%arg23 : memref<!tpu.dma_semaphore, #tpu.memory_space<semaphore_mem>>) src(%arg13 : memref<500x16xf32, #tpu.memory_space<vmem>>) dst(%dma_wait3A_40 : memref<10240x16xf32, #tpu.memory_space<vmem_shared>>)
    %barrier3A_41 = arith.constant 0 : index
    tpu.barrier barrier_id(%barrier3A_41)
    %mul3A_42 = arith.constant 10240 : i32
    %mul3A_43 = arith.muli %arg0, %mul3A_42 : i32
    %add3A_44 = arith.addi %mul3A_43, %mul3A_2 : i32
    "tpu.region"() ({
      %run_scoped3A = tpu.sem_alloc : memref<!tpu.dma_semaphore, #tpu.memory_space<semaphore_mem>>
      %dma_start3A_45 = arith.constant 0 : i32
      %dma_start3A_46 = tpu.memref_slice %arg6[%add3A_44, %dma_start3A_45] : memref<20480x16xf32, #tpu.memory_space<hbm>> -> memref<640x16xf32, #tpu.memory_space<hbm>>
      %dma_start3A_47 = arith.constant 0 : i32
      %dma_start3A_48 = tpu.memref_slice %arg24[%mul3A_2, %dma_start3A_47] : memref<10240x16xf32, #tpu.memory_space<vmem_shared>> -> memref<640x16xf32, #tpu.memory_space<vmem_shared>>
      tpu.enqueue_dma source(%dma_start3A_48 : memref<640x16xf32, #tpu.memory_space<vmem_shared>>) target(%dma_start3A_46 : memref<640x16xf32, #tpu.memory_space<hbm>>) target_semaphore(%run_scoped3A : memref<!tpu.dma_semaphore, #tpu.memory_space<semaphore_mem>>)
      %dma_wait3A_49 = arith.constant 0 : i32
      %dma_wait3A_50 = tpu.memref_slice %arg6[%add3A_44, %dma_wait3A_49] : memref<20480x16xf32, #tpu.memory_space<hbm>> -> memref<640x16xf32, #tpu.memory_space<hbm>>
      %dma_wait3A_51 = arith.constant 0 : i32
      %dma_wait3A_52 = tpu.memref_slice %arg24[%mul3A_2, %dma_wait3A_51] : memref<10240x16xf32, #tpu.memory_space<vmem_shared>> -> memref<640x16xf32, #tpu.memory_space<vmem_shared>>
      tpu.wait_dma2 semaphore(%run_scoped3A : memref<!tpu.dma_semaphore, #tpu.memory_space<semaphore_mem>>) src(%dma_wait3A_52 : memref<640x16xf32, #tpu.memory_space<vmem_shared>>) dst(%dma_wait3A_50 : memref<640x16xf32, #tpu.memory_space<hbm>>)
      tpu.yield
    }) : () -> ()
    return
  }
}

#map = affine_map<(d0, d1) -> (0, 0, 0)>
#map1 = affine_map<(d0, d1) -> (0, 0)>
#map2 = affine_map<(d0, d1) -> (0)>
module attributes {stable_mosaic.version = 14 : i64} {
  func.func @fused(%arg0: i32, %arg1: i32, %arg2: memref<32x50x200xi32, #tpu.memory_space<hbm>>, %arg3: memref<32x50x200xi32, #tpu.memory_space<hbm>>, %arg4: memref<10240x64xf32, #tpu.memory_space<hbm>>, %arg5: memref<10240xf32, #tpu.memory_space<hbm>>, %arg6: memref<10240x64xf32, #tpu.memory_space<hbm>>, %arg7: memref<20480x64xf32, #tpu.memory_space<hbm>>, %arg8: memref<10240x64xf32, #tpu.memory_space<hbm>>, %arg9: memref<50x200xi32, #tpu.memory_space<vmem>>, %arg10: memref<50x200xi32, #tpu.memory_space<vmem>>, %arg11: memref<200x64xf32, #tpu.memory_space<vmem>>, %arg12: memref<200x64xf32, #tpu.memory_space<vmem>>, %arg13: memref<200x64xf32, #tpu.memory_space<vmem>>, %arg14: memref<200x64xf32, #tpu.memory_space<vmem>>, %arg15: memref<200x64xf32, #tpu.memory_space<vmem>>, %arg16: memref<!tpu.dma_semaphore, #tpu.memory_space<semaphore_mem>>, %arg17: memref<!tpu.dma_semaphore, #tpu.memory_space<semaphore_mem>>, %arg18: memref<!tpu.dma_semaphore, #tpu.memory_space<semaphore_mem>>, %arg19: memref<!tpu.dma_semaphore, #tpu.memory_space<semaphore_mem>>, %arg20: memref<!tpu.dma_semaphore, #tpu.memory_space<semaphore_mem>>, %arg21: memref<!tpu.dma_semaphore, #tpu.memory_space<semaphore_mem>>, %arg22: memref<!tpu.dma_semaphore, #tpu.memory_space<semaphore_mem>>, %arg23: memref<!tpu.dma_semaphore, #tpu.memory_space<semaphore_mem>>, %arg24: memref<!tpu.dma_semaphore, #tpu.memory_space<semaphore_mem>>, %arg25: memref<!tpu.dma_semaphore, #tpu.memory_space<semaphore_mem>>, %arg26: memref<320xf32, #tpu.memory_space<vmem>>, %arg27: memref<!tpu.semaphore, #tpu.memory_space<semaphore_mem>>, %arg28: memref<10240x64xf32, #tpu.memory_space<vmem_shared>>) attributes {dimension_semantics = [#tpu.dimension_semantics<core_parallel>, #tpu.dimension_semantics<subcore_parallel>], iteration_bounds = array<i64: 2, 16>, scalar_prefetch = 0 : i64, scratch_operands = 20 : i64, tpu.core_type = #tpu.core_type<sc_vector_subcore>, window_params = [{transform_indices = #map}, {transform_indices = #map}, {transform_indices = #map1}, {transform_indices = #map2}, {transform_indices = #map1}, {transform_indices = #map1}, {transform_indices = #map1}]} {
    %mul3A = arith.constant 16 : i32
    %mul3A_0 = arith.muli %arg0, %mul3A : i32
    %add3A = arith.addi %mul3A_0, %arg1 : i32
    %mul3A_1 = arith.constant 640 : i32
    %mul3A_2 = arith.muli %arg1, %mul3A_1 : i32
    %mul3A_3 = arith.constant 320 : i32
    %mul3A_4 = arith.muli %add3A, %mul3A_3 : i32
    "tpu.region"() ({
      %run_scoped3A = tpu.sem_alloc : memref<!tpu.dma_semaphore, #tpu.memory_space<semaphore_mem>>
      %dma_start3A_242 = arith.constant 0 : i32
      %dma_start3A_243 = tpu.memref_slice %arg28[%mul3A_2, %dma_start3A_242] : memref<10240x64xf32, #tpu.memory_space<vmem_shared>> -> memref<640x64xf32, #tpu.memory_space<vmem_shared>>
      %dma_start3A_244 = arith.constant 0 : i32
      %dma_start3A_245 = tpu.memref_slice %arg6[%mul3A_2, %dma_start3A_244] : memref<10240x64xf32, #tpu.memory_space<hbm>> -> memref<640x64xf32, #tpu.memory_space<hbm>>
      tpu.enqueue_dma source(%dma_start3A_245 : memref<640x64xf32, #tpu.memory_space<hbm>>) target(%dma_start3A_243 : memref<640x64xf32, #tpu.memory_space<vmem_shared>>) target_semaphore(%run_scoped3A : memref<!tpu.dma_semaphore, #tpu.memory_space<semaphore_mem>>)
      %dma_wait3A_246 = arith.constant 0 : i32
      %dma_wait3A_247 = tpu.memref_slice %arg28[%mul3A_2, %dma_wait3A_246] : memref<10240x64xf32, #tpu.memory_space<vmem_shared>> -> memref<640x64xf32, #tpu.memory_space<vmem_shared>>
      %dma_wait3A_248 = arith.constant 0 : i32
      %dma_wait3A_249 = tpu.memref_slice %arg6[%mul3A_2, %dma_wait3A_248] : memref<10240x64xf32, #tpu.memory_space<hbm>> -> memref<640x64xf32, #tpu.memory_space<hbm>>
      tpu.wait_dma2 semaphore(%run_scoped3A : memref<!tpu.dma_semaphore, #tpu.memory_space<semaphore_mem>>) src(%dma_wait3A_249 : memref<640x64xf32, #tpu.memory_space<hbm>>) dst(%dma_wait3A_247 : memref<640x64xf32, #tpu.memory_space<vmem_shared>>)
      tpu.yield
    }) : () -> ()
    "tpu.region"() ({
      %run_scoped3A = tpu.sem_alloc : memref<!tpu.dma_semaphore, #tpu.memory_space<semaphore_mem>>
      %dma_start3A_242 = tpu.memref_slice %arg5[%mul3A_4] : memref<10240xf32, #tpu.memory_space<hbm>> -> memref<320xf32, #tpu.memory_space<hbm>>
      %dma_start3A_243 = tpu.memref_slice %arg5[%mul3A_4] : memref<10240xf32, #tpu.memory_space<hbm>> -> memref<320xf32, #tpu.memory_space<hbm>>
      tpu.enqueue_dma source(%dma_start3A_243 : memref<320xf32, #tpu.memory_space<hbm>>) target(%arg26 : memref<320xf32, #tpu.memory_space<vmem>>) target_semaphore(%run_scoped3A : memref<!tpu.dma_semaphore, #tpu.memory_space<semaphore_mem>>)
      %dma_wait3A_244 = tpu.memref_slice %arg5[%mul3A_4] : memref<10240xf32, #tpu.memory_space<hbm>> -> memref<320xf32, #tpu.memory_space<hbm>>
      %dma_wait3A_245 = tpu.memref_slice %arg5[%mul3A_4] : memref<10240xf32, #tpu.memory_space<hbm>> -> memref<320xf32, #tpu.memory_space<hbm>>
      tpu.wait_dma2 semaphore(%run_scoped3A : memref<!tpu.dma_semaphore, #tpu.memory_space<semaphore_mem>>) src(%dma_wait3A_245 : memref<320xf32, #tpu.memory_space<hbm>>) dst(%arg26 : memref<320xf32, #tpu.memory_space<vmem>>)
      tpu.yield
    }) : () -> ()
    "tpu.region"() ({
      %run_scoped3A = tpu.sem_alloc : memref<!tpu.dma_semaphore, #tpu.memory_space<semaphore_mem>>
      %dma_start3A_242 = arith.constant 0 : i32
      %dma_start3A_243 = arith.constant 0 : i32
      %dma_start3A_244 = tpu.memref_slice %arg2[%add3A, %dma_start3A_242, %dma_start3A_243] : memref<32x50x200xi32, #tpu.memory_space<hbm>> -> memref<1x50x200xi32, #tpu.memory_space<hbm>>
      %dma_start3A_245 = tpu.memref_squeeze %dma_start3A_244 : memref<1x50x200xi32, #tpu.memory_space<hbm>> -> memref<50x200xi32, #tpu.memory_space<hbm>>
      %dma_start3A_246 = arith.constant 0 : i32
      %dma_start3A_247 = arith.constant 0 : i32
      %dma_start3A_248 = tpu.memref_slice %arg2[%add3A, %dma_start3A_246, %dma_start3A_247] : memref<32x50x200xi32, #tpu.memory_space<hbm>> -> memref<1x50x200xi32, #tpu.memory_space<hbm>>
      %dma_start3A_249 = tpu.memref_squeeze %dma_start3A_248 : memref<1x50x200xi32, #tpu.memory_space<hbm>> -> memref<50x200xi32, #tpu.memory_space<hbm>>
      tpu.enqueue_dma source(%dma_start3A_249 : memref<50x200xi32, #tpu.memory_space<hbm>>) target(%arg9 : memref<50x200xi32, #tpu.memory_space<vmem>>) target_semaphore(%run_scoped3A : memref<!tpu.dma_semaphore, #tpu.memory_space<semaphore_mem>>)
      %dma_wait3A_250 = arith.constant 0 : i32
      %dma_wait3A_251 = arith.constant 0 : i32
      %dma_wait3A_252 = tpu.memref_slice %arg2[%add3A, %dma_wait3A_250, %dma_wait3A_251] : memref<32x50x200xi32, #tpu.memory_space<hbm>> -> memref<1x50x200xi32, #tpu.memory_space<hbm>>
      %dma_wait3A_253 = tpu.memref_squeeze %dma_wait3A_252 : memref<1x50x200xi32, #tpu.memory_space<hbm>> -> memref<50x200xi32, #tpu.memory_space<hbm>>
      %dma_wait3A_254 = arith.constant 0 : i32
      %dma_wait3A_255 = arith.constant 0 : i32
      %dma_wait3A_256 = tpu.memref_slice %arg2[%add3A, %dma_wait3A_254, %dma_wait3A_255] : memref<32x50x200xi32, #tpu.memory_space<hbm>> -> memref<1x50x200xi32, #tpu.memory_space<hbm>>
      %dma_wait3A_257 = tpu.memref_squeeze %dma_wait3A_256 : memref<1x50x200xi32, #tpu.memory_space<hbm>> -> memref<50x200xi32, #tpu.memory_space<hbm>>
      tpu.wait_dma2 semaphore(%run_scoped3A : memref<!tpu.dma_semaphore, #tpu.memory_space<semaphore_mem>>) src(%dma_wait3A_257 : memref<50x200xi32, #tpu.memory_space<hbm>>) dst(%arg9 : memref<50x200xi32, #tpu.memory_space<vmem>>)
      tpu.yield
    }) : () -> ()
    "tpu.region"() ({
      %run_scoped3A = tpu.sem_alloc : memref<!tpu.dma_semaphore, #tpu.memory_space<semaphore_mem>>
      %dma_start3A_242 = arith.constant 0 : i32
      %dma_start3A_243 = arith.constant 0 : i32
      %dma_start3A_244 = tpu.memref_slice %arg3[%add3A, %dma_start3A_242, %dma_start3A_243] : memref<32x50x200xi32, #tpu.memory_space<hbm>> -> memref<1x50x200xi32, #tpu.memory_space<hbm>>
      %dma_start3A_245 = tpu.memref_squeeze %dma_start3A_244 : memref<1x50x200xi32, #tpu.memory_space<hbm>> -> memref<50x200xi32, #tpu.memory_space<hbm>>
      %dma_start3A_246 = arith.constant 0 : i32
      %dma_start3A_247 = arith.constant 0 : i32
      %dma_start3A_248 = tpu.memref_slice %arg3[%add3A, %dma_start3A_246, %dma_start3A_247] : memref<32x50x200xi32, #tpu.memory_space<hbm>> -> memref<1x50x200xi32, #tpu.memory_space<hbm>>
      %dma_start3A_249 = tpu.memref_squeeze %dma_start3A_248 : memref<1x50x200xi32, #tpu.memory_space<hbm>> -> memref<50x200xi32, #tpu.memory_space<hbm>>
      tpu.enqueue_dma source(%dma_start3A_249 : memref<50x200xi32, #tpu.memory_space<hbm>>) target(%arg10 : memref<50x200xi32, #tpu.memory_space<vmem>>) target_semaphore(%run_scoped3A : memref<!tpu.dma_semaphore, #tpu.memory_space<semaphore_mem>>)
      %dma_wait3A_250 = arith.constant 0 : i32
      %dma_wait3A_251 = arith.constant 0 : i32
      %dma_wait3A_252 = tpu.memref_slice %arg3[%add3A, %dma_wait3A_250, %dma_wait3A_251] : memref<32x50x200xi32, #tpu.memory_space<hbm>> -> memref<1x50x200xi32, #tpu.memory_space<hbm>>
      %dma_wait3A_253 = tpu.memref_squeeze %dma_wait3A_252 : memref<1x50x200xi32, #tpu.memory_space<hbm>> -> memref<50x200xi32, #tpu.memory_space<hbm>>
      %dma_wait3A_254 = arith.constant 0 : i32
      %dma_wait3A_255 = arith.constant 0 : i32
      %dma_wait3A_256 = tpu.memref_slice %arg3[%add3A, %dma_wait3A_254, %dma_wait3A_255] : memref<32x50x200xi32, #tpu.memory_space<hbm>> -> memref<1x50x200xi32, #tpu.memory_space<hbm>>
      %dma_wait3A_257 = tpu.memref_squeeze %dma_wait3A_256 : memref<1x50x200xi32, #tpu.memory_space<hbm>> -> memref<50x200xi32, #tpu.memory_space<hbm>>
      tpu.wait_dma2 semaphore(%run_scoped3A : memref<!tpu.dma_semaphore, #tpu.memory_space<semaphore_mem>>) src(%dma_wait3A_257 : memref<50x200xi32, #tpu.memory_space<hbm>>) dst(%arg10 : memref<50x200xi32, #tpu.memory_space<vmem>>)
      tpu.yield
    }) : () -> ()
    %barrier3A = arith.constant 0 : index
    tpu.barrier barrier_id(%barrier3A)
    %dma_start3A = arith.constant 0 : i32
    %dma_start3A_5 = arith.constant 0 : i32
    %dma_start3A_6 = tpu.memref_slice %arg9[%dma_start3A, %dma_start3A_5] : memref<50x200xi32, #tpu.memory_space<vmem>> -> memref<1x200xi32, #tpu.memory_space<vmem>>
    %dma_start3A_7 = tpu.memref_squeeze %dma_start3A_6 : memref<1x200xi32, #tpu.memory_space<vmem>> -> memref<200xi32, #tpu.memory_space<vmem>>
    %dma_start3A_8 = arith.constant 0 : i32
    %dma_start3A_9 = arith.constant 0 : i32
    %dma_start3A_10 = tpu.memref_slice %arg4[%dma_start3A_8, %dma_start3A_9] : memref<10240x64xf32, #tpu.memory_space<hbm>> -> memref<10240x64xf32, #tpu.memory_space<hbm>>
    tpu.enqueue_indirect_dma source(%dma_start3A_10 : memref<10240x64xf32, #tpu.memory_space<hbm>>) target(%arg11 : memref<200x64xf32, #tpu.memory_space<vmem>>) offsets(%dma_start3A_7 : memref<200xi32, #tpu.memory_space<vmem>>) semaphore(%arg16 : memref<!tpu.dma_semaphore, #tpu.memory_space<semaphore_mem>>)
    %dma_start3A_11 = arith.constant 1 : i32
    %dma_start3A_12 = arith.constant 0 : i32
    %dma_start3A_13 = tpu.memref_slice %arg9[%dma_start3A_11, %dma_start3A_12] : memref<50x200xi32, #tpu.memory_space<vmem>> -> memref<1x200xi32, #tpu.memory_space<vmem>>
    %dma_start3A_14 = tpu.memref_squeeze %dma_start3A_13 : memref<1x200xi32, #tpu.memory_space<vmem>> -> memref<200xi32, #tpu.memory_space<vmem>>
    %dma_start3A_15 = arith.constant 0 : i32
    %dma_start3A_16 = arith.constant 0 : i32
    %dma_start3A_17 = tpu.memref_slice %arg4[%dma_start3A_15, %dma_start3A_16] : memref<10240x64xf32, #tpu.memory_space<hbm>> -> memref<10240x64xf32, #tpu.memory_space<hbm>>
    tpu.enqueue_indirect_dma source(%dma_start3A_17 : memref<10240x64xf32, #tpu.memory_space<hbm>>) target(%arg12 : memref<200x64xf32, #tpu.memory_space<vmem>>) offsets(%dma_start3A_14 : memref<200xi32, #tpu.memory_space<vmem>>) semaphore(%arg17 : memref<!tpu.dma_semaphore, #tpu.memory_space<semaphore_mem>>)
    %dma_start3A_18 = arith.constant 2 : i32
    %dma_start3A_19 = arith.constant 0 : i32
    %dma_start3A_20 = tpu.memref_slice %arg9[%dma_start3A_18, %dma_start3A_19] : memref<50x200xi32, #tpu.memory_space<vmem>> -> memref<1x200xi32, #tpu.memory_space<vmem>>
    %dma_start3A_21 = tpu.memref_squeeze %dma_start3A_20 : memref<1x200xi32, #tpu.memory_space<vmem>> -> memref<200xi32, #tpu.memory_space<vmem>>
    %dma_start3A_22 = arith.constant 0 : i32
    %dma_start3A_23 = arith.constant 0 : i32
    %dma_start3A_24 = tpu.memref_slice %arg4[%dma_start3A_22, %dma_start3A_23] : memref<10240x64xf32, #tpu.memory_space<hbm>> -> memref<10240x64xf32, #tpu.memory_space<hbm>>
    tpu.enqueue_indirect_dma source(%dma_start3A_24 : memref<10240x64xf32, #tpu.memory_space<hbm>>) target(%arg13 : memref<200x64xf32, #tpu.memory_space<vmem>>) offsets(%dma_start3A_21 : memref<200xi32, #tpu.memory_space<vmem>>) semaphore(%arg18 : memref<!tpu.dma_semaphore, #tpu.memory_space<semaphore_mem>>)
    %scan3A = arith.constant 0 : i32
    %scan3A_25 = arith.constant 0 : i32
    %scan3A_26 = arith.constant 10 : i32
    %scan3A_27 = arith.addi %scan3A_25, %scan3A_26 : i32
    %scan3A_28 = arith.constant 1 : i32
    scf.for %scan3A_242 = %scan3A_25 to %scan3A_27 step %scan3A_28  : i32 {
      %mul3A_243 = arith.constant 5 : i32
      %mul3A_244 = arith.muli %mul3A_243, %scan3A_242 : i32
      %add3A_245 = arith.constant 0 : i32
      %add3A_246 = arith.addi %mul3A_244, %add3A_245 : i32
      %dma_wait3A_247 = arith.constant 0 : i32
      %dma_wait3A_248 = tpu.memref_slice %arg9[%add3A_246, %dma_wait3A_247] : memref<50x200xi32, #tpu.memory_space<vmem>> -> memref<1x200xi32, #tpu.memory_space<vmem>>
      %dma_wait3A_249 = tpu.memref_squeeze %dma_wait3A_248 : memref<1x200xi32, #tpu.memory_space<vmem>> -> memref<200xi32, #tpu.memory_space<vmem>>
      %dma_wait3A_250 = arith.constant 0 : i32
      %dma_wait3A_251 = arith.constant 0 : i32
      %dma_wait3A_252 = tpu.memref_slice %arg4[%dma_wait3A_250, %dma_wait3A_251] : memref<10240x64xf32, #tpu.memory_space<hbm>> -> memref<10240x64xf32, #tpu.memory_space<hbm>>
      tpu.wait_indirect_dma semaphore(%arg16 : memref<!tpu.dma_semaphore, #tpu.memory_space<semaphore_mem>>) src(%dma_wait3A_252 : memref<10240x64xf32, #tpu.memory_space<hbm>>) dst(%arg11 : memref<200x64xf32, #tpu.memory_space<vmem>>)
      %dma_start3A_253 = arith.constant 0 : i32
      %dma_start3A_254 = tpu.memref_slice %arg10[%add3A_246, %dma_start3A_253] : memref<50x200xi32, #tpu.memory_space<vmem>> -> memref<1x200xi32, #tpu.memory_space<vmem>>
      %dma_start3A_255 = tpu.memref_squeeze %dma_start3A_254 : memref<1x200xi32, #tpu.memory_space<vmem>> -> memref<200xi32, #tpu.memory_space<vmem>>
      %dma_start3A_256 = arith.constant 0 : i32
      %dma_start3A_257 = arith.constant 0 : i32
      %dma_start3A_258 = tpu.memref_slice %arg28[%dma_start3A_256, %dma_start3A_257] : memref<10240x64xf32, #tpu.memory_space<vmem_shared>> -> memref<10240x64xf32, #tpu.memory_space<vmem_shared>>
      tpu.enqueue_indirect_dma source(%arg11 : memref<200x64xf32, #tpu.memory_space<vmem>>) target(%dma_start3A_258 : memref<10240x64xf32, #tpu.memory_space<vmem_shared>>) offsets(%dma_start3A_255 : memref<200xi32, #tpu.memory_space<vmem>>) semaphore(%arg21 : memref<!tpu.dma_semaphore, #tpu.memory_space<semaphore_mem>>) {add = true}
      %ge3A = arith.constant 2 : i32
      %ge3A_259 = arith.cmpi sge, %add3A_246, %ge3A : i32
      %convert_element_type3A = arith.extui %ge3A_259 : i1 to i32
      %cond3A = arith.constant 0 : i32
      %cond3A_260 = arith.cmpi ne, %convert_element_type3A, %cond3A : i32
      scf.if %cond3A_260 {
        %sub3A_379 = arith.constant 2 : i32
        %sub3A_380 = arith.subi %add3A_246, %sub3A_379 : i32
        %dma_wait3A_381 = arith.constant 0 : i32
        %dma_wait3A_382 = tpu.memref_slice %arg10[%sub3A_380, %dma_wait3A_381] : memref<50x200xi32, #tpu.memory_space<vmem>> -> memref<1x200xi32, #tpu.memory_space<vmem>>
        %dma_wait3A_383 = tpu.memref_squeeze %dma_wait3A_382 : memref<1x200xi32, #tpu.memory_space<vmem>> -> memref<200xi32, #tpu.memory_space<vmem>>
        %dma_wait3A_384 = arith.constant 0 : i32
        %dma_wait3A_385 = arith.constant 0 : i32
        %dma_wait3A_386 = tpu.memref_slice %arg28[%dma_wait3A_384, %dma_wait3A_385] : memref<10240x64xf32, #tpu.memory_space<vmem_shared>> -> memref<10240x64xf32, #tpu.memory_space<vmem_shared>>
        tpu.wait_indirect_dma semaphore(%arg24 : memref<!tpu.dma_semaphore, #tpu.memory_space<semaphore_mem>>) src(%arg14 : memref<200x64xf32, #tpu.memory_space<vmem>>) dst(%dma_wait3A_386 : memref<10240x64xf32, #tpu.memory_space<vmem_shared>>)
      } else {
      }
      %add3A_261 = arith.constant 3 : i32
      %add3A_262 = arith.addi %add3A_246, %add3A_261 : i32
      %lt3A = arith.constant 50 : i32
      %lt3A_263 = arith.cmpi slt, %add3A_262, %lt3A : i32
      %convert_element_type3A_264 = arith.extui %lt3A_263 : i1 to i32
      %cond3A_265 = arith.constant 0 : i32
      %cond3A_266 = arith.cmpi ne, %convert_element_type3A_264, %cond3A_265 : i32
      scf.if %cond3A_266 {
        %add3A_379 = arith.constant 3 : i32
        %add3A_380 = arith.addi %add3A_246, %add3A_379 : i32
        %dma_start3A_381 = arith.constant 0 : i32
        %dma_start3A_382 = tpu.memref_slice %arg9[%add3A_380, %dma_start3A_381] : memref<50x200xi32, #tpu.memory_space<vmem>> -> memref<1x200xi32, #tpu.memory_space<vmem>>
        %dma_start3A_383 = tpu.memref_squeeze %dma_start3A_382 : memref<1x200xi32, #tpu.memory_space<vmem>> -> memref<200xi32, #tpu.memory_space<vmem>>
        %dma_start3A_384 = arith.constant 0 : i32
        %dma_start3A_385 = arith.constant 0 : i32
        %dma_start3A_386 = tpu.memref_slice %arg4[%dma_start3A_384, %dma_start3A_385] : memref<10240x64xf32, #tpu.memory_space<hbm>> -> memref<10240x64xf32, #tpu.memory_space<hbm>>
        tpu.enqueue_indirect_dma source(%dma_start3A_386 : memref<10240x64xf32, #tpu.memory_space<hbm>>) target(%arg14 : memref<200x64xf32, #tpu.memory_space<vmem>>) offsets(%dma_start3A_383 : memref<200xi32, #tpu.memory_space<vmem>>) semaphore(%arg19 : memref<!tpu.dma_semaphore, #tpu.memory_space<semaphore_mem>>)
      } else {
      }
      %mul3A_267 = arith.constant 5 : i32
      %mul3A_268 = arith.muli %mul3A_267, %scan3A_242 : i32
      %add3A_269 = arith.constant 1 : i32
      %add3A_270 = arith.addi %mul3A_268, %add3A_269 : i32
      %dma_wait3A_271 = arith.constant 0 : i32
      %dma_wait3A_272 = tpu.memref_slice %arg9[%add3A_270, %dma_wait3A_271] : memref<50x200xi32, #tpu.memory_space<vmem>> -> memref<1x200xi32, #tpu.memory_space<vmem>>
      %dma_wait3A_273 = tpu.memref_squeeze %dma_wait3A_272 : memref<1x200xi32, #tpu.memory_space<vmem>> -> memref<200xi32, #tpu.memory_space<vmem>>
      %dma_wait3A_274 = arith.constant 0 : i32
      %dma_wait3A_275 = arith.constant 0 : i32
      %dma_wait3A_276 = tpu.memref_slice %arg4[%dma_wait3A_274, %dma_wait3A_275] : memref<10240x64xf32, #tpu.memory_space<hbm>> -> memref<10240x64xf32, #tpu.memory_space<hbm>>
      tpu.wait_indirect_dma semaphore(%arg17 : memref<!tpu.dma_semaphore, #tpu.memory_space<semaphore_mem>>) src(%dma_wait3A_276 : memref<10240x64xf32, #tpu.memory_space<hbm>>) dst(%arg12 : memref<200x64xf32, #tpu.memory_space<vmem>>)
      %dma_start3A_277 = arith.constant 0 : i32
      %dma_start3A_278 = tpu.memref_slice %arg10[%add3A_270, %dma_start3A_277] : memref<50x200xi32, #tpu.memory_space<vmem>> -> memref<1x200xi32, #tpu.memory_space<vmem>>
      %dma_start3A_279 = tpu.memref_squeeze %dma_start3A_278 : memref<1x200xi32, #tpu.memory_space<vmem>> -> memref<200xi32, #tpu.memory_space<vmem>>
      %dma_start3A_280 = arith.constant 0 : i32
      %dma_start3A_281 = arith.constant 0 : i32
      %dma_start3A_282 = tpu.memref_slice %arg28[%dma_start3A_280, %dma_start3A_281] : memref<10240x64xf32, #tpu.memory_space<vmem_shared>> -> memref<10240x64xf32, #tpu.memory_space<vmem_shared>>
      tpu.enqueue_indirect_dma source(%arg12 : memref<200x64xf32, #tpu.memory_space<vmem>>) target(%dma_start3A_282 : memref<10240x64xf32, #tpu.memory_space<vmem_shared>>) offsets(%dma_start3A_279 : memref<200xi32, #tpu.memory_space<vmem>>) semaphore(%arg22 : memref<!tpu.dma_semaphore, #tpu.memory_space<semaphore_mem>>) {add = true}
      %ge3A_283 = arith.constant 2 : i32
      %ge3A_284 = arith.cmpi sge, %add3A_270, %ge3A_283 : i32
      %convert_element_type3A_285 = arith.extui %ge3A_284 : i1 to i32
      %cond3A_286 = arith.constant 0 : i32
      %cond3A_287 = arith.cmpi ne, %convert_element_type3A_285, %cond3A_286 : i32
      scf.if %cond3A_287 {
        %sub3A_379 = arith.constant 2 : i32
        %sub3A_380 = arith.subi %add3A_270, %sub3A_379 : i32
        %dma_wait3A_381 = arith.constant 0 : i32
        %dma_wait3A_382 = tpu.memref_slice %arg10[%sub3A_380, %dma_wait3A_381] : memref<50x200xi32, #tpu.memory_space<vmem>> -> memref<1x200xi32, #tpu.memory_space<vmem>>
        %dma_wait3A_383 = tpu.memref_squeeze %dma_wait3A_382 : memref<1x200xi32, #tpu.memory_space<vmem>> -> memref<200xi32, #tpu.memory_space<vmem>>
        %dma_wait3A_384 = arith.constant 0 : i32
        %dma_wait3A_385 = arith.constant 0 : i32
        %dma_wait3A_386 = tpu.memref_slice %arg28[%dma_wait3A_384, %dma_wait3A_385] : memref<10240x64xf32, #tpu.memory_space<vmem_shared>> -> memref<10240x64xf32, #tpu.memory_space<vmem_shared>>
        tpu.wait_indirect_dma semaphore(%arg25 : memref<!tpu.dma_semaphore, #tpu.memory_space<semaphore_mem>>) src(%arg15 : memref<200x64xf32, #tpu.memory_space<vmem>>) dst(%dma_wait3A_386 : memref<10240x64xf32, #tpu.memory_space<vmem_shared>>)
      } else {
      }
      %add3A_288 = arith.constant 3 : i32
      %add3A_289 = arith.addi %add3A_270, %add3A_288 : i32
      %lt3A_290 = arith.constant 50 : i32
      %lt3A_291 = arith.cmpi slt, %add3A_289, %lt3A_290 : i32
      %convert_element_type3A_292 = arith.extui %lt3A_291 : i1 to i32
      %cond3A_293 = arith.constant 0 : i32
      %cond3A_294 = arith.cmpi ne, %convert_element_type3A_292, %cond3A_293 : i32
      scf.if %cond3A_294 {
        %add3A_379 = arith.constant 3 : i32
        %add3A_380 = arith.addi %add3A_270, %add3A_379 : i32
        %dma_start3A_381 = arith.constant 0 : i32
        %dma_start3A_382 = tpu.memref_slice %arg9[%add3A_380, %dma_start3A_381] : memref<50x200xi32, #tpu.memory_space<vmem>> -> memref<1x200xi32, #tpu.memory_space<vmem>>
        %dma_start3A_383 = tpu.memref_squeeze %dma_start3A_382 : memref<1x200xi32, #tpu.memory_space<vmem>> -> memref<200xi32, #tpu.memory_space<vmem>>
        %dma_start3A_384 = arith.constant 0 : i32
        %dma_start3A_385 = arith.constant 0 : i32
        %dma_start3A_386 = tpu.memref_slice %arg4[%dma_start3A_384, %dma_start3A_385] : memref<10240x64xf32, #tpu.memory_space<hbm>> -> memref<10240x64xf32, #tpu.memory_space<hbm>>
        tpu.enqueue_indirect_dma source(%dma_start3A_386 : memref<10240x64xf32, #tpu.memory_space<hbm>>) target(%arg15 : memref<200x64xf32, #tpu.memory_space<vmem>>) offsets(%dma_start3A_383 : memref<200xi32, #tpu.memory_space<vmem>>) semaphore(%arg20 : memref<!tpu.dma_semaphore, #tpu.memory_space<semaphore_mem>>)
      } else {
      }
      %mul3A_295 = arith.constant 5 : i32
      %mul3A_296 = arith.muli %mul3A_295, %scan3A_242 : i32
      %add3A_297 = arith.constant 2 : i32
      %add3A_298 = arith.addi %mul3A_296, %add3A_297 : i32
      %dma_wait3A_299 = arith.constant 0 : i32
      %dma_wait3A_300 = tpu.memref_slice %arg9[%add3A_298, %dma_wait3A_299] : memref<50x200xi32, #tpu.memory_space<vmem>> -> memref<1x200xi32, #tpu.memory_space<vmem>>
      %dma_wait3A_301 = tpu.memref_squeeze %dma_wait3A_300 : memref<1x200xi32, #tpu.memory_space<vmem>> -> memref<200xi32, #tpu.memory_space<vmem>>
      %dma_wait3A_302 = arith.constant 0 : i32
      %dma_wait3A_303 = arith.constant 0 : i32
      %dma_wait3A_304 = tpu.memref_slice %arg4[%dma_wait3A_302, %dma_wait3A_303] : memref<10240x64xf32, #tpu.memory_space<hbm>> -> memref<10240x64xf32, #tpu.memory_space<hbm>>
      tpu.wait_indirect_dma semaphore(%arg18 : memref<!tpu.dma_semaphore, #tpu.memory_space<semaphore_mem>>) src(%dma_wait3A_304 : memref<10240x64xf32, #tpu.memory_space<hbm>>) dst(%arg13 : memref<200x64xf32, #tpu.memory_space<vmem>>)
      %dma_start3A_305 = arith.constant 0 : i32
      %dma_start3A_306 = tpu.memref_slice %arg10[%add3A_298, %dma_start3A_305] : memref<50x200xi32, #tpu.memory_space<vmem>> -> memref<1x200xi32, #tpu.memory_space<vmem>>
      %dma_start3A_307 = tpu.memref_squeeze %dma_start3A_306 : memref<1x200xi32, #tpu.memory_space<vmem>> -> memref<200xi32, #tpu.memory_space<vmem>>
      %dma_start3A_308 = arith.constant 0 : i32
      %dma_start3A_309 = arith.constant 0 : i32
      %dma_start3A_310 = tpu.memref_slice %arg28[%dma_start3A_308, %dma_start3A_309] : memref<10240x64xf32, #tpu.memory_space<vmem_shared>> -> memref<10240x64xf32, #tpu.memory_space<vmem_shared>>
      tpu.enqueue_indirect_dma source(%arg13 : memref<200x64xf32, #tpu.memory_space<vmem>>) target(%dma_start3A_310 : memref<10240x64xf32, #tpu.memory_space<vmem_shared>>) offsets(%dma_start3A_307 : memref<200xi32, #tpu.memory_space<vmem>>) semaphore(%arg23 : memref<!tpu.dma_semaphore, #tpu.memory_space<semaphore_mem>>) {add = true}
      %ge3A_311 = arith.constant 2 : i32
      %ge3A_312 = arith.cmpi sge, %add3A_298, %ge3A_311 : i32
      %convert_element_type3A_313 = arith.extui %ge3A_312 : i1 to i32
      %cond3A_314 = arith.constant 0 : i32
      %cond3A_315 = arith.cmpi ne, %convert_element_type3A_313, %cond3A_314 : i32
      scf.if %cond3A_315 {
        %sub3A_379 = arith.constant 2 : i32
        %sub3A_380 = arith.subi %add3A_298, %sub3A_379 : i32
        %dma_wait3A_381 = arith.constant 0 : i32
        %dma_wait3A_382 = tpu.memref_slice %arg10[%sub3A_380, %dma_wait3A_381] : memref<50x200xi32, #tpu.memory_space<vmem>> -> memref<1x200xi32, #tpu.memory_space<vmem>>
        %dma_wait3A_383 = tpu.memref_squeeze %dma_wait3A_382 : memref<1x200xi32, #tpu.memory_space<vmem>> -> memref<200xi32, #tpu.memory_space<vmem>>
        %dma_wait3A_384 = arith.constant 0 : i32
        %dma_wait3A_385 = arith.constant 0 : i32
        %dma_wait3A_386 = tpu.memref_slice %arg28[%dma_wait3A_384, %dma_wait3A_385] : memref<10240x64xf32, #tpu.memory_space<vmem_shared>> -> memref<10240x64xf32, #tpu.memory_space<vmem_shared>>
        tpu.wait_indirect_dma semaphore(%arg21 : memref<!tpu.dma_semaphore, #tpu.memory_space<semaphore_mem>>) src(%arg11 : memref<200x64xf32, #tpu.memory_space<vmem>>) dst(%dma_wait3A_386 : memref<10240x64xf32, #tpu.memory_space<vmem_shared>>)
      } else {
      }
      %add3A_316 = arith.constant 3 : i32
      %add3A_317 = arith.addi %add3A_298, %add3A_316 : i32
      %lt3A_318 = arith.constant 50 : i32
      %lt3A_319 = arith.cmpi slt, %add3A_317, %lt3A_318 : i32
      %convert_element_type3A_320 = arith.extui %lt3A_319 : i1 to i32
      %cond3A_321 = arith.constant 0 : i32
      %cond3A_322 = arith.cmpi ne, %convert_element_type3A_320, %cond3A_321 : i32
      scf.if %cond3A_322 {
        %add3A_379 = arith.constant 3 : i32
        %add3A_380 = arith.addi %add3A_298, %add3A_379 : i32
        %dma_start3A_381 = arith.constant 0 : i32
        %dma_start3A_382 = tpu.memref_slice %arg9[%add3A_380, %dma_start3A_381] : memref<50x200xi32, #tpu.memory_space<vmem>> -> memref<1x200xi32, #tpu.memory_space<vmem>>
        %dma_start3A_383 = tpu.memref_squeeze %dma_start3A_382 : memref<1x200xi32, #tpu.memory_space<vmem>> -> memref<200xi32, #tpu.memory_space<vmem>>
        %dma_start3A_384 = arith.constant 0 : i32
        %dma_start3A_385 = arith.constant 0 : i32
        %dma_start3A_386 = tpu.memref_slice %arg4[%dma_start3A_384, %dma_start3A_385] : memref<10240x64xf32, #tpu.memory_space<hbm>> -> memref<10240x64xf32, #tpu.memory_space<hbm>>
        tpu.enqueue_indirect_dma source(%dma_start3A_386 : memref<10240x64xf32, #tpu.memory_space<hbm>>) target(%arg11 : memref<200x64xf32, #tpu.memory_space<vmem>>) offsets(%dma_start3A_383 : memref<200xi32, #tpu.memory_space<vmem>>) semaphore(%arg16 : memref<!tpu.dma_semaphore, #tpu.memory_space<semaphore_mem>>)
      } else {
      }
      %mul3A_323 = arith.constant 5 : i32
      %mul3A_324 = arith.muli %mul3A_323, %scan3A_242 : i32
      %add3A_325 = arith.constant 3 : i32
      %add3A_326 = arith.addi %mul3A_324, %add3A_325 : i32
      %dma_wait3A_327 = arith.constant 0 : i32
      %dma_wait3A_328 = tpu.memref_slice %arg9[%add3A_326, %dma_wait3A_327] : memref<50x200xi32, #tpu.memory_space<vmem>> -> memref<1x200xi32, #tpu.memory_space<vmem>>
      %dma_wait3A_329 = tpu.memref_squeeze %dma_wait3A_328 : memref<1x200xi32, #tpu.memory_space<vmem>> -> memref<200xi32, #tpu.memory_space<vmem>>
      %dma_wait3A_330 = arith.constant 0 : i32
      %dma_wait3A_331 = arith.constant 0 : i32
      %dma_wait3A_332 = tpu.memref_slice %arg4[%dma_wait3A_330, %dma_wait3A_331] : memref<10240x64xf32, #tpu.memory_space<hbm>> -> memref<10240x64xf32, #tpu.memory_space<hbm>>
      tpu.wait_indirect_dma semaphore(%arg19 : memref<!tpu.dma_semaphore, #tpu.memory_space<semaphore_mem>>) src(%dma_wait3A_332 : memref<10240x64xf32, #tpu.memory_space<hbm>>) dst(%arg14 : memref<200x64xf32, #tpu.memory_space<vmem>>)
      %dma_start3A_333 = arith.constant 0 : i32
      %dma_start3A_334 = tpu.memref_slice %arg10[%add3A_326, %dma_start3A_333] : memref<50x200xi32, #tpu.memory_space<vmem>> -> memref<1x200xi32, #tpu.memory_space<vmem>>
      %dma_start3A_335 = tpu.memref_squeeze %dma_start3A_334 : memref<1x200xi32, #tpu.memory_space<vmem>> -> memref<200xi32, #tpu.memory_space<vmem>>
      %dma_start3A_336 = arith.constant 0 : i32
      %dma_start3A_337 = arith.constant 0 : i32
      %dma_start3A_338 = tpu.memref_slice %arg28[%dma_start3A_336, %dma_start3A_337] : memref<10240x64xf32, #tpu.memory_space<vmem_shared>> -> memref<10240x64xf32, #tpu.memory_space<vmem_shared>>
      tpu.enqueue_indirect_dma source(%arg14 : memref<200x64xf32, #tpu.memory_space<vmem>>) target(%dma_start3A_338 : memref<10240x64xf32, #tpu.memory_space<vmem_shared>>) offsets(%dma_start3A_335 : memref<200xi32, #tpu.memory_space<vmem>>) semaphore(%arg24 : memref<!tpu.dma_semaphore, #tpu.memory_space<semaphore_mem>>) {add = true}
      %ge3A_339 = arith.constant 2 : i32
      %ge3A_340 = arith.cmpi sge, %add3A_326, %ge3A_339 : i32
      %convert_element_type3A_341 = arith.extui %ge3A_340 : i1 to i32
      %cond3A_342 = arith.constant 0 : i32
      %cond3A_343 = arith.cmpi ne, %convert_element_type3A_341, %cond3A_342 : i32
      scf.if %cond3A_343 {
        %sub3A_379 = arith.constant 2 : i32
        %sub3A_380 = arith.subi %add3A_326, %sub3A_379 : i32
        %dma_wait3A_381 = arith.constant 0 : i32
        %dma_wait3A_382 = tpu.memref_slice %arg10[%sub3A_380, %dma_wait3A_381] : memref<50x200xi32, #tpu.memory_space<vmem>> -> memref<1x200xi32, #tpu.memory_space<vmem>>
        %dma_wait3A_383 = tpu.memref_squeeze %dma_wait3A_382 : memref<1x200xi32, #tpu.memory_space<vmem>> -> memref<200xi32, #tpu.memory_space<vmem>>
        %dma_wait3A_384 = arith.constant 0 : i32
        %dma_wait3A_385 = arith.constant 0 : i32
        %dma_wait3A_386 = tpu.memref_slice %arg28[%dma_wait3A_384, %dma_wait3A_385] : memref<10240x64xf32, #tpu.memory_space<vmem_shared>> -> memref<10240x64xf32, #tpu.memory_space<vmem_shared>>
        tpu.wait_indirect_dma semaphore(%arg22 : memref<!tpu.dma_semaphore, #tpu.memory_space<semaphore_mem>>) src(%arg12 : memref<200x64xf32, #tpu.memory_space<vmem>>) dst(%dma_wait3A_386 : memref<10240x64xf32, #tpu.memory_space<vmem_shared>>)
      } else {
      }
      %add3A_344 = arith.constant 3 : i32
      %add3A_345 = arith.addi %add3A_326, %add3A_344 : i32
      %lt3A_346 = arith.constant 50 : i32
      %lt3A_347 = arith.cmpi slt, %add3A_345, %lt3A_346 : i32
      %convert_element_type3A_348 = arith.extui %lt3A_347 : i1 to i32
      %cond3A_349 = arith.constant 0 : i32
      %cond3A_350 = arith.cmpi ne, %convert_element_type3A_348, %cond3A_349 : i32
      scf.if %cond3A_350 {
        %add3A_379 = arith.constant 3 : i32
        %add3A_380 = arith.addi %add3A_326, %add3A_379 : i32
        %dma_start3A_381 = arith.constant 0 : i32
        %dma_start3A_382 = tpu.memref_slice %arg9[%add3A_380, %dma_start3A_381] : memref<50x200xi32, #tpu.memory_space<vmem>> -> memref<1x200xi32, #tpu.memory_space<vmem>>
        %dma_start3A_383 = tpu.memref_squeeze %dma_start3A_382 : memref<1x200xi32, #tpu.memory_space<vmem>> -> memref<200xi32, #tpu.memory_space<vmem>>
        %dma_start3A_384 = arith.constant 0 : i32
        %dma_start3A_385 = arith.constant 0 : i32
        %dma_start3A_386 = tpu.memref_slice %arg4[%dma_start3A_384, %dma_start3A_385] : memref<10240x64xf32, #tpu.memory_space<hbm>> -> memref<10240x64xf32, #tpu.memory_space<hbm>>
        tpu.enqueue_indirect_dma source(%dma_start3A_386 : memref<10240x64xf32, #tpu.memory_space<hbm>>) target(%arg12 : memref<200x64xf32, #tpu.memory_space<vmem>>) offsets(%dma_start3A_383 : memref<200xi32, #tpu.memory_space<vmem>>) semaphore(%arg17 : memref<!tpu.dma_semaphore, #tpu.memory_space<semaphore_mem>>)
      } else {
      }
      %mul3A_351 = arith.constant 5 : i32
      %mul3A_352 = arith.muli %mul3A_351, %scan3A_242 : i32
      %add3A_353 = arith.constant 4 : i32
      %add3A_354 = arith.addi %mul3A_352, %add3A_353 : i32
      %dma_wait3A_355 = arith.constant 0 : i32
      %dma_wait3A_356 = tpu.memref_slice %arg9[%add3A_354, %dma_wait3A_355] : memref<50x200xi32, #tpu.memory_space<vmem>> -> memref<1x200xi32, #tpu.memory_space<vmem>>
      %dma_wait3A_357 = tpu.memref_squeeze %dma_wait3A_356 : memref<1x200xi32, #tpu.memory_space<vmem>> -> memref<200xi32, #tpu.memory_space<vmem>>
      %dma_wait3A_358 = arith.constant 0 : i32
      %dma_wait3A_359 = arith.constant 0 : i32
      %dma_wait3A_360 = tpu.memref_slice %arg4[%dma_wait3A_358, %dma_wait3A_359] : memref<10240x64xf32, #tpu.memory_space<hbm>> -> memref<10240x64xf32, #tpu.memory_space<hbm>>
      tpu.wait_indirect_dma semaphore(%arg20 : memref<!tpu.dma_semaphore, #tpu.memory_space<semaphore_mem>>) src(%dma_wait3A_360 : memref<10240x64xf32, #tpu.memory_space<hbm>>) dst(%arg15 : memref<200x64xf32, #tpu.memory_space<vmem>>)
      %dma_start3A_361 = arith.constant 0 : i32
      %dma_start3A_362 = tpu.memref_slice %arg10[%add3A_354, %dma_start3A_361] : memref<50x200xi32, #tpu.memory_space<vmem>> -> memref<1x200xi32, #tpu.memory_space<vmem>>
      %dma_start3A_363 = tpu.memref_squeeze %dma_start3A_362 : memref<1x200xi32, #tpu.memory_space<vmem>> -> memref<200xi32, #tpu.memory_space<vmem>>
      %dma_start3A_364 = arith.constant 0 : i32
      %dma_start3A_365 = arith.constant 0 : i32
      %dma_start3A_366 = tpu.memref_slice %arg28[%dma_start3A_364, %dma_start3A_365] : memref<10240x64xf32, #tpu.memory_space<vmem_shared>> -> memref<10240x64xf32, #tpu.memory_space<vmem_shared>>
      tpu.enqueue_indirect_dma source(%arg15 : memref<200x64xf32, #tpu.memory_space<vmem>>) target(%dma_start3A_366 : memref<10240x64xf32, #tpu.memory_space<vmem_shared>>) offsets(%dma_start3A_363 : memref<200xi32, #tpu.memory_space<vmem>>) semaphore(%arg25 : memref<!tpu.dma_semaphore, #tpu.memory_space<semaphore_mem>>) {add = true}
      %ge3A_367 = arith.constant 2 : i32
      %ge3A_368 = arith.cmpi sge, %add3A_354, %ge3A_367 : i32
      %convert_element_type3A_369 = arith.extui %ge3A_368 : i1 to i32
      %cond3A_370 = arith.constant 0 : i32
      %cond3A_371 = arith.cmpi ne, %convert_element_type3A_369, %cond3A_370 : i32
      scf.if %cond3A_371 {
        %sub3A_379 = arith.constant 2 : i32
        %sub3A_380 = arith.subi %add3A_354, %sub3A_379 : i32
        %dma_wait3A_381 = arith.constant 0 : i32
        %dma_wait3A_382 = tpu.memref_slice %arg10[%sub3A_380, %dma_wait3A_381] : memref<50x200xi32, #tpu.memory_space<vmem>> -> memref<1x200xi32, #tpu.memory_space<vmem>>
        %dma_wait3A_383 = tpu.memref_squeeze %dma_wait3A_382 : memref<1x200xi32, #tpu.memory_space<vmem>> -> memref<200xi32, #tpu.memory_space<vmem>>
        %dma_wait3A_384 = arith.constant 0 : i32
        %dma_wait3A_385 = arith.constant 0 : i32
        %dma_wait3A_386 = tpu.memref_slice %arg28[%dma_wait3A_384, %dma_wait3A_385] : memref<10240x64xf32, #tpu.memory_space<vmem_shared>> -> memref<10240x64xf32, #tpu.memory_space<vmem_shared>>
        tpu.wait_indirect_dma semaphore(%arg23 : memref<!tpu.dma_semaphore, #tpu.memory_space<semaphore_mem>>) src(%arg13 : memref<200x64xf32, #tpu.memory_space<vmem>>) dst(%dma_wait3A_386 : memref<10240x64xf32, #tpu.memory_space<vmem_shared>>)
      } else {
      }
      %add3A_372 = arith.constant 3 : i32
      %add3A_373 = arith.addi %add3A_354, %add3A_372 : i32
      %lt3A_374 = arith.constant 50 : i32
      %lt3A_375 = arith.cmpi slt, %add3A_373, %lt3A_374 : i32
      %convert_element_type3A_376 = arith.extui %lt3A_375 : i1 to i32
      %cond3A_377 = arith.constant 0 : i32
      %cond3A_378 = arith.cmpi ne, %convert_element_type3A_376, %cond3A_377 : i32
      scf.if %cond3A_378 {
        %add3A_379 = arith.constant 3 : i32
        %add3A_380 = arith.addi %add3A_354, %add3A_379 : i32
        %dma_start3A_381 = arith.constant 0 : i32
        %dma_start3A_382 = tpu.memref_slice %arg9[%add3A_380, %dma_start3A_381] : memref<50x200xi32, #tpu.memory_space<vmem>> -> memref<1x200xi32, #tpu.memory_space<vmem>>
        %dma_start3A_383 = tpu.memref_squeeze %dma_start3A_382 : memref<1x200xi32, #tpu.memory_space<vmem>> -> memref<200xi32, #tpu.memory_space<vmem>>
        %dma_start3A_384 = arith.constant 0 : i32
        %dma_start3A_385 = arith.constant 0 : i32
        %dma_start3A_386 = tpu.memref_slice %arg4[%dma_start3A_384, %dma_start3A_385] : memref<10240x64xf32, #tpu.memory_space<hbm>> -> memref<10240x64xf32, #tpu.memory_space<hbm>>
        tpu.enqueue_indirect_dma source(%dma_start3A_386 : memref<10240x64xf32, #tpu.memory_space<hbm>>) target(%arg13 : memref<200x64xf32, #tpu.memory_space<vmem>>) offsets(%dma_start3A_383 : memref<200xi32, #tpu.memory_space<vmem>>) semaphore(%arg18 : memref<!tpu.dma_semaphore, #tpu.memory_space<semaphore_mem>>)
      } else {
      }
    }
    %scan3A_29 = arith.constant 10 : i32
    %dma_wait3A = arith.constant 48 : i32
    %dma_wait3A_30 = arith.constant 0 : i32
    %dma_wait3A_31 = tpu.memref_slice %arg10[%dma_wait3A, %dma_wait3A_30] : memref<50x200xi32, #tpu.memory_space<vmem>> -> memref<1x200xi32, #tpu.memory_space<vmem>>
    %dma_wait3A_32 = tpu.memref_squeeze %dma_wait3A_31 : memref<1x200xi32, #tpu.memory_space<vmem>> -> memref<200xi32, #tpu.memory_space<vmem>>
    %dma_wait3A_33 = arith.constant 0 : i32
    %dma_wait3A_34 = arith.constant 0 : i32
    %dma_wait3A_35 = tpu.memref_slice %arg28[%dma_wait3A_33, %dma_wait3A_34] : memref<10240x64xf32, #tpu.memory_space<vmem_shared>> -> memref<10240x64xf32, #tpu.memory_space<vmem_shared>>
    tpu.wait_indirect_dma semaphore(%arg24 : memref<!tpu.dma_semaphore, #tpu.memory_space<semaphore_mem>>) src(%arg14 : memref<200x64xf32, #tpu.memory_space<vmem>>) dst(%dma_wait3A_35 : memref<10240x64xf32, #tpu.memory_space<vmem_shared>>)
    %dma_wait3A_36 = arith.constant 49 : i32
    %dma_wait3A_37 = arith.constant 0 : i32
    %dma_wait3A_38 = tpu.memref_slice %arg10[%dma_wait3A_36, %dma_wait3A_37] : memref<50x200xi32, #tpu.memory_space<vmem>> -> memref<1x200xi32, #tpu.memory_space<vmem>>
    %dma_wait3A_39 = tpu.memref_squeeze %dma_wait3A_38 : memref<1x200xi32, #tpu.memory_space<vmem>> -> memref<200xi32, #tpu.memory_space<vmem>>
    %dma_wait3A_40 = arith.constant 0 : i32
    %dma_wait3A_41 = arith.constant 0 : i32
    %dma_wait3A_42 = tpu.memref_slice %arg28[%dma_wait3A_40, %dma_wait3A_41] : memref<10240x64xf32, #tpu.memory_space<vmem_shared>> -> memref<10240x64xf32, #tpu.memory_space<vmem_shared>>
    tpu.wait_indirect_dma semaphore(%arg25 : memref<!tpu.dma_semaphore, #tpu.memory_space<semaphore_mem>>) src(%arg15 : memref<200x64xf32, #tpu.memory_space<vmem>>) dst(%dma_wait3A_42 : memref<10240x64xf32, #tpu.memory_space<vmem_shared>>)
    %barrier3A_43 = arith.constant 0 : index
    tpu.barrier barrier_id(%barrier3A_43)
    %mul3A_44 = arith.constant 10240 : i32
    %mul3A_45 = arith.muli %arg0, %mul3A_44 : i32
    %add3A_46 = arith.addi %mul3A_45, %mul3A_2 : i32
    "tpu.region"() ({
      %run_scoped3A = tpu.sem_alloc : memref<!tpu.dma_semaphore, #tpu.memory_space<semaphore_mem>>
      %dma_start3A_242 = arith.constant 0 : i32
      %dma_start3A_243 = tpu.memref_slice %arg7[%add3A_46, %dma_start3A_242] : memref<20480x64xf32, #tpu.memory_space<hbm>> -> memref<640x64xf32, #tpu.memory_space<hbm>>
      %dma_start3A_244 = arith.constant 0 : i32
      %dma_start3A_245 = tpu.memref_slice %arg28[%mul3A_2, %dma_start3A_244] : memref<10240x64xf32, #tpu.memory_space<vmem_shared>> -> memref<640x64xf32, #tpu.memory_space<vmem_shared>>
      tpu.enqueue_dma source(%dma_start3A_245 : memref<640x64xf32, #tpu.memory_space<vmem_shared>>) target(%dma_start3A_243 : memref<640x64xf32, #tpu.memory_space<hbm>>) target_semaphore(%run_scoped3A : memref<!tpu.dma_semaphore, #tpu.memory_space<semaphore_mem>>)
      %dma_wait3A_246 = arith.constant 0 : i32
      %dma_wait3A_247 = tpu.memref_slice %arg7[%add3A_46, %dma_wait3A_246] : memref<20480x64xf32, #tpu.memory_space<hbm>> -> memref<640x64xf32, #tpu.memory_space<hbm>>
      %dma_wait3A_248 = arith.constant 0 : i32
      %dma_wait3A_249 = tpu.memref_slice %arg28[%mul3A_2, %dma_wait3A_248] : memref<10240x64xf32, #tpu.memory_space<vmem_shared>> -> memref<640x64xf32, #tpu.memory_space<vmem_shared>>
      tpu.wait_dma2 semaphore(%run_scoped3A : memref<!tpu.dma_semaphore, #tpu.memory_space<semaphore_mem>>) src(%dma_wait3A_249 : memref<640x64xf32, #tpu.memory_space<vmem_shared>>) dst(%dma_wait3A_247 : memref<640x64xf32, #tpu.memory_space<hbm>>)
      tpu.yield
    }) : () -> ()
    %barrier3A_47 = arith.constant 0 : index
    tpu.barrier barrier_id(%barrier3A_47)
    %sub3A = arith.constant 1 : i32
    %sub3A_48 = arith.subi %sub3A, %arg0 : i32
    %semaphore_signal3A = arith.constant 1 : i32
    tpu.sem_signal %arg27, %semaphore_signal3A core_id %sub3A_48 : memref<!tpu.semaphore, #tpu.memory_space<semaphore_mem>>
    %semaphore_wait3A = arith.constant 1 : i32
    %semaphore_wait3A_49 = arith.constant true
    tpu.sem_wait %arg27, %semaphore_wait3A : memref<!tpu.semaphore, #tpu.memory_space<semaphore_mem>>
    %add3A_50 = arith.constant 0 : i32
    %add3A_51 = arith.addi %mul3A_4, %add3A_50 : i32
    %add3A_52 = arith.constant 10240 : i32
    %add3A_53 = arith.addi %add3A_52, %add3A_51 : i32
    %dma_start3A_54 = arith.constant 0 : i32
    %dma_start3A_55 = arith.constant 0 : i32
    %dma_start3A_56 = tpu.memref_slice %arg11[%dma_start3A_54, %dma_start3A_55] : memref<200x64xf32, #tpu.memory_space<vmem>> -> memref<160x64xf32, #tpu.memory_space<vmem>>
    %dma_start3A_57 = arith.constant 0 : i32
    %dma_start3A_58 = tpu.memref_slice %arg7[%add3A_51, %dma_start3A_57] : memref<20480x64xf32, #tpu.memory_space<hbm>> -> memref<160x64xf32, #tpu.memory_space<hbm>>
    %dma_start3A_59 = arith.constant 0 : i32
    %dma_start3A_60 = arith.constant 0 : i32
    %dma_start3A_61 = tpu.memref_slice %arg11[%dma_start3A_59, %dma_start3A_60] : memref<200x64xf32, #tpu.memory_space<vmem>> -> memref<160x64xf32, #tpu.memory_space<vmem>>
    %dma_start3A_62 = arith.constant 0 : i32
    %dma_start3A_63 = tpu.memref_slice %arg7[%add3A_51, %dma_start3A_62] : memref<20480x64xf32, #tpu.memory_space<hbm>> -> memref<160x64xf32, #tpu.memory_space<hbm>>
    tpu.enqueue_dma source(%dma_start3A_63 : memref<160x64xf32, #tpu.memory_space<hbm>>) target(%dma_start3A_61 : memref<160x64xf32, #tpu.memory_space<vmem>>) target_semaphore(%arg16 : memref<!tpu.dma_semaphore, #tpu.memory_space<semaphore_mem>>)
    %dma_start3A_64 = arith.constant 0 : i32
    %dma_start3A_65 = arith.constant 0 : i32
    %dma_start3A_66 = tpu.memref_slice %arg12[%dma_start3A_64, %dma_start3A_65] : memref<200x64xf32, #tpu.memory_space<vmem>> -> memref<160x64xf32, #tpu.memory_space<vmem>>
    %dma_start3A_67 = arith.constant 0 : i32
    %dma_start3A_68 = tpu.memref_slice %arg7[%add3A_53, %dma_start3A_67] : memref<20480x64xf32, #tpu.memory_space<hbm>> -> memref<160x64xf32, #tpu.memory_space<hbm>>
    %dma_start3A_69 = arith.constant 0 : i32
    %dma_start3A_70 = arith.constant 0 : i32
    %dma_start3A_71 = tpu.memref_slice %arg12[%dma_start3A_69, %dma_start3A_70] : memref<200x64xf32, #tpu.memory_space<vmem>> -> memref<160x64xf32, #tpu.memory_space<vmem>>
    %dma_start3A_72 = arith.constant 0 : i32
    %dma_start3A_73 = tpu.memref_slice %arg7[%add3A_53, %dma_start3A_72] : memref<20480x64xf32, #tpu.memory_space<hbm>> -> memref<160x64xf32, #tpu.memory_space<hbm>>
    tpu.enqueue_dma source(%dma_start3A_73 : memref<160x64xf32, #tpu.memory_space<hbm>>) target(%dma_start3A_71 : memref<160x64xf32, #tpu.memory_space<vmem>>) target_semaphore(%arg17 : memref<!tpu.dma_semaphore, #tpu.memory_space<semaphore_mem>>)
    %dma_start3A_74 = arith.constant 0 : i32
    %dma_start3A_75 = arith.constant 0 : i32
    %dma_start3A_76 = tpu.memref_slice %arg13[%dma_start3A_74, %dma_start3A_75] : memref<200x64xf32, #tpu.memory_space<vmem>> -> memref<160x64xf32, #tpu.memory_space<vmem>>
    %dma_start3A_77 = arith.constant 0 : i32
    %dma_start3A_78 = tpu.memref_slice %arg4[%add3A_51, %dma_start3A_77] : memref<10240x64xf32, #tpu.memory_space<hbm>> -> memref<160x64xf32, #tpu.memory_space<hbm>>
    %dma_start3A_79 = arith.constant 0 : i32
    %dma_start3A_80 = arith.constant 0 : i32
    %dma_start3A_81 = tpu.memref_slice %arg13[%dma_start3A_79, %dma_start3A_80] : memref<200x64xf32, #tpu.memory_space<vmem>> -> memref<160x64xf32, #tpu.memory_space<vmem>>
    %dma_start3A_82 = arith.constant 0 : i32
    %dma_start3A_83 = tpu.memref_slice %arg4[%add3A_51, %dma_start3A_82] : memref<10240x64xf32, #tpu.memory_space<hbm>> -> memref<160x64xf32, #tpu.memory_space<hbm>>
    tpu.enqueue_dma source(%dma_start3A_83 : memref<160x64xf32, #tpu.memory_space<hbm>>) target(%dma_start3A_81 : memref<160x64xf32, #tpu.memory_space<vmem>>) target_semaphore(%arg18 : memref<!tpu.dma_semaphore, #tpu.memory_space<semaphore_mem>>)
    %dma_wait3A_84 = arith.constant 0 : i32
    %dma_wait3A_85 = arith.constant 0 : i32
    %dma_wait3A_86 = tpu.memref_slice %arg11[%dma_wait3A_84, %dma_wait3A_85] : memref<200x64xf32, #tpu.memory_space<vmem>> -> memref<160x64xf32, #tpu.memory_space<vmem>>
    %dma_wait3A_87 = arith.constant 0 : i32
    %dma_wait3A_88 = tpu.memref_slice %arg7[%add3A_51, %dma_wait3A_87] : memref<20480x64xf32, #tpu.memory_space<hbm>> -> memref<160x64xf32, #tpu.memory_space<hbm>>
    %dma_wait3A_89 = arith.constant 0 : i32
    %dma_wait3A_90 = arith.constant 0 : i32
    %dma_wait3A_91 = tpu.memref_slice %arg11[%dma_wait3A_89, %dma_wait3A_90] : memref<200x64xf32, #tpu.memory_space<vmem>> -> memref<160x64xf32, #tpu.memory_space<vmem>>
    %dma_wait3A_92 = arith.constant 0 : i32
    %dma_wait3A_93 = tpu.memref_slice %arg7[%add3A_51, %dma_wait3A_92] : memref<20480x64xf32, #tpu.memory_space<hbm>> -> memref<160x64xf32, #tpu.memory_space<hbm>>
    tpu.wait_dma2 semaphore(%arg16 : memref<!tpu.dma_semaphore, #tpu.memory_space<semaphore_mem>>) src(%dma_wait3A_93 : memref<160x64xf32, #tpu.memory_space<hbm>>) dst(%dma_wait3A_91 : memref<160x64xf32, #tpu.memory_space<vmem>>)
    %dma_wait3A_94 = arith.constant 0 : i32
    %dma_wait3A_95 = arith.constant 0 : i32
    %dma_wait3A_96 = tpu.memref_slice %arg12[%dma_wait3A_94, %dma_wait3A_95] : memref<200x64xf32, #tpu.memory_space<vmem>> -> memref<160x64xf32, #tpu.memory_space<vmem>>
    %dma_wait3A_97 = arith.constant 0 : i32
    %dma_wait3A_98 = tpu.memref_slice %arg7[%add3A_53, %dma_wait3A_97] : memref<20480x64xf32, #tpu.memory_space<hbm>> -> memref<160x64xf32, #tpu.memory_space<hbm>>
    %dma_wait3A_99 = arith.constant 0 : i32
    %dma_wait3A_100 = arith.constant 0 : i32
    %dma_wait3A_101 = tpu.memref_slice %arg12[%dma_wait3A_99, %dma_wait3A_100] : memref<200x64xf32, #tpu.memory_space<vmem>> -> memref<160x64xf32, #tpu.memory_space<vmem>>
    %dma_wait3A_102 = arith.constant 0 : i32
    %dma_wait3A_103 = tpu.memref_slice %arg7[%add3A_53, %dma_wait3A_102] : memref<20480x64xf32, #tpu.memory_space<hbm>> -> memref<160x64xf32, #tpu.memory_space<hbm>>
    tpu.wait_dma2 semaphore(%arg17 : memref<!tpu.dma_semaphore, #tpu.memory_space<semaphore_mem>>) src(%dma_wait3A_103 : memref<160x64xf32, #tpu.memory_space<hbm>>) dst(%dma_wait3A_101 : memref<160x64xf32, #tpu.memory_space<vmem>>)
    %dma_wait3A_104 = arith.constant 0 : i32
    %dma_wait3A_105 = arith.constant 0 : i32
    %dma_wait3A_106 = tpu.memref_slice %arg13[%dma_wait3A_104, %dma_wait3A_105] : memref<200x64xf32, #tpu.memory_space<vmem>> -> memref<160x64xf32, #tpu.memory_space<vmem>>
    %dma_wait3A_107 = arith.constant 0 : i32
    %dma_wait3A_108 = tpu.memref_slice %arg4[%add3A_51, %dma_wait3A_107] : memref<10240x64xf32, #tpu.memory_space<hbm>> -> memref<160x64xf32, #tpu.memory_space<hbm>>
    %dma_wait3A_109 = arith.constant 0 : i32
    %dma_wait3A_110 = arith.constant 0 : i32
    %dma_wait3A_111 = tpu.memref_slice %arg13[%dma_wait3A_109, %dma_wait3A_110] : memref<200x64xf32, #tpu.memory_space<vmem>> -> memref<160x64xf32, #tpu.memory_space<vmem>>
    %dma_wait3A_112 = arith.constant 0 : i32
    %dma_wait3A_113 = tpu.memref_slice %arg4[%add3A_51, %dma_wait3A_112] : memref<10240x64xf32, #tpu.memory_space<hbm>> -> memref<160x64xf32, #tpu.memory_space<hbm>>
    tpu.wait_dma2 semaphore(%arg18 : memref<!tpu.dma_semaphore, #tpu.memory_space<semaphore_mem>>) src(%dma_wait3A_113 : memref<160x64xf32, #tpu.memory_space<hbm>>) dst(%dma_wait3A_111 : memref<160x64xf32, #tpu.memory_space<vmem>>)
    %scan3A_114 = arith.constant 0 : i32
    %scan3A_115 = arith.constant 0 : i32
    %scan3A_116 = arith.constant 160 : i32
    %scan3A_117 = arith.addi %scan3A_115, %scan3A_116 : i32
    %scan3A_118 = arith.constant 1 : i32
    scf.for %scan3A_242 = %scan3A_115 to %scan3A_117 step %scan3A_118  : i32 {
      %add3A_243 = arith.constant 0 : i32
      %add3A_244 = arith.addi %add3A_243, %scan3A_242 : i32
      %broadcast_in_dim3A = vector.broadcast %add3A_244 : i32 to vector<16xi32>
      %gather3A = tpu.vector_load_idx %arg26[%broadcast_in_dim3A] : memref<320xf32, #tpu.memory_space<vmem>>[vector<16xi32>], vector<16xf32>,
      %mul3A_245 = arith.mulf %gather3A, %gather3A : vector<16xf32>
      %get3A = arith.index_cast %scan3A_242 : i32 to index
      %get3A_246 = arith.constant 0 : index
      %get3A_247 = tpu.vector_load %arg11[%get3A, %get3A_246] {strides = array<i32>} : memref<200x64xf32, #tpu.memory_space<vmem>>, vector<16xf32>,
      %get3A_248 = arith.index_cast %scan3A_242 : i32 to index
      %get3A_249 = arith.constant 0 : index
      %get3A_250 = tpu.vector_load %arg12[%get3A_248, %get3A_249] {strides = array<i32>} : memref<200x64xf32, #tpu.memory_space<vmem>>, vector<16xf32>,
      %add3A_251 = arith.addf %get3A_247, %get3A_250 : vector<16xf32>
      %get3A_252 = arith.index_cast %scan3A_242 : i32 to index
      %get3A_253 = arith.constant 0 : index
      %get3A_254 = tpu.vector_load %arg13[%get3A_252, %get3A_253] {strides = array<i32>} : memref<200x64xf32, #tpu.memory_space<vmem>>, vector<16xf32>,
      %add3A_255 = arith.addf %add3A_251, %get3A_254 : vector<16xf32>
      %mul3A_256 = arith.mulf %mul3A_245, %add3A_255 : vector<16xf32>
      %swap3A = arith.index_cast %scan3A_242 : i32 to index
      %swap3A_257 = arith.constant 0 : index
      %swap3A_258 = tpu.vector_load %arg14[%swap3A, %swap3A_257] {strides = array<i32>} : memref<200x64xf32, #tpu.memory_space<vmem>>, vector<16xf32>,
      tpu.vector_store %arg14[%swap3A, %swap3A_257], %mul3A_256 {strides = array<i32>} : memref<200x64xf32, #tpu.memory_space<vmem>>, vector<16xf32>,
      %get3A_259 = arith.index_cast %scan3A_242 : i32 to index
      %get3A_260 = arith.constant 16 : index
      %get3A_261 = tpu.vector_load %arg11[%get3A_259, %get3A_260] {strides = array<i32>} : memref<200x64xf32, #tpu.memory_space<vmem>>, vector<16xf32>,
      %get3A_262 = arith.index_cast %scan3A_242 : i32 to index
      %get3A_263 = arith.constant 16 : index
      %get3A_264 = tpu.vector_load %arg12[%get3A_262, %get3A_263] {strides = array<i32>} : memref<200x64xf32, #tpu.memory_space<vmem>>, vector<16xf32>,
      %add3A_265 = arith.addf %get3A_261, %get3A_264 : vector<16xf32>
      %get3A_266 = arith.index_cast %scan3A_242 : i32 to index
      %get3A_267 = arith.constant 16 : index
      %get3A_268 = tpu.vector_load %arg13[%get3A_266, %get3A_267] {strides = array<i32>} : memref<200x64xf32, #tpu.memory_space<vmem>>, vector<16xf32>,
      %add3A_269 = arith.addf %add3A_265, %get3A_268 : vector<16xf32>
      %mul3A_270 = arith.mulf %mul3A_245, %add3A_269 : vector<16xf32>
      %swap3A_271 = arith.index_cast %scan3A_242 : i32 to index
      %swap3A_272 = arith.constant 16 : index
      %swap3A_273 = tpu.vector_load %arg14[%swap3A_271, %swap3A_272] {strides = array<i32>} : memref<200x64xf32, #tpu.memory_space<vmem>>, vector<16xf32>,
      tpu.vector_store %arg14[%swap3A_271, %swap3A_272], %mul3A_270 {strides = array<i32>} : memref<200x64xf32, #tpu.memory_space<vmem>>, vector<16xf32>,
      %get3A_274 = arith.index_cast %scan3A_242 : i32 to index
      %get3A_275 = arith.constant 32 : index
      %get3A_276 = tpu.vector_load %arg11[%get3A_274, %get3A_275] {strides = array<i32>} : memref<200x64xf32, #tpu.memory_space<vmem>>, vector<16xf32>,
      %get3A_277 = arith.index_cast %scan3A_242 : i32 to index
      %get3A_278 = arith.constant 32 : index
      %get3A_279 = tpu.vector_load %arg12[%get3A_277, %get3A_278] {strides = array<i32>} : memref<200x64xf32, #tpu.memory_space<vmem>>, vector<16xf32>,
      %add3A_280 = arith.addf %get3A_276, %get3A_279 : vector<16xf32>
      %get3A_281 = arith.index_cast %scan3A_242 : i32 to index
      %get3A_282 = arith.constant 32 : index
      %get3A_283 = tpu.vector_load %arg13[%get3A_281, %get3A_282] {strides = array<i32>} : memref<200x64xf32, #tpu.memory_space<vmem>>, vector<16xf32>,
      %add3A_284 = arith.addf %add3A_280, %get3A_283 : vector<16xf32>
      %mul3A_285 = arith.mulf %mul3A_245, %add3A_284 : vector<16xf32>
      %swap3A_286 = arith.index_cast %scan3A_242 : i32 to index
      %swap3A_287 = arith.constant 32 : index
      %swap3A_288 = tpu.vector_load %arg14[%swap3A_286, %swap3A_287] {strides = array<i32>} : memref<200x64xf32, #tpu.memory_space<vmem>>, vector<16xf32>,
      tpu.vector_store %arg14[%swap3A_286, %swap3A_287], %mul3A_285 {strides = array<i32>} : memref<200x64xf32, #tpu.memory_space<vmem>>, vector<16xf32>,
      %get3A_289 = arith.index_cast %scan3A_242 : i32 to index
      %get3A_290 = arith.constant 48 : index
      %get3A_291 = tpu.vector_load %arg11[%get3A_289, %get3A_290] {strides = array<i32>} : memref<200x64xf32, #tpu.memory_space<vmem>>, vector<16xf32>,
      %get3A_292 = arith.index_cast %scan3A_242 : i32 to index
      %get3A_293 = arith.constant 48 : index
      %get3A_294 = tpu.vector_load %arg12[%get3A_292, %get3A_293] {strides = array<i32>} : memref<200x64xf32, #tpu.memory_space<vmem>>, vector<16xf32>,
      %add3A_295 = arith.addf %get3A_291, %get3A_294 : vector<16xf32>
      %get3A_296 = arith.index_cast %scan3A_242 : i32 to index
      %get3A_297 = arith.constant 48 : index
      %get3A_298 = tpu.vector_load %arg13[%get3A_296, %get3A_297] {strides = array<i32>} : memref<200x64xf32, #tpu.memory_space<vmem>>, vector<16xf32>,
      %add3A_299 = arith.addf %add3A_295, %get3A_298 : vector<16xf32>
      %mul3A_300 = arith.mulf %mul3A_245, %add3A_299 : vector<16xf32>
      %swap3A_301 = arith.index_cast %scan3A_242 : i32 to index
      %swap3A_302 = arith.constant 48 : index
      %swap3A_303 = tpu.vector_load %arg14[%swap3A_301, %swap3A_302] {strides = array<i32>} : memref<200x64xf32, #tpu.memory_space<vmem>>, vector<16xf32>,
      tpu.vector_store %arg14[%swap3A_301, %swap3A_302], %mul3A_300 {strides = array<i32>} : memref<200x64xf32, #tpu.memory_space<vmem>>, vector<16xf32>,
    }
    %scan3A_119 = arith.constant 160 : i32
    "tpu.region"() ({
      %run_scoped3A = tpu.sem_alloc : memref<!tpu.dma_semaphore, #tpu.memory_space<semaphore_mem>>
      %dma_start3A_242 = arith.constant 0 : i32
      %dma_start3A_243 = arith.constant 0 : i32
      %dma_start3A_244 = tpu.memref_slice %arg14[%dma_start3A_242, %dma_start3A_243] : memref<200x64xf32, #tpu.memory_space<vmem>> -> memref<160x64xf32, #tpu.memory_space<vmem>>
      %dma_start3A_245 = arith.constant 0 : i32
      %dma_start3A_246 = tpu.memref_slice %arg8[%add3A_51, %dma_start3A_245] : memref<10240x64xf32, #tpu.memory_space<hbm>> -> memref<160x64xf32, #tpu.memory_space<hbm>>
      %dma_start3A_247 = arith.constant 0 : i32
      %dma_start3A_248 = tpu.memref_slice %arg8[%add3A_51, %dma_start3A_247] : memref<10240x64xf32, #tpu.memory_space<hbm>> -> memref<160x64xf32, #tpu.memory_space<hbm>>
      %dma_start3A_249 = arith.constant 0 : i32
      %dma_start3A_250 = arith.constant 0 : i32
      %dma_start3A_251 = tpu.memref_slice %arg14[%dma_start3A_249, %dma_start3A_250] : memref<200x64xf32, #tpu.memory_space<vmem>> -> memref<160x64xf32, #tpu.memory_space<vmem>>
      tpu.enqueue_dma source(%dma_start3A_251 : memref<160x64xf32, #tpu.memory_space<vmem>>) target(%dma_start3A_248 : memref<160x64xf32, #tpu.memory_space<hbm>>) target_semaphore(%run_scoped3A : memref<!tpu.dma_semaphore, #tpu.memory_space<semaphore_mem>>)
      %dma_wait3A_252 = arith.constant 0 : i32
      %dma_wait3A_253 = arith.constant 0 : i32
      %dma_wait3A_254 = tpu.memref_slice %arg14[%dma_wait3A_252, %dma_wait3A_253] : memref<200x64xf32, #tpu.memory_space<vmem>> -> memref<160x64xf32, #tpu.memory_space<vmem>>
      %dma_wait3A_255 = arith.constant 0 : i32
      %dma_wait3A_256 = tpu.memref_slice %arg8[%add3A_51, %dma_wait3A_255] : memref<10240x64xf32, #tpu.memory_space<hbm>> -> memref<160x64xf32, #tpu.memory_space<hbm>>
      %dma_wait3A_257 = arith.constant 0 : i32
      %dma_wait3A_258 = tpu.memref_slice %arg8[%add3A_51, %dma_wait3A_257] : memref<10240x64xf32, #tpu.memory_space<hbm>> -> memref<160x64xf32, #tpu.memory_space<hbm>>
      %dma_wait3A_259 = arith.constant 0 : i32
      %dma_wait3A_260 = arith.constant 0 : i32
      %dma_wait3A_261 = tpu.memref_slice %arg14[%dma_wait3A_259, %dma_wait3A_260] : memref<200x64xf32, #tpu.memory_space<vmem>> -> memref<160x64xf32, #tpu.memory_space<vmem>>
      tpu.wait_dma2 semaphore(%run_scoped3A : memref<!tpu.dma_semaphore, #tpu.memory_space<semaphore_mem>>) src(%dma_wait3A_261 : memref<160x64xf32, #tpu.memory_space<vmem>>) dst(%dma_wait3A_258 : memref<160x64xf32, #tpu.memory_space<hbm>>)
      tpu.yield
    }) : () -> ()
    %add3A_120 = arith.constant 160 : i32
    %add3A_121 = arith.addi %mul3A_4, %add3A_120 : i32
    %add3A_122 = arith.constant 10240 : i32
    %add3A_123 = arith.addi %add3A_122, %add3A_121 : i32
    %dma_start3A_124 = arith.constant 0 : i32
    %dma_start3A_125 = arith.constant 0 : i32
    %dma_start3A_126 = tpu.memref_slice %arg11[%dma_start3A_124, %dma_start3A_125] : memref<200x64xf32, #tpu.memory_space<vmem>> -> memref<160x64xf32, #tpu.memory_space<vmem>>
    %dma_start3A_127 = arith.constant 0 : i32
    %dma_start3A_128 = tpu.memref_slice %arg7[%add3A_121, %dma_start3A_127] : memref<20480x64xf32, #tpu.memory_space<hbm>> -> memref<160x64xf32, #tpu.memory_space<hbm>>
    %dma_start3A_129 = arith.constant 0 : i32
    %dma_start3A_130 = arith.constant 0 : i32
    %dma_start3A_131 = tpu.memref_slice %arg11[%dma_start3A_129, %dma_start3A_130] : memref<200x64xf32, #tpu.memory_space<vmem>> -> memref<160x64xf32, #tpu.memory_space<vmem>>
    %dma_start3A_132 = arith.constant 0 : i32
    %dma_start3A_133 = tpu.memref_slice %arg7[%add3A_121, %dma_start3A_132] : memref<20480x64xf32, #tpu.memory_space<hbm>> -> memref<160x64xf32, #tpu.memory_space<hbm>>
    tpu.enqueue_dma source(%dma_start3A_133 : memref<160x64xf32, #tpu.memory_space<hbm>>) target(%dma_start3A_131 : memref<160x64xf32, #tpu.memory_space<vmem>>) target_semaphore(%arg16 : memref<!tpu.dma_semaphore, #tpu.memory_space<semaphore_mem>>)
    %dma_start3A_134 = arith.constant 0 : i32
    %dma_start3A_135 = arith.constant 0 : i32
    %dma_start3A_136 = tpu.memref_slice %arg12[%dma_start3A_134, %dma_start3A_135] : memref<200x64xf32, #tpu.memory_space<vmem>> -> memref<160x64xf32, #tpu.memory_space<vmem>>
    %dma_start3A_137 = arith.constant 0 : i32
    %dma_start3A_138 = tpu.memref_slice %arg7[%add3A_123, %dma_start3A_137] : memref<20480x64xf32, #tpu.memory_space<hbm>> -> memref<160x64xf32, #tpu.memory_space<hbm>>
    %dma_start3A_139 = arith.constant 0 : i32
    %dma_start3A_140 = arith.constant 0 : i32
    %dma_start3A_141 = tpu.memref_slice %arg12[%dma_start3A_139, %dma_start3A_140] : memref<200x64xf32, #tpu.memory_space<vmem>> -> memref<160x64xf32, #tpu.memory_space<vmem>>
    %dma_start3A_142 = arith.constant 0 : i32
    %dma_start3A_143 = tpu.memref_slice %arg7[%add3A_123, %dma_start3A_142] : memref<20480x64xf32, #tpu.memory_space<hbm>> -> memref<160x64xf32, #tpu.memory_space<hbm>>
    tpu.enqueue_dma source(%dma_start3A_143 : memref<160x64xf32, #tpu.memory_space<hbm>>) target(%dma_start3A_141 : memref<160x64xf32, #tpu.memory_space<vmem>>) target_semaphore(%arg17 : memref<!tpu.dma_semaphore, #tpu.memory_space<semaphore_mem>>)
    %dma_start3A_144 = arith.constant 0 : i32
    %dma_start3A_145 = arith.constant 0 : i32
    %dma_start3A_146 = tpu.memref_slice %arg13[%dma_start3A_144, %dma_start3A_145] : memref<200x64xf32, #tpu.memory_space<vmem>> -> memref<160x64xf32, #tpu.memory_space<vmem>>
    %dma_start3A_147 = arith.constant 0 : i32
    %dma_start3A_148 = tpu.memref_slice %arg4[%add3A_121, %dma_start3A_147] : memref<10240x64xf32, #tpu.memory_space<hbm>> -> memref<160x64xf32, #tpu.memory_space<hbm>>
    %dma_start3A_149 = arith.constant 0 : i32
    %dma_start3A_150 = arith.constant 0 : i32
    %dma_start3A_151 = tpu.memref_slice %arg13[%dma_start3A_149, %dma_start3A_150] : memref<200x64xf32, #tpu.memory_space<vmem>> -> memref<160x64xf32, #tpu.memory_space<vmem>>
    %dma_start3A_152 = arith.constant 0 : i32
    %dma_start3A_153 = tpu.memref_slice %arg4[%add3A_121, %dma_start3A_152] : memref<10240x64xf32, #tpu.memory_space<hbm>> -> memref<160x64xf32, #tpu.memory_space<hbm>>
    tpu.enqueue_dma source(%dma_start3A_153 : memref<160x64xf32, #tpu.memory_space<hbm>>) target(%dma_start3A_151 : memref<160x64xf32, #tpu.memory_space<vmem>>) target_semaphore(%arg18 : memref<!tpu.dma_semaphore, #tpu.memory_space<semaphore_mem>>)
    %dma_wait3A_154 = arith.constant 0 : i32
    %dma_wait3A_155 = arith.constant 0 : i32
    %dma_wait3A_156 = tpu.memref_slice %arg11[%dma_wait3A_154, %dma_wait3A_155] : memref<200x64xf32, #tpu.memory_space<vmem>> -> memref<160x64xf32, #tpu.memory_space<vmem>>
    %dma_wait3A_157 = arith.constant 0 : i32
    %dma_wait3A_158 = tpu.memref_slice %arg7[%add3A_121, %dma_wait3A_157] : memref<20480x64xf32, #tpu.memory_space<hbm>> -> memref<160x64xf32, #tpu.memory_space<hbm>>
    %dma_wait3A_159 = arith.constant 0 : i32
    %dma_wait3A_160 = arith.constant 0 : i32
    %dma_wait3A_161 = tpu.memref_slice %arg11[%dma_wait3A_159, %dma_wait3A_160] : memref<200x64xf32, #tpu.memory_space<vmem>> -> memref<160x64xf32, #tpu.memory_space<vmem>>
    %dma_wait3A_162 = arith.constant 0 : i32
    %dma_wait3A_163 = tpu.memref_slice %arg7[%add3A_121, %dma_wait3A_162] : memref<20480x64xf32, #tpu.memory_space<hbm>> -> memref<160x64xf32, #tpu.memory_space<hbm>>
    tpu.wait_dma2 semaphore(%arg16 : memref<!tpu.dma_semaphore, #tpu.memory_space<semaphore_mem>>) src(%dma_wait3A_163 : memref<160x64xf32, #tpu.memory_space<hbm>>) dst(%dma_wait3A_161 : memref<160x64xf32, #tpu.memory_space<vmem>>)
    %dma_wait3A_164 = arith.constant 0 : i32
    %dma_wait3A_165 = arith.constant 0 : i32
    %dma_wait3A_166 = tpu.memref_slice %arg12[%dma_wait3A_164, %dma_wait3A_165] : memref<200x64xf32, #tpu.memory_space<vmem>> -> memref<160x64xf32, #tpu.memory_space<vmem>>
    %dma_wait3A_167 = arith.constant 0 : i32
    %dma_wait3A_168 = tpu.memref_slice %arg7[%add3A_123, %dma_wait3A_167] : memref<20480x64xf32, #tpu.memory_space<hbm>> -> memref<160x64xf32, #tpu.memory_space<hbm>>
    %dma_wait3A_169 = arith.constant 0 : i32
    %dma_wait3A_170 = arith.constant 0 : i32
    %dma_wait3A_171 = tpu.memref_slice %arg12[%dma_wait3A_169, %dma_wait3A_170] : memref<200x64xf32, #tpu.memory_space<vmem>> -> memref<160x64xf32, #tpu.memory_space<vmem>>
    %dma_wait3A_172 = arith.constant 0 : i32
    %dma_wait3A_173 = tpu.memref_slice %arg7[%add3A_123, %dma_wait3A_172] : memref<20480x64xf32, #tpu.memory_space<hbm>> -> memref<160x64xf32, #tpu.memory_space<hbm>>
    tpu.wait_dma2 semaphore(%arg17 : memref<!tpu.dma_semaphore, #tpu.memory_space<semaphore_mem>>) src(%dma_wait3A_173 : memref<160x64xf32, #tpu.memory_space<hbm>>) dst(%dma_wait3A_171 : memref<160x64xf32, #tpu.memory_space<vmem>>)
    %dma_wait3A_174 = arith.constant 0 : i32
    %dma_wait3A_175 = arith.constant 0 : i32
    %dma_wait3A_176 = tpu.memref_slice %arg13[%dma_wait3A_174, %dma_wait3A_175] : memref<200x64xf32, #tpu.memory_space<vmem>> -> memref<160x64xf32, #tpu.memory_space<vmem>>
    %dma_wait3A_177 = arith.constant 0 : i32
    %dma_wait3A_178 = tpu.memref_slice %arg4[%add3A_121, %dma_wait3A_177] : memref<10240x64xf32, #tpu.memory_space<hbm>> -> memref<160x64xf32, #tpu.memory_space<hbm>>
    %dma_wait3A_179 = arith.constant 0 : i32
    %dma_wait3A_180 = arith.constant 0 : i32
    %dma_wait3A_181 = tpu.memref_slice %arg13[%dma_wait3A_179, %dma_wait3A_180] : memref<200x64xf32, #tpu.memory_space<vmem>> -> memref<160x64xf32, #tpu.memory_space<vmem>>
    %dma_wait3A_182 = arith.constant 0 : i32
    %dma_wait3A_183 = tpu.memref_slice %arg4[%add3A_121, %dma_wait3A_182] : memref<10240x64xf32, #tpu.memory_space<hbm>> -> memref<160x64xf32, #tpu.memory_space<hbm>>
    tpu.wait_dma2 semaphore(%arg18 : memref<!tpu.dma_semaphore, #tpu.memory_space<semaphore_mem>>) src(%dma_wait3A_183 : memref<160x64xf32, #tpu.memory_space<hbm>>) dst(%dma_wait3A_181 : memref<160x64xf32, #tpu.memory_space<vmem>>)
    %scan3A_184 = arith.constant 0 : i32
    %scan3A_185 = arith.constant 0 : i32
    %scan3A_186 = arith.constant 160 : i32
    %scan3A_187 = arith.addi %scan3A_185, %scan3A_186 : i32
    %scan3A_188 = arith.constant 1 : i32
    scf.for %scan3A_242 = %scan3A_185 to %scan3A_187 step %scan3A_188  : i32 {
      %add3A_243 = arith.constant 160 : i32
      %add3A_244 = arith.addi %add3A_243, %scan3A_242 : i32
      %broadcast_in_dim3A = vector.broadcast %add3A_244 : i32 to vector<16xi32>
      %gather3A = tpu.vector_load_idx %arg26[%broadcast_in_dim3A] : memref<320xf32, #tpu.memory_space<vmem>>[vector<16xi32>], vector<16xf32>,
      %mul3A_245 = arith.mulf %gather3A, %gather3A : vector<16xf32>
      %get3A = arith.index_cast %scan3A_242 : i32 to index
      %get3A_246 = arith.constant 0 : index
      %get3A_247 = tpu.vector_load %arg11[%get3A, %get3A_246] {strides = array<i32>} : memref<200x64xf32, #tpu.memory_space<vmem>>, vector<16xf32>,
      %get3A_248 = arith.index_cast %scan3A_242 : i32 to index
      %get3A_249 = arith.constant 0 : index
      %get3A_250 = tpu.vector_load %arg12[%get3A_248, %get3A_249] {strides = array<i32>} : memref<200x64xf32, #tpu.memory_space<vmem>>, vector<16xf32>,
      %add3A_251 = arith.addf %get3A_247, %get3A_250 : vector<16xf32>
      %get3A_252 = arith.index_cast %scan3A_242 : i32 to index
      %get3A_253 = arith.constant 0 : index
      %get3A_254 = tpu.vector_load %arg13[%get3A_252, %get3A_253] {strides = array<i32>} : memref<200x64xf32, #tpu.memory_space<vmem>>, vector<16xf32>,
      %add3A_255 = arith.addf %add3A_251, %get3A_254 : vector<16xf32>
      %mul3A_256 = arith.mulf %mul3A_245, %add3A_255 : vector<16xf32>
      %swap3A = arith.index_cast %scan3A_242 : i32 to index
      %swap3A_257 = arith.constant 0 : index
      %swap3A_258 = tpu.vector_load %arg14[%swap3A, %swap3A_257] {strides = array<i32>} : memref<200x64xf32, #tpu.memory_space<vmem>>, vector<16xf32>,
      tpu.vector_store %arg14[%swap3A, %swap3A_257], %mul3A_256 {strides = array<i32>} : memref<200x64xf32, #tpu.memory_space<vmem>>, vector<16xf32>,
      %get3A_259 = arith.index_cast %scan3A_242 : i32 to index
      %get3A_260 = arith.constant 16 : index
      %get3A_261 = tpu.vector_load %arg11[%get3A_259, %get3A_260] {strides = array<i32>} : memref<200x64xf32, #tpu.memory_space<vmem>>, vector<16xf32>,
      %get3A_262 = arith.index_cast %scan3A_242 : i32 to index
      %get3A_263 = arith.constant 16 : index
      %get3A_264 = tpu.vector_load %arg12[%get3A_262, %get3A_263] {strides = array<i32>} : memref<200x64xf32, #tpu.memory_space<vmem>>, vector<16xf32>,
      %add3A_265 = arith.addf %get3A_261, %get3A_264 : vector<16xf32>
      %get3A_266 = arith.index_cast %scan3A_242 : i32 to index
      %get3A_267 = arith.constant 16 : index
      %get3A_268 = tpu.vector_load %arg13[%get3A_266, %get3A_267] {strides = array<i32>} : memref<200x64xf32, #tpu.memory_space<vmem>>, vector<16xf32>,
      %add3A_269 = arith.addf %add3A_265, %get3A_268 : vector<16xf32>
      %mul3A_270 = arith.mulf %mul3A_245, %add3A_269 : vector<16xf32>
      %swap3A_271 = arith.index_cast %scan3A_242 : i32 to index
      %swap3A_272 = arith.constant 16 : index
      %swap3A_273 = tpu.vector_load %arg14[%swap3A_271, %swap3A_272] {strides = array<i32>} : memref<200x64xf32, #tpu.memory_space<vmem>>, vector<16xf32>,
      tpu.vector_store %arg14[%swap3A_271, %swap3A_272], %mul3A_270 {strides = array<i32>} : memref<200x64xf32, #tpu.memory_space<vmem>>, vector<16xf32>,
      %get3A_274 = arith.index_cast %scan3A_242 : i32 to index
      %get3A_275 = arith.constant 32 : index
      %get3A_276 = tpu.vector_load %arg11[%get3A_274, %get3A_275] {strides = array<i32>} : memref<200x64xf32, #tpu.memory_space<vmem>>, vector<16xf32>,
      %get3A_277 = arith.index_cast %scan3A_242 : i32 to index
      %get3A_278 = arith.constant 32 : index
      %get3A_279 = tpu.vector_load %arg12[%get3A_277, %get3A_278] {strides = array<i32>} : memref<200x64xf32, #tpu.memory_space<vmem>>, vector<16xf32>,
      %add3A_280 = arith.addf %get3A_276, %get3A_279 : vector<16xf32>
      %get3A_281 = arith.index_cast %scan3A_242 : i32 to index
      %get3A_282 = arith.constant 32 : index
      %get3A_283 = tpu.vector_load %arg13[%get3A_281, %get3A_282] {strides = array<i32>} : memref<200x64xf32, #tpu.memory_space<vmem>>, vector<16xf32>,
      %add3A_284 = arith.addf %add3A_280, %get3A_283 : vector<16xf32>
      %mul3A_285 = arith.mulf %mul3A_245, %add3A_284 : vector<16xf32>
      %swap3A_286 = arith.index_cast %scan3A_242 : i32 to index
      %swap3A_287 = arith.constant 32 : index
      %swap3A_288 = tpu.vector_load %arg14[%swap3A_286, %swap3A_287] {strides = array<i32>} : memref<200x64xf32, #tpu.memory_space<vmem>>, vector<16xf32>,
      tpu.vector_store %arg14[%swap3A_286, %swap3A_287], %mul3A_285 {strides = array<i32>} : memref<200x64xf32, #tpu.memory_space<vmem>>, vector<16xf32>,
      %get3A_289 = arith.index_cast %scan3A_242 : i32 to index
      %get3A_290 = arith.constant 48 : index
      %get3A_291 = tpu.vector_load %arg11[%get3A_289, %get3A_290] {strides = array<i32>} : memref<200x64xf32, #tpu.memory_space<vmem>>, vector<16xf32>,
      %get3A_292 = arith.index_cast %scan3A_242 : i32 to index
      %get3A_293 = arith.constant 48 : index
      %get3A_294 = tpu.vector_load %arg12[%get3A_292, %get3A_293] {strides = array<i32>} : memref<200x64xf32, #tpu.memory_space<vmem>>, vector<16xf32>,
      %add3A_295 = arith.addf %get3A_291, %get3A_294 : vector<16xf32>
      %get3A_296 = arith.index_cast %scan3A_242 : i32 to index
      %get3A_297 = arith.constant 48 : index
      %get3A_298 = tpu.vector_load %arg13[%get3A_296, %get3A_297] {strides = array<i32>} : memref<200x64xf32, #tpu.memory_space<vmem>>, vector<16xf32>,
      %add3A_299 = arith.addf %add3A_295, %get3A_298 : vector<16xf32>
      %mul3A_300 = arith.mulf %mul3A_245, %add3A_299 : vector<16xf32>
      %swap3A_301 = arith.index_cast %scan3A_242 : i32 to index
      %swap3A_302 = arith.constant 48 : index
      %swap3A_303 = tpu.vector_load %arg14[%swap3A_301, %swap3A_302] {strides = array<i32>} : memref<200x64xf32, #tpu.memory_space<vmem>>, vector<16xf32>,
      tpu.vector_store %arg14[%swap3A_301, %swap3A_302], %mul3A_300 {strides = array<i32>} : memref<200x64xf32, #tpu.memory_space<vmem>>, vector<16xf32>,
    }
    %scan3A_189 = arith.constant 160 : i32
    "tpu.region"() ({
      %run_scoped3A = tpu.sem_alloc : memref<!tpu.dma_semaphore, #tpu.memory_space<semaphore_mem>>
      %dma_start3A_242 = arith.constant 0 : i32
      %dma_start3A_243 = arith.constant 0 : i32
      %dma_start3A_244 = tpu.memref_slice %arg14[%dma_start3A_242, %dma_start3A_243] : memref<200x64xf32, #tpu.memory_space<vmem>> -> memref<160x64xf32, #tpu.memory_space<vmem>>
      %dma_start3A_245 = arith.constant 0 : i32
      %dma_start3A_246 = tpu.memref_slice %arg8[%add3A_121, %dma_start3A_245] : memref<10240x64xf32, #tpu.memory_space<hbm>> -> memref<160x64xf32, #tpu.memory_space<hbm>>
      %dma_start3A_247 = arith.constant 0 : i32
      %dma_start3A_248 = tpu.memref_slice %arg8[%add3A_121, %dma_start3A_247] : memref<10240x64xf32, #tpu.memory_space<hbm>> -> memref<160x64xf32, #tpu.memory_space<hbm>>
      %dma_start3A_249 = arith.constant 0 : i32
      %dma_start3A_250 = arith.constant 0 : i32
      %dma_start3A_251 = tpu.memref_slice %arg14[%dma_start3A_249, %dma_start3A_250] : memref<200x64xf32, #tpu.memory_space<vmem>> -> memref<160x64xf32, #tpu.memory_space<vmem>>
      tpu.enqueue_dma source(%dma_start3A_251 : memref<160x64xf32, #tpu.memory_space<vmem>>) target(%dma_start3A_248 : memref<160x64xf32, #tpu.memory_space<hbm>>) target_semaphore(%run_scoped3A : memref<!tpu.dma_semaphore, #tpu.memory_space<semaphore_mem>>)
      %dma_wait3A_252 = arith.constant 0 : i32
      %dma_wait3A_253 = arith.constant 0 : i32
      %dma_wait3A_254 = tpu.memref_slice %arg14[%dma_wait3A_252, %dma_wait3A_253] : memref<200x64xf32, #tpu.memory_space<vmem>> -> memref<160x64xf32, #tpu.memory_space<vmem>>
      %dma_wait3A_255 = arith.constant 0 : i32
      %dma_wait3A_256 = tpu.memref_slice %arg8[%add3A_121, %dma_wait3A_255] : memref<10240x64xf32, #tpu.memory_space<hbm>> -> memref<160x64xf32, #tpu.memory_space<hbm>>
      %dma_wait3A_257 = arith.constant 0 : i32
      %dma_wait3A_258 = tpu.memref_slice %arg8[%add3A_121, %dma_wait3A_257] : memref<10240x64xf32, #tpu.memory_space<hbm>> -> memref<160x64xf32, #tpu.memory_space<hbm>>
      %dma_wait3A_259 = arith.constant 0 : i32
      %dma_wait3A_260 = arith.constant 0 : i32
      %dma_wait3A_261 = tpu.memref_slice %arg14[%dma_wait3A_259, %dma_wait3A_260] : memref<200x64xf32, #tpu.memory_space<vmem>> -> memref<160x64xf32, #tpu.memory_space<vmem>>
      tpu.wait_dma2 semaphore(%run_scoped3A : memref<!tpu.dma_semaphore, #tpu.memory_space<semaphore_mem>>) src(%dma_wait3A_261 : memref<160x64xf32, #tpu.memory_space<vmem>>) dst(%dma_wait3A_258 : memref<160x64xf32, #tpu.memory_space<hbm>>)
      tpu.yield
    }) : () -> ()
    %barrier3A_190 = arith.constant 0 : index
    tpu.barrier barrier_id(%barrier3A_190)
    %sub3A_191 = arith.constant 1 : i32
    %sub3A_192 = arith.subi %sub3A_191, %arg0 : i32
    %semaphore_signal3A_193 = arith.constant 1 : i32
    tpu.sem_signal %arg27, %semaphore_signal3A_193 core_id %sub3A_192 : memref<!tpu.semaphore, #tpu.memory_space<semaphore_mem>>
    %semaphore_wait3A_194 = arith.constant 1 : i32
    %semaphore_wait3A_195 = arith.constant true
    tpu.sem_wait %arg27, %semaphore_wait3A_194 : memref<!tpu.semaphore, #tpu.memory_space<semaphore_mem>>
    "tpu.region"() ({
      %run_scoped3A = tpu.sem_alloc : memref<!tpu.dma_semaphore, #tpu.memory_space<semaphore_mem>>
      %dma_start3A_242 = arith.constant 0 : i32
      %dma_start3A_243 = tpu.memref_slice %arg28[%mul3A_2, %dma_start3A_242] : memref<10240x64xf32, #tpu.memory_space<vmem_shared>> -> memref<640x64xf32, #tpu.memory_space<vmem_shared>>
      %dma_start3A_244 = arith.constant 0 : i32
      %dma_start3A_245 = tpu.memref_slice %arg6[%mul3A_2, %dma_start3A_244] : memref<10240x64xf32, #tpu.memory_space<hbm>> -> memref<640x64xf32, #tpu.memory_space<hbm>>
      tpu.enqueue_dma source(%dma_start3A_245 : memref<640x64xf32, #tpu.memory_space<hbm>>) target(%dma_start3A_243 : memref<640x64xf32, #tpu.memory_space<vmem_shared>>) target_semaphore(%run_scoped3A : memref<!tpu.dma_semaphore, #tpu.memory_space<semaphore_mem>>)
      %dma_wait3A_246 = arith.constant 0 : i32
      %dma_wait3A_247 = tpu.memref_slice %arg28[%mul3A_2, %dma_wait3A_246] : memref<10240x64xf32, #tpu.memory_space<vmem_shared>> -> memref<640x64xf32, #tpu.memory_space<vmem_shared>>
      %dma_wait3A_248 = arith.constant 0 : i32
      %dma_wait3A_249 = tpu.memref_slice %arg6[%mul3A_2, %dma_wait3A_248] : memref<10240x64xf32, #tpu.memory_space<hbm>> -> memref<640x64xf32, #tpu.memory_space<hbm>>
      tpu.wait_dma2 semaphore(%run_scoped3A : memref<!tpu.dma_semaphore, #tpu.memory_space<semaphore_mem>>) src(%dma_wait3A_249 : memref<640x64xf32, #tpu.memory_space<hbm>>) dst(%dma_wait3A_247 : memref<640x64xf32, #tpu.memory_space<vmem_shared>>)
      tpu.yield
    }) : () -> ()
    %barrier3A_196 = arith.constant 0 : index
    tpu.barrier barrier_id(%barrier3A_196)
    %dma_start3A_197 = arith.constant 0 : i32
    %dma_start3A_198 = arith.constant 0 : i32
    %dma_start3A_199 = tpu.memref_slice %arg9[%dma_start3A_197, %dma_start3A_198] : memref<50x200xi32, #tpu.memory_space<vmem>> -> memref<1x200xi32, #tpu.memory_space<vmem>>
    %dma_start3A_200 = tpu.memref_squeeze %dma_start3A_199 : memref<1x200xi32, #tpu.memory_space<vmem>> -> memref<200xi32, #tpu.memory_space<vmem>>
    %dma_start3A_201 = arith.constant 0 : i32
    %dma_start3A_202 = arith.constant 0 : i32
    %dma_start3A_203 = tpu.memref_slice %arg8[%dma_start3A_201, %dma_start3A_202] : memref<10240x64xf32, #tpu.memory_space<hbm>> -> memref<10240x64xf32, #tpu.memory_space<hbm>>
    tpu.enqueue_indirect_dma source(%dma_start3A_203 : memref<10240x64xf32, #tpu.memory_space<hbm>>) target(%arg11 : memref<200x64xf32, #tpu.memory_space<vmem>>) offsets(%dma_start3A_200 : memref<200xi32, #tpu.memory_space<vmem>>) semaphore(%arg16 : memref<!tpu.dma_semaphore, #tpu.memory_space<semaphore_mem>>)
    %dma_start3A_204 = arith.constant 1 : i32
    %dma_start3A_205 = arith.constant 0 : i32
    %dma_start3A_206 = tpu.memref_slice %arg9[%dma_start3A_204, %dma_start3A_205] : memref<50x200xi32, #tpu.memory_space<vmem>> -> memref<1x200xi32, #tpu.memory_space<vmem>>
    %dma_start3A_207 = tpu.memref_squeeze %dma_start3A_206 : memref<1x200xi32, #tpu.memory_space<vmem>> -> memref<200xi32, #tpu.memory_space<vmem>>
    %dma_start3A_208 = arith.constant 0 : i32
    %dma_start3A_209 = arith.constant 0 : i32
    %dma_start3A_210 = tpu.memref_slice %arg8[%dma_start3A_208, %dma_start3A_209] : memref<10240x64xf32, #tpu.memory_space<hbm>> -> memref<10240x64xf32, #tpu.memory_space<hbm>>
    tpu.enqueue_indirect_dma source(%dma_start3A_210 : memref<10240x64xf32, #tpu.memory_space<hbm>>) target(%arg12 : memref<200x64xf32, #tpu.memory_space<vmem>>) offsets(%dma_start3A_207 : memref<200xi32, #tpu.memory_space<vmem>>) semaphore(%arg17 : memref<!tpu.dma_semaphore, #tpu.memory_space<semaphore_mem>>)
    %dma_start3A_211 = arith.constant 2 : i32
    %dma_start3A_212 = arith.constant 0 : i32
    %dma_start3A_213 = tpu.memref_slice %arg9[%dma_start3A_211, %dma_start3A_212] : memref<50x200xi32, #tpu.memory_space<vmem>> -> memref<1x200xi32, #tpu.memory_space<vmem>>
    %dma_start3A_214 = tpu.memref_squeeze %dma_start3A_213 : memref<1x200xi32, #tpu.memory_space<vmem>> -> memref<200xi32, #tpu.memory_space<vmem>>
    %dma_start3A_215 = arith.constant 0 : i32
    %dma_start3A_216 = arith.constant 0 : i32
    %dma_start3A_217 = tpu.memref_slice %arg8[%dma_start3A_215, %dma_start3A_216] : memref<10240x64xf32, #tpu.memory_space<hbm>> -> memref<10240x64xf32, #tpu.memory_space<hbm>>
    tpu.enqueue_indirect_dma source(%dma_start3A_217 : memref<10240x64xf32, #tpu.memory_space<hbm>>) target(%arg13 : memref<200x64xf32, #tpu.memory_space<vmem>>) offsets(%dma_start3A_214 : memref<200xi32, #tpu.memory_space<vmem>>) semaphore(%arg18 : memref<!tpu.dma_semaphore, #tpu.memory_space<semaphore_mem>>)
    %scan3A_218 = arith.constant 0 : i32
    %scan3A_219 = arith.constant 0 : i32
    %scan3A_220 = arith.constant 10 : i32
    %scan3A_221 = arith.addi %scan3A_219, %scan3A_220 : i32
    %scan3A_222 = arith.constant 1 : i32
    scf.for %scan3A_242 = %scan3A_219 to %scan3A_221 step %scan3A_222  : i32 {
      %mul3A_243 = arith.constant 5 : i32
      %mul3A_244 = arith.muli %mul3A_243, %scan3A_242 : i32
      %add3A_245 = arith.constant 0 : i32
      %add3A_246 = arith.addi %mul3A_244, %add3A_245 : i32
      %dma_wait3A_247 = arith.constant 0 : i32
      %dma_wait3A_248 = tpu.memref_slice %arg9[%add3A_246, %dma_wait3A_247] : memref<50x200xi32, #tpu.memory_space<vmem>> -> memref<1x200xi32, #tpu.memory_space<vmem>>
      %dma_wait3A_249 = tpu.memref_squeeze %dma_wait3A_248 : memref<1x200xi32, #tpu.memory_space<vmem>> -> memref<200xi32, #tpu.memory_space<vmem>>
      %dma_wait3A_250 = arith.constant 0 : i32
      %dma_wait3A_251 = arith.constant 0 : i32
      %dma_wait3A_252 = tpu.memref_slice %arg8[%dma_wait3A_250, %dma_wait3A_251] : memref<10240x64xf32, #tpu.memory_space<hbm>> -> memref<10240x64xf32, #tpu.memory_space<hbm>>
      tpu.wait_indirect_dma semaphore(%arg16 : memref<!tpu.dma_semaphore, #tpu.memory_space<semaphore_mem>>) src(%dma_wait3A_252 : memref<10240x64xf32, #tpu.memory_space<hbm>>) dst(%arg11 : memref<200x64xf32, #tpu.memory_space<vmem>>)
      %dma_start3A_253 = arith.constant 0 : i32
      %dma_start3A_254 = tpu.memref_slice %arg10[%add3A_246, %dma_start3A_253] : memref<50x200xi32, #tpu.memory_space<vmem>> -> memref<1x200xi32, #tpu.memory_space<vmem>>
      %dma_start3A_255 = tpu.memref_squeeze %dma_start3A_254 : memref<1x200xi32, #tpu.memory_space<vmem>> -> memref<200xi32, #tpu.memory_space<vmem>>
      %dma_start3A_256 = arith.constant 0 : i32
      %dma_start3A_257 = arith.constant 0 : i32
      %dma_start3A_258 = tpu.memref_slice %arg28[%dma_start3A_256, %dma_start3A_257] : memref<10240x64xf32, #tpu.memory_space<vmem_shared>> -> memref<10240x64xf32, #tpu.memory_space<vmem_shared>>
      tpu.enqueue_indirect_dma source(%arg11 : memref<200x64xf32, #tpu.memory_space<vmem>>) target(%dma_start3A_258 : memref<10240x64xf32, #tpu.memory_space<vmem_shared>>) offsets(%dma_start3A_255 : memref<200xi32, #tpu.memory_space<vmem>>) semaphore(%arg21 : memref<!tpu.dma_semaphore, #tpu.memory_space<semaphore_mem>>) {add = true}
      %ge3A = arith.constant 2 : i32
      %ge3A_259 = arith.cmpi sge, %add3A_246, %ge3A : i32
      %convert_element_type3A = arith.extui %ge3A_259 : i1 to i32
      %cond3A = arith.constant 0 : i32
      %cond3A_260 = arith.cmpi ne, %convert_element_type3A, %cond3A : i32
      scf.if %cond3A_260 {
        %sub3A_379 = arith.constant 2 : i32
        %sub3A_380 = arith.subi %add3A_246, %sub3A_379 : i32
        %dma_wait3A_381 = arith.constant 0 : i32
        %dma_wait3A_382 = tpu.memref_slice %arg10[%sub3A_380, %dma_wait3A_381] : memref<50x200xi32, #tpu.memory_space<vmem>> -> memref<1x200xi32, #tpu.memory_space<vmem>>
        %dma_wait3A_383 = tpu.memref_squeeze %dma_wait3A_382 : memref<1x200xi32, #tpu.memory_space<vmem>> -> memref<200xi32, #tpu.memory_space<vmem>>
        %dma_wait3A_384 = arith.constant 0 : i32
        %dma_wait3A_385 = arith.constant 0 : i32
        %dma_wait3A_386 = tpu.memref_slice %arg28[%dma_wait3A_384, %dma_wait3A_385] : memref<10240x64xf32, #tpu.memory_space<vmem_shared>> -> memref<10240x64xf32, #tpu.memory_space<vmem_shared>>
        tpu.wait_indirect_dma semaphore(%arg24 : memref<!tpu.dma_semaphore, #tpu.memory_space<semaphore_mem>>) src(%arg14 : memref<200x64xf32, #tpu.memory_space<vmem>>) dst(%dma_wait3A_386 : memref<10240x64xf32, #tpu.memory_space<vmem_shared>>)
      } else {
      }
      %add3A_261 = arith.constant 3 : i32
      %add3A_262 = arith.addi %add3A_246, %add3A_261 : i32
      %lt3A = arith.constant 50 : i32
      %lt3A_263 = arith.cmpi slt, %add3A_262, %lt3A : i32
      %convert_element_type3A_264 = arith.extui %lt3A_263 : i1 to i32
      %cond3A_265 = arith.constant 0 : i32
      %cond3A_266 = arith.cmpi ne, %convert_element_type3A_264, %cond3A_265 : i32
      scf.if %cond3A_266 {
        %add3A_379 = arith.constant 3 : i32
        %add3A_380 = arith.addi %add3A_246, %add3A_379 : i32
        %dma_start3A_381 = arith.constant 0 : i32
        %dma_start3A_382 = tpu.memref_slice %arg9[%add3A_380, %dma_start3A_381] : memref<50x200xi32, #tpu.memory_space<vmem>> -> memref<1x200xi32, #tpu.memory_space<vmem>>
        %dma_start3A_383 = tpu.memref_squeeze %dma_start3A_382 : memref<1x200xi32, #tpu.memory_space<vmem>> -> memref<200xi32, #tpu.memory_space<vmem>>
        %dma_start3A_384 = arith.constant 0 : i32
        %dma_start3A_385 = arith.constant 0 : i32
        %dma_start3A_386 = tpu.memref_slice %arg8[%dma_start3A_384, %dma_start3A_385] : memref<10240x64xf32, #tpu.memory_space<hbm>> -> memref<10240x64xf32, #tpu.memory_space<hbm>>
        tpu.enqueue_indirect_dma source(%dma_start3A_386 : memref<10240x64xf32, #tpu.memory_space<hbm>>) target(%arg14 : memref<200x64xf32, #tpu.memory_space<vmem>>) offsets(%dma_start3A_383 : memref<200xi32, #tpu.memory_space<vmem>>) semaphore(%arg19 : memref<!tpu.dma_semaphore, #tpu.memory_space<semaphore_mem>>)
      } else {
      }
      %mul3A_267 = arith.constant 5 : i32
      %mul3A_268 = arith.muli %mul3A_267, %scan3A_242 : i32
      %add3A_269 = arith.constant 1 : i32
      %add3A_270 = arith.addi %mul3A_268, %add3A_269 : i32
      %dma_wait3A_271 = arith.constant 0 : i32
      %dma_wait3A_272 = tpu.memref_slice %arg9[%add3A_270, %dma_wait3A_271] : memref<50x200xi32, #tpu.memory_space<vmem>> -> memref<1x200xi32, #tpu.memory_space<vmem>>
      %dma_wait3A_273 = tpu.memref_squeeze %dma_wait3A_272 : memref<1x200xi32, #tpu.memory_space<vmem>> -> memref<200xi32, #tpu.memory_space<vmem>>
      %dma_wait3A_274 = arith.constant 0 : i32
      %dma_wait3A_275 = arith.constant 0 : i32
      %dma_wait3A_276 = tpu.memref_slice %arg8[%dma_wait3A_274, %dma_wait3A_275] : memref<10240x64xf32, #tpu.memory_space<hbm>> -> memref<10240x64xf32, #tpu.memory_space<hbm>>
      tpu.wait_indirect_dma semaphore(%arg17 : memref<!tpu.dma_semaphore, #tpu.memory_space<semaphore_mem>>) src(%dma_wait3A_276 : memref<10240x64xf32, #tpu.memory_space<hbm>>) dst(%arg12 : memref<200x64xf32, #tpu.memory_space<vmem>>)
      %dma_start3A_277 = arith.constant 0 : i32
      %dma_start3A_278 = tpu.memref_slice %arg10[%add3A_270, %dma_start3A_277] : memref<50x200xi32, #tpu.memory_space<vmem>> -> memref<1x200xi32, #tpu.memory_space<vmem>>
      %dma_start3A_279 = tpu.memref_squeeze %dma_start3A_278 : memref<1x200xi32, #tpu.memory_space<vmem>> -> memref<200xi32, #tpu.memory_space<vmem>>
      %dma_start3A_280 = arith.constant 0 : i32
      %dma_start3A_281 = arith.constant 0 : i32
      %dma_start3A_282 = tpu.memref_slice %arg28[%dma_start3A_280, %dma_start3A_281] : memref<10240x64xf32, #tpu.memory_space<vmem_shared>> -> memref<10240x64xf32, #tpu.memory_space<vmem_shared>>
      tpu.enqueue_indirect_dma source(%arg12 : memref<200x64xf32, #tpu.memory_space<vmem>>) target(%dma_start3A_282 : memref<10240x64xf32, #tpu.memory_space<vmem_shared>>) offsets(%dma_start3A_279 : memref<200xi32, #tpu.memory_space<vmem>>) semaphore(%arg22 : memref<!tpu.dma_semaphore, #tpu.memory_space<semaphore_mem>>) {add = true}
      %ge3A_283 = arith.constant 2 : i32
      %ge3A_284 = arith.cmpi sge, %add3A_270, %ge3A_283 : i32
      %convert_element_type3A_285 = arith.extui %ge3A_284 : i1 to i32
      %cond3A_286 = arith.constant 0 : i32
      %cond3A_287 = arith.cmpi ne, %convert_element_type3A_285, %cond3A_286 : i32
      scf.if %cond3A_287 {
        %sub3A_379 = arith.constant 2 : i32
        %sub3A_380 = arith.subi %add3A_270, %sub3A_379 : i32
        %dma_wait3A_381 = arith.constant 0 : i32
        %dma_wait3A_382 = tpu.memref_slice %arg10[%sub3A_380, %dma_wait3A_381] : memref<50x200xi32, #tpu.memory_space<vmem>> -> memref<1x200xi32, #tpu.memory_space<vmem>>
        %dma_wait3A_383 = tpu.memref_squeeze %dma_wait3A_382 : memref<1x200xi32, #tpu.memory_space<vmem>> -> memref<200xi32, #tpu.memory_space<vmem>>
        %dma_wait3A_384 = arith.constant 0 : i32
        %dma_wait3A_385 = arith.constant 0 : i32
        %dma_wait3A_386 = tpu.memref_slice %arg28[%dma_wait3A_384, %dma_wait3A_385] : memref<10240x64xf32, #tpu.memory_space<vmem_shared>> -> memref<10240x64xf32, #tpu.memory_space<vmem_shared>>
        tpu.wait_indirect_dma semaphore(%arg25 : memref<!tpu.dma_semaphore, #tpu.memory_space<semaphore_mem>>) src(%arg15 : memref<200x64xf32, #tpu.memory_space<vmem>>) dst(%dma_wait3A_386 : memref<10240x64xf32, #tpu.memory_space<vmem_shared>>)
      } else {
      }
      %add3A_288 = arith.constant 3 : i32
      %add3A_289 = arith.addi %add3A_270, %add3A_288 : i32
      %lt3A_290 = arith.constant 50 : i32
      %lt3A_291 = arith.cmpi slt, %add3A_289, %lt3A_290 : i32
      %convert_element_type3A_292 = arith.extui %lt3A_291 : i1 to i32
      %cond3A_293 = arith.constant 0 : i32
      %cond3A_294 = arith.cmpi ne, %convert_element_type3A_292, %cond3A_293 : i32
      scf.if %cond3A_294 {
        %add3A_379 = arith.constant 3 : i32
        %add3A_380 = arith.addi %add3A_270, %add3A_379 : i32
        %dma_start3A_381 = arith.constant 0 : i32
        %dma_start3A_382 = tpu.memref_slice %arg9[%add3A_380, %dma_start3A_381] : memref<50x200xi32, #tpu.memory_space<vmem>> -> memref<1x200xi32, #tpu.memory_space<vmem>>
        %dma_start3A_383 = tpu.memref_squeeze %dma_start3A_382 : memref<1x200xi32, #tpu.memory_space<vmem>> -> memref<200xi32, #tpu.memory_space<vmem>>
        %dma_start3A_384 = arith.constant 0 : i32
        %dma_start3A_385 = arith.constant 0 : i32
        %dma_start3A_386 = tpu.memref_slice %arg8[%dma_start3A_384, %dma_start3A_385] : memref<10240x64xf32, #tpu.memory_space<hbm>> -> memref<10240x64xf32, #tpu.memory_space<hbm>>
        tpu.enqueue_indirect_dma source(%dma_start3A_386 : memref<10240x64xf32, #tpu.memory_space<hbm>>) target(%arg15 : memref<200x64xf32, #tpu.memory_space<vmem>>) offsets(%dma_start3A_383 : memref<200xi32, #tpu.memory_space<vmem>>) semaphore(%arg20 : memref<!tpu.dma_semaphore, #tpu.memory_space<semaphore_mem>>)
      } else {
      }
      %mul3A_295 = arith.constant 5 : i32
      %mul3A_296 = arith.muli %mul3A_295, %scan3A_242 : i32
      %add3A_297 = arith.constant 2 : i32
      %add3A_298 = arith.addi %mul3A_296, %add3A_297 : i32
      %dma_wait3A_299 = arith.constant 0 : i32
      %dma_wait3A_300 = tpu.memref_slice %arg9[%add3A_298, %dma_wait3A_299] : memref<50x200xi32, #tpu.memory_space<vmem>> -> memref<1x200xi32, #tpu.memory_space<vmem>>
      %dma_wait3A_301 = tpu.memref_squeeze %dma_wait3A_300 : memref<1x200xi32, #tpu.memory_space<vmem>> -> memref<200xi32, #tpu.memory_space<vmem>>
      %dma_wait3A_302 = arith.constant 0 : i32
      %dma_wait3A_303 = arith.constant 0 : i32
      %dma_wait3A_304 = tpu.memref_slice %arg8[%dma_wait3A_302, %dma_wait3A_303] : memref<10240x64xf32, #tpu.memory_space<hbm>> -> memref<10240x64xf32, #tpu.memory_space<hbm>>
      tpu.wait_indirect_dma semaphore(%arg18 : memref<!tpu.dma_semaphore, #tpu.memory_space<semaphore_mem>>) src(%dma_wait3A_304 : memref<10240x64xf32, #tpu.memory_space<hbm>>) dst(%arg13 : memref<200x64xf32, #tpu.memory_space<vmem>>)
      %dma_start3A_305 = arith.constant 0 : i32
      %dma_start3A_306 = tpu.memref_slice %arg10[%add3A_298, %dma_start3A_305] : memref<50x200xi32, #tpu.memory_space<vmem>> -> memref<1x200xi32, #tpu.memory_space<vmem>>
      %dma_start3A_307 = tpu.memref_squeeze %dma_start3A_306 : memref<1x200xi32, #tpu.memory_space<vmem>> -> memref<200xi32, #tpu.memory_space<vmem>>
      %dma_start3A_308 = arith.constant 0 : i32
      %dma_start3A_309 = arith.constant 0 : i32
      %dma_start3A_310 = tpu.memref_slice %arg28[%dma_start3A_308, %dma_start3A_309] : memref<10240x64xf32, #tpu.memory_space<vmem_shared>> -> memref<10240x64xf32, #tpu.memory_space<vmem_shared>>
      tpu.enqueue_indirect_dma source(%arg13 : memref<200x64xf32, #tpu.memory_space<vmem>>) target(%dma_start3A_310 : memref<10240x64xf32, #tpu.memory_space<vmem_shared>>) offsets(%dma_start3A_307 : memref<200xi32, #tpu.memory_space<vmem>>) semaphore(%arg23 : memref<!tpu.dma_semaphore, #tpu.memory_space<semaphore_mem>>) {add = true}
      %ge3A_311 = arith.constant 2 : i32
      %ge3A_312 = arith.cmpi sge, %add3A_298, %ge3A_311 : i32
      %convert_element_type3A_313 = arith.extui %ge3A_312 : i1 to i32
      %cond3A_314 = arith.constant 0 : i32
      %cond3A_315 = arith.cmpi ne, %convert_element_type3A_313, %cond3A_314 : i32
      scf.if %cond3A_315 {
        %sub3A_379 = arith.constant 2 : i32
        %sub3A_380 = arith.subi %add3A_298, %sub3A_379 : i32
        %dma_wait3A_381 = arith.constant 0 : i32
        %dma_wait3A_382 = tpu.memref_slice %arg10[%sub3A_380, %dma_wait3A_381] : memref<50x200xi32, #tpu.memory_space<vmem>> -> memref<1x200xi32, #tpu.memory_space<vmem>>
        %dma_wait3A_383 = tpu.memref_squeeze %dma_wait3A_382 : memref<1x200xi32, #tpu.memory_space<vmem>> -> memref<200xi32, #tpu.memory_space<vmem>>
        %dma_wait3A_384 = arith.constant 0 : i32
        %dma_wait3A_385 = arith.constant 0 : i32
        %dma_wait3A_386 = tpu.memref_slice %arg28[%dma_wait3A_384, %dma_wait3A_385] : memref<10240x64xf32, #tpu.memory_space<vmem_shared>> -> memref<10240x64xf32, #tpu.memory_space<vmem_shared>>
        tpu.wait_indirect_dma semaphore(%arg21 : memref<!tpu.dma_semaphore, #tpu.memory_space<semaphore_mem>>) src(%arg11 : memref<200x64xf32, #tpu.memory_space<vmem>>) dst(%dma_wait3A_386 : memref<10240x64xf32, #tpu.memory_space<vmem_shared>>)
      } else {
      }
      %add3A_316 = arith.constant 3 : i32
      %add3A_317 = arith.addi %add3A_298, %add3A_316 : i32
      %lt3A_318 = arith.constant 50 : i32
      %lt3A_319 = arith.cmpi slt, %add3A_317, %lt3A_318 : i32
      %convert_element_type3A_320 = arith.extui %lt3A_319 : i1 to i32
      %cond3A_321 = arith.constant 0 : i32
      %cond3A_322 = arith.cmpi ne, %convert_element_type3A_320, %cond3A_321 : i32
      scf.if %cond3A_322 {
        %add3A_379 = arith.constant 3 : i32
        %add3A_380 = arith.addi %add3A_298, %add3A_379 : i32
        %dma_start3A_381 = arith.constant 0 : i32
        %dma_start3A_382 = tpu.memref_slice %arg9[%add3A_380, %dma_start3A_381] : memref<50x200xi32, #tpu.memory_space<vmem>> -> memref<1x200xi32, #tpu.memory_space<vmem>>
        %dma_start3A_383 = tpu.memref_squeeze %dma_start3A_382 : memref<1x200xi32, #tpu.memory_space<vmem>> -> memref<200xi32, #tpu.memory_space<vmem>>
        %dma_start3A_384 = arith.constant 0 : i32
        %dma_start3A_385 = arith.constant 0 : i32
        %dma_start3A_386 = tpu.memref_slice %arg8[%dma_start3A_384, %dma_start3A_385] : memref<10240x64xf32, #tpu.memory_space<hbm>> -> memref<10240x64xf32, #tpu.memory_space<hbm>>
        tpu.enqueue_indirect_dma source(%dma_start3A_386 : memref<10240x64xf32, #tpu.memory_space<hbm>>) target(%arg11 : memref<200x64xf32, #tpu.memory_space<vmem>>) offsets(%dma_start3A_383 : memref<200xi32, #tpu.memory_space<vmem>>) semaphore(%arg16 : memref<!tpu.dma_semaphore, #tpu.memory_space<semaphore_mem>>)
      } else {
      }
      %mul3A_323 = arith.constant 5 : i32
      %mul3A_324 = arith.muli %mul3A_323, %scan3A_242 : i32
      %add3A_325 = arith.constant 3 : i32
      %add3A_326 = arith.addi %mul3A_324, %add3A_325 : i32
      %dma_wait3A_327 = arith.constant 0 : i32
      %dma_wait3A_328 = tpu.memref_slice %arg9[%add3A_326, %dma_wait3A_327] : memref<50x200xi32, #tpu.memory_space<vmem>> -> memref<1x200xi32, #tpu.memory_space<vmem>>
      %dma_wait3A_329 = tpu.memref_squeeze %dma_wait3A_328 : memref<1x200xi32, #tpu.memory_space<vmem>> -> memref<200xi32, #tpu.memory_space<vmem>>
      %dma_wait3A_330 = arith.constant 0 : i32
      %dma_wait3A_331 = arith.constant 0 : i32
      %dma_wait3A_332 = tpu.memref_slice %arg8[%dma_wait3A_330, %dma_wait3A_331] : memref<10240x64xf32, #tpu.memory_space<hbm>> -> memref<10240x64xf32, #tpu.memory_space<hbm>>
      tpu.wait_indirect_dma semaphore(%arg19 : memref<!tpu.dma_semaphore, #tpu.memory_space<semaphore_mem>>) src(%dma_wait3A_332 : memref<10240x64xf32, #tpu.memory_space<hbm>>) dst(%arg14 : memref<200x64xf32, #tpu.memory_space<vmem>>)
      %dma_start3A_333 = arith.constant 0 : i32
      %dma_start3A_334 = tpu.memref_slice %arg10[%add3A_326, %dma_start3A_333] : memref<50x200xi32, #tpu.memory_space<vmem>> -> memref<1x200xi32, #tpu.memory_space<vmem>>
      %dma_start3A_335 = tpu.memref_squeeze %dma_start3A_334 : memref<1x200xi32, #tpu.memory_space<vmem>> -> memref<200xi32, #tpu.memory_space<vmem>>
      %dma_start3A_336 = arith.constant 0 : i32
      %dma_start3A_337 = arith.constant 0 : i32
      %dma_start3A_338 = tpu.memref_slice %arg28[%dma_start3A_336, %dma_start3A_337] : memref<10240x64xf32, #tpu.memory_space<vmem_shared>> -> memref<10240x64xf32, #tpu.memory_space<vmem_shared>>
      tpu.enqueue_indirect_dma source(%arg14 : memref<200x64xf32, #tpu.memory_space<vmem>>) target(%dma_start3A_338 : memref<10240x64xf32, #tpu.memory_space<vmem_shared>>) offsets(%dma_start3A_335 : memref<200xi32, #tpu.memory_space<vmem>>) semaphore(%arg24 : memref<!tpu.dma_semaphore, #tpu.memory_space<semaphore_mem>>) {add = true}
      %ge3A_339 = arith.constant 2 : i32
      %ge3A_340 = arith.cmpi sge, %add3A_326, %ge3A_339 : i32
      %convert_element_type3A_341 = arith.extui %ge3A_340 : i1 to i32
      %cond3A_342 = arith.constant 0 : i32
      %cond3A_343 = arith.cmpi ne, %convert_element_type3A_341, %cond3A_342 : i32
      scf.if %cond3A_343 {
        %sub3A_379 = arith.constant 2 : i32
        %sub3A_380 = arith.subi %add3A_326, %sub3A_379 : i32
        %dma_wait3A_381 = arith.constant 0 : i32
        %dma_wait3A_382 = tpu.memref_slice %arg10[%sub3A_380, %dma_wait3A_381] : memref<50x200xi32, #tpu.memory_space<vmem>> -> memref<1x200xi32, #tpu.memory_space<vmem>>
        %dma_wait3A_383 = tpu.memref_squeeze %dma_wait3A_382 : memref<1x200xi32, #tpu.memory_space<vmem>> -> memref<200xi32, #tpu.memory_space<vmem>>
        %dma_wait3A_384 = arith.constant 0 : i32
        %dma_wait3A_385 = arith.constant 0 : i32
        %dma_wait3A_386 = tpu.memref_slice %arg28[%dma_wait3A_384, %dma_wait3A_385] : memref<10240x64xf32, #tpu.memory_space<vmem_shared>> -> memref<10240x64xf32, #tpu.memory_space<vmem_shared>>
        tpu.wait_indirect_dma semaphore(%arg22 : memref<!tpu.dma_semaphore, #tpu.memory_space<semaphore_mem>>) src(%arg12 : memref<200x64xf32, #tpu.memory_space<vmem>>) dst(%dma_wait3A_386 : memref<10240x64xf32, #tpu.memory_space<vmem_shared>>)
      } else {
      }
      %add3A_344 = arith.constant 3 : i32
      %add3A_345 = arith.addi %add3A_326, %add3A_344 : i32
      %lt3A_346 = arith.constant 50 : i32
      %lt3A_347 = arith.cmpi slt, %add3A_345, %lt3A_346 : i32
      %convert_element_type3A_348 = arith.extui %lt3A_347 : i1 to i32
      %cond3A_349 = arith.constant 0 : i32
      %cond3A_350 = arith.cmpi ne, %convert_element_type3A_348, %cond3A_349 : i32
      scf.if %cond3A_350 {
        %add3A_379 = arith.constant 3 : i32
        %add3A_380 = arith.addi %add3A_326, %add3A_379 : i32
        %dma_start3A_381 = arith.constant 0 : i32
        %dma_start3A_382 = tpu.memref_slice %arg9[%add3A_380, %dma_start3A_381] : memref<50x200xi32, #tpu.memory_space<vmem>> -> memref<1x200xi32, #tpu.memory_space<vmem>>
        %dma_start3A_383 = tpu.memref_squeeze %dma_start3A_382 : memref<1x200xi32, #tpu.memory_space<vmem>> -> memref<200xi32, #tpu.memory_space<vmem>>
        %dma_start3A_384 = arith.constant 0 : i32
        %dma_start3A_385 = arith.constant 0 : i32
        %dma_start3A_386 = tpu.memref_slice %arg8[%dma_start3A_384, %dma_start3A_385] : memref<10240x64xf32, #tpu.memory_space<hbm>> -> memref<10240x64xf32, #tpu.memory_space<hbm>>
        tpu.enqueue_indirect_dma source(%dma_start3A_386 : memref<10240x64xf32, #tpu.memory_space<hbm>>) target(%arg12 : memref<200x64xf32, #tpu.memory_space<vmem>>) offsets(%dma_start3A_383 : memref<200xi32, #tpu.memory_space<vmem>>) semaphore(%arg17 : memref<!tpu.dma_semaphore, #tpu.memory_space<semaphore_mem>>)
      } else {
      }
      %mul3A_351 = arith.constant 5 : i32
      %mul3A_352 = arith.muli %mul3A_351, %scan3A_242 : i32
      %add3A_353 = arith.constant 4 : i32
      %add3A_354 = arith.addi %mul3A_352, %add3A_353 : i32
      %dma_wait3A_355 = arith.constant 0 : i32
      %dma_wait3A_356 = tpu.memref_slice %arg9[%add3A_354, %dma_wait3A_355] : memref<50x200xi32, #tpu.memory_space<vmem>> -> memref<1x200xi32, #tpu.memory_space<vmem>>
      %dma_wait3A_357 = tpu.memref_squeeze %dma_wait3A_356 : memref<1x200xi32, #tpu.memory_space<vmem>> -> memref<200xi32, #tpu.memory_space<vmem>>
      %dma_wait3A_358 = arith.constant 0 : i32
      %dma_wait3A_359 = arith.constant 0 : i32
      %dma_wait3A_360 = tpu.memref_slice %arg8[%dma_wait3A_358, %dma_wait3A_359] : memref<10240x64xf32, #tpu.memory_space<hbm>> -> memref<10240x64xf32, #tpu.memory_space<hbm>>
      tpu.wait_indirect_dma semaphore(%arg20 : memref<!tpu.dma_semaphore, #tpu.memory_space<semaphore_mem>>) src(%dma_wait3A_360 : memref<10240x64xf32, #tpu.memory_space<hbm>>) dst(%arg15 : memref<200x64xf32, #tpu.memory_space<vmem>>)
      %dma_start3A_361 = arith.constant 0 : i32
      %dma_start3A_362 = tpu.memref_slice %arg10[%add3A_354, %dma_start3A_361] : memref<50x200xi32, #tpu.memory_space<vmem>> -> memref<1x200xi32, #tpu.memory_space<vmem>>
      %dma_start3A_363 = tpu.memref_squeeze %dma_start3A_362 : memref<1x200xi32, #tpu.memory_space<vmem>> -> memref<200xi32, #tpu.memory_space<vmem>>
      %dma_start3A_364 = arith.constant 0 : i32
      %dma_start3A_365 = arith.constant 0 : i32
      %dma_start3A_366 = tpu.memref_slice %arg28[%dma_start3A_364, %dma_start3A_365] : memref<10240x64xf32, #tpu.memory_space<vmem_shared>> -> memref<10240x64xf32, #tpu.memory_space<vmem_shared>>
      tpu.enqueue_indirect_dma source(%arg15 : memref<200x64xf32, #tpu.memory_space<vmem>>) target(%dma_start3A_366 : memref<10240x64xf32, #tpu.memory_space<vmem_shared>>) offsets(%dma_start3A_363 : memref<200xi32, #tpu.memory_space<vmem>>) semaphore(%arg25 : memref<!tpu.dma_semaphore, #tpu.memory_space<semaphore_mem>>) {add = true}
      %ge3A_367 = arith.constant 2 : i32
      %ge3A_368 = arith.cmpi sge, %add3A_354, %ge3A_367 : i32
      %convert_element_type3A_369 = arith.extui %ge3A_368 : i1 to i32
      %cond3A_370 = arith.constant 0 : i32
      %cond3A_371 = arith.cmpi ne, %convert_element_type3A_369, %cond3A_370 : i32
      scf.if %cond3A_371 {
        %sub3A_379 = arith.constant 2 : i32
        %sub3A_380 = arith.subi %add3A_354, %sub3A_379 : i32
        %dma_wait3A_381 = arith.constant 0 : i32
        %dma_wait3A_382 = tpu.memref_slice %arg10[%sub3A_380, %dma_wait3A_381] : memref<50x200xi32, #tpu.memory_space<vmem>> -> memref<1x200xi32, #tpu.memory_space<vmem>>
        %dma_wait3A_383 = tpu.memref_squeeze %dma_wait3A_382 : memref<1x200xi32, #tpu.memory_space<vmem>> -> memref<200xi32, #tpu.memory_space<vmem>>
        %dma_wait3A_384 = arith.constant 0 : i32
        %dma_wait3A_385 = arith.constant 0 : i32
        %dma_wait3A_386 = tpu.memref_slice %arg28[%dma_wait3A_384, %dma_wait3A_385] : memref<10240x64xf32, #tpu.memory_space<vmem_shared>> -> memref<10240x64xf32, #tpu.memory_space<vmem_shared>>
        tpu.wait_indirect_dma semaphore(%arg23 : memref<!tpu.dma_semaphore, #tpu.memory_space<semaphore_mem>>) src(%arg13 : memref<200x64xf32, #tpu.memory_space<vmem>>) dst(%dma_wait3A_386 : memref<10240x64xf32, #tpu.memory_space<vmem_shared>>)
      } else {
      }
      %add3A_372 = arith.constant 3 : i32
      %add3A_373 = arith.addi %add3A_354, %add3A_372 : i32
      %lt3A_374 = arith.constant 50 : i32
      %lt3A_375 = arith.cmpi slt, %add3A_373, %lt3A_374 : i32
      %convert_element_type3A_376 = arith.extui %lt3A_375 : i1 to i32
      %cond3A_377 = arith.constant 0 : i32
      %cond3A_378 = arith.cmpi ne, %convert_element_type3A_376, %cond3A_377 : i32
      scf.if %cond3A_378 {
        %add3A_379 = arith.constant 3 : i32
        %add3A_380 = arith.addi %add3A_354, %add3A_379 : i32
        %dma_start3A_381 = arith.constant 0 : i32
        %dma_start3A_382 = tpu.memref_slice %arg9[%add3A_380, %dma_start3A_381] : memref<50x200xi32, #tpu.memory_space<vmem>> -> memref<1x200xi32, #tpu.memory_space<vmem>>
        %dma_start3A_383 = tpu.memref_squeeze %dma_start3A_382 : memref<1x200xi32, #tpu.memory_space<vmem>> -> memref<200xi32, #tpu.memory_space<vmem>>
        %dma_start3A_384 = arith.constant 0 : i32
        %dma_start3A_385 = arith.constant 0 : i32
        %dma_start3A_386 = tpu.memref_slice %arg8[%dma_start3A_384, %dma_start3A_385] : memref<10240x64xf32, #tpu.memory_space<hbm>> -> memref<10240x64xf32, #tpu.memory_space<hbm>>
        tpu.enqueue_indirect_dma source(%dma_start3A_386 : memref<10240x64xf32, #tpu.memory_space<hbm>>) target(%arg13 : memref<200x64xf32, #tpu.memory_space<vmem>>) offsets(%dma_start3A_383 : memref<200xi32, #tpu.memory_space<vmem>>) semaphore(%arg18 : memref<!tpu.dma_semaphore, #tpu.memory_space<semaphore_mem>>)
      } else {
      }
    }
    %scan3A_223 = arith.constant 10 : i32
    %dma_wait3A_224 = arith.constant 48 : i32
    %dma_wait3A_225 = arith.constant 0 : i32
    %dma_wait3A_226 = tpu.memref_slice %arg10[%dma_wait3A_224, %dma_wait3A_225] : memref<50x200xi32, #tpu.memory_space<vmem>> -> memref<1x200xi32, #tpu.memory_space<vmem>>
    %dma_wait3A_227 = tpu.memref_squeeze %dma_wait3A_226 : memref<1x200xi32, #tpu.memory_space<vmem>> -> memref<200xi32, #tpu.memory_space<vmem>>
    %dma_wait3A_228 = arith.constant 0 : i32
    %dma_wait3A_229 = arith.constant 0 : i32
    %dma_wait3A_230 = tpu.memref_slice %arg28[%dma_wait3A_228, %dma_wait3A_229] : memref<10240x64xf32, #tpu.memory_space<vmem_shared>> -> memref<10240x64xf32, #tpu.memory_space<vmem_shared>>
    tpu.wait_indirect_dma semaphore(%arg24 : memref<!tpu.dma_semaphore, #tpu.memory_space<semaphore_mem>>) src(%arg14 : memref<200x64xf32, #tpu.memory_space<vmem>>) dst(%dma_wait3A_230 : memref<10240x64xf32, #tpu.memory_space<vmem_shared>>)
    %dma_wait3A_231 = arith.constant 49 : i32
    %dma_wait3A_232 = arith.constant 0 : i32
    %dma_wait3A_233 = tpu.memref_slice %arg10[%dma_wait3A_231, %dma_wait3A_232] : memref<50x200xi32, #tpu.memory_space<vmem>> -> memref<1x200xi32, #tpu.memory_space<vmem>>
    %dma_wait3A_234 = tpu.memref_squeeze %dma_wait3A_233 : memref<1x200xi32, #tpu.memory_space<vmem>> -> memref<200xi32, #tpu.memory_space<vmem>>
    %dma_wait3A_235 = arith.constant 0 : i32
    %dma_wait3A_236 = arith.constant 0 : i32
    %dma_wait3A_237 = tpu.memref_slice %arg28[%dma_wait3A_235, %dma_wait3A_236] : memref<10240x64xf32, #tpu.memory_space<vmem_shared>> -> memref<10240x64xf32, #tpu.memory_space<vmem_shared>>
    tpu.wait_indirect_dma semaphore(%arg25 : memref<!tpu.dma_semaphore, #tpu.memory_space<semaphore_mem>>) src(%arg15 : memref<200x64xf32, #tpu.memory_space<vmem>>) dst(%dma_wait3A_237 : memref<10240x64xf32, #tpu.memory_space<vmem_shared>>)
    %barrier3A_238 = arith.constant 0 : index
    tpu.barrier barrier_id(%barrier3A_238)
    %mul3A_239 = arith.constant 10240 : i32
    %mul3A_240 = arith.muli %arg0, %mul3A_239 : i32
    %add3A_241 = arith.addi %mul3A_240, %mul3A_2 : i32
    "tpu.region"() ({
      %run_scoped3A = tpu.sem_alloc : memref<!tpu.dma_semaphore, #tpu.memory_space<semaphore_mem>>
      %dma_start3A_242 = arith.constant 0 : i32
      %dma_start3A_243 = tpu.memref_slice %arg7[%add3A_241, %dma_start3A_242] : memref<20480x64xf32, #tpu.memory_space<hbm>> -> memref<640x64xf32, #tpu.memory_space<hbm>>
      %dma_start3A_244 = arith.constant 0 : i32
      %dma_start3A_245 = tpu.memref_slice %arg28[%mul3A_2, %dma_start3A_244] : memref<10240x64xf32, #tpu.memory_space<vmem_shared>> -> memref<640x64xf32, #tpu.memory_space<vmem_shared>>
      tpu.enqueue_dma source(%dma_start3A_245 : memref<640x64xf32, #tpu.memory_space<vmem_shared>>) target(%dma_start3A_243 : memref<640x64xf32, #tpu.memory_space<hbm>>) target_semaphore(%run_scoped3A : memref<!tpu.dma_semaphore, #tpu.memory_space<semaphore_mem>>)
      %dma_wait3A_246 = arith.constant 0 : i32
      %dma_wait3A_247 = tpu.memref_slice %arg7[%add3A_241, %dma_wait3A_246] : memref<20480x64xf32, #tpu.memory_space<hbm>> -> memref<640x64xf32, #tpu.memory_space<hbm>>
      %dma_wait3A_248 = arith.constant 0 : i32
      %dma_wait3A_249 = tpu.memref_slice %arg28[%mul3A_2, %dma_wait3A_248] : memref<10240x64xf32, #tpu.memory_space<vmem_shared>> -> memref<640x64xf32, #tpu.memory_space<vmem_shared>>
      tpu.wait_dma2 semaphore(%run_scoped3A : memref<!tpu.dma_semaphore, #tpu.memory_space<semaphore_mem>>) src(%dma_wait3A_249 : memref<640x64xf32, #tpu.memory_space<vmem_shared>>) dst(%dma_wait3A_247 : memref<640x64xf32, #tpu.memory_space<hbm>>)
      tpu.yield
    }) : () -> ()
    return
  }
}

#map = affine_map<(d0, d1) -> (0, 0, 0)>
#map1 = affine_map<(d0, d1) -> (0, 0)>
#map2 = affine_map<(d0, d1) -> (0)>
module attributes {stable_mosaic.version = 14 : i64} {
  func.func @fused(%arg0: i32, %arg1: i32, %arg2: memref<32x20x500xi32, #tpu.memory_space<hbm>>, %arg3: memref<32x20x500xi32, #tpu.memory_space<hbm>>, %arg4: memref<10240x16xf32, #tpu.memory_space<hbm>>, %arg5: memref<10240xf32, #tpu.memory_space<hbm>>, %arg6: memref<10240x16xf32, #tpu.memory_space<hbm>>, %arg7: memref<20480x16xf32, #tpu.memory_space<hbm>>, %arg8: memref<10240x16xf32, #tpu.memory_space<hbm>>, %arg9: memref<20x500xi32, #tpu.memory_space<vmem>>, %arg10: memref<20x500xi32, #tpu.memory_space<vmem>>, %arg11: memref<500x16xf32, #tpu.memory_space<vmem>>, %arg12: memref<500x16xf32, #tpu.memory_space<vmem>>, %arg13: memref<500x16xf32, #tpu.memory_space<vmem>>, %arg14: memref<500x16xf32, #tpu.memory_space<vmem>>, %arg15: memref<500x16xf32, #tpu.memory_space<vmem>>, %arg16: memref<!tpu.dma_semaphore, #tpu.memory_space<semaphore_mem>>, %arg17: memref<!tpu.dma_semaphore, #tpu.memory_space<semaphore_mem>>, %arg18: memref<!tpu.dma_semaphore, #tpu.memory_space<semaphore_mem>>, %arg19: memref<!tpu.dma_semaphore, #tpu.memory_space<semaphore_mem>>, %arg20: memref<!tpu.dma_semaphore, #tpu.memory_space<semaphore_mem>>, %arg21: memref<!tpu.dma_semaphore, #tpu.memory_space<semaphore_mem>>, %arg22: memref<!tpu.dma_semaphore, #tpu.memory_space<semaphore_mem>>, %arg23: memref<!tpu.dma_semaphore, #tpu.memory_space<semaphore_mem>>, %arg24: memref<!tpu.dma_semaphore, #tpu.memory_space<semaphore_mem>>, %arg25: memref<!tpu.dma_semaphore, #tpu.memory_space<semaphore_mem>>, %arg26: memref<320xf32, #tpu.memory_space<vmem>>, %arg27: memref<!tpu.semaphore, #tpu.memory_space<semaphore_mem>>, %arg28: memref<10240x16xf32, #tpu.memory_space<vmem_shared>>) attributes {dimension_semantics = [#tpu.dimension_semantics<core_parallel>, #tpu.dimension_semantics<subcore_parallel>], iteration_bounds = array<i64: 2, 16>, scalar_prefetch = 0 : i64, scratch_operands = 20 : i64, tpu.core_type = #tpu.core_type<sc_vector_subcore>, window_params = [{transform_indices = #map}, {transform_indices = #map}, {transform_indices = #map1}, {transform_indices = #map2}, {transform_indices = #map1}, {transform_indices = #map1}, {transform_indices = #map1}]} {
    %mul3A = arith.constant 16 : i32
    %mul3A_0 = arith.muli %arg0, %mul3A : i32
    %add3A = arith.addi %mul3A_0, %arg1 : i32
    %mul3A_1 = arith.constant 640 : i32
    %mul3A_2 = arith.muli %arg1, %mul3A_1 : i32
    %mul3A_3 = arith.constant 320 : i32
    %mul3A_4 = arith.muli %add3A, %mul3A_3 : i32
    "tpu.region"() ({
      %run_scoped3A = tpu.sem_alloc : memref<!tpu.dma_semaphore, #tpu.memory_space<semaphore_mem>>
      %dma_start3A_242 = arith.constant 0 : i32
      %dma_start3A_243 = tpu.memref_slice %arg28[%mul3A_2, %dma_start3A_242] : memref<10240x16xf32, #tpu.memory_space<vmem_shared>> -> memref<640x16xf32, #tpu.memory_space<vmem_shared>>
      %dma_start3A_244 = arith.constant 0 : i32
      %dma_start3A_245 = tpu.memref_slice %arg6[%mul3A_2, %dma_start3A_244] : memref<10240x16xf32, #tpu.memory_space<hbm>> -> memref<640x16xf32, #tpu.memory_space<hbm>>
      tpu.enqueue_dma source(%dma_start3A_245 : memref<640x16xf32, #tpu.memory_space<hbm>>) target(%dma_start3A_243 : memref<640x16xf32, #tpu.memory_space<vmem_shared>>) target_semaphore(%run_scoped3A : memref<!tpu.dma_semaphore, #tpu.memory_space<semaphore_mem>>)
      %dma_wait3A_246 = arith.constant 0 : i32
      %dma_wait3A_247 = tpu.memref_slice %arg28[%mul3A_2, %dma_wait3A_246] : memref<10240x16xf32, #tpu.memory_space<vmem_shared>> -> memref<640x16xf32, #tpu.memory_space<vmem_shared>>
      %dma_wait3A_248 = arith.constant 0 : i32
      %dma_wait3A_249 = tpu.memref_slice %arg6[%mul3A_2, %dma_wait3A_248] : memref<10240x16xf32, #tpu.memory_space<hbm>> -> memref<640x16xf32, #tpu.memory_space<hbm>>
      tpu.wait_dma2 semaphore(%run_scoped3A : memref<!tpu.dma_semaphore, #tpu.memory_space<semaphore_mem>>) src(%dma_wait3A_249 : memref<640x16xf32, #tpu.memory_space<hbm>>) dst(%dma_wait3A_247 : memref<640x16xf32, #tpu.memory_space<vmem_shared>>)
      tpu.yield
    }) : () -> ()
    "tpu.region"() ({
      %run_scoped3A = tpu.sem_alloc : memref<!tpu.dma_semaphore, #tpu.memory_space<semaphore_mem>>
      %dma_start3A_242 = tpu.memref_slice %arg5[%mul3A_4] : memref<10240xf32, #tpu.memory_space<hbm>> -> memref<320xf32, #tpu.memory_space<hbm>>
      %dma_start3A_243 = tpu.memref_slice %arg5[%mul3A_4] : memref<10240xf32, #tpu.memory_space<hbm>> -> memref<320xf32, #tpu.memory_space<hbm>>
      tpu.enqueue_dma source(%dma_start3A_243 : memref<320xf32, #tpu.memory_space<hbm>>) target(%arg26 : memref<320xf32, #tpu.memory_space<vmem>>) target_semaphore(%run_scoped3A : memref<!tpu.dma_semaphore, #tpu.memory_space<semaphore_mem>>)
      %dma_wait3A_244 = tpu.memref_slice %arg5[%mul3A_4] : memref<10240xf32, #tpu.memory_space<hbm>> -> memref<320xf32, #tpu.memory_space<hbm>>
      %dma_wait3A_245 = tpu.memref_slice %arg5[%mul3A_4] : memref<10240xf32, #tpu.memory_space<hbm>> -> memref<320xf32, #tpu.memory_space<hbm>>
      tpu.wait_dma2 semaphore(%run_scoped3A : memref<!tpu.dma_semaphore, #tpu.memory_space<semaphore_mem>>) src(%dma_wait3A_245 : memref<320xf32, #tpu.memory_space<hbm>>) dst(%arg26 : memref<320xf32, #tpu.memory_space<vmem>>)
      tpu.yield
    }) : () -> ()
    "tpu.region"() ({
      %run_scoped3A = tpu.sem_alloc : memref<!tpu.dma_semaphore, #tpu.memory_space<semaphore_mem>>
      %dma_start3A_242 = arith.constant 0 : i32
      %dma_start3A_243 = arith.constant 0 : i32
      %dma_start3A_244 = tpu.memref_slice %arg2[%add3A, %dma_start3A_242, %dma_start3A_243] : memref<32x20x500xi32, #tpu.memory_space<hbm>> -> memref<1x20x500xi32, #tpu.memory_space<hbm>>
      %dma_start3A_245 = tpu.memref_squeeze %dma_start3A_244 : memref<1x20x500xi32, #tpu.memory_space<hbm>> -> memref<20x500xi32, #tpu.memory_space<hbm>>
      %dma_start3A_246 = arith.constant 0 : i32
      %dma_start3A_247 = arith.constant 0 : i32
      %dma_start3A_248 = tpu.memref_slice %arg2[%add3A, %dma_start3A_246, %dma_start3A_247] : memref<32x20x500xi32, #tpu.memory_space<hbm>> -> memref<1x20x500xi32, #tpu.memory_space<hbm>>
      %dma_start3A_249 = tpu.memref_squeeze %dma_start3A_248 : memref<1x20x500xi32, #tpu.memory_space<hbm>> -> memref<20x500xi32, #tpu.memory_space<hbm>>
      tpu.enqueue_dma source(%dma_start3A_249 : memref<20x500xi32, #tpu.memory_space<hbm>>) target(%arg9 : memref<20x500xi32, #tpu.memory_space<vmem>>) target_semaphore(%run_scoped3A : memref<!tpu.dma_semaphore, #tpu.memory_space<semaphore_mem>>)
      %dma_wait3A_250 = arith.constant 0 : i32
      %dma_wait3A_251 = arith.constant 0 : i32
      %dma_wait3A_252 = tpu.memref_slice %arg2[%add3A, %dma_wait3A_250, %dma_wait3A_251] : memref<32x20x500xi32, #tpu.memory_space<hbm>> -> memref<1x20x500xi32, #tpu.memory_space<hbm>>
      %dma_wait3A_253 = tpu.memref_squeeze %dma_wait3A_252 : memref<1x20x500xi32, #tpu.memory_space<hbm>> -> memref<20x500xi32, #tpu.memory_space<hbm>>
      %dma_wait3A_254 = arith.constant 0 : i32
      %dma_wait3A_255 = arith.constant 0 : i32
      %dma_wait3A_256 = tpu.memref_slice %arg2[%add3A, %dma_wait3A_254, %dma_wait3A_255] : memref<32x20x500xi32, #tpu.memory_space<hbm>> -> memref<1x20x500xi32, #tpu.memory_space<hbm>>
      %dma_wait3A_257 = tpu.memref_squeeze %dma_wait3A_256 : memref<1x20x500xi32, #tpu.memory_space<hbm>> -> memref<20x500xi32, #tpu.memory_space<hbm>>
      tpu.wait_dma2 semaphore(%run_scoped3A : memref<!tpu.dma_semaphore, #tpu.memory_space<semaphore_mem>>) src(%dma_wait3A_257 : memref<20x500xi32, #tpu.memory_space<hbm>>) dst(%arg9 : memref<20x500xi32, #tpu.memory_space<vmem>>)
      tpu.yield
    }) : () -> ()
    "tpu.region"() ({
      %run_scoped3A = tpu.sem_alloc : memref<!tpu.dma_semaphore, #tpu.memory_space<semaphore_mem>>
      %dma_start3A_242 = arith.constant 0 : i32
      %dma_start3A_243 = arith.constant 0 : i32
      %dma_start3A_244 = tpu.memref_slice %arg3[%add3A, %dma_start3A_242, %dma_start3A_243] : memref<32x20x500xi32, #tpu.memory_space<hbm>> -> memref<1x20x500xi32, #tpu.memory_space<hbm>>
      %dma_start3A_245 = tpu.memref_squeeze %dma_start3A_244 : memref<1x20x500xi32, #tpu.memory_space<hbm>> -> memref<20x500xi32, #tpu.memory_space<hbm>>
      %dma_start3A_246 = arith.constant 0 : i32
      %dma_start3A_247 = arith.constant 0 : i32
      %dma_start3A_248 = tpu.memref_slice %arg3[%add3A, %dma_start3A_246, %dma_start3A_247] : memref<32x20x500xi32, #tpu.memory_space<hbm>> -> memref<1x20x500xi32, #tpu.memory_space<hbm>>
      %dma_start3A_249 = tpu.memref_squeeze %dma_start3A_248 : memref<1x20x500xi32, #tpu.memory_space<hbm>> -> memref<20x500xi32, #tpu.memory_space<hbm>>
      tpu.enqueue_dma source(%dma_start3A_249 : memref<20x500xi32, #tpu.memory_space<hbm>>) target(%arg10 : memref<20x500xi32, #tpu.memory_space<vmem>>) target_semaphore(%run_scoped3A : memref<!tpu.dma_semaphore, #tpu.memory_space<semaphore_mem>>)
      %dma_wait3A_250 = arith.constant 0 : i32
      %dma_wait3A_251 = arith.constant 0 : i32
      %dma_wait3A_252 = tpu.memref_slice %arg3[%add3A, %dma_wait3A_250, %dma_wait3A_251] : memref<32x20x500xi32, #tpu.memory_space<hbm>> -> memref<1x20x500xi32, #tpu.memory_space<hbm>>
      %dma_wait3A_253 = tpu.memref_squeeze %dma_wait3A_252 : memref<1x20x500xi32, #tpu.memory_space<hbm>> -> memref<20x500xi32, #tpu.memory_space<hbm>>
      %dma_wait3A_254 = arith.constant 0 : i32
      %dma_wait3A_255 = arith.constant 0 : i32
      %dma_wait3A_256 = tpu.memref_slice %arg3[%add3A, %dma_wait3A_254, %dma_wait3A_255] : memref<32x20x500xi32, #tpu.memory_space<hbm>> -> memref<1x20x500xi32, #tpu.memory_space<hbm>>
      %dma_wait3A_257 = tpu.memref_squeeze %dma_wait3A_256 : memref<1x20x500xi32, #tpu.memory_space<hbm>> -> memref<20x500xi32, #tpu.memory_space<hbm>>
      tpu.wait_dma2 semaphore(%run_scoped3A : memref<!tpu.dma_semaphore, #tpu.memory_space<semaphore_mem>>) src(%dma_wait3A_257 : memref<20x500xi32, #tpu.memory_space<hbm>>) dst(%arg10 : memref<20x500xi32, #tpu.memory_space<vmem>>)
      tpu.yield
    }) : () -> ()
    %barrier3A = arith.constant 0 : index
    tpu.barrier barrier_id(%barrier3A)
    %dma_start3A = arith.constant 0 : i32
    %dma_start3A_5 = arith.constant 0 : i32
    %dma_start3A_6 = tpu.memref_slice %arg9[%dma_start3A, %dma_start3A_5] : memref<20x500xi32, #tpu.memory_space<vmem>> -> memref<1x500xi32, #tpu.memory_space<vmem>>
    %dma_start3A_7 = tpu.memref_squeeze %dma_start3A_6 : memref<1x500xi32, #tpu.memory_space<vmem>> -> memref<500xi32, #tpu.memory_space<vmem>>
    %dma_start3A_8 = arith.constant 0 : i32
    %dma_start3A_9 = arith.constant 0 : i32
    %dma_start3A_10 = tpu.memref_slice %arg4[%dma_start3A_8, %dma_start3A_9] : memref<10240x16xf32, #tpu.memory_space<hbm>> -> memref<10240x16xf32, #tpu.memory_space<hbm>>
    tpu.enqueue_indirect_dma source(%dma_start3A_10 : memref<10240x16xf32, #tpu.memory_space<hbm>>) target(%arg11 : memref<500x16xf32, #tpu.memory_space<vmem>>) offsets(%dma_start3A_7 : memref<500xi32, #tpu.memory_space<vmem>>) semaphore(%arg16 : memref<!tpu.dma_semaphore, #tpu.memory_space<semaphore_mem>>)
    %dma_start3A_11 = arith.constant 1 : i32
    %dma_start3A_12 = arith.constant 0 : i32
    %dma_start3A_13 = tpu.memref_slice %arg9[%dma_start3A_11, %dma_start3A_12] : memref<20x500xi32, #tpu.memory_space<vmem>> -> memref<1x500xi32, #tpu.memory_space<vmem>>
    %dma_start3A_14 = tpu.memref_squeeze %dma_start3A_13 : memref<1x500xi32, #tpu.memory_space<vmem>> -> memref<500xi32, #tpu.memory_space<vmem>>
    %dma_start3A_15 = arith.constant 0 : i32
    %dma_start3A_16 = arith.constant 0 : i32
    %dma_start3A_17 = tpu.memref_slice %arg4[%dma_start3A_15, %dma_start3A_16] : memref<10240x16xf32, #tpu.memory_space<hbm>> -> memref<10240x16xf32, #tpu.memory_space<hbm>>
    tpu.enqueue_indirect_dma source(%dma_start3A_17 : memref<10240x16xf32, #tpu.memory_space<hbm>>) target(%arg12 : memref<500x16xf32, #tpu.memory_space<vmem>>) offsets(%dma_start3A_14 : memref<500xi32, #tpu.memory_space<vmem>>) semaphore(%arg17 : memref<!tpu.dma_semaphore, #tpu.memory_space<semaphore_mem>>)
    %dma_start3A_18 = arith.constant 2 : i32
    %dma_start3A_19 = arith.constant 0 : i32
    %dma_start3A_20 = tpu.memref_slice %arg9[%dma_start3A_18, %dma_start3A_19] : memref<20x500xi32, #tpu.memory_space<vmem>> -> memref<1x500xi32, #tpu.memory_space<vmem>>
    %dma_start3A_21 = tpu.memref_squeeze %dma_start3A_20 : memref<1x500xi32, #tpu.memory_space<vmem>> -> memref<500xi32, #tpu.memory_space<vmem>>
    %dma_start3A_22 = arith.constant 0 : i32
    %dma_start3A_23 = arith.constant 0 : i32
    %dma_start3A_24 = tpu.memref_slice %arg4[%dma_start3A_22, %dma_start3A_23] : memref<10240x16xf32, #tpu.memory_space<hbm>> -> memref<10240x16xf32, #tpu.memory_space<hbm>>
    tpu.enqueue_indirect_dma source(%dma_start3A_24 : memref<10240x16xf32, #tpu.memory_space<hbm>>) target(%arg13 : memref<500x16xf32, #tpu.memory_space<vmem>>) offsets(%dma_start3A_21 : memref<500xi32, #tpu.memory_space<vmem>>) semaphore(%arg18 : memref<!tpu.dma_semaphore, #tpu.memory_space<semaphore_mem>>)
    %scan3A = arith.constant 0 : i32
    %scan3A_25 = arith.constant 0 : i32
    %scan3A_26 = arith.constant 4 : i32
    %scan3A_27 = arith.addi %scan3A_25, %scan3A_26 : i32
    %scan3A_28 = arith.constant 1 : i32
    scf.for %scan3A_242 = %scan3A_25 to %scan3A_27 step %scan3A_28  : i32 {
      %mul3A_243 = arith.constant 5 : i32
      %mul3A_244 = arith.muli %mul3A_243, %scan3A_242 : i32
      %add3A_245 = arith.constant 0 : i32
      %add3A_246 = arith.addi %mul3A_244, %add3A_245 : i32
      %dma_wait3A_247 = arith.constant 0 : i32
      %dma_wait3A_248 = tpu.memref_slice %arg9[%add3A_246, %dma_wait3A_247] : memref<20x500xi32, #tpu.memory_space<vmem>> -> memref<1x500xi32, #tpu.memory_space<vmem>>
      %dma_wait3A_249 = tpu.memref_squeeze %dma_wait3A_248 : memref<1x500xi32, #tpu.memory_space<vmem>> -> memref<500xi32, #tpu.memory_space<vmem>>
      %dma_wait3A_250 = arith.constant 0 : i32
      %dma_wait3A_251 = arith.constant 0 : i32
      %dma_wait3A_252 = tpu.memref_slice %arg4[%dma_wait3A_250, %dma_wait3A_251] : memref<10240x16xf32, #tpu.memory_space<hbm>> -> memref<10240x16xf32, #tpu.memory_space<hbm>>
      tpu.wait_indirect_dma semaphore(%arg16 : memref<!tpu.dma_semaphore, #tpu.memory_space<semaphore_mem>>) src(%dma_wait3A_252 : memref<10240x16xf32, #tpu.memory_space<hbm>>) dst(%arg11 : memref<500x16xf32, #tpu.memory_space<vmem>>)
      %dma_start3A_253 = arith.constant 0 : i32
      %dma_start3A_254 = tpu.memref_slice %arg10[%add3A_246, %dma_start3A_253] : memref<20x500xi32, #tpu.memory_space<vmem>> -> memref<1x500xi32, #tpu.memory_space<vmem>>
      %dma_start3A_255 = tpu.memref_squeeze %dma_start3A_254 : memref<1x500xi32, #tpu.memory_space<vmem>> -> memref<500xi32, #tpu.memory_space<vmem>>
      %dma_start3A_256 = arith.constant 0 : i32
      %dma_start3A_257 = arith.constant 0 : i32
      %dma_start3A_258 = tpu.memref_slice %arg28[%dma_start3A_256, %dma_start3A_257] : memref<10240x16xf32, #tpu.memory_space<vmem_shared>> -> memref<10240x16xf32, #tpu.memory_space<vmem_shared>>
      tpu.enqueue_indirect_dma source(%arg11 : memref<500x16xf32, #tpu.memory_space<vmem>>) target(%dma_start3A_258 : memref<10240x16xf32, #tpu.memory_space<vmem_shared>>) offsets(%dma_start3A_255 : memref<500xi32, #tpu.memory_space<vmem>>) semaphore(%arg21 : memref<!tpu.dma_semaphore, #tpu.memory_space<semaphore_mem>>) {add = true}
      %ge3A = arith.constant 2 : i32
      %ge3A_259 = arith.cmpi sge, %add3A_246, %ge3A : i32
      %convert_element_type3A = arith.extui %ge3A_259 : i1 to i32
      %cond3A = arith.constant 0 : i32
      %cond3A_260 = arith.cmpi ne, %convert_element_type3A, %cond3A : i32
      scf.if %cond3A_260 {
        %sub3A_379 = arith.constant 2 : i32
        %sub3A_380 = arith.subi %add3A_246, %sub3A_379 : i32
        %dma_wait3A_381 = arith.constant 0 : i32
        %dma_wait3A_382 = tpu.memref_slice %arg10[%sub3A_380, %dma_wait3A_381] : memref<20x500xi32, #tpu.memory_space<vmem>> -> memref<1x500xi32, #tpu.memory_space<vmem>>
        %dma_wait3A_383 = tpu.memref_squeeze %dma_wait3A_382 : memref<1x500xi32, #tpu.memory_space<vmem>> -> memref<500xi32, #tpu.memory_space<vmem>>
        %dma_wait3A_384 = arith.constant 0 : i32
        %dma_wait3A_385 = arith.constant 0 : i32
        %dma_wait3A_386 = tpu.memref_slice %arg28[%dma_wait3A_384, %dma_wait3A_385] : memref<10240x16xf32, #tpu.memory_space<vmem_shared>> -> memref<10240x16xf32, #tpu.memory_space<vmem_shared>>
        tpu.wait_indirect_dma semaphore(%arg24 : memref<!tpu.dma_semaphore, #tpu.memory_space<semaphore_mem>>) src(%arg14 : memref<500x16xf32, #tpu.memory_space<vmem>>) dst(%dma_wait3A_386 : memref<10240x16xf32, #tpu.memory_space<vmem_shared>>)
      } else {
      }
      %add3A_261 = arith.constant 3 : i32
      %add3A_262 = arith.addi %add3A_246, %add3A_261 : i32
      %lt3A = arith.constant 20 : i32
      %lt3A_263 = arith.cmpi slt, %add3A_262, %lt3A : i32
      %convert_element_type3A_264 = arith.extui %lt3A_263 : i1 to i32
      %cond3A_265 = arith.constant 0 : i32
      %cond3A_266 = arith.cmpi ne, %convert_element_type3A_264, %cond3A_265 : i32
      scf.if %cond3A_266 {
        %add3A_379 = arith.constant 3 : i32
        %add3A_380 = arith.addi %add3A_246, %add3A_379 : i32
        %dma_start3A_381 = arith.constant 0 : i32
        %dma_start3A_382 = tpu.memref_slice %arg9[%add3A_380, %dma_start3A_381] : memref<20x500xi32, #tpu.memory_space<vmem>> -> memref<1x500xi32, #tpu.memory_space<vmem>>
        %dma_start3A_383 = tpu.memref_squeeze %dma_start3A_382 : memref<1x500xi32, #tpu.memory_space<vmem>> -> memref<500xi32, #tpu.memory_space<vmem>>
        %dma_start3A_384 = arith.constant 0 : i32
        %dma_start3A_385 = arith.constant 0 : i32
        %dma_start3A_386 = tpu.memref_slice %arg4[%dma_start3A_384, %dma_start3A_385] : memref<10240x16xf32, #tpu.memory_space<hbm>> -> memref<10240x16xf32, #tpu.memory_space<hbm>>
        tpu.enqueue_indirect_dma source(%dma_start3A_386 : memref<10240x16xf32, #tpu.memory_space<hbm>>) target(%arg14 : memref<500x16xf32, #tpu.memory_space<vmem>>) offsets(%dma_start3A_383 : memref<500xi32, #tpu.memory_space<vmem>>) semaphore(%arg19 : memref<!tpu.dma_semaphore, #tpu.memory_space<semaphore_mem>>)
      } else {
      }
      %mul3A_267 = arith.constant 5 : i32
      %mul3A_268 = arith.muli %mul3A_267, %scan3A_242 : i32
      %add3A_269 = arith.constant 1 : i32
      %add3A_270 = arith.addi %mul3A_268, %add3A_269 : i32
      %dma_wait3A_271 = arith.constant 0 : i32
      %dma_wait3A_272 = tpu.memref_slice %arg9[%add3A_270, %dma_wait3A_271] : memref<20x500xi32, #tpu.memory_space<vmem>> -> memref<1x500xi32, #tpu.memory_space<vmem>>
      %dma_wait3A_273 = tpu.memref_squeeze %dma_wait3A_272 : memref<1x500xi32, #tpu.memory_space<vmem>> -> memref<500xi32, #tpu.memory_space<vmem>>
      %dma_wait3A_274 = arith.constant 0 : i32
      %dma_wait3A_275 = arith.constant 0 : i32
      %dma_wait3A_276 = tpu.memref_slice %arg4[%dma_wait3A_274, %dma_wait3A_275] : memref<10240x16xf32, #tpu.memory_space<hbm>> -> memref<10240x16xf32, #tpu.memory_space<hbm>>
      tpu.wait_indirect_dma semaphore(%arg17 : memref<!tpu.dma_semaphore, #tpu.memory_space<semaphore_mem>>) src(%dma_wait3A_276 : memref<10240x16xf32, #tpu.memory_space<hbm>>) dst(%arg12 : memref<500x16xf32, #tpu.memory_space<vmem>>)
      %dma_start3A_277 = arith.constant 0 : i32
      %dma_start3A_278 = tpu.memref_slice %arg10[%add3A_270, %dma_start3A_277] : memref<20x500xi32, #tpu.memory_space<vmem>> -> memref<1x500xi32, #tpu.memory_space<vmem>>
      %dma_start3A_279 = tpu.memref_squeeze %dma_start3A_278 : memref<1x500xi32, #tpu.memory_space<vmem>> -> memref<500xi32, #tpu.memory_space<vmem>>
      %dma_start3A_280 = arith.constant 0 : i32
      %dma_start3A_281 = arith.constant 0 : i32
      %dma_start3A_282 = tpu.memref_slice %arg28[%dma_start3A_280, %dma_start3A_281] : memref<10240x16xf32, #tpu.memory_space<vmem_shared>> -> memref<10240x16xf32, #tpu.memory_space<vmem_shared>>
      tpu.enqueue_indirect_dma source(%arg12 : memref<500x16xf32, #tpu.memory_space<vmem>>) target(%dma_start3A_282 : memref<10240x16xf32, #tpu.memory_space<vmem_shared>>) offsets(%dma_start3A_279 : memref<500xi32, #tpu.memory_space<vmem>>) semaphore(%arg22 : memref<!tpu.dma_semaphore, #tpu.memory_space<semaphore_mem>>) {add = true}
      %ge3A_283 = arith.constant 2 : i32
      %ge3A_284 = arith.cmpi sge, %add3A_270, %ge3A_283 : i32
      %convert_element_type3A_285 = arith.extui %ge3A_284 : i1 to i32
      %cond3A_286 = arith.constant 0 : i32
      %cond3A_287 = arith.cmpi ne, %convert_element_type3A_285, %cond3A_286 : i32
      scf.if %cond3A_287 {
        %sub3A_379 = arith.constant 2 : i32
        %sub3A_380 = arith.subi %add3A_270, %sub3A_379 : i32
        %dma_wait3A_381 = arith.constant 0 : i32
        %dma_wait3A_382 = tpu.memref_slice %arg10[%sub3A_380, %dma_wait3A_381] : memref<20x500xi32, #tpu.memory_space<vmem>> -> memref<1x500xi32, #tpu.memory_space<vmem>>
        %dma_wait3A_383 = tpu.memref_squeeze %dma_wait3A_382 : memref<1x500xi32, #tpu.memory_space<vmem>> -> memref<500xi32, #tpu.memory_space<vmem>>
        %dma_wait3A_384 = arith.constant 0 : i32
        %dma_wait3A_385 = arith.constant 0 : i32
        %dma_wait3A_386 = tpu.memref_slice %arg28[%dma_wait3A_384, %dma_wait3A_385] : memref<10240x16xf32, #tpu.memory_space<vmem_shared>> -> memref<10240x16xf32, #tpu.memory_space<vmem_shared>>
        tpu.wait_indirect_dma semaphore(%arg25 : memref<!tpu.dma_semaphore, #tpu.memory_space<semaphore_mem>>) src(%arg15 : memref<500x16xf32, #tpu.memory_space<vmem>>) dst(%dma_wait3A_386 : memref<10240x16xf32, #tpu.memory_space<vmem_shared>>)
      } else {
      }
      %add3A_288 = arith.constant 3 : i32
      %add3A_289 = arith.addi %add3A_270, %add3A_288 : i32
      %lt3A_290 = arith.constant 20 : i32
      %lt3A_291 = arith.cmpi slt, %add3A_289, %lt3A_290 : i32
      %convert_element_type3A_292 = arith.extui %lt3A_291 : i1 to i32
      %cond3A_293 = arith.constant 0 : i32
      %cond3A_294 = arith.cmpi ne, %convert_element_type3A_292, %cond3A_293 : i32
      scf.if %cond3A_294 {
        %add3A_379 = arith.constant 3 : i32
        %add3A_380 = arith.addi %add3A_270, %add3A_379 : i32
        %dma_start3A_381 = arith.constant 0 : i32
        %dma_start3A_382 = tpu.memref_slice %arg9[%add3A_380, %dma_start3A_381] : memref<20x500xi32, #tpu.memory_space<vmem>> -> memref<1x500xi32, #tpu.memory_space<vmem>>
        %dma_start3A_383 = tpu.memref_squeeze %dma_start3A_382 : memref<1x500xi32, #tpu.memory_space<vmem>> -> memref<500xi32, #tpu.memory_space<vmem>>
        %dma_start3A_384 = arith.constant 0 : i32
        %dma_start3A_385 = arith.constant 0 : i32
        %dma_start3A_386 = tpu.memref_slice %arg4[%dma_start3A_384, %dma_start3A_385] : memref<10240x16xf32, #tpu.memory_space<hbm>> -> memref<10240x16xf32, #tpu.memory_space<hbm>>
        tpu.enqueue_indirect_dma source(%dma_start3A_386 : memref<10240x16xf32, #tpu.memory_space<hbm>>) target(%arg15 : memref<500x16xf32, #tpu.memory_space<vmem>>) offsets(%dma_start3A_383 : memref<500xi32, #tpu.memory_space<vmem>>) semaphore(%arg20 : memref<!tpu.dma_semaphore, #tpu.memory_space<semaphore_mem>>)
      } else {
      }
      %mul3A_295 = arith.constant 5 : i32
      %mul3A_296 = arith.muli %mul3A_295, %scan3A_242 : i32
      %add3A_297 = arith.constant 2 : i32
      %add3A_298 = arith.addi %mul3A_296, %add3A_297 : i32
      %dma_wait3A_299 = arith.constant 0 : i32
      %dma_wait3A_300 = tpu.memref_slice %arg9[%add3A_298, %dma_wait3A_299] : memref<20x500xi32, #tpu.memory_space<vmem>> -> memref<1x500xi32, #tpu.memory_space<vmem>>
      %dma_wait3A_301 = tpu.memref_squeeze %dma_wait3A_300 : memref<1x500xi32, #tpu.memory_space<vmem>> -> memref<500xi32, #tpu.memory_space<vmem>>
      %dma_wait3A_302 = arith.constant 0 : i32
      %dma_wait3A_303 = arith.constant 0 : i32
      %dma_wait3A_304 = tpu.memref_slice %arg4[%dma_wait3A_302, %dma_wait3A_303] : memref<10240x16xf32, #tpu.memory_space<hbm>> -> memref<10240x16xf32, #tpu.memory_space<hbm>>
      tpu.wait_indirect_dma semaphore(%arg18 : memref<!tpu.dma_semaphore, #tpu.memory_space<semaphore_mem>>) src(%dma_wait3A_304 : memref<10240x16xf32, #tpu.memory_space<hbm>>) dst(%arg13 : memref<500x16xf32, #tpu.memory_space<vmem>>)
      %dma_start3A_305 = arith.constant 0 : i32
      %dma_start3A_306 = tpu.memref_slice %arg10[%add3A_298, %dma_start3A_305] : memref<20x500xi32, #tpu.memory_space<vmem>> -> memref<1x500xi32, #tpu.memory_space<vmem>>
      %dma_start3A_307 = tpu.memref_squeeze %dma_start3A_306 : memref<1x500xi32, #tpu.memory_space<vmem>> -> memref<500xi32, #tpu.memory_space<vmem>>
      %dma_start3A_308 = arith.constant 0 : i32
      %dma_start3A_309 = arith.constant 0 : i32
      %dma_start3A_310 = tpu.memref_slice %arg28[%dma_start3A_308, %dma_start3A_309] : memref<10240x16xf32, #tpu.memory_space<vmem_shared>> -> memref<10240x16xf32, #tpu.memory_space<vmem_shared>>
      tpu.enqueue_indirect_dma source(%arg13 : memref<500x16xf32, #tpu.memory_space<vmem>>) target(%dma_start3A_310 : memref<10240x16xf32, #tpu.memory_space<vmem_shared>>) offsets(%dma_start3A_307 : memref<500xi32, #tpu.memory_space<vmem>>) semaphore(%arg23 : memref<!tpu.dma_semaphore, #tpu.memory_space<semaphore_mem>>) {add = true}
      %ge3A_311 = arith.constant 2 : i32
      %ge3A_312 = arith.cmpi sge, %add3A_298, %ge3A_311 : i32
      %convert_element_type3A_313 = arith.extui %ge3A_312 : i1 to i32
      %cond3A_314 = arith.constant 0 : i32
      %cond3A_315 = arith.cmpi ne, %convert_element_type3A_313, %cond3A_314 : i32
      scf.if %cond3A_315 {
        %sub3A_379 = arith.constant 2 : i32
        %sub3A_380 = arith.subi %add3A_298, %sub3A_379 : i32
        %dma_wait3A_381 = arith.constant 0 : i32
        %dma_wait3A_382 = tpu.memref_slice %arg10[%sub3A_380, %dma_wait3A_381] : memref<20x500xi32, #tpu.memory_space<vmem>> -> memref<1x500xi32, #tpu.memory_space<vmem>>
        %dma_wait3A_383 = tpu.memref_squeeze %dma_wait3A_382 : memref<1x500xi32, #tpu.memory_space<vmem>> -> memref<500xi32, #tpu.memory_space<vmem>>
        %dma_wait3A_384 = arith.constant 0 : i32
        %dma_wait3A_385 = arith.constant 0 : i32
        %dma_wait3A_386 = tpu.memref_slice %arg28[%dma_wait3A_384, %dma_wait3A_385] : memref<10240x16xf32, #tpu.memory_space<vmem_shared>> -> memref<10240x16xf32, #tpu.memory_space<vmem_shared>>
        tpu.wait_indirect_dma semaphore(%arg21 : memref<!tpu.dma_semaphore, #tpu.memory_space<semaphore_mem>>) src(%arg11 : memref<500x16xf32, #tpu.memory_space<vmem>>) dst(%dma_wait3A_386 : memref<10240x16xf32, #tpu.memory_space<vmem_shared>>)
      } else {
      }
      %add3A_316 = arith.constant 3 : i32
      %add3A_317 = arith.addi %add3A_298, %add3A_316 : i32
      %lt3A_318 = arith.constant 20 : i32
      %lt3A_319 = arith.cmpi slt, %add3A_317, %lt3A_318 : i32
      %convert_element_type3A_320 = arith.extui %lt3A_319 : i1 to i32
      %cond3A_321 = arith.constant 0 : i32
      %cond3A_322 = arith.cmpi ne, %convert_element_type3A_320, %cond3A_321 : i32
      scf.if %cond3A_322 {
        %add3A_379 = arith.constant 3 : i32
        %add3A_380 = arith.addi %add3A_298, %add3A_379 : i32
        %dma_start3A_381 = arith.constant 0 : i32
        %dma_start3A_382 = tpu.memref_slice %arg9[%add3A_380, %dma_start3A_381] : memref<20x500xi32, #tpu.memory_space<vmem>> -> memref<1x500xi32, #tpu.memory_space<vmem>>
        %dma_start3A_383 = tpu.memref_squeeze %dma_start3A_382 : memref<1x500xi32, #tpu.memory_space<vmem>> -> memref<500xi32, #tpu.memory_space<vmem>>
        %dma_start3A_384 = arith.constant 0 : i32
        %dma_start3A_385 = arith.constant 0 : i32
        %dma_start3A_386 = tpu.memref_slice %arg4[%dma_start3A_384, %dma_start3A_385] : memref<10240x16xf32, #tpu.memory_space<hbm>> -> memref<10240x16xf32, #tpu.memory_space<hbm>>
        tpu.enqueue_indirect_dma source(%dma_start3A_386 : memref<10240x16xf32, #tpu.memory_space<hbm>>) target(%arg11 : memref<500x16xf32, #tpu.memory_space<vmem>>) offsets(%dma_start3A_383 : memref<500xi32, #tpu.memory_space<vmem>>) semaphore(%arg16 : memref<!tpu.dma_semaphore, #tpu.memory_space<semaphore_mem>>)
      } else {
      }
      %mul3A_323 = arith.constant 5 : i32
      %mul3A_324 = arith.muli %mul3A_323, %scan3A_242 : i32
      %add3A_325 = arith.constant 3 : i32
      %add3A_326 = arith.addi %mul3A_324, %add3A_325 : i32
      %dma_wait3A_327 = arith.constant 0 : i32
      %dma_wait3A_328 = tpu.memref_slice %arg9[%add3A_326, %dma_wait3A_327] : memref<20x500xi32, #tpu.memory_space<vmem>> -> memref<1x500xi32, #tpu.memory_space<vmem>>
      %dma_wait3A_329 = tpu.memref_squeeze %dma_wait3A_328 : memref<1x500xi32, #tpu.memory_space<vmem>> -> memref<500xi32, #tpu.memory_space<vmem>>
      %dma_wait3A_330 = arith.constant 0 : i32
      %dma_wait3A_331 = arith.constant 0 : i32
      %dma_wait3A_332 = tpu.memref_slice %arg4[%dma_wait3A_330, %dma_wait3A_331] : memref<10240x16xf32, #tpu.memory_space<hbm>> -> memref<10240x16xf32, #tpu.memory_space<hbm>>
      tpu.wait_indirect_dma semaphore(%arg19 : memref<!tpu.dma_semaphore, #tpu.memory_space<semaphore_mem>>) src(%dma_wait3A_332 : memref<10240x16xf32, #tpu.memory_space<hbm>>) dst(%arg14 : memref<500x16xf32, #tpu.memory_space<vmem>>)
      %dma_start3A_333 = arith.constant 0 : i32
      %dma_start3A_334 = tpu.memref_slice %arg10[%add3A_326, %dma_start3A_333] : memref<20x500xi32, #tpu.memory_space<vmem>> -> memref<1x500xi32, #tpu.memory_space<vmem>>
      %dma_start3A_335 = tpu.memref_squeeze %dma_start3A_334 : memref<1x500xi32, #tpu.memory_space<vmem>> -> memref<500xi32, #tpu.memory_space<vmem>>
      %dma_start3A_336 = arith.constant 0 : i32
      %dma_start3A_337 = arith.constant 0 : i32
      %dma_start3A_338 = tpu.memref_slice %arg28[%dma_start3A_336, %dma_start3A_337] : memref<10240x16xf32, #tpu.memory_space<vmem_shared>> -> memref<10240x16xf32, #tpu.memory_space<vmem_shared>>
      tpu.enqueue_indirect_dma source(%arg14 : memref<500x16xf32, #tpu.memory_space<vmem>>) target(%dma_start3A_338 : memref<10240x16xf32, #tpu.memory_space<vmem_shared>>) offsets(%dma_start3A_335 : memref<500xi32, #tpu.memory_space<vmem>>) semaphore(%arg24 : memref<!tpu.dma_semaphore, #tpu.memory_space<semaphore_mem>>) {add = true}
      %ge3A_339 = arith.constant 2 : i32
      %ge3A_340 = arith.cmpi sge, %add3A_326, %ge3A_339 : i32
      %convert_element_type3A_341 = arith.extui %ge3A_340 : i1 to i32
      %cond3A_342 = arith.constant 0 : i32
      %cond3A_343 = arith.cmpi ne, %convert_element_type3A_341, %cond3A_342 : i32
      scf.if %cond3A_343 {
        %sub3A_379 = arith.constant 2 : i32
        %sub3A_380 = arith.subi %add3A_326, %sub3A_379 : i32
        %dma_wait3A_381 = arith.constant 0 : i32
        %dma_wait3A_382 = tpu.memref_slice %arg10[%sub3A_380, %dma_wait3A_381] : memref<20x500xi32, #tpu.memory_space<vmem>> -> memref<1x500xi32, #tpu.memory_space<vmem>>
        %dma_wait3A_383 = tpu.memref_squeeze %dma_wait3A_382 : memref<1x500xi32, #tpu.memory_space<vmem>> -> memref<500xi32, #tpu.memory_space<vmem>>
        %dma_wait3A_384 = arith.constant 0 : i32
        %dma_wait3A_385 = arith.constant 0 : i32
        %dma_wait3A_386 = tpu.memref_slice %arg28[%dma_wait3A_384, %dma_wait3A_385] : memref<10240x16xf32, #tpu.memory_space<vmem_shared>> -> memref<10240x16xf32, #tpu.memory_space<vmem_shared>>
        tpu.wait_indirect_dma semaphore(%arg22 : memref<!tpu.dma_semaphore, #tpu.memory_space<semaphore_mem>>) src(%arg12 : memref<500x16xf32, #tpu.memory_space<vmem>>) dst(%dma_wait3A_386 : memref<10240x16xf32, #tpu.memory_space<vmem_shared>>)
      } else {
      }
      %add3A_344 = arith.constant 3 : i32
      %add3A_345 = arith.addi %add3A_326, %add3A_344 : i32
      %lt3A_346 = arith.constant 20 : i32
      %lt3A_347 = arith.cmpi slt, %add3A_345, %lt3A_346 : i32
      %convert_element_type3A_348 = arith.extui %lt3A_347 : i1 to i32
      %cond3A_349 = arith.constant 0 : i32
      %cond3A_350 = arith.cmpi ne, %convert_element_type3A_348, %cond3A_349 : i32
      scf.if %cond3A_350 {
        %add3A_379 = arith.constant 3 : i32
        %add3A_380 = arith.addi %add3A_326, %add3A_379 : i32
        %dma_start3A_381 = arith.constant 0 : i32
        %dma_start3A_382 = tpu.memref_slice %arg9[%add3A_380, %dma_start3A_381] : memref<20x500xi32, #tpu.memory_space<vmem>> -> memref<1x500xi32, #tpu.memory_space<vmem>>
        %dma_start3A_383 = tpu.memref_squeeze %dma_start3A_382 : memref<1x500xi32, #tpu.memory_space<vmem>> -> memref<500xi32, #tpu.memory_space<vmem>>
        %dma_start3A_384 = arith.constant 0 : i32
        %dma_start3A_385 = arith.constant 0 : i32
        %dma_start3A_386 = tpu.memref_slice %arg4[%dma_start3A_384, %dma_start3A_385] : memref<10240x16xf32, #tpu.memory_space<hbm>> -> memref<10240x16xf32, #tpu.memory_space<hbm>>
        tpu.enqueue_indirect_dma source(%dma_start3A_386 : memref<10240x16xf32, #tpu.memory_space<hbm>>) target(%arg12 : memref<500x16xf32, #tpu.memory_space<vmem>>) offsets(%dma_start3A_383 : memref<500xi32, #tpu.memory_space<vmem>>) semaphore(%arg17 : memref<!tpu.dma_semaphore, #tpu.memory_space<semaphore_mem>>)
      } else {
      }
      %mul3A_351 = arith.constant 5 : i32
      %mul3A_352 = arith.muli %mul3A_351, %scan3A_242 : i32
      %add3A_353 = arith.constant 4 : i32
      %add3A_354 = arith.addi %mul3A_352, %add3A_353 : i32
      %dma_wait3A_355 = arith.constant 0 : i32
      %dma_wait3A_356 = tpu.memref_slice %arg9[%add3A_354, %dma_wait3A_355] : memref<20x500xi32, #tpu.memory_space<vmem>> -> memref<1x500xi32, #tpu.memory_space<vmem>>
      %dma_wait3A_357 = tpu.memref_squeeze %dma_wait3A_356 : memref<1x500xi32, #tpu.memory_space<vmem>> -> memref<500xi32, #tpu.memory_space<vmem>>
      %dma_wait3A_358 = arith.constant 0 : i32
      %dma_wait3A_359 = arith.constant 0 : i32
      %dma_wait3A_360 = tpu.memref_slice %arg4[%dma_wait3A_358, %dma_wait3A_359] : memref<10240x16xf32, #tpu.memory_space<hbm>> -> memref<10240x16xf32, #tpu.memory_space<hbm>>
      tpu.wait_indirect_dma semaphore(%arg20 : memref<!tpu.dma_semaphore, #tpu.memory_space<semaphore_mem>>) src(%dma_wait3A_360 : memref<10240x16xf32, #tpu.memory_space<hbm>>) dst(%arg15 : memref<500x16xf32, #tpu.memory_space<vmem>>)
      %dma_start3A_361 = arith.constant 0 : i32
      %dma_start3A_362 = tpu.memref_slice %arg10[%add3A_354, %dma_start3A_361] : memref<20x500xi32, #tpu.memory_space<vmem>> -> memref<1x500xi32, #tpu.memory_space<vmem>>
      %dma_start3A_363 = tpu.memref_squeeze %dma_start3A_362 : memref<1x500xi32, #tpu.memory_space<vmem>> -> memref<500xi32, #tpu.memory_space<vmem>>
      %dma_start3A_364 = arith.constant 0 : i32
      %dma_start3A_365 = arith.constant 0 : i32
      %dma_start3A_366 = tpu.memref_slice %arg28[%dma_start3A_364, %dma_start3A_365] : memref<10240x16xf32, #tpu.memory_space<vmem_shared>> -> memref<10240x16xf32, #tpu.memory_space<vmem_shared>>
      tpu.enqueue_indirect_dma source(%arg15 : memref<500x16xf32, #tpu.memory_space<vmem>>) target(%dma_start3A_366 : memref<10240x16xf32, #tpu.memory_space<vmem_shared>>) offsets(%dma_start3A_363 : memref<500xi32, #tpu.memory_space<vmem>>) semaphore(%arg25 : memref<!tpu.dma_semaphore, #tpu.memory_space<semaphore_mem>>) {add = true}
      %ge3A_367 = arith.constant 2 : i32
      %ge3A_368 = arith.cmpi sge, %add3A_354, %ge3A_367 : i32
      %convert_element_type3A_369 = arith.extui %ge3A_368 : i1 to i32
      %cond3A_370 = arith.constant 0 : i32
      %cond3A_371 = arith.cmpi ne, %convert_element_type3A_369, %cond3A_370 : i32
      scf.if %cond3A_371 {
        %sub3A_379 = arith.constant 2 : i32
        %sub3A_380 = arith.subi %add3A_354, %sub3A_379 : i32
        %dma_wait3A_381 = arith.constant 0 : i32
        %dma_wait3A_382 = tpu.memref_slice %arg10[%sub3A_380, %dma_wait3A_381] : memref<20x500xi32, #tpu.memory_space<vmem>> -> memref<1x500xi32, #tpu.memory_space<vmem>>
        %dma_wait3A_383 = tpu.memref_squeeze %dma_wait3A_382 : memref<1x500xi32, #tpu.memory_space<vmem>> -> memref<500xi32, #tpu.memory_space<vmem>>
        %dma_wait3A_384 = arith.constant 0 : i32
        %dma_wait3A_385 = arith.constant 0 : i32
        %dma_wait3A_386 = tpu.memref_slice %arg28[%dma_wait3A_384, %dma_wait3A_385] : memref<10240x16xf32, #tpu.memory_space<vmem_shared>> -> memref<10240x16xf32, #tpu.memory_space<vmem_shared>>
        tpu.wait_indirect_dma semaphore(%arg23 : memref<!tpu.dma_semaphore, #tpu.memory_space<semaphore_mem>>) src(%arg13 : memref<500x16xf32, #tpu.memory_space<vmem>>) dst(%dma_wait3A_386 : memref<10240x16xf32, #tpu.memory_space<vmem_shared>>)
      } else {
      }
      %add3A_372 = arith.constant 3 : i32
      %add3A_373 = arith.addi %add3A_354, %add3A_372 : i32
      %lt3A_374 = arith.constant 20 : i32
      %lt3A_375 = arith.cmpi slt, %add3A_373, %lt3A_374 : i32
      %convert_element_type3A_376 = arith.extui %lt3A_375 : i1 to i32
      %cond3A_377 = arith.constant 0 : i32
      %cond3A_378 = arith.cmpi ne, %convert_element_type3A_376, %cond3A_377 : i32
      scf.if %cond3A_378 {
        %add3A_379 = arith.constant 3 : i32
        %add3A_380 = arith.addi %add3A_354, %add3A_379 : i32
        %dma_start3A_381 = arith.constant 0 : i32
        %dma_start3A_382 = tpu.memref_slice %arg9[%add3A_380, %dma_start3A_381] : memref<20x500xi32, #tpu.memory_space<vmem>> -> memref<1x500xi32, #tpu.memory_space<vmem>>
        %dma_start3A_383 = tpu.memref_squeeze %dma_start3A_382 : memref<1x500xi32, #tpu.memory_space<vmem>> -> memref<500xi32, #tpu.memory_space<vmem>>
        %dma_start3A_384 = arith.constant 0 : i32
        %dma_start3A_385 = arith.constant 0 : i32
        %dma_start3A_386 = tpu.memref_slice %arg4[%dma_start3A_384, %dma_start3A_385] : memref<10240x16xf32, #tpu.memory_space<hbm>> -> memref<10240x16xf32, #tpu.memory_space<hbm>>
        tpu.enqueue_indirect_dma source(%dma_start3A_386 : memref<10240x16xf32, #tpu.memory_space<hbm>>) target(%arg13 : memref<500x16xf32, #tpu.memory_space<vmem>>) offsets(%dma_start3A_383 : memref<500xi32, #tpu.memory_space<vmem>>) semaphore(%arg18 : memref<!tpu.dma_semaphore, #tpu.memory_space<semaphore_mem>>)
      } else {
      }
    }
    %scan3A_29 = arith.constant 4 : i32
    %dma_wait3A = arith.constant 18 : i32
    %dma_wait3A_30 = arith.constant 0 : i32
    %dma_wait3A_31 = tpu.memref_slice %arg10[%dma_wait3A, %dma_wait3A_30] : memref<20x500xi32, #tpu.memory_space<vmem>> -> memref<1x500xi32, #tpu.memory_space<vmem>>
    %dma_wait3A_32 = tpu.memref_squeeze %dma_wait3A_31 : memref<1x500xi32, #tpu.memory_space<vmem>> -> memref<500xi32, #tpu.memory_space<vmem>>
    %dma_wait3A_33 = arith.constant 0 : i32
    %dma_wait3A_34 = arith.constant 0 : i32
    %dma_wait3A_35 = tpu.memref_slice %arg28[%dma_wait3A_33, %dma_wait3A_34] : memref<10240x16xf32, #tpu.memory_space<vmem_shared>> -> memref<10240x16xf32, #tpu.memory_space<vmem_shared>>
    tpu.wait_indirect_dma semaphore(%arg24 : memref<!tpu.dma_semaphore, #tpu.memory_space<semaphore_mem>>) src(%arg14 : memref<500x16xf32, #tpu.memory_space<vmem>>) dst(%dma_wait3A_35 : memref<10240x16xf32, #tpu.memory_space<vmem_shared>>)
    %dma_wait3A_36 = arith.constant 19 : i32
    %dma_wait3A_37 = arith.constant 0 : i32
    %dma_wait3A_38 = tpu.memref_slice %arg10[%dma_wait3A_36, %dma_wait3A_37] : memref<20x500xi32, #tpu.memory_space<vmem>> -> memref<1x500xi32, #tpu.memory_space<vmem>>
    %dma_wait3A_39 = tpu.memref_squeeze %dma_wait3A_38 : memref<1x500xi32, #tpu.memory_space<vmem>> -> memref<500xi32, #tpu.memory_space<vmem>>
    %dma_wait3A_40 = arith.constant 0 : i32
    %dma_wait3A_41 = arith.constant 0 : i32
    %dma_wait3A_42 = tpu.memref_slice %arg28[%dma_wait3A_40, %dma_wait3A_41] : memref<10240x16xf32, #tpu.memory_space<vmem_shared>> -> memref<10240x16xf32, #tpu.memory_space<vmem_shared>>
    tpu.wait_indirect_dma semaphore(%arg25 : memref<!tpu.dma_semaphore, #tpu.memory_space<semaphore_mem>>) src(%arg15 : memref<500x16xf32, #tpu.memory_space<vmem>>) dst(%dma_wait3A_42 : memref<10240x16xf32, #tpu.memory_space<vmem_shared>>)
    %barrier3A_43 = arith.constant 0 : index
    tpu.barrier barrier_id(%barrier3A_43)
    %mul3A_44 = arith.constant 10240 : i32
    %mul3A_45 = arith.muli %arg0, %mul3A_44 : i32
    %add3A_46 = arith.addi %mul3A_45, %mul3A_2 : i32
    "tpu.region"() ({
      %run_scoped3A = tpu.sem_alloc : memref<!tpu.dma_semaphore, #tpu.memory_space<semaphore_mem>>
      %dma_start3A_242 = arith.constant 0 : i32
      %dma_start3A_243 = tpu.memref_slice %arg7[%add3A_46, %dma_start3A_242] : memref<20480x16xf32, #tpu.memory_space<hbm>> -> memref<640x16xf32, #tpu.memory_space<hbm>>
      %dma_start3A_244 = arith.constant 0 : i32
      %dma_start3A_245 = tpu.memref_slice %arg28[%mul3A_2, %dma_start3A_244] : memref<10240x16xf32, #tpu.memory_space<vmem_shared>> -> memref<640x16xf32, #tpu.memory_space<vmem_shared>>
      tpu.enqueue_dma source(%dma_start3A_245 : memref<640x16xf32, #tpu.memory_space<vmem_shared>>) target(%dma_start3A_243 : memref<640x16xf32, #tpu.memory_space<hbm>>) target_semaphore(%run_scoped3A : memref<!tpu.dma_semaphore, #tpu.memory_space<semaphore_mem>>)
      %dma_wait3A_246 = arith.constant 0 : i32
      %dma_wait3A_247 = tpu.memref_slice %arg7[%add3A_46, %dma_wait3A_246] : memref<20480x16xf32, #tpu.memory_space<hbm>> -> memref<640x16xf32, #tpu.memory_space<hbm>>
      %dma_wait3A_248 = arith.constant 0 : i32
      %dma_wait3A_249 = tpu.memref_slice %arg28[%mul3A_2, %dma_wait3A_248] : memref<10240x16xf32, #tpu.memory_space<vmem_shared>> -> memref<640x16xf32, #tpu.memory_space<vmem_shared>>
      tpu.wait_dma2 semaphore(%run_scoped3A : memref<!tpu.dma_semaphore, #tpu.memory_space<semaphore_mem>>) src(%dma_wait3A_249 : memref<640x16xf32, #tpu.memory_space<vmem_shared>>) dst(%dma_wait3A_247 : memref<640x16xf32, #tpu.memory_space<hbm>>)
      tpu.yield
    }) : () -> ()
    %barrier3A_47 = arith.constant 0 : index
    tpu.barrier barrier_id(%barrier3A_47)
    %sub3A = arith.constant 1 : i32
    %sub3A_48 = arith.subi %sub3A, %arg0 : i32
    %semaphore_signal3A = arith.constant 1 : i32
    tpu.sem_signal %arg27, %semaphore_signal3A core_id %sub3A_48 : memref<!tpu.semaphore, #tpu.memory_space<semaphore_mem>>
    %semaphore_wait3A = arith.constant 1 : i32
    %semaphore_wait3A_49 = arith.constant true
    tpu.sem_wait %arg27, %semaphore_wait3A : memref<!tpu.semaphore, #tpu.memory_space<semaphore_mem>>
    %add3A_50 = arith.constant 0 : i32
    %add3A_51 = arith.addi %mul3A_4, %add3A_50 : i32
    %add3A_52 = arith.constant 10240 : i32
    %add3A_53 = arith.addi %add3A_52, %add3A_51 : i32
    %dma_start3A_54 = arith.constant 0 : i32
    %dma_start3A_55 = arith.constant 0 : i32
    %dma_start3A_56 = tpu.memref_slice %arg11[%dma_start3A_54, %dma_start3A_55] : memref<500x16xf32, #tpu.memory_space<vmem>> -> memref<160x16xf32, #tpu.memory_space<vmem>>
    %dma_start3A_57 = arith.constant 0 : i32
    %dma_start3A_58 = tpu.memref_slice %arg7[%add3A_51, %dma_start3A_57] : memref<20480x16xf32, #tpu.memory_space<hbm>> -> memref<160x16xf32, #tpu.memory_space<hbm>>
    %dma_start3A_59 = arith.constant 0 : i32
    %dma_start3A_60 = arith.constant 0 : i32
    %dma_start3A_61 = tpu.memref_slice %arg11[%dma_start3A_59, %dma_start3A_60] : memref<500x16xf32, #tpu.memory_space<vmem>> -> memref<160x16xf32, #tpu.memory_space<vmem>>
    %dma_start3A_62 = arith.constant 0 : i32
    %dma_start3A_63 = tpu.memref_slice %arg7[%add3A_51, %dma_start3A_62] : memref<20480x16xf32, #tpu.memory_space<hbm>> -> memref<160x16xf32, #tpu.memory_space<hbm>>
    tpu.enqueue_dma source(%dma_start3A_63 : memref<160x16xf32, #tpu.memory_space<hbm>>) target(%dma_start3A_61 : memref<160x16xf32, #tpu.memory_space<vmem>>) target_semaphore(%arg16 : memref<!tpu.dma_semaphore, #tpu.memory_space<semaphore_mem>>)
    %dma_start3A_64 = arith.constant 0 : i32
    %dma_start3A_65 = arith.constant 0 : i32
    %dma_start3A_66 = tpu.memref_slice %arg12[%dma_start3A_64, %dma_start3A_65] : memref<500x16xf32, #tpu.memory_space<vmem>> -> memref<160x16xf32, #tpu.memory_space<vmem>>
    %dma_start3A_67 = arith.constant 0 : i32
    %dma_start3A_68 = tpu.memref_slice %arg7[%add3A_53, %dma_start3A_67] : memref<20480x16xf32, #tpu.memory_space<hbm>> -> memref<160x16xf32, #tpu.memory_space<hbm>>
    %dma_start3A_69 = arith.constant 0 : i32
    %dma_start3A_70 = arith.constant 0 : i32
    %dma_start3A_71 = tpu.memref_slice %arg12[%dma_start3A_69, %dma_start3A_70] : memref<500x16xf32, #tpu.memory_space<vmem>> -> memref<160x16xf32, #tpu.memory_space<vmem>>
    %dma_start3A_72 = arith.constant 0 : i32
    %dma_start3A_73 = tpu.memref_slice %arg7[%add3A_53, %dma_start3A_72] : memref<20480x16xf32, #tpu.memory_space<hbm>> -> memref<160x16xf32, #tpu.memory_space<hbm>>
    tpu.enqueue_dma source(%dma_start3A_73 : memref<160x16xf32, #tpu.memory_space<hbm>>) target(%dma_start3A_71 : memref<160x16xf32, #tpu.memory_space<vmem>>) target_semaphore(%arg17 : memref<!tpu.dma_semaphore, #tpu.memory_space<semaphore_mem>>)
    %dma_start3A_74 = arith.constant 0 : i32
    %dma_start3A_75 = arith.constant 0 : i32
    %dma_start3A_76 = tpu.memref_slice %arg13[%dma_start3A_74, %dma_start3A_75] : memref<500x16xf32, #tpu.memory_space<vmem>> -> memref<160x16xf32, #tpu.memory_space<vmem>>
    %dma_start3A_77 = arith.constant 0 : i32
    %dma_start3A_78 = tpu.memref_slice %arg4[%add3A_51, %dma_start3A_77] : memref<10240x16xf32, #tpu.memory_space<hbm>> -> memref<160x16xf32, #tpu.memory_space<hbm>>
    %dma_start3A_79 = arith.constant 0 : i32
    %dma_start3A_80 = arith.constant 0 : i32
    %dma_start3A_81 = tpu.memref_slice %arg13[%dma_start3A_79, %dma_start3A_80] : memref<500x16xf32, #tpu.memory_space<vmem>> -> memref<160x16xf32, #tpu.memory_space<vmem>>
    %dma_start3A_82 = arith.constant 0 : i32
    %dma_start3A_83 = tpu.memref_slice %arg4[%add3A_51, %dma_start3A_82] : memref<10240x16xf32, #tpu.memory_space<hbm>> -> memref<160x16xf32, #tpu.memory_space<hbm>>
    tpu.enqueue_dma source(%dma_start3A_83 : memref<160x16xf32, #tpu.memory_space<hbm>>) target(%dma_start3A_81 : memref<160x16xf32, #tpu.memory_space<vmem>>) target_semaphore(%arg18 : memref<!tpu.dma_semaphore, #tpu.memory_space<semaphore_mem>>)
    %dma_wait3A_84 = arith.constant 0 : i32
    %dma_wait3A_85 = arith.constant 0 : i32
    %dma_wait3A_86 = tpu.memref_slice %arg11[%dma_wait3A_84, %dma_wait3A_85] : memref<500x16xf32, #tpu.memory_space<vmem>> -> memref<160x16xf32, #tpu.memory_space<vmem>>
    %dma_wait3A_87 = arith.constant 0 : i32
    %dma_wait3A_88 = tpu.memref_slice %arg7[%add3A_51, %dma_wait3A_87] : memref<20480x16xf32, #tpu.memory_space<hbm>> -> memref<160x16xf32, #tpu.memory_space<hbm>>
    %dma_wait3A_89 = arith.constant 0 : i32
    %dma_wait3A_90 = arith.constant 0 : i32
    %dma_wait3A_91 = tpu.memref_slice %arg11[%dma_wait3A_89, %dma_wait3A_90] : memref<500x16xf32, #tpu.memory_space<vmem>> -> memref<160x16xf32, #tpu.memory_space<vmem>>
    %dma_wait3A_92 = arith.constant 0 : i32
    %dma_wait3A_93 = tpu.memref_slice %arg7[%add3A_51, %dma_wait3A_92] : memref<20480x16xf32, #tpu.memory_space<hbm>> -> memref<160x16xf32, #tpu.memory_space<hbm>>
    tpu.wait_dma2 semaphore(%arg16 : memref<!tpu.dma_semaphore, #tpu.memory_space<semaphore_mem>>) src(%dma_wait3A_93 : memref<160x16xf32, #tpu.memory_space<hbm>>) dst(%dma_wait3A_91 : memref<160x16xf32, #tpu.memory_space<vmem>>)
    %dma_wait3A_94 = arith.constant 0 : i32
    %dma_wait3A_95 = arith.constant 0 : i32
    %dma_wait3A_96 = tpu.memref_slice %arg12[%dma_wait3A_94, %dma_wait3A_95] : memref<500x16xf32, #tpu.memory_space<vmem>> -> memref<160x16xf32, #tpu.memory_space<vmem>>
    %dma_wait3A_97 = arith.constant 0 : i32
    %dma_wait3A_98 = tpu.memref_slice %arg7[%add3A_53, %dma_wait3A_97] : memref<20480x16xf32, #tpu.memory_space<hbm>> -> memref<160x16xf32, #tpu.memory_space<hbm>>
    %dma_wait3A_99 = arith.constant 0 : i32
    %dma_wait3A_100 = arith.constant 0 : i32
    %dma_wait3A_101 = tpu.memref_slice %arg12[%dma_wait3A_99, %dma_wait3A_100] : memref<500x16xf32, #tpu.memory_space<vmem>> -> memref<160x16xf32, #tpu.memory_space<vmem>>
    %dma_wait3A_102 = arith.constant 0 : i32
    %dma_wait3A_103 = tpu.memref_slice %arg7[%add3A_53, %dma_wait3A_102] : memref<20480x16xf32, #tpu.memory_space<hbm>> -> memref<160x16xf32, #tpu.memory_space<hbm>>
    tpu.wait_dma2 semaphore(%arg17 : memref<!tpu.dma_semaphore, #tpu.memory_space<semaphore_mem>>) src(%dma_wait3A_103 : memref<160x16xf32, #tpu.memory_space<hbm>>) dst(%dma_wait3A_101 : memref<160x16xf32, #tpu.memory_space<vmem>>)
    %dma_wait3A_104 = arith.constant 0 : i32
    %dma_wait3A_105 = arith.constant 0 : i32
    %dma_wait3A_106 = tpu.memref_slice %arg13[%dma_wait3A_104, %dma_wait3A_105] : memref<500x16xf32, #tpu.memory_space<vmem>> -> memref<160x16xf32, #tpu.memory_space<vmem>>
    %dma_wait3A_107 = arith.constant 0 : i32
    %dma_wait3A_108 = tpu.memref_slice %arg4[%add3A_51, %dma_wait3A_107] : memref<10240x16xf32, #tpu.memory_space<hbm>> -> memref<160x16xf32, #tpu.memory_space<hbm>>
    %dma_wait3A_109 = arith.constant 0 : i32
    %dma_wait3A_110 = arith.constant 0 : i32
    %dma_wait3A_111 = tpu.memref_slice %arg13[%dma_wait3A_109, %dma_wait3A_110] : memref<500x16xf32, #tpu.memory_space<vmem>> -> memref<160x16xf32, #tpu.memory_space<vmem>>
    %dma_wait3A_112 = arith.constant 0 : i32
    %dma_wait3A_113 = tpu.memref_slice %arg4[%add3A_51, %dma_wait3A_112] : memref<10240x16xf32, #tpu.memory_space<hbm>> -> memref<160x16xf32, #tpu.memory_space<hbm>>
    tpu.wait_dma2 semaphore(%arg18 : memref<!tpu.dma_semaphore, #tpu.memory_space<semaphore_mem>>) src(%dma_wait3A_113 : memref<160x16xf32, #tpu.memory_space<hbm>>) dst(%dma_wait3A_111 : memref<160x16xf32, #tpu.memory_space<vmem>>)
    %scan3A_114 = arith.constant 0 : i32
    %scan3A_115 = arith.constant 0 : i32
    %scan3A_116 = arith.constant 160 : i32
    %scan3A_117 = arith.addi %scan3A_115, %scan3A_116 : i32
    %scan3A_118 = arith.constant 1 : i32
    scf.for %scan3A_242 = %scan3A_115 to %scan3A_117 step %scan3A_118  : i32 {
      %add3A_243 = arith.constant 0 : i32
      %add3A_244 = arith.addi %add3A_243, %scan3A_242 : i32
      %broadcast_in_dim3A = vector.broadcast %add3A_244 : i32 to vector<16xi32>
      %gather3A = tpu.vector_load_idx %arg26[%broadcast_in_dim3A] : memref<320xf32, #tpu.memory_space<vmem>>[vector<16xi32>], vector<16xf32>,
      %mul3A_245 = arith.mulf %gather3A, %gather3A : vector<16xf32>
      %get3A = arith.index_cast %scan3A_242 : i32 to index
      %get3A_246 = arith.constant 0 : index
      %get3A_247 = tpu.vector_load %arg11[%get3A, %get3A_246] {strides = array<i32>} : memref<500x16xf32, #tpu.memory_space<vmem>>, vector<16xf32>,
      %get3A_248 = arith.index_cast %scan3A_242 : i32 to index
      %get3A_249 = arith.constant 0 : index
      %get3A_250 = tpu.vector_load %arg12[%get3A_248, %get3A_249] {strides = array<i32>} : memref<500x16xf32, #tpu.memory_space<vmem>>, vector<16xf32>,
      %add3A_251 = arith.addf %get3A_247, %get3A_250 : vector<16xf32>
      %get3A_252 = arith.index_cast %scan3A_242 : i32 to index
      %get3A_253 = arith.constant 0 : index
      %get3A_254 = tpu.vector_load %arg13[%get3A_252, %get3A_253] {strides = array<i32>} : memref<500x16xf32, #tpu.memory_space<vmem>>, vector<16xf32>,
      %add3A_255 = arith.addf %add3A_251, %get3A_254 : vector<16xf32>
      %mul3A_256 = arith.mulf %mul3A_245, %add3A_255 : vector<16xf32>
      %swap3A = arith.index_cast %scan3A_242 : i32 to index
      %swap3A_257 = arith.constant 0 : index
      %swap3A_258 = tpu.vector_load %arg14[%swap3A, %swap3A_257] {strides = array<i32>} : memref<500x16xf32, #tpu.memory_space<vmem>>, vector<16xf32>,
      tpu.vector_store %arg14[%swap3A, %swap3A_257], %mul3A_256 {strides = array<i32>} : memref<500x16xf32, #tpu.memory_space<vmem>>, vector<16xf32>,
    }
    %scan3A_119 = arith.constant 160 : i32
    "tpu.region"() ({
      %run_scoped3A = tpu.sem_alloc : memref<!tpu.dma_semaphore, #tpu.memory_space<semaphore_mem>>
      %dma_start3A_242 = arith.constant 0 : i32
      %dma_start3A_243 = arith.constant 0 : i32
      %dma_start3A_244 = tpu.memref_slice %arg14[%dma_start3A_242, %dma_start3A_243] : memref<500x16xf32, #tpu.memory_space<vmem>> -> memref<160x16xf32, #tpu.memory_space<vmem>>
      %dma_start3A_245 = arith.constant 0 : i32
      %dma_start3A_246 = tpu.memref_slice %arg8[%add3A_51, %dma_start3A_245] : memref<10240x16xf32, #tpu.memory_space<hbm>> -> memref<160x16xf32, #tpu.memory_space<hbm>>
      %dma_start3A_247 = arith.constant 0 : i32
      %dma_start3A_248 = tpu.memref_slice %arg8[%add3A_51, %dma_start3A_247] : memref<10240x16xf32, #tpu.memory_space<hbm>> -> memref<160x16xf32, #tpu.memory_space<hbm>>
      %dma_start3A_249 = arith.constant 0 : i32
      %dma_start3A_250 = arith.constant 0 : i32
      %dma_start3A_251 = tpu.memref_slice %arg14[%dma_start3A_249, %dma_start3A_250] : memref<500x16xf32, #tpu.memory_space<vmem>> -> memref<160x16xf32, #tpu.memory_space<vmem>>
      tpu.enqueue_dma source(%dma_start3A_251 : memref<160x16xf32, #tpu.memory_space<vmem>>) target(%dma_start3A_248 : memref<160x16xf32, #tpu.memory_space<hbm>>) target_semaphore(%run_scoped3A : memref<!tpu.dma_semaphore, #tpu.memory_space<semaphore_mem>>)
      %dma_wait3A_252 = arith.constant 0 : i32
      %dma_wait3A_253 = arith.constant 0 : i32
      %dma_wait3A_254 = tpu.memref_slice %arg14[%dma_wait3A_252, %dma_wait3A_253] : memref<500x16xf32, #tpu.memory_space<vmem>> -> memref<160x16xf32, #tpu.memory_space<vmem>>
      %dma_wait3A_255 = arith.constant 0 : i32
      %dma_wait3A_256 = tpu.memref_slice %arg8[%add3A_51, %dma_wait3A_255] : memref<10240x16xf32, #tpu.memory_space<hbm>> -> memref<160x16xf32, #tpu.memory_space<hbm>>
      %dma_wait3A_257 = arith.constant 0 : i32
      %dma_wait3A_258 = tpu.memref_slice %arg8[%add3A_51, %dma_wait3A_257] : memref<10240x16xf32, #tpu.memory_space<hbm>> -> memref<160x16xf32, #tpu.memory_space<hbm>>
      %dma_wait3A_259 = arith.constant 0 : i32
      %dma_wait3A_260 = arith.constant 0 : i32
      %dma_wait3A_261 = tpu.memref_slice %arg14[%dma_wait3A_259, %dma_wait3A_260] : memref<500x16xf32, #tpu.memory_space<vmem>> -> memref<160x16xf32, #tpu.memory_space<vmem>>
      tpu.wait_dma2 semaphore(%run_scoped3A : memref<!tpu.dma_semaphore, #tpu.memory_space<semaphore_mem>>) src(%dma_wait3A_261 : memref<160x16xf32, #tpu.memory_space<vmem>>) dst(%dma_wait3A_258 : memref<160x16xf32, #tpu.memory_space<hbm>>)
      tpu.yield
    }) : () -> ()
    %add3A_120 = arith.constant 160 : i32
    %add3A_121 = arith.addi %mul3A_4, %add3A_120 : i32
    %add3A_122 = arith.constant 10240 : i32
    %add3A_123 = arith.addi %add3A_122, %add3A_121 : i32
    %dma_start3A_124 = arith.constant 0 : i32
    %dma_start3A_125 = arith.constant 0 : i32
    %dma_start3A_126 = tpu.memref_slice %arg11[%dma_start3A_124, %dma_start3A_125] : memref<500x16xf32, #tpu.memory_space<vmem>> -> memref<160x16xf32, #tpu.memory_space<vmem>>
    %dma_start3A_127 = arith.constant 0 : i32
    %dma_start3A_128 = tpu.memref_slice %arg7[%add3A_121, %dma_start3A_127] : memref<20480x16xf32, #tpu.memory_space<hbm>> -> memref<160x16xf32, #tpu.memory_space<hbm>>
    %dma_start3A_129 = arith.constant 0 : i32
    %dma_start3A_130 = arith.constant 0 : i32
    %dma_start3A_131 = tpu.memref_slice %arg11[%dma_start3A_129, %dma_start3A_130] : memref<500x16xf32, #tpu.memory_space<vmem>> -> memref<160x16xf32, #tpu.memory_space<vmem>>
    %dma_start3A_132 = arith.constant 0 : i32
    %dma_start3A_133 = tpu.memref_slice %arg7[%add3A_121, %dma_start3A_132] : memref<20480x16xf32, #tpu.memory_space<hbm>> -> memref<160x16xf32, #tpu.memory_space<hbm>>
    tpu.enqueue_dma source(%dma_start3A_133 : memref<160x16xf32, #tpu.memory_space<hbm>>) target(%dma_start3A_131 : memref<160x16xf32, #tpu.memory_space<vmem>>) target_semaphore(%arg16 : memref<!tpu.dma_semaphore, #tpu.memory_space<semaphore_mem>>)
    %dma_start3A_134 = arith.constant 0 : i32
    %dma_start3A_135 = arith.constant 0 : i32
    %dma_start3A_136 = tpu.memref_slice %arg12[%dma_start3A_134, %dma_start3A_135] : memref<500x16xf32, #tpu.memory_space<vmem>> -> memref<160x16xf32, #tpu.memory_space<vmem>>
    %dma_start3A_137 = arith.constant 0 : i32
    %dma_start3A_138 = tpu.memref_slice %arg7[%add3A_123, %dma_start3A_137] : memref<20480x16xf32, #tpu.memory_space<hbm>> -> memref<160x16xf32, #tpu.memory_space<hbm>>
    %dma_start3A_139 = arith.constant 0 : i32
    %dma_start3A_140 = arith.constant 0 : i32
    %dma_start3A_141 = tpu.memref_slice %arg12[%dma_start3A_139, %dma_start3A_140] : memref<500x16xf32, #tpu.memory_space<vmem>> -> memref<160x16xf32, #tpu.memory_space<vmem>>
    %dma_start3A_142 = arith.constant 0 : i32
    %dma_start3A_143 = tpu.memref_slice %arg7[%add3A_123, %dma_start3A_142] : memref<20480x16xf32, #tpu.memory_space<hbm>> -> memref<160x16xf32, #tpu.memory_space<hbm>>
    tpu.enqueue_dma source(%dma_start3A_143 : memref<160x16xf32, #tpu.memory_space<hbm>>) target(%dma_start3A_141 : memref<160x16xf32, #tpu.memory_space<vmem>>) target_semaphore(%arg17 : memref<!tpu.dma_semaphore, #tpu.memory_space<semaphore_mem>>)
    %dma_start3A_144 = arith.constant 0 : i32
    %dma_start3A_145 = arith.constant 0 : i32
    %dma_start3A_146 = tpu.memref_slice %arg13[%dma_start3A_144, %dma_start3A_145] : memref<500x16xf32, #tpu.memory_space<vmem>> -> memref<160x16xf32, #tpu.memory_space<vmem>>
    %dma_start3A_147 = arith.constant 0 : i32
    %dma_start3A_148 = tpu.memref_slice %arg4[%add3A_121, %dma_start3A_147] : memref<10240x16xf32, #tpu.memory_space<hbm>> -> memref<160x16xf32, #tpu.memory_space<hbm>>
    %dma_start3A_149 = arith.constant 0 : i32
    %dma_start3A_150 = arith.constant 0 : i32
    %dma_start3A_151 = tpu.memref_slice %arg13[%dma_start3A_149, %dma_start3A_150] : memref<500x16xf32, #tpu.memory_space<vmem>> -> memref<160x16xf32, #tpu.memory_space<vmem>>
    %dma_start3A_152 = arith.constant 0 : i32
    %dma_start3A_153 = tpu.memref_slice %arg4[%add3A_121, %dma_start3A_152] : memref<10240x16xf32, #tpu.memory_space<hbm>> -> memref<160x16xf32, #tpu.memory_space<hbm>>
    tpu.enqueue_dma source(%dma_start3A_153 : memref<160x16xf32, #tpu.memory_space<hbm>>) target(%dma_start3A_151 : memref<160x16xf32, #tpu.memory_space<vmem>>) target_semaphore(%arg18 : memref<!tpu.dma_semaphore, #tpu.memory_space<semaphore_mem>>)
    %dma_wait3A_154 = arith.constant 0 : i32
    %dma_wait3A_155 = arith.constant 0 : i32
    %dma_wait3A_156 = tpu.memref_slice %arg11[%dma_wait3A_154, %dma_wait3A_155] : memref<500x16xf32, #tpu.memory_space<vmem>> -> memref<160x16xf32, #tpu.memory_space<vmem>>
    %dma_wait3A_157 = arith.constant 0 : i32
    %dma_wait3A_158 = tpu.memref_slice %arg7[%add3A_121, %dma_wait3A_157] : memref<20480x16xf32, #tpu.memory_space<hbm>> -> memref<160x16xf32, #tpu.memory_space<hbm>>
    %dma_wait3A_159 = arith.constant 0 : i32
    %dma_wait3A_160 = arith.constant 0 : i32
    %dma_wait3A_161 = tpu.memref_slice %arg11[%dma_wait3A_159, %dma_wait3A_160] : memref<500x16xf32, #tpu.memory_space<vmem>> -> memref<160x16xf32, #tpu.memory_space<vmem>>
    %dma_wait3A_162 = arith.constant 0 : i32
    %dma_wait3A_163 = tpu.memref_slice %arg7[%add3A_121, %dma_wait3A_162] : memref<20480x16xf32, #tpu.memory_space<hbm>> -> memref<160x16xf32, #tpu.memory_space<hbm>>
    tpu.wait_dma2 semaphore(%arg16 : memref<!tpu.dma_semaphore, #tpu.memory_space<semaphore_mem>>) src(%dma_wait3A_163 : memref<160x16xf32, #tpu.memory_space<hbm>>) dst(%dma_wait3A_161 : memref<160x16xf32, #tpu.memory_space<vmem>>)
    %dma_wait3A_164 = arith.constant 0 : i32
    %dma_wait3A_165 = arith.constant 0 : i32
    %dma_wait3A_166 = tpu.memref_slice %arg12[%dma_wait3A_164, %dma_wait3A_165] : memref<500x16xf32, #tpu.memory_space<vmem>> -> memref<160x16xf32, #tpu.memory_space<vmem>>
    %dma_wait3A_167 = arith.constant 0 : i32
    %dma_wait3A_168 = tpu.memref_slice %arg7[%add3A_123, %dma_wait3A_167] : memref<20480x16xf32, #tpu.memory_space<hbm>> -> memref<160x16xf32, #tpu.memory_space<hbm>>
    %dma_wait3A_169 = arith.constant 0 : i32
    %dma_wait3A_170 = arith.constant 0 : i32
    %dma_wait3A_171 = tpu.memref_slice %arg12[%dma_wait3A_169, %dma_wait3A_170] : memref<500x16xf32, #tpu.memory_space<vmem>> -> memref<160x16xf32, #tpu.memory_space<vmem>>
    %dma_wait3A_172 = arith.constant 0 : i32
    %dma_wait3A_173 = tpu.memref_slice %arg7[%add3A_123, %dma_wait3A_172] : memref<20480x16xf32, #tpu.memory_space<hbm>> -> memref<160x16xf32, #tpu.memory_space<hbm>>
    tpu.wait_dma2 semaphore(%arg17 : memref<!tpu.dma_semaphore, #tpu.memory_space<semaphore_mem>>) src(%dma_wait3A_173 : memref<160x16xf32, #tpu.memory_space<hbm>>) dst(%dma_wait3A_171 : memref<160x16xf32, #tpu.memory_space<vmem>>)
    %dma_wait3A_174 = arith.constant 0 : i32
    %dma_wait3A_175 = arith.constant 0 : i32
    %dma_wait3A_176 = tpu.memref_slice %arg13[%dma_wait3A_174, %dma_wait3A_175] : memref<500x16xf32, #tpu.memory_space<vmem>> -> memref<160x16xf32, #tpu.memory_space<vmem>>
    %dma_wait3A_177 = arith.constant 0 : i32
    %dma_wait3A_178 = tpu.memref_slice %arg4[%add3A_121, %dma_wait3A_177] : memref<10240x16xf32, #tpu.memory_space<hbm>> -> memref<160x16xf32, #tpu.memory_space<hbm>>
    %dma_wait3A_179 = arith.constant 0 : i32
    %dma_wait3A_180 = arith.constant 0 : i32
    %dma_wait3A_181 = tpu.memref_slice %arg13[%dma_wait3A_179, %dma_wait3A_180] : memref<500x16xf32, #tpu.memory_space<vmem>> -> memref<160x16xf32, #tpu.memory_space<vmem>>
    %dma_wait3A_182 = arith.constant 0 : i32
    %dma_wait3A_183 = tpu.memref_slice %arg4[%add3A_121, %dma_wait3A_182] : memref<10240x16xf32, #tpu.memory_space<hbm>> -> memref<160x16xf32, #tpu.memory_space<hbm>>
    tpu.wait_dma2 semaphore(%arg18 : memref<!tpu.dma_semaphore, #tpu.memory_space<semaphore_mem>>) src(%dma_wait3A_183 : memref<160x16xf32, #tpu.memory_space<hbm>>) dst(%dma_wait3A_181 : memref<160x16xf32, #tpu.memory_space<vmem>>)
    %scan3A_184 = arith.constant 0 : i32
    %scan3A_185 = arith.constant 0 : i32
    %scan3A_186 = arith.constant 160 : i32
    %scan3A_187 = arith.addi %scan3A_185, %scan3A_186 : i32
    %scan3A_188 = arith.constant 1 : i32
    scf.for %scan3A_242 = %scan3A_185 to %scan3A_187 step %scan3A_188  : i32 {
      %add3A_243 = arith.constant 160 : i32
      %add3A_244 = arith.addi %add3A_243, %scan3A_242 : i32
      %broadcast_in_dim3A = vector.broadcast %add3A_244 : i32 to vector<16xi32>
      %gather3A = tpu.vector_load_idx %arg26[%broadcast_in_dim3A] : memref<320xf32, #tpu.memory_space<vmem>>[vector<16xi32>], vector<16xf32>,
      %mul3A_245 = arith.mulf %gather3A, %gather3A : vector<16xf32>
      %get3A = arith.index_cast %scan3A_242 : i32 to index
      %get3A_246 = arith.constant 0 : index
      %get3A_247 = tpu.vector_load %arg11[%get3A, %get3A_246] {strides = array<i32>} : memref<500x16xf32, #tpu.memory_space<vmem>>, vector<16xf32>,
      %get3A_248 = arith.index_cast %scan3A_242 : i32 to index
      %get3A_249 = arith.constant 0 : index
      %get3A_250 = tpu.vector_load %arg12[%get3A_248, %get3A_249] {strides = array<i32>} : memref<500x16xf32, #tpu.memory_space<vmem>>, vector<16xf32>,
      %add3A_251 = arith.addf %get3A_247, %get3A_250 : vector<16xf32>
      %get3A_252 = arith.index_cast %scan3A_242 : i32 to index
      %get3A_253 = arith.constant 0 : index
      %get3A_254 = tpu.vector_load %arg13[%get3A_252, %get3A_253] {strides = array<i32>} : memref<500x16xf32, #tpu.memory_space<vmem>>, vector<16xf32>,
      %add3A_255 = arith.addf %add3A_251, %get3A_254 : vector<16xf32>
      %mul3A_256 = arith.mulf %mul3A_245, %add3A_255 : vector<16xf32>
      %swap3A = arith.index_cast %scan3A_242 : i32 to index
      %swap3A_257 = arith.constant 0 : index
      %swap3A_258 = tpu.vector_load %arg14[%swap3A, %swap3A_257] {strides = array<i32>} : memref<500x16xf32, #tpu.memory_space<vmem>>, vector<16xf32>,
      tpu.vector_store %arg14[%swap3A, %swap3A_257], %mul3A_256 {strides = array<i32>} : memref<500x16xf32, #tpu.memory_space<vmem>>, vector<16xf32>,
    }
    %scan3A_189 = arith.constant 160 : i32
    "tpu.region"() ({
      %run_scoped3A = tpu.sem_alloc : memref<!tpu.dma_semaphore, #tpu.memory_space<semaphore_mem>>
      %dma_start3A_242 = arith.constant 0 : i32
      %dma_start3A_243 = arith.constant 0 : i32
      %dma_start3A_244 = tpu.memref_slice %arg14[%dma_start3A_242, %dma_start3A_243] : memref<500x16xf32, #tpu.memory_space<vmem>> -> memref<160x16xf32, #tpu.memory_space<vmem>>
      %dma_start3A_245 = arith.constant 0 : i32
      %dma_start3A_246 = tpu.memref_slice %arg8[%add3A_121, %dma_start3A_245] : memref<10240x16xf32, #tpu.memory_space<hbm>> -> memref<160x16xf32, #tpu.memory_space<hbm>>
      %dma_start3A_247 = arith.constant 0 : i32
      %dma_start3A_248 = tpu.memref_slice %arg8[%add3A_121, %dma_start3A_247] : memref<10240x16xf32, #tpu.memory_space<hbm>> -> memref<160x16xf32, #tpu.memory_space<hbm>>
      %dma_start3A_249 = arith.constant 0 : i32
      %dma_start3A_250 = arith.constant 0 : i32
      %dma_start3A_251 = tpu.memref_slice %arg14[%dma_start3A_249, %dma_start3A_250] : memref<500x16xf32, #tpu.memory_space<vmem>> -> memref<160x16xf32, #tpu.memory_space<vmem>>
      tpu.enqueue_dma source(%dma_start3A_251 : memref<160x16xf32, #tpu.memory_space<vmem>>) target(%dma_start3A_248 : memref<160x16xf32, #tpu.memory_space<hbm>>) target_semaphore(%run_scoped3A : memref<!tpu.dma_semaphore, #tpu.memory_space<semaphore_mem>>)
      %dma_wait3A_252 = arith.constant 0 : i32
      %dma_wait3A_253 = arith.constant 0 : i32
      %dma_wait3A_254 = tpu.memref_slice %arg14[%dma_wait3A_252, %dma_wait3A_253] : memref<500x16xf32, #tpu.memory_space<vmem>> -> memref<160x16xf32, #tpu.memory_space<vmem>>
      %dma_wait3A_255 = arith.constant 0 : i32
      %dma_wait3A_256 = tpu.memref_slice %arg8[%add3A_121, %dma_wait3A_255] : memref<10240x16xf32, #tpu.memory_space<hbm>> -> memref<160x16xf32, #tpu.memory_space<hbm>>
      %dma_wait3A_257 = arith.constant 0 : i32
      %dma_wait3A_258 = tpu.memref_slice %arg8[%add3A_121, %dma_wait3A_257] : memref<10240x16xf32, #tpu.memory_space<hbm>> -> memref<160x16xf32, #tpu.memory_space<hbm>>
      %dma_wait3A_259 = arith.constant 0 : i32
      %dma_wait3A_260 = arith.constant 0 : i32
      %dma_wait3A_261 = tpu.memref_slice %arg14[%dma_wait3A_259, %dma_wait3A_260] : memref<500x16xf32, #tpu.memory_space<vmem>> -> memref<160x16xf32, #tpu.memory_space<vmem>>
      tpu.wait_dma2 semaphore(%run_scoped3A : memref<!tpu.dma_semaphore, #tpu.memory_space<semaphore_mem>>) src(%dma_wait3A_261 : memref<160x16xf32, #tpu.memory_space<vmem>>) dst(%dma_wait3A_258 : memref<160x16xf32, #tpu.memory_space<hbm>>)
      tpu.yield
    }) : () -> ()
    %barrier3A_190 = arith.constant 0 : index
    tpu.barrier barrier_id(%barrier3A_190)
    %sub3A_191 = arith.constant 1 : i32
    %sub3A_192 = arith.subi %sub3A_191, %arg0 : i32
    %semaphore_signal3A_193 = arith.constant 1 : i32
    tpu.sem_signal %arg27, %semaphore_signal3A_193 core_id %sub3A_192 : memref<!tpu.semaphore, #tpu.memory_space<semaphore_mem>>
    %semaphore_wait3A_194 = arith.constant 1 : i32
    %semaphore_wait3A_195 = arith.constant true
    tpu.sem_wait %arg27, %semaphore_wait3A_194 : memref<!tpu.semaphore, #tpu.memory_space<semaphore_mem>>
    "tpu.region"() ({
      %run_scoped3A = tpu.sem_alloc : memref<!tpu.dma_semaphore, #tpu.memory_space<semaphore_mem>>
      %dma_start3A_242 = arith.constant 0 : i32
      %dma_start3A_243 = tpu.memref_slice %arg28[%mul3A_2, %dma_start3A_242] : memref<10240x16xf32, #tpu.memory_space<vmem_shared>> -> memref<640x16xf32, #tpu.memory_space<vmem_shared>>
      %dma_start3A_244 = arith.constant 0 : i32
      %dma_start3A_245 = tpu.memref_slice %arg6[%mul3A_2, %dma_start3A_244] : memref<10240x16xf32, #tpu.memory_space<hbm>> -> memref<640x16xf32, #tpu.memory_space<hbm>>
      tpu.enqueue_dma source(%dma_start3A_245 : memref<640x16xf32, #tpu.memory_space<hbm>>) target(%dma_start3A_243 : memref<640x16xf32, #tpu.memory_space<vmem_shared>>) target_semaphore(%run_scoped3A : memref<!tpu.dma_semaphore, #tpu.memory_space<semaphore_mem>>)
      %dma_wait3A_246 = arith.constant 0 : i32
      %dma_wait3A_247 = tpu.memref_slice %arg28[%mul3A_2, %dma_wait3A_246] : memref<10240x16xf32, #tpu.memory_space<vmem_shared>> -> memref<640x16xf32, #tpu.memory_space<vmem_shared>>
      %dma_wait3A_248 = arith.constant 0 : i32
      %dma_wait3A_249 = tpu.memref_slice %arg6[%mul3A_2, %dma_wait3A_248] : memref<10240x16xf32, #tpu.memory_space<hbm>> -> memref<640x16xf32, #tpu.memory_space<hbm>>
      tpu.wait_dma2 semaphore(%run_scoped3A : memref<!tpu.dma_semaphore, #tpu.memory_space<semaphore_mem>>) src(%dma_wait3A_249 : memref<640x16xf32, #tpu.memory_space<hbm>>) dst(%dma_wait3A_247 : memref<640x16xf32, #tpu.memory_space<vmem_shared>>)
      tpu.yield
    }) : () -> ()
    %barrier3A_196 = arith.constant 0 : index
    tpu.barrier barrier_id(%barrier3A_196)
    %dma_start3A_197 = arith.constant 0 : i32
    %dma_start3A_198 = arith.constant 0 : i32
    %dma_start3A_199 = tpu.memref_slice %arg9[%dma_start3A_197, %dma_start3A_198] : memref<20x500xi32, #tpu.memory_space<vmem>> -> memref<1x500xi32, #tpu.memory_space<vmem>>
    %dma_start3A_200 = tpu.memref_squeeze %dma_start3A_199 : memref<1x500xi32, #tpu.memory_space<vmem>> -> memref<500xi32, #tpu.memory_space<vmem>>
    %dma_start3A_201 = arith.constant 0 : i32
    %dma_start3A_202 = arith.constant 0 : i32
    %dma_start3A_203 = tpu.memref_slice %arg8[%dma_start3A_201, %dma_start3A_202] : memref<10240x16xf32, #tpu.memory_space<hbm>> -> memref<10240x16xf32, #tpu.memory_space<hbm>>
    tpu.enqueue_indirect_dma source(%dma_start3A_203 : memref<10240x16xf32, #tpu.memory_space<hbm>>) target(%arg11 : memref<500x16xf32, #tpu.memory_space<vmem>>) offsets(%dma_start3A_200 : memref<500xi32, #tpu.memory_space<vmem>>) semaphore(%arg16 : memref<!tpu.dma_semaphore, #tpu.memory_space<semaphore_mem>>)
    %dma_start3A_204 = arith.constant 1 : i32
    %dma_start3A_205 = arith.constant 0 : i32
    %dma_start3A_206 = tpu.memref_slice %arg9[%dma_start3A_204, %dma_start3A_205] : memref<20x500xi32, #tpu.memory_space<vmem>> -> memref<1x500xi32, #tpu.memory_space<vmem>>
    %dma_start3A_207 = tpu.memref_squeeze %dma_start3A_206 : memref<1x500xi32, #tpu.memory_space<vmem>> -> memref<500xi32, #tpu.memory_space<vmem>>
    %dma_start3A_208 = arith.constant 0 : i32
    %dma_start3A_209 = arith.constant 0 : i32
    %dma_start3A_210 = tpu.memref_slice %arg8[%dma_start3A_208, %dma_start3A_209] : memref<10240x16xf32, #tpu.memory_space<hbm>> -> memref<10240x16xf32, #tpu.memory_space<hbm>>
    tpu.enqueue_indirect_dma source(%dma_start3A_210 : memref<10240x16xf32, #tpu.memory_space<hbm>>) target(%arg12 : memref<500x16xf32, #tpu.memory_space<vmem>>) offsets(%dma_start3A_207 : memref<500xi32, #tpu.memory_space<vmem>>) semaphore(%arg17 : memref<!tpu.dma_semaphore, #tpu.memory_space<semaphore_mem>>)
    %dma_start3A_211 = arith.constant 2 : i32
    %dma_start3A_212 = arith.constant 0 : i32
    %dma_start3A_213 = tpu.memref_slice %arg9[%dma_start3A_211, %dma_start3A_212] : memref<20x500xi32, #tpu.memory_space<vmem>> -> memref<1x500xi32, #tpu.memory_space<vmem>>
    %dma_start3A_214 = tpu.memref_squeeze %dma_start3A_213 : memref<1x500xi32, #tpu.memory_space<vmem>> -> memref<500xi32, #tpu.memory_space<vmem>>
    %dma_start3A_215 = arith.constant 0 : i32
    %dma_start3A_216 = arith.constant 0 : i32
    %dma_start3A_217 = tpu.memref_slice %arg8[%dma_start3A_215, %dma_start3A_216] : memref<10240x16xf32, #tpu.memory_space<hbm>> -> memref<10240x16xf32, #tpu.memory_space<hbm>>
    tpu.enqueue_indirect_dma source(%dma_start3A_217 : memref<10240x16xf32, #tpu.memory_space<hbm>>) target(%arg13 : memref<500x16xf32, #tpu.memory_space<vmem>>) offsets(%dma_start3A_214 : memref<500xi32, #tpu.memory_space<vmem>>) semaphore(%arg18 : memref<!tpu.dma_semaphore, #tpu.memory_space<semaphore_mem>>)
    %scan3A_218 = arith.constant 0 : i32
    %scan3A_219 = arith.constant 0 : i32
    %scan3A_220 = arith.constant 4 : i32
    %scan3A_221 = arith.addi %scan3A_219, %scan3A_220 : i32
    %scan3A_222 = arith.constant 1 : i32
    scf.for %scan3A_242 = %scan3A_219 to %scan3A_221 step %scan3A_222  : i32 {
      %mul3A_243 = arith.constant 5 : i32
      %mul3A_244 = arith.muli %mul3A_243, %scan3A_242 : i32
      %add3A_245 = arith.constant 0 : i32
      %add3A_246 = arith.addi %mul3A_244, %add3A_245 : i32
      %dma_wait3A_247 = arith.constant 0 : i32
      %dma_wait3A_248 = tpu.memref_slice %arg9[%add3A_246, %dma_wait3A_247] : memref<20x500xi32, #tpu.memory_space<vmem>> -> memref<1x500xi32, #tpu.memory_space<vmem>>
      %dma_wait3A_249 = tpu.memref_squeeze %dma_wait3A_248 : memref<1x500xi32, #tpu.memory_space<vmem>> -> memref<500xi32, #tpu.memory_space<vmem>>
      %dma_wait3A_250 = arith.constant 0 : i32
      %dma_wait3A_251 = arith.constant 0 : i32
      %dma_wait3A_252 = tpu.memref_slice %arg8[%dma_wait3A_250, %dma_wait3A_251] : memref<10240x16xf32, #tpu.memory_space<hbm>> -> memref<10240x16xf32, #tpu.memory_space<hbm>>
      tpu.wait_indirect_dma semaphore(%arg16 : memref<!tpu.dma_semaphore, #tpu.memory_space<semaphore_mem>>) src(%dma_wait3A_252 : memref<10240x16xf32, #tpu.memory_space<hbm>>) dst(%arg11 : memref<500x16xf32, #tpu.memory_space<vmem>>)
      %dma_start3A_253 = arith.constant 0 : i32
      %dma_start3A_254 = tpu.memref_slice %arg10[%add3A_246, %dma_start3A_253] : memref<20x500xi32, #tpu.memory_space<vmem>> -> memref<1x500xi32, #tpu.memory_space<vmem>>
      %dma_start3A_255 = tpu.memref_squeeze %dma_start3A_254 : memref<1x500xi32, #tpu.memory_space<vmem>> -> memref<500xi32, #tpu.memory_space<vmem>>
      %dma_start3A_256 = arith.constant 0 : i32
      %dma_start3A_257 = arith.constant 0 : i32
      %dma_start3A_258 = tpu.memref_slice %arg28[%dma_start3A_256, %dma_start3A_257] : memref<10240x16xf32, #tpu.memory_space<vmem_shared>> -> memref<10240x16xf32, #tpu.memory_space<vmem_shared>>
      tpu.enqueue_indirect_dma source(%arg11 : memref<500x16xf32, #tpu.memory_space<vmem>>) target(%dma_start3A_258 : memref<10240x16xf32, #tpu.memory_space<vmem_shared>>) offsets(%dma_start3A_255 : memref<500xi32, #tpu.memory_space<vmem>>) semaphore(%arg21 : memref<!tpu.dma_semaphore, #tpu.memory_space<semaphore_mem>>) {add = true}
      %ge3A = arith.constant 2 : i32
      %ge3A_259 = arith.cmpi sge, %add3A_246, %ge3A : i32
      %convert_element_type3A = arith.extui %ge3A_259 : i1 to i32
      %cond3A = arith.constant 0 : i32
      %cond3A_260 = arith.cmpi ne, %convert_element_type3A, %cond3A : i32
      scf.if %cond3A_260 {
        %sub3A_379 = arith.constant 2 : i32
        %sub3A_380 = arith.subi %add3A_246, %sub3A_379 : i32
        %dma_wait3A_381 = arith.constant 0 : i32
        %dma_wait3A_382 = tpu.memref_slice %arg10[%sub3A_380, %dma_wait3A_381] : memref<20x500xi32, #tpu.memory_space<vmem>> -> memref<1x500xi32, #tpu.memory_space<vmem>>
        %dma_wait3A_383 = tpu.memref_squeeze %dma_wait3A_382 : memref<1x500xi32, #tpu.memory_space<vmem>> -> memref<500xi32, #tpu.memory_space<vmem>>
        %dma_wait3A_384 = arith.constant 0 : i32
        %dma_wait3A_385 = arith.constant 0 : i32
        %dma_wait3A_386 = tpu.memref_slice %arg28[%dma_wait3A_384, %dma_wait3A_385] : memref<10240x16xf32, #tpu.memory_space<vmem_shared>> -> memref<10240x16xf32, #tpu.memory_space<vmem_shared>>
        tpu.wait_indirect_dma semaphore(%arg24 : memref<!tpu.dma_semaphore, #tpu.memory_space<semaphore_mem>>) src(%arg14 : memref<500x16xf32, #tpu.memory_space<vmem>>) dst(%dma_wait3A_386 : memref<10240x16xf32, #tpu.memory_space<vmem_shared>>)
      } else {
      }
      %add3A_261 = arith.constant 3 : i32
      %add3A_262 = arith.addi %add3A_246, %add3A_261 : i32
      %lt3A = arith.constant 20 : i32
      %lt3A_263 = arith.cmpi slt, %add3A_262, %lt3A : i32
      %convert_element_type3A_264 = arith.extui %lt3A_263 : i1 to i32
      %cond3A_265 = arith.constant 0 : i32
      %cond3A_266 = arith.cmpi ne, %convert_element_type3A_264, %cond3A_265 : i32
      scf.if %cond3A_266 {
        %add3A_379 = arith.constant 3 : i32
        %add3A_380 = arith.addi %add3A_246, %add3A_379 : i32
        %dma_start3A_381 = arith.constant 0 : i32
        %dma_start3A_382 = tpu.memref_slice %arg9[%add3A_380, %dma_start3A_381] : memref<20x500xi32, #tpu.memory_space<vmem>> -> memref<1x500xi32, #tpu.memory_space<vmem>>
        %dma_start3A_383 = tpu.memref_squeeze %dma_start3A_382 : memref<1x500xi32, #tpu.memory_space<vmem>> -> memref<500xi32, #tpu.memory_space<vmem>>
        %dma_start3A_384 = arith.constant 0 : i32
        %dma_start3A_385 = arith.constant 0 : i32
        %dma_start3A_386 = tpu.memref_slice %arg8[%dma_start3A_384, %dma_start3A_385] : memref<10240x16xf32, #tpu.memory_space<hbm>> -> memref<10240x16xf32, #tpu.memory_space<hbm>>
        tpu.enqueue_indirect_dma source(%dma_start3A_386 : memref<10240x16xf32, #tpu.memory_space<hbm>>) target(%arg14 : memref<500x16xf32, #tpu.memory_space<vmem>>) offsets(%dma_start3A_383 : memref<500xi32, #tpu.memory_space<vmem>>) semaphore(%arg19 : memref<!tpu.dma_semaphore, #tpu.memory_space<semaphore_mem>>)
      } else {
      }
      %mul3A_267 = arith.constant 5 : i32
      %mul3A_268 = arith.muli %mul3A_267, %scan3A_242 : i32
      %add3A_269 = arith.constant 1 : i32
      %add3A_270 = arith.addi %mul3A_268, %add3A_269 : i32
      %dma_wait3A_271 = arith.constant 0 : i32
      %dma_wait3A_272 = tpu.memref_slice %arg9[%add3A_270, %dma_wait3A_271] : memref<20x500xi32, #tpu.memory_space<vmem>> -> memref<1x500xi32, #tpu.memory_space<vmem>>
      %dma_wait3A_273 = tpu.memref_squeeze %dma_wait3A_272 : memref<1x500xi32, #tpu.memory_space<vmem>> -> memref<500xi32, #tpu.memory_space<vmem>>
      %dma_wait3A_274 = arith.constant 0 : i32
      %dma_wait3A_275 = arith.constant 0 : i32
      %dma_wait3A_276 = tpu.memref_slice %arg8[%dma_wait3A_274, %dma_wait3A_275] : memref<10240x16xf32, #tpu.memory_space<hbm>> -> memref<10240x16xf32, #tpu.memory_space<hbm>>
      tpu.wait_indirect_dma semaphore(%arg17 : memref<!tpu.dma_semaphore, #tpu.memory_space<semaphore_mem>>) src(%dma_wait3A_276 : memref<10240x16xf32, #tpu.memory_space<hbm>>) dst(%arg12 : memref<500x16xf32, #tpu.memory_space<vmem>>)
      %dma_start3A_277 = arith.constant 0 : i32
      %dma_start3A_278 = tpu.memref_slice %arg10[%add3A_270, %dma_start3A_277] : memref<20x500xi32, #tpu.memory_space<vmem>> -> memref<1x500xi32, #tpu.memory_space<vmem>>
      %dma_start3A_279 = tpu.memref_squeeze %dma_start3A_278 : memref<1x500xi32, #tpu.memory_space<vmem>> -> memref<500xi32, #tpu.memory_space<vmem>>
      %dma_start3A_280 = arith.constant 0 : i32
      %dma_start3A_281 = arith.constant 0 : i32
      %dma_start3A_282 = tpu.memref_slice %arg28[%dma_start3A_280, %dma_start3A_281] : memref<10240x16xf32, #tpu.memory_space<vmem_shared>> -> memref<10240x16xf32, #tpu.memory_space<vmem_shared>>
      tpu.enqueue_indirect_dma source(%arg12 : memref<500x16xf32, #tpu.memory_space<vmem>>) target(%dma_start3A_282 : memref<10240x16xf32, #tpu.memory_space<vmem_shared>>) offsets(%dma_start3A_279 : memref<500xi32, #tpu.memory_space<vmem>>) semaphore(%arg22 : memref<!tpu.dma_semaphore, #tpu.memory_space<semaphore_mem>>) {add = true}
      %ge3A_283 = arith.constant 2 : i32
      %ge3A_284 = arith.cmpi sge, %add3A_270, %ge3A_283 : i32
      %convert_element_type3A_285 = arith.extui %ge3A_284 : i1 to i32
      %cond3A_286 = arith.constant 0 : i32
      %cond3A_287 = arith.cmpi ne, %convert_element_type3A_285, %cond3A_286 : i32
      scf.if %cond3A_287 {
        %sub3A_379 = arith.constant 2 : i32
        %sub3A_380 = arith.subi %add3A_270, %sub3A_379 : i32
        %dma_wait3A_381 = arith.constant 0 : i32
        %dma_wait3A_382 = tpu.memref_slice %arg10[%sub3A_380, %dma_wait3A_381] : memref<20x500xi32, #tpu.memory_space<vmem>> -> memref<1x500xi32, #tpu.memory_space<vmem>>
        %dma_wait3A_383 = tpu.memref_squeeze %dma_wait3A_382 : memref<1x500xi32, #tpu.memory_space<vmem>> -> memref<500xi32, #tpu.memory_space<vmem>>
        %dma_wait3A_384 = arith.constant 0 : i32
        %dma_wait3A_385 = arith.constant 0 : i32
        %dma_wait3A_386 = tpu.memref_slice %arg28[%dma_wait3A_384, %dma_wait3A_385] : memref<10240x16xf32, #tpu.memory_space<vmem_shared>> -> memref<10240x16xf32, #tpu.memory_space<vmem_shared>>
        tpu.wait_indirect_dma semaphore(%arg25 : memref<!tpu.dma_semaphore, #tpu.memory_space<semaphore_mem>>) src(%arg15 : memref<500x16xf32, #tpu.memory_space<vmem>>) dst(%dma_wait3A_386 : memref<10240x16xf32, #tpu.memory_space<vmem_shared>>)
      } else {
      }
      %add3A_288 = arith.constant 3 : i32
      %add3A_289 = arith.addi %add3A_270, %add3A_288 : i32
      %lt3A_290 = arith.constant 20 : i32
      %lt3A_291 = arith.cmpi slt, %add3A_289, %lt3A_290 : i32
      %convert_element_type3A_292 = arith.extui %lt3A_291 : i1 to i32
      %cond3A_293 = arith.constant 0 : i32
      %cond3A_294 = arith.cmpi ne, %convert_element_type3A_292, %cond3A_293 : i32
      scf.if %cond3A_294 {
        %add3A_379 = arith.constant 3 : i32
        %add3A_380 = arith.addi %add3A_270, %add3A_379 : i32
        %dma_start3A_381 = arith.constant 0 : i32
        %dma_start3A_382 = tpu.memref_slice %arg9[%add3A_380, %dma_start3A_381] : memref<20x500xi32, #tpu.memory_space<vmem>> -> memref<1x500xi32, #tpu.memory_space<vmem>>
        %dma_start3A_383 = tpu.memref_squeeze %dma_start3A_382 : memref<1x500xi32, #tpu.memory_space<vmem>> -> memref<500xi32, #tpu.memory_space<vmem>>
        %dma_start3A_384 = arith.constant 0 : i32
        %dma_start3A_385 = arith.constant 0 : i32
        %dma_start3A_386 = tpu.memref_slice %arg8[%dma_start3A_384, %dma_start3A_385] : memref<10240x16xf32, #tpu.memory_space<hbm>> -> memref<10240x16xf32, #tpu.memory_space<hbm>>
        tpu.enqueue_indirect_dma source(%dma_start3A_386 : memref<10240x16xf32, #tpu.memory_space<hbm>>) target(%arg15 : memref<500x16xf32, #tpu.memory_space<vmem>>) offsets(%dma_start3A_383 : memref<500xi32, #tpu.memory_space<vmem>>) semaphore(%arg20 : memref<!tpu.dma_semaphore, #tpu.memory_space<semaphore_mem>>)
      } else {
      }
      %mul3A_295 = arith.constant 5 : i32
      %mul3A_296 = arith.muli %mul3A_295, %scan3A_242 : i32
      %add3A_297 = arith.constant 2 : i32
      %add3A_298 = arith.addi %mul3A_296, %add3A_297 : i32
      %dma_wait3A_299 = arith.constant 0 : i32
      %dma_wait3A_300 = tpu.memref_slice %arg9[%add3A_298, %dma_wait3A_299] : memref<20x500xi32, #tpu.memory_space<vmem>> -> memref<1x500xi32, #tpu.memory_space<vmem>>
      %dma_wait3A_301 = tpu.memref_squeeze %dma_wait3A_300 : memref<1x500xi32, #tpu.memory_space<vmem>> -> memref<500xi32, #tpu.memory_space<vmem>>
      %dma_wait3A_302 = arith.constant 0 : i32
      %dma_wait3A_303 = arith.constant 0 : i32
      %dma_wait3A_304 = tpu.memref_slice %arg8[%dma_wait3A_302, %dma_wait3A_303] : memref<10240x16xf32, #tpu.memory_space<hbm>> -> memref<10240x16xf32, #tpu.memory_space<hbm>>
      tpu.wait_indirect_dma semaphore(%arg18 : memref<!tpu.dma_semaphore, #tpu.memory_space<semaphore_mem>>) src(%dma_wait3A_304 : memref<10240x16xf32, #tpu.memory_space<hbm>>) dst(%arg13 : memref<500x16xf32, #tpu.memory_space<vmem>>)
      %dma_start3A_305 = arith.constant 0 : i32
      %dma_start3A_306 = tpu.memref_slice %arg10[%add3A_298, %dma_start3A_305] : memref<20x500xi32, #tpu.memory_space<vmem>> -> memref<1x500xi32, #tpu.memory_space<vmem>>
      %dma_start3A_307 = tpu.memref_squeeze %dma_start3A_306 : memref<1x500xi32, #tpu.memory_space<vmem>> -> memref<500xi32, #tpu.memory_space<vmem>>
      %dma_start3A_308 = arith.constant 0 : i32
      %dma_start3A_309 = arith.constant 0 : i32
      %dma_start3A_310 = tpu.memref_slice %arg28[%dma_start3A_308, %dma_start3A_309] : memref<10240x16xf32, #tpu.memory_space<vmem_shared>> -> memref<10240x16xf32, #tpu.memory_space<vmem_shared>>
      tpu.enqueue_indirect_dma source(%arg13 : memref<500x16xf32, #tpu.memory_space<vmem>>) target(%dma_start3A_310 : memref<10240x16xf32, #tpu.memory_space<vmem_shared>>) offsets(%dma_start3A_307 : memref<500xi32, #tpu.memory_space<vmem>>) semaphore(%arg23 : memref<!tpu.dma_semaphore, #tpu.memory_space<semaphore_mem>>) {add = true}
      %ge3A_311 = arith.constant 2 : i32
      %ge3A_312 = arith.cmpi sge, %add3A_298, %ge3A_311 : i32
      %convert_element_type3A_313 = arith.extui %ge3A_312 : i1 to i32
      %cond3A_314 = arith.constant 0 : i32
      %cond3A_315 = arith.cmpi ne, %convert_element_type3A_313, %cond3A_314 : i32
      scf.if %cond3A_315 {
        %sub3A_379 = arith.constant 2 : i32
        %sub3A_380 = arith.subi %add3A_298, %sub3A_379 : i32
        %dma_wait3A_381 = arith.constant 0 : i32
        %dma_wait3A_382 = tpu.memref_slice %arg10[%sub3A_380, %dma_wait3A_381] : memref<20x500xi32, #tpu.memory_space<vmem>> -> memref<1x500xi32, #tpu.memory_space<vmem>>
        %dma_wait3A_383 = tpu.memref_squeeze %dma_wait3A_382 : memref<1x500xi32, #tpu.memory_space<vmem>> -> memref<500xi32, #tpu.memory_space<vmem>>
        %dma_wait3A_384 = arith.constant 0 : i32
        %dma_wait3A_385 = arith.constant 0 : i32
        %dma_wait3A_386 = tpu.memref_slice %arg28[%dma_wait3A_384, %dma_wait3A_385] : memref<10240x16xf32, #tpu.memory_space<vmem_shared>> -> memref<10240x16xf32, #tpu.memory_space<vmem_shared>>
        tpu.wait_indirect_dma semaphore(%arg21 : memref<!tpu.dma_semaphore, #tpu.memory_space<semaphore_mem>>) src(%arg11 : memref<500x16xf32, #tpu.memory_space<vmem>>) dst(%dma_wait3A_386 : memref<10240x16xf32, #tpu.memory_space<vmem_shared>>)
      } else {
      }
      %add3A_316 = arith.constant 3 : i32
      %add3A_317 = arith.addi %add3A_298, %add3A_316 : i32
      %lt3A_318 = arith.constant 20 : i32
      %lt3A_319 = arith.cmpi slt, %add3A_317, %lt3A_318 : i32
      %convert_element_type3A_320 = arith.extui %lt3A_319 : i1 to i32
      %cond3A_321 = arith.constant 0 : i32
      %cond3A_322 = arith.cmpi ne, %convert_element_type3A_320, %cond3A_321 : i32
      scf.if %cond3A_322 {
        %add3A_379 = arith.constant 3 : i32
        %add3A_380 = arith.addi %add3A_298, %add3A_379 : i32
        %dma_start3A_381 = arith.constant 0 : i32
        %dma_start3A_382 = tpu.memref_slice %arg9[%add3A_380, %dma_start3A_381] : memref<20x500xi32, #tpu.memory_space<vmem>> -> memref<1x500xi32, #tpu.memory_space<vmem>>
        %dma_start3A_383 = tpu.memref_squeeze %dma_start3A_382 : memref<1x500xi32, #tpu.memory_space<vmem>> -> memref<500xi32, #tpu.memory_space<vmem>>
        %dma_start3A_384 = arith.constant 0 : i32
        %dma_start3A_385 = arith.constant 0 : i32
        %dma_start3A_386 = tpu.memref_slice %arg8[%dma_start3A_384, %dma_start3A_385] : memref<10240x16xf32, #tpu.memory_space<hbm>> -> memref<10240x16xf32, #tpu.memory_space<hbm>>
        tpu.enqueue_indirect_dma source(%dma_start3A_386 : memref<10240x16xf32, #tpu.memory_space<hbm>>) target(%arg11 : memref<500x16xf32, #tpu.memory_space<vmem>>) offsets(%dma_start3A_383 : memref<500xi32, #tpu.memory_space<vmem>>) semaphore(%arg16 : memref<!tpu.dma_semaphore, #tpu.memory_space<semaphore_mem>>)
      } else {
      }
      %mul3A_323 = arith.constant 5 : i32
      %mul3A_324 = arith.muli %mul3A_323, %scan3A_242 : i32
      %add3A_325 = arith.constant 3 : i32
      %add3A_326 = arith.addi %mul3A_324, %add3A_325 : i32
      %dma_wait3A_327 = arith.constant 0 : i32
      %dma_wait3A_328 = tpu.memref_slice %arg9[%add3A_326, %dma_wait3A_327] : memref<20x500xi32, #tpu.memory_space<vmem>> -> memref<1x500xi32, #tpu.memory_space<vmem>>
      %dma_wait3A_329 = tpu.memref_squeeze %dma_wait3A_328 : memref<1x500xi32, #tpu.memory_space<vmem>> -> memref<500xi32, #tpu.memory_space<vmem>>
      %dma_wait3A_330 = arith.constant 0 : i32
      %dma_wait3A_331 = arith.constant 0 : i32
      %dma_wait3A_332 = tpu.memref_slice %arg8[%dma_wait3A_330, %dma_wait3A_331] : memref<10240x16xf32, #tpu.memory_space<hbm>> -> memref<10240x16xf32, #tpu.memory_space<hbm>>
      tpu.wait_indirect_dma semaphore(%arg19 : memref<!tpu.dma_semaphore, #tpu.memory_space<semaphore_mem>>) src(%dma_wait3A_332 : memref<10240x16xf32, #tpu.memory_space<hbm>>) dst(%arg14 : memref<500x16xf32, #tpu.memory_space<vmem>>)
      %dma_start3A_333 = arith.constant 0 : i32
      %dma_start3A_334 = tpu.memref_slice %arg10[%add3A_326, %dma_start3A_333] : memref<20x500xi32, #tpu.memory_space<vmem>> -> memref<1x500xi32, #tpu.memory_space<vmem>>
      %dma_start3A_335 = tpu.memref_squeeze %dma_start3A_334 : memref<1x500xi32, #tpu.memory_space<vmem>> -> memref<500xi32, #tpu.memory_space<vmem>>
      %dma_start3A_336 = arith.constant 0 : i32
      %dma_start3A_337 = arith.constant 0 : i32
      %dma_start3A_338 = tpu.memref_slice %arg28[%dma_start3A_336, %dma_start3A_337] : memref<10240x16xf32, #tpu.memory_space<vmem_shared>> -> memref<10240x16xf32, #tpu.memory_space<vmem_shared>>
      tpu.enqueue_indirect_dma source(%arg14 : memref<500x16xf32, #tpu.memory_space<vmem>>) target(%dma_start3A_338 : memref<10240x16xf32, #tpu.memory_space<vmem_shared>>) offsets(%dma_start3A_335 : memref<500xi32, #tpu.memory_space<vmem>>) semaphore(%arg24 : memref<!tpu.dma_semaphore, #tpu.memory_space<semaphore_mem>>) {add = true}
      %ge3A_339 = arith.constant 2 : i32
      %ge3A_340 = arith.cmpi sge, %add3A_326, %ge3A_339 : i32
      %convert_element_type3A_341 = arith.extui %ge3A_340 : i1 to i32
      %cond3A_342 = arith.constant 0 : i32
      %cond3A_343 = arith.cmpi ne, %convert_element_type3A_341, %cond3A_342 : i32
      scf.if %cond3A_343 {
        %sub3A_379 = arith.constant 2 : i32
        %sub3A_380 = arith.subi %add3A_326, %sub3A_379 : i32
        %dma_wait3A_381 = arith.constant 0 : i32
        %dma_wait3A_382 = tpu.memref_slice %arg10[%sub3A_380, %dma_wait3A_381] : memref<20x500xi32, #tpu.memory_space<vmem>> -> memref<1x500xi32, #tpu.memory_space<vmem>>
        %dma_wait3A_383 = tpu.memref_squeeze %dma_wait3A_382 : memref<1x500xi32, #tpu.memory_space<vmem>> -> memref<500xi32, #tpu.memory_space<vmem>>
        %dma_wait3A_384 = arith.constant 0 : i32
        %dma_wait3A_385 = arith.constant 0 : i32
        %dma_wait3A_386 = tpu.memref_slice %arg28[%dma_wait3A_384, %dma_wait3A_385] : memref<10240x16xf32, #tpu.memory_space<vmem_shared>> -> memref<10240x16xf32, #tpu.memory_space<vmem_shared>>
        tpu.wait_indirect_dma semaphore(%arg22 : memref<!tpu.dma_semaphore, #tpu.memory_space<semaphore_mem>>) src(%arg12 : memref<500x16xf32, #tpu.memory_space<vmem>>) dst(%dma_wait3A_386 : memref<10240x16xf32, #tpu.memory_space<vmem_shared>>)
      } else {
      }
      %add3A_344 = arith.constant 3 : i32
      %add3A_345 = arith.addi %add3A_326, %add3A_344 : i32
      %lt3A_346 = arith.constant 20 : i32
      %lt3A_347 = arith.cmpi slt, %add3A_345, %lt3A_346 : i32
      %convert_element_type3A_348 = arith.extui %lt3A_347 : i1 to i32
      %cond3A_349 = arith.constant 0 : i32
      %cond3A_350 = arith.cmpi ne, %convert_element_type3A_348, %cond3A_349 : i32
      scf.if %cond3A_350 {
        %add3A_379 = arith.constant 3 : i32
        %add3A_380 = arith.addi %add3A_326, %add3A_379 : i32
        %dma_start3A_381 = arith.constant 0 : i32
        %dma_start3A_382 = tpu.memref_slice %arg9[%add3A_380, %dma_start3A_381] : memref<20x500xi32, #tpu.memory_space<vmem>> -> memref<1x500xi32, #tpu.memory_space<vmem>>
        %dma_start3A_383 = tpu.memref_squeeze %dma_start3A_382 : memref<1x500xi32, #tpu.memory_space<vmem>> -> memref<500xi32, #tpu.memory_space<vmem>>
        %dma_start3A_384 = arith.constant 0 : i32
        %dma_start3A_385 = arith.constant 0 : i32
        %dma_start3A_386 = tpu.memref_slice %arg8[%dma_start3A_384, %dma_start3A_385] : memref<10240x16xf32, #tpu.memory_space<hbm>> -> memref<10240x16xf32, #tpu.memory_space<hbm>>
        tpu.enqueue_indirect_dma source(%dma_start3A_386 : memref<10240x16xf32, #tpu.memory_space<hbm>>) target(%arg12 : memref<500x16xf32, #tpu.memory_space<vmem>>) offsets(%dma_start3A_383 : memref<500xi32, #tpu.memory_space<vmem>>) semaphore(%arg17 : memref<!tpu.dma_semaphore, #tpu.memory_space<semaphore_mem>>)
      } else {
      }
      %mul3A_351 = arith.constant 5 : i32
      %mul3A_352 = arith.muli %mul3A_351, %scan3A_242 : i32
      %add3A_353 = arith.constant 4 : i32
      %add3A_354 = arith.addi %mul3A_352, %add3A_353 : i32
      %dma_wait3A_355 = arith.constant 0 : i32
      %dma_wait3A_356 = tpu.memref_slice %arg9[%add3A_354, %dma_wait3A_355] : memref<20x500xi32, #tpu.memory_space<vmem>> -> memref<1x500xi32, #tpu.memory_space<vmem>>
      %dma_wait3A_357 = tpu.memref_squeeze %dma_wait3A_356 : memref<1x500xi32, #tpu.memory_space<vmem>> -> memref<500xi32, #tpu.memory_space<vmem>>
      %dma_wait3A_358 = arith.constant 0 : i32
      %dma_wait3A_359 = arith.constant 0 : i32
      %dma_wait3A_360 = tpu.memref_slice %arg8[%dma_wait3A_358, %dma_wait3A_359] : memref<10240x16xf32, #tpu.memory_space<hbm>> -> memref<10240x16xf32, #tpu.memory_space<hbm>>
      tpu.wait_indirect_dma semaphore(%arg20 : memref<!tpu.dma_semaphore, #tpu.memory_space<semaphore_mem>>) src(%dma_wait3A_360 : memref<10240x16xf32, #tpu.memory_space<hbm>>) dst(%arg15 : memref<500x16xf32, #tpu.memory_space<vmem>>)
      %dma_start3A_361 = arith.constant 0 : i32
      %dma_start3A_362 = tpu.memref_slice %arg10[%add3A_354, %dma_start3A_361] : memref<20x500xi32, #tpu.memory_space<vmem>> -> memref<1x500xi32, #tpu.memory_space<vmem>>
      %dma_start3A_363 = tpu.memref_squeeze %dma_start3A_362 : memref<1x500xi32, #tpu.memory_space<vmem>> -> memref<500xi32, #tpu.memory_space<vmem>>
      %dma_start3A_364 = arith.constant 0 : i32
      %dma_start3A_365 = arith.constant 0 : i32
      %dma_start3A_366 = tpu.memref_slice %arg28[%dma_start3A_364, %dma_start3A_365] : memref<10240x16xf32, #tpu.memory_space<vmem_shared>> -> memref<10240x16xf32, #tpu.memory_space<vmem_shared>>
      tpu.enqueue_indirect_dma source(%arg15 : memref<500x16xf32, #tpu.memory_space<vmem>>) target(%dma_start3A_366 : memref<10240x16xf32, #tpu.memory_space<vmem_shared>>) offsets(%dma_start3A_363 : memref<500xi32, #tpu.memory_space<vmem>>) semaphore(%arg25 : memref<!tpu.dma_semaphore, #tpu.memory_space<semaphore_mem>>) {add = true}
      %ge3A_367 = arith.constant 2 : i32
      %ge3A_368 = arith.cmpi sge, %add3A_354, %ge3A_367 : i32
      %convert_element_type3A_369 = arith.extui %ge3A_368 : i1 to i32
      %cond3A_370 = arith.constant 0 : i32
      %cond3A_371 = arith.cmpi ne, %convert_element_type3A_369, %cond3A_370 : i32
      scf.if %cond3A_371 {
        %sub3A_379 = arith.constant 2 : i32
        %sub3A_380 = arith.subi %add3A_354, %sub3A_379 : i32
        %dma_wait3A_381 = arith.constant 0 : i32
        %dma_wait3A_382 = tpu.memref_slice %arg10[%sub3A_380, %dma_wait3A_381] : memref<20x500xi32, #tpu.memory_space<vmem>> -> memref<1x500xi32, #tpu.memory_space<vmem>>
        %dma_wait3A_383 = tpu.memref_squeeze %dma_wait3A_382 : memref<1x500xi32, #tpu.memory_space<vmem>> -> memref<500xi32, #tpu.memory_space<vmem>>
        %dma_wait3A_384 = arith.constant 0 : i32
        %dma_wait3A_385 = arith.constant 0 : i32
        %dma_wait3A_386 = tpu.memref_slice %arg28[%dma_wait3A_384, %dma_wait3A_385] : memref<10240x16xf32, #tpu.memory_space<vmem_shared>> -> memref<10240x16xf32, #tpu.memory_space<vmem_shared>>
        tpu.wait_indirect_dma semaphore(%arg23 : memref<!tpu.dma_semaphore, #tpu.memory_space<semaphore_mem>>) src(%arg13 : memref<500x16xf32, #tpu.memory_space<vmem>>) dst(%dma_wait3A_386 : memref<10240x16xf32, #tpu.memory_space<vmem_shared>>)
      } else {
      }
      %add3A_372 = arith.constant 3 : i32
      %add3A_373 = arith.addi %add3A_354, %add3A_372 : i32
      %lt3A_374 = arith.constant 20 : i32
      %lt3A_375 = arith.cmpi slt, %add3A_373, %lt3A_374 : i32
      %convert_element_type3A_376 = arith.extui %lt3A_375 : i1 to i32
      %cond3A_377 = arith.constant 0 : i32
      %cond3A_378 = arith.cmpi ne, %convert_element_type3A_376, %cond3A_377 : i32
      scf.if %cond3A_378 {
        %add3A_379 = arith.constant 3 : i32
        %add3A_380 = arith.addi %add3A_354, %add3A_379 : i32
        %dma_start3A_381 = arith.constant 0 : i32
        %dma_start3A_382 = tpu.memref_slice %arg9[%add3A_380, %dma_start3A_381] : memref<20x500xi32, #tpu.memory_space<vmem>> -> memref<1x500xi32, #tpu.memory_space<vmem>>
        %dma_start3A_383 = tpu.memref_squeeze %dma_start3A_382 : memref<1x500xi32, #tpu.memory_space<vmem>> -> memref<500xi32, #tpu.memory_space<vmem>>
        %dma_start3A_384 = arith.constant 0 : i32
        %dma_start3A_385 = arith.constant 0 : i32
        %dma_start3A_386 = tpu.memref_slice %arg8[%dma_start3A_384, %dma_start3A_385] : memref<10240x16xf32, #tpu.memory_space<hbm>> -> memref<10240x16xf32, #tpu.memory_space<hbm>>
        tpu.enqueue_indirect_dma source(%dma_start3A_386 : memref<10240x16xf32, #tpu.memory_space<hbm>>) target(%arg13 : memref<500x16xf32, #tpu.memory_space<vmem>>) offsets(%dma_start3A_383 : memref<500xi32, #tpu.memory_space<vmem>>) semaphore(%arg18 : memref<!tpu.dma_semaphore, #tpu.memory_space<semaphore_mem>>)
      } else {
      }
    }
    %scan3A_223 = arith.constant 4 : i32
    %dma_wait3A_224 = arith.constant 18 : i32
    %dma_wait3A_225 = arith.constant 0 : i32
    %dma_wait3A_226 = tpu.memref_slice %arg10[%dma_wait3A_224, %dma_wait3A_225] : memref<20x500xi32, #tpu.memory_space<vmem>> -> memref<1x500xi32, #tpu.memory_space<vmem>>
    %dma_wait3A_227 = tpu.memref_squeeze %dma_wait3A_226 : memref<1x500xi32, #tpu.memory_space<vmem>> -> memref<500xi32, #tpu.memory_space<vmem>>
    %dma_wait3A_228 = arith.constant 0 : i32
    %dma_wait3A_229 = arith.constant 0 : i32
    %dma_wait3A_230 = tpu.memref_slice %arg28[%dma_wait3A_228, %dma_wait3A_229] : memref<10240x16xf32, #tpu.memory_space<vmem_shared>> -> memref<10240x16xf32, #tpu.memory_space<vmem_shared>>
    tpu.wait_indirect_dma semaphore(%arg24 : memref<!tpu.dma_semaphore, #tpu.memory_space<semaphore_mem>>) src(%arg14 : memref<500x16xf32, #tpu.memory_space<vmem>>) dst(%dma_wait3A_230 : memref<10240x16xf32, #tpu.memory_space<vmem_shared>>)
    %dma_wait3A_231 = arith.constant 19 : i32
    %dma_wait3A_232 = arith.constant 0 : i32
    %dma_wait3A_233 = tpu.memref_slice %arg10[%dma_wait3A_231, %dma_wait3A_232] : memref<20x500xi32, #tpu.memory_space<vmem>> -> memref<1x500xi32, #tpu.memory_space<vmem>>
    %dma_wait3A_234 = tpu.memref_squeeze %dma_wait3A_233 : memref<1x500xi32, #tpu.memory_space<vmem>> -> memref<500xi32, #tpu.memory_space<vmem>>
    %dma_wait3A_235 = arith.constant 0 : i32
    %dma_wait3A_236 = arith.constant 0 : i32
    %dma_wait3A_237 = tpu.memref_slice %arg28[%dma_wait3A_235, %dma_wait3A_236] : memref<10240x16xf32, #tpu.memory_space<vmem_shared>> -> memref<10240x16xf32, #tpu.memory_space<vmem_shared>>
    tpu.wait_indirect_dma semaphore(%arg25 : memref<!tpu.dma_semaphore, #tpu.memory_space<semaphore_mem>>) src(%arg15 : memref<500x16xf32, #tpu.memory_space<vmem>>) dst(%dma_wait3A_237 : memref<10240x16xf32, #tpu.memory_space<vmem_shared>>)
    %barrier3A_238 = arith.constant 0 : index
    tpu.barrier barrier_id(%barrier3A_238)
    %mul3A_239 = arith.constant 10240 : i32
    %mul3A_240 = arith.muli %arg0, %mul3A_239 : i32
    %add3A_241 = arith.addi %mul3A_240, %mul3A_2 : i32
    "tpu.region"() ({
      %run_scoped3A = tpu.sem_alloc : memref<!tpu.dma_semaphore, #tpu.memory_space<semaphore_mem>>
      %dma_start3A_242 = arith.constant 0 : i32
      %dma_start3A_243 = tpu.memref_slice %arg7[%add3A_241, %dma_start3A_242] : memref<20480x16xf32, #tpu.memory_space<hbm>> -> memref<640x16xf32, #tpu.memory_space<hbm>>
      %dma_start3A_244 = arith.constant 0 : i32
      %dma_start3A_245 = tpu.memref_slice %arg28[%mul3A_2, %dma_start3A_244] : memref<10240x16xf32, #tpu.memory_space<vmem_shared>> -> memref<640x16xf32, #tpu.memory_space<vmem_shared>>
      tpu.enqueue_dma source(%dma_start3A_245 : memref<640x16xf32, #tpu.memory_space<vmem_shared>>) target(%dma_start3A_243 : memref<640x16xf32, #tpu.memory_space<hbm>>) target_semaphore(%run_scoped3A : memref<!tpu.dma_semaphore, #tpu.memory_space<semaphore_mem>>)
      %dma_wait3A_246 = arith.constant 0 : i32
      %dma_wait3A_247 = tpu.memref_slice %arg7[%add3A_241, %dma_wait3A_246] : memref<20480x16xf32, #tpu.memory_space<hbm>> -> memref<640x16xf32, #tpu.memory_space<hbm>>
      %dma_wait3A_248 = arith.constant 0 : i32
      %dma_wait3A_249 = tpu.memref_slice %arg28[%mul3A_2, %dma_wait3A_248] : memref<10240x16xf32, #tpu.memory_space<vmem_shared>> -> memref<640x16xf32, #tpu.memory_space<vmem_shared>>
      tpu.wait_dma2 semaphore(%run_scoped3A : memref<!tpu.dma_semaphore, #tpu.memory_space<semaphore_mem>>) src(%dma_wait3A_249 : memref<640x16xf32, #tpu.memory_space<vmem_shared>>) dst(%dma_wait3A_247 : memref<640x16xf32, #tpu.memory_space<hbm>>)
      tpu.yield
    }) : () -> ()
    return
  }
}

module attributes {stable_mosaic.version = 14 : i64} {
  func.func @body(%arg0: i32, %arg1: memref<1024x16xf32, #tpu.memory_space<vmem>>, %arg2: memref<1024x16xf32, #tpu.memory_space<vmem>>, %arg3: memref<1024x128xf32, #tpu.memory_space<vmem>>, %arg4: memref<128x64xf32, #tpu.memory_space<vmem>>, %arg5: memref<1024x1xf32, #tpu.memory_space<vmem>>, %arg6: memref<1024x64xf32, #tpu.memory_space<vmem>>) attributes {dimension_semantics = [#tpu.dimension_semantics<arbitrary>], iteration_bounds = array<i64: 10>, scalar_prefetch = 0 : i64, scratch_operands = 0 : i64, tpu.core_type = #tpu.core_type<tc>, window_params = [{transform_indices = @transform_0, window_bounds = array<i64: 1024, 16>}, {transform_indices = @transform_1, window_bounds = array<i64: 1024, 16>}, {transform_indices = @transform_2, window_bounds = array<i64: 1024, 128>}, {pipeline_mode = #tpu.pipeline_mode<synchronous>, transform_indices = @transform_3, window_bounds = array<i64: 128, 64>}, {transform_indices = @transform_4, window_bounds = array<i64: 1024, 1>}, {transform_indices = @transform_5, window_bounds = array<i64: 1024, 64>}]} {
    %get3A = arith.constant 0 : index
    %get3A_0 = arith.constant 0 : index
    %get3A_1 = vector.load %arg1[%get3A, %get3A_0] : memref<1024x16xf32, #tpu.memory_space<vmem>>, vector<1024x1xf32>
    %add3A = arith.constant 1.000000e+00 : f32
    %add3A_2 = vector.broadcast %add3A : f32 to vector<1024x1xf32>
    %add3A_3 = arith.addf %add3A_2, %get3A_1 : vector<1024x1xf32>
    %get3A_4 = arith.constant 0 : index
    %get3A_5 = arith.constant 0 : index
    %get3A_6 = vector.load %arg2[%get3A_4, %get3A_5] : memref<1024x16xf32, #tpu.memory_space<vmem>>, vector<1024x1xf32>
    %add3A_7 = arith.addf %add3A_3, %get3A_6 : vector<1024x1xf32>
    %rsqrt3A = math.rsqrt %add3A_7 : vector<1024x1xf32>
    %get3A_8 = arith.constant 0 : index
    %get3A_9 = arith.constant 0 : index
    %get3A_10 = vector.load %arg3[%get3A_8, %get3A_9] : memref<1024x128xf32, #tpu.memory_space<vmem>>, vector<1024x128xf32>
    %get3A_11 = arith.constant 0 : index
    %get3A_12 = arith.constant 0 : index
    %get3A_13 = vector.load %arg4[%get3A_11, %get3A_12] : memref<128x64xf32, #tpu.memory_space<vmem>>, vector<128x64xf32>
    %dot_general3A = arith.constant dense<0.000000e+00> : vector<1024x64xf32>
    %dot_general3A_14 = tpu.matmul %get3A_10, %get3A_13, %dot_general3A {dimension_numbers = #tpu.dot_dimension_numbers<[1], [0], [0], [1], [0, 0, 1, 1], [], []>, transpose_lhs_hint = false} : vector<1024x128xf32>, vector<128x64xf32>, vector<1024x64xf32> -> vector<1024x64xf32>
    %swap3A = arith.constant 0 : index
    %swap3A_15 = arith.constant 0 : index
    %swap3A_16 = vector.load %arg5[%swap3A, %swap3A_15] : memref<1024x1xf32, #tpu.memory_space<vmem>>, vector<1024x1xf32>
    tpu.vector_store %arg5[%swap3A, %swap3A_15], %rsqrt3A {strides = array<i32>} : memref<1024x1xf32, #tpu.memory_space<vmem>>, vector<1024x1xf32>,
    %mul3A = vector.broadcast %rsqrt3A : vector<1024x1xf32> to vector<1024x64xf32>
    %mul3A_17 = arith.mulf %mul3A, %dot_general3A_14 : vector<1024x64xf32>
    %swap3A_18 = arith.constant 0 : index
    %swap3A_19 = arith.constant 0 : index
    %swap3A_20 = vector.load %arg6[%swap3A_18, %swap3A_19] : memref<1024x64xf32, #tpu.memory_space<vmem>>, vector<1024x64xf32>
    tpu.vector_store %arg6[%swap3A_18, %swap3A_19], %mul3A_17 {strides = array<i32>} : memref<1024x64xf32, #tpu.memory_space<vmem>>, vector<1024x64xf32>,
    return
  }
  func.func @transform_0(%arg0: i32) -> (i32, i32) {
    %add3A = arith.constant 0 : i32
    %add3A_0 = arith.addi %arg0, %add3A : i32
    %c0_i32 = arith.constant 0 : i32
    %c0_i32_1 = arith.constant 0 : i32
    return %add3A_0, %c0_i32 : i32, i32
  }
  func.func @transform_1(%arg0: i32) -> (i32, i32) {
    %add3A = arith.constant 10 : i32
    %add3A_0 = arith.addi %arg0, %add3A : i32
    %c0_i32 = arith.constant 0 : i32
    %c0_i32_1 = arith.constant 0 : i32
    return %add3A_0, %c0_i32 : i32, i32
  }
  func.func @transform_2(%arg0: i32) -> (i32, i32) {
    %add3A = arith.constant 0 : i32
    %add3A_0 = arith.addi %arg0, %add3A : i32
    %c0_i32 = arith.constant 0 : i32
    %c0_i32_1 = arith.constant 0 : i32
    return %add3A_0, %c0_i32 : i32, i32
  }
  func.func @transform_3(%arg0: i32) -> (i32, i32) {
    %c0_i32 = arith.constant 0 : i32
    %c0_i32_0 = arith.constant 0 : i32
    %c0_i32_1 = arith.constant 0 : i32
    return %c0_i32, %c0_i32_0 : i32, i32
  }
  func.func @transform_4(%arg0: i32) -> (i32, i32) {
    %add3A = arith.constant 0 : i32
    %add3A_0 = arith.addi %arg0, %add3A : i32
    %c0_i32 = arith.constant 0 : i32
    %c0_i32_1 = arith.constant 0 : i32
    return %add3A_0, %c0_i32 : i32, i32
  }
  func.func @transform_5(%arg0: i32) -> (i32, i32) {
    %add3A = arith.constant 0 : i32
    %add3A_0 = arith.addi %arg0, %add3A : i32
    %c0_i32 = arith.constant 0 : i32
    %c0_i32_1 = arith.constant 0 : i32
    return %add3A_0, %c0_i32 : i32, i32
  }
}

module attributes {stable_mosaic.version = 14 : i64} {
  func.func @body(%arg0: i32, %arg1: memref<1024x64xf32, #tpu.memory_space<vmem>>, %arg2: memref<1024x64xf32, #tpu.memory_space<vmem>>, %arg3: memref<1024x64xf32, #tpu.memory_space<vmem>>, %arg4: memref<1024x1xf32, #tpu.memory_space<vmem>>, %arg5: memref<1x64xf32, #tpu.memory_space<vmem>>, %arg6: memref<64x16xf32, #tpu.memory_space<vmem>>, %arg7: memref<1024x16xf32, #tpu.memory_space<vmem>>) attributes {dimension_semantics = [#tpu.dimension_semantics<arbitrary>], iteration_bounds = array<i64: 10>, scalar_prefetch = 0 : i64, scratch_operands = 0 : i64, tpu.core_type = #tpu.core_type<tc>, window_params = [{transform_indices = @transform_0, window_bounds = array<i64: 1024, 64>}, {transform_indices = @transform_1, window_bounds = array<i64: 1024, 64>}, {transform_indices = @transform_2, window_bounds = array<i64: 1024, 64>}, {transform_indices = @transform_3, window_bounds = array<i64: 1024, 1>}, {pipeline_mode = #tpu.pipeline_mode<synchronous>, transform_indices = @transform_4, window_bounds = array<i64: 1, 64>}, {pipeline_mode = #tpu.pipeline_mode<synchronous>, transform_indices = @transform_5, window_bounds = array<i64: 64, 16>}, {transform_indices = @transform_6, window_bounds = array<i64: 1024, 16>}]} {
    %get3A = arith.constant 0 : index
    %get3A_0 = arith.constant 0 : index
    %get3A_1 = vector.load %arg4[%get3A, %get3A_0] : memref<1024x1xf32, #tpu.memory_space<vmem>>, vector<1024x1xf32>
    %get3A_2 = arith.constant 0 : index
    %get3A_3 = arith.constant 0 : index
    %get3A_4 = vector.load %arg1[%get3A_2, %get3A_3] : memref<1024x64xf32, #tpu.memory_space<vmem>>, vector<1024x64xf32>
    %get3A_5 = arith.constant 0 : index
    %get3A_6 = arith.constant 0 : index
    %get3A_7 = vector.load %arg2[%get3A_5, %get3A_6] : memref<1024x64xf32, #tpu.memory_space<vmem>>, vector<1024x64xf32>
    %add3A = arith.addf %get3A_4, %get3A_7 : vector<1024x64xf32>
    %get3A_8 = arith.constant 0 : index
    %get3A_9 = arith.constant 0 : index
    %get3A_10 = vector.load %arg3[%get3A_8, %get3A_9] : memref<1024x64xf32, #tpu.memory_space<vmem>>, vector<1024x64xf32>
    %add3A_11 = arith.addf %add3A, %get3A_10 : vector<1024x64xf32>
    %mul3A = vector.broadcast %get3A_1 : vector<1024x1xf32> to vector<1024x64xf32>
    %mul3A_12 = arith.mulf %mul3A, %add3A_11 : vector<1024x64xf32>
    %get3A_13 = arith.constant 0 : index
    %get3A_14 = arith.constant 0 : index
    %get3A_15 = vector.load %arg5[%get3A_13, %get3A_14] : memref<1x64xf32, #tpu.memory_space<vmem>>, vector<1x64xf32>
    %add3A_16 = vector.broadcast %get3A_15 : vector<1x64xf32> to vector<1024x64xf32>
    %add3A_17 = arith.addf %mul3A_12, %add3A_16 : vector<1024x64xf32>
    %max3A = arith.constant 0.000000e+00 : f32
    %max3A_18 = vector.broadcast %max3A : f32 to vector<1024x64xf32>
    %max3A_19 = arith.maximumf %add3A_17, %max3A_18 : vector<1024x64xf32>
    %get3A_20 = arith.constant 0 : index
    %get3A_21 = arith.constant 0 : index
    %get3A_22 = vector.load %arg6[%get3A_20, %get3A_21] : memref<64x16xf32, #tpu.memory_space<vmem>>, vector<64x16xf32>
    %dot_general3A = arith.constant dense<0.000000e+00> : vector<1024x16xf32>
    %dot_general3A_23 = tpu.matmul %max3A_19, %get3A_22, %dot_general3A {dimension_numbers = #tpu.dot_dimension_numbers<[1], [0], [0], [1], [0, 0, 1, 1], [], []>, transpose_lhs_hint = false} : vector<1024x64xf32>, vector<64x16xf32>, vector<1024x16xf32> -> vector<1024x16xf32>
    %mul3A_24 = vector.broadcast %get3A_1 : vector<1024x1xf32> to vector<1024x16xf32>
    %mul3A_25 = arith.mulf %mul3A_24, %dot_general3A_23 : vector<1024x16xf32>
    %swap3A = arith.constant 0 : index
    %swap3A_26 = arith.constant 0 : index
    %swap3A_27 = vector.load %arg7[%swap3A, %swap3A_26] : memref<1024x16xf32, #tpu.memory_space<vmem>>, vector<1024x16xf32>
    tpu.vector_store %arg7[%swap3A, %swap3A_26], %mul3A_25 {strides = array<i32>} : memref<1024x16xf32, #tpu.memory_space<vmem>>, vector<1024x16xf32>,
    return
  }
  func.func @transform_0(%arg0: i32) -> (i32, i32) {
    %add3A = arith.constant 0 : i32
    %add3A_0 = arith.addi %arg0, %add3A : i32
    %c0_i32 = arith.constant 0 : i32
    %c0_i32_1 = arith.constant 0 : i32
    return %add3A_0, %c0_i32 : i32, i32
  }
  func.func @transform_1(%arg0: i32) -> (i32, i32) {
    %add3A = arith.constant 10 : i32
    %add3A_0 = arith.addi %arg0, %add3A : i32
    %c0_i32 = arith.constant 0 : i32
    %c0_i32_1 = arith.constant 0 : i32
    return %add3A_0, %c0_i32 : i32, i32
  }
  func.func @transform_2(%arg0: i32) -> (i32, i32) {
    %add3A = arith.constant 0 : i32
    %add3A_0 = arith.addi %arg0, %add3A : i32
    %c0_i32 = arith.constant 0 : i32
    %c0_i32_1 = arith.constant 0 : i32
    return %add3A_0, %c0_i32 : i32, i32
  }
  func.func @transform_3(%arg0: i32) -> (i32, i32) {
    %add3A = arith.constant 0 : i32
    %add3A_0 = arith.addi %arg0, %add3A : i32
    %c0_i32 = arith.constant 0 : i32
    %c0_i32_1 = arith.constant 0 : i32
    return %add3A_0, %c0_i32 : i32, i32
  }
  func.func @transform_4(%arg0: i32) -> (i32, i32) {
    %c0_i32 = arith.constant 0 : i32
    %c0_i32_0 = arith.constant 0 : i32
    %c0_i32_1 = arith.constant 0 : i32
    return %c0_i32, %c0_i32_0 : i32, i32
  }
  func.func @transform_5(%arg0: i32) -> (i32, i32) {
    %c0_i32 = arith.constant 0 : i32
    %c0_i32_0 = arith.constant 0 : i32
    %c0_i32_1 = arith.constant 0 : i32
    return %c0_i32, %c0_i32_0 : i32, i32
  }
  func.func @transform_6(%arg0: i32) -> (i32, i32) {
    %add3A = arith.constant 0 : i32
    %add3A_0 = arith.addi %arg0, %add3A : i32
    %c0_i32 = arith.constant 0 : i32
    %c0_i32_1 = arith.constant 0 : i32
    return %add3A_0, %c0_i32 : i32, i32
  }
}

module attributes {stable_mosaic.version = 14 : i64} {
  func.func @body(%arg0: i32, %arg1: memref<1024x16xf32, #tpu.memory_space<vmem>>, %arg2: memref<1024x16xf32, #tpu.memory_space<vmem>>, %arg3: memref<1024x16xf32, #tpu.memory_space<vmem>>, %arg4: memref<1024x1xf32, #tpu.memory_space<vmem>>, %arg5: memref<1x16xf32, #tpu.memory_space<vmem>>, %arg6: memref<1024x16xf32, #tpu.memory_space<vmem>>) attributes {dimension_semantics = [#tpu.dimension_semantics<arbitrary>], iteration_bounds = array<i64: 10>, scalar_prefetch = 0 : i64, scratch_operands = 0 : i64, tpu.core_type = #tpu.core_type<tc>, window_params = [{transform_indices = @transform_0, window_bounds = array<i64: 1024, 16>}, {transform_indices = @transform_1, window_bounds = array<i64: 1024, 16>}, {transform_indices = @transform_2, window_bounds = array<i64: 1024, 16>}, {transform_indices = @transform_3, window_bounds = array<i64: 1024, 1>}, {pipeline_mode = #tpu.pipeline_mode<synchronous>, transform_indices = @transform_4, window_bounds = array<i64: 1, 16>}, {transform_indices = @transform_5, window_bounds = array<i64: 1024, 16>}]} {
    %get3A = arith.constant 0 : index
    %get3A_0 = arith.constant 0 : index
    %get3A_1 = vector.load %arg4[%get3A, %get3A_0] : memref<1024x1xf32, #tpu.memory_space<vmem>>, vector<1024x1xf32>
    %get3A_2 = arith.constant 0 : index
    %get3A_3 = arith.constant 0 : index
    %get3A_4 = vector.load %arg1[%get3A_2, %get3A_3] : memref<1024x16xf32, #tpu.memory_space<vmem>>, vector<1024x16xf32>
    %get3A_5 = arith.constant 0 : index
    %get3A_6 = arith.constant 0 : index
    %get3A_7 = vector.load %arg2[%get3A_5, %get3A_6] : memref<1024x16xf32, #tpu.memory_space<vmem>>, vector<1024x16xf32>
    %add3A = arith.addf %get3A_4, %get3A_7 : vector<1024x16xf32>
    %get3A_8 = arith.constant 0 : index
    %get3A_9 = arith.constant 0 : index
    %get3A_10 = vector.load %arg3[%get3A_8, %get3A_9] : memref<1024x16xf32, #tpu.memory_space<vmem>>, vector<1024x16xf32>
    %add3A_11 = arith.addf %add3A, %get3A_10 : vector<1024x16xf32>
    %mul3A = vector.broadcast %get3A_1 : vector<1024x1xf32> to vector<1024x16xf32>
    %mul3A_12 = arith.mulf %mul3A, %add3A_11 : vector<1024x16xf32>
    %get3A_13 = arith.constant 0 : index
    %get3A_14 = arith.constant 0 : index
    %get3A_15 = vector.load %arg5[%get3A_13, %get3A_14] : memref<1x16xf32, #tpu.memory_space<vmem>>, vector<1x16xf32>
    %add3A_16 = vector.broadcast %get3A_15 : vector<1x16xf32> to vector<1024x16xf32>
    %add3A_17 = arith.addf %mul3A_12, %add3A_16 : vector<1024x16xf32>
    %iota3A = tpu.iota {dimensions = array<i32: 1>} : vector<1024x16xi32>
    %lt3A = arith.constant 6 : i32
    %lt3A_18 = vector.broadcast %lt3A : i32 to vector<1024x16xi32>
    %lt3A_19 = arith.cmpi slt, %iota3A, %lt3A_18 : vector<1024x16xi32>
    %jit3A = arith.constant 0xFF800000 : f32
    %broadcast_in_dim3A = vector.broadcast %jit3A : f32 to vector<1024x16xf32>
    %select_n3A = arith.select %lt3A_19, %add3A_17, %broadcast_in_dim3A : vector<1024x16xi1>, vector<1024x16xf32>
    %reduce_max3A = arith.constant dense<0xFF800000> : vector<1024xf32>
    %reduce_max3A_20 = vector.multi_reduction <maximumf>, %select_n3A, %reduce_max3A [1] : vector<1024x16xf32> to vector<1024xf32>
    %broadcast_in_dim3A_21 = vector.shape_cast %reduce_max3A_20 : vector<1024xf32> to vector<1024x1xf32>
    %sub3A = vector.broadcast %broadcast_in_dim3A_21 : vector<1024x1xf32> to vector<1024x16xf32>
    %sub3A_22 = arith.subf %add3A_17, %sub3A : vector<1024x16xf32>
    %exp3A = math.exp %sub3A_22 : vector<1024x16xf32>
    %jit3A_23 = arith.constant 0.000000e+00 : f32
    %broadcast_in_dim3A_24 = vector.broadcast %jit3A_23 : f32 to vector<1024x16xf32>
    %select_n3A_25 = arith.select %lt3A_19, %exp3A, %broadcast_in_dim3A_24 : vector<1024x16xi1>, vector<1024x16xf32>
    %reduce_sum3A = arith.constant dense<0.000000e+00> : vector<1024xf32>
    %reduce_sum3A_26 = vector.multi_reduction <add>, %select_n3A_25, %reduce_sum3A [1] : vector<1024x16xf32> to vector<1024xf32>
    %broadcast_in_dim3A_27 = vector.shape_cast %reduce_sum3A_26 : vector<1024xf32> to vector<1024x1xf32>
    %log3A = math.log %broadcast_in_dim3A_27 : vector<1024x1xf32>
    %add3A_28 = arith.addf %broadcast_in_dim3A_21, %log3A : vector<1024x1xf32>
    %sub3A_29 = vector.broadcast %add3A_28 : vector<1024x1xf32> to vector<1024x16xf32>
    %sub3A_30 = arith.subf %add3A_17, %sub3A_29 : vector<1024x16xf32>
    %swap3A = arith.constant 0 : index
    %swap3A_31 = arith.constant 0 : index
    %swap3A_32 = vector.load %arg6[%swap3A, %swap3A_31] : memref<1024x16xf32, #tpu.memory_space<vmem>>, vector<1024x16xf32>
    tpu.vector_store %arg6[%swap3A, %swap3A_31], %sub3A_30 {strides = array<i32>} : memref<1024x16xf32, #tpu.memory_space<vmem>>, vector<1024x16xf32>,
    return
  }
  func.func @transform_0(%arg0: i32) -> (i32, i32) {
    %add3A = arith.constant 0 : i32
    %add3A_0 = arith.addi %arg0, %add3A : i32
    %c0_i32 = arith.constant 0 : i32
    %c0_i32_1 = arith.constant 0 : i32
    return %add3A_0, %c0_i32 : i32, i32
  }
  func.func @transform_1(%arg0: i32) -> (i32, i32) {
    %add3A = arith.constant 10 : i32
    %add3A_0 = arith.addi %arg0, %add3A : i32
    %c0_i32 = arith.constant 0 : i32
    %c0_i32_1 = arith.constant 0 : i32
    return %add3A_0, %c0_i32 : i32, i32
  }
  func.func @transform_2(%arg0: i32) -> (i32, i32) {
    %add3A = arith.constant 0 : i32
    %add3A_0 = arith.addi %arg0, %add3A : i32
    %c0_i32 = arith.constant 0 : i32
    %c0_i32_1 = arith.constant 0 : i32
    return %add3A_0, %c0_i32 : i32, i32
  }
  func.func @transform_3(%arg0: i32) -> (i32, i32) {
    %add3A = arith.constant 0 : i32
    %add3A_0 = arith.addi %arg0, %add3A : i32
    %c0_i32 = arith.constant 0 : i32
    %c0_i32_1 = arith.constant 0 : i32
    return %add3A_0, %c0_i32 : i32, i32
  }
  func.func @transform_4(%arg0: i32) -> (i32, i32) {
    %c0_i32 = arith.constant 0 : i32
    %c0_i32_0 = arith.constant 0 : i32
    %c0_i32_1 = arith.constant 0 : i32
    return %c0_i32, %c0_i32_0 : i32, i32
  }
  func.func @transform_5(%arg0: i32) -> (i32, i32) {
    %add3A = arith.constant 0 : i32
    %add3A_0 = arith.addi %arg0, %add3A : i32
    %c0_i32 = arith.constant 0 : i32
    %c0_i32_1 = arith.constant 0 : i32
    return %add3A_0, %c0_i32 : i32, i32
  }
}

</mosaic_0001>

<sc_bundles>
// kernel: kernel.11.cloned.1.call-start
scs
__scs_entry_jumppad:
0x0: {  	(pc) =	sbr.rel $0x88, $3  }
0x1: {  	(tag) =	ssettag $0x0;
	lr =	simm.s32 $0x1  }
0x2: {  	[smem:$0x3F9B] =	sst lr;
	_ =	strace $0xD0000000  }
0x3: {  	_ = 	snop  }
0x4: {  	_ = 	snop  }
0x5: {  	_ = 	snop  }
0x6: {  	_ = 	snop  }
0x7: {  	_ = 	snop  }
__scs_overlays_trampoline_lowered:
0x8: {  	[smem:$0x3FAA] =	sst s0  }
0x9: {  	[smem:$0x3FAB] =	sst s1  }
0xa: {  	[smem:$0x3FAC] =	sst s2  }
0xb: {  	[smem:$0x3FAD] =	sst s3  }
0xc: {  	[smem:$0x3FAE] =	sst s4  }
0xd: {  	[smem:$0x3FAF] =	sst s5  }
0xe: {  	[smem:$0x3FB0] =	sst s6  }
0xf: {  	[smem:$0x3FB1] =	sst s7  }
0x10: {  	[smem:$0x3FB2] =	sst s8  }
0x11: {  	[smem:$0x3FB3] =	sst s9;
	s0 =	simm.s32 @!p0 $0x0  }
0x12: {  	s1 =	sld [smem:$0x3F99];
	s0 =	simm.s32 @p0 $0x1  }
0x13: {  	[smem:$0x3FB4] =	sst s0;
	s0 =	simm.s32 @!p1 $0x0  }
0x14: {  	s2 =	sld [smem:$0x3F98];
	s0 =	simm.s32 @p1 $0x1  }
0x15: {  	[smem:$0x3FB5] =	sst s0;
	s0 =	simm.s32 @!p2 $0x0  }
0x16: {  	s3 =	sld [smem:$0x3FDB];
	s0 =	simm.s32 @p2 $0x1  }
0x17: {  	s4 =	simm.s32 $0x1BF5;
	[smem:$0x3FB7] =	sst s0  }
0x18: {  	s0 =	sld [smem:$0x3F9A];
	_ =	swait.ge [sflag:s4], $0x0  }
0x19: {  	s7 =	sld [smem:$0x3F9B]  }
0x1a: {  	s8 =	sadd.s32 $0xFFFFE003, lr  }
0x1b: {  	s9 =	sadd.s32 $0xFFFFFEF7, lr;
	s5 =	simm.s32 $0xFFFFFFFF;
	p2 =	slt.u32 s8, $0xFFFFF086  }
0x1c: {  	p1 =	slt.u32 s9, $0xF7A;
	s5 =	simm.s32 @!p2 $0x0  }
0x1d: {  	s5 =	simm.s32 @p1 $0x1;
	p0 =	seq.s32 s7, s2  }
0x1e: {  	s7 =	smul.u32 @!p0 $0xF7A, s2;
	p2 =	seq.s32 @!p0 s5, $0x0  }
0x1f: {  	s9 =	smul.u32 $0xF7A, s1;
	s8 =	simm.s32 @!p0 $0x1BF5;
	p2 =	por !p2, p0  }
0x20: {  	[sflag:s8] =	ssyncset.s32 @!p0 $0xFFFFF086;
	s6 =	sadd.s32 @!p0 s3, s7;
	s7 =	simm.s32 @!p0 $0x108  }
0x21: {  	s3 =	sadd.s32 s3, s9;
	s6 =	sadd.s32 @!p0 $0x88, s6;
	s7 =	simm.s32 @p2 $0x1082  }
0x22: {  	[simem:s7], [sflag:s8] =	dma.local @!p0 [hbm:s6], $0xF7A  }
0x23: {  	s9 =	sor.u32 $0xD0000000, s2;
	s6 =	simm.s32 $0x108;
	_ =	swait.ge @!p0 [sflag:s8], $0x0  }
0x24: {  	s3 =	sadd.s32 $0x88, s3;
	s6 =	simm.s32 @!p1 $0x1082;
	[sflag:s4] =	ssyncset.s32 $0xFFFFF086  }
0x25: {  	[simem:s6], [sflag:s4] =	dma.local [hbm:s3], $0xF7A  }
0x26: {  	[smem:$0x3F9B] =	sst s1;
	(tag) =	ssettag s2;
	_ =	strace s9  }
0x27: {  	s1 =	sld [smem:$0x3FAB]  }
0x28: {  	s2 =	sld [smem:$0x3FAC]  }
0x29: {  	s4 =	sld [smem:$0x3FAE]  }
0x2a: {  	p0 =	seq.s32 s5, $0x0;
	s5 =	sld [smem:$0x3FAF]  }
0x2b: {  	s6 =	sld [smem:$0x3FB0]  }
0x2c: {  	s7 =	sld [smem:$0x3FB1]  }
0x2d: {  	s3 =	simm.s32 $0x108;
	s8 =	sld [smem:$0x3FB2]  }
0x2e: {  	s3 =	simm.s32 @!p0 $0x1082;
	s9 =	sld [smem:$0x3FB3]  }
0x2f: {  	lr =	sadd.s32 s0, s3;
	s0 =	sld [smem:$0x3FAA]  }
0x30: {  	s3 =	sld [smem:$0x3FAD]  }
0x31: {  	[smem:$0x3FB6] =	sst s10  }
0x32: {  	s10 =	sld [smem:$0x3FB4];
	_ =	sdelay $0x3  }
0x33: {  	p0 =	seq.s32 s10, $0x1;
	s10 =	sld [smem:$0x3FB6];
	_ =	sdelay $0x3  }
0x34: {  	[smem:$0x3FB6] =	sst s10  }
0x35: {  	s10 =	sld [smem:$0x3FB5];
	_ =	sdelay $0x3  }
0x36: {  	p1 =	seq.s32 s10, $0x1;
	s10 =	sld [smem:$0x3FB6];
	_ =	sdelay $0x3  }
0x37: {  	[smem:$0x3FB6] =	sst s10  }
0x38: {  	s10 =	sld [smem:$0x3FB7]  }
0x39: {  	_ = 	snop;
	(pc) =	sbr.ind lr, $3  }
0x3a: {  	_ = 	snop  }
0x3b: {  	_ = 	snop  }
0x3c: {  	p2 =	seq.s32 s10, $0x1;
	s10 =	sld [smem:$0x3FB6]  }
0x3d: {  	_ =	shalt  }
0x3e: {  	_ =	shalt  }
0x3f: {  	_ =	shalt  }
0x40: {  	_ =	shalt  }
0x41: {  	_ =	shalt  }
0x42: {  	_ =	shalt  }
0x43: {  	_ =	shalt  }
0x44: {  	_ =	shalt  }
0x45: {  	_ =	shalt  }
0x46: {  	_ =	shalt  }
0x47: {  	_ =	shalt  }
0x48: {  	_ =	shalt  }
0x49: {  	_ =	shalt  }
0x4a: {  	_ =	shalt  }
0x4b: {  	_ =	shalt  }
0x4c: {  	_ =	shalt  }
0x4d: {  	_ =	shalt  }
0x4e: {  	_ =	shalt  }
0x4f: {  	_ =	shalt  }
0x50: {  	_ =	shalt  }
0x51: {  	_ =	shalt  }
0x52: {  	_ =	shalt  }
0x53: {  	_ =	shalt  }
0x54: {  	_ =	shalt  }
0x55: {  	_ =	shalt  }
0x56: {  	_ =	shalt  }
0x57: {  	_ =	shalt  }
0x58: {  	_ =	shalt  }
0x59: {  	_ =	shalt  }
0x5a: {  	_ =	shalt  }
0x5b: {  	_ =	shalt  }
0x5c: {  	_ =	shalt  }
0x5d: {  	_ =	shalt  }
0x5e: {  	_ =	shalt  }
0x5f: {  	_ =	shalt  }
0x60: {  	_ =	shalt  }
0x61: {  	_ =	shalt  }
0x62: {  	_ =	shalt  }
0x63: {  	_ =	shalt  }
0x64: {  	_ =	shalt  }
0x65: {  	_ =	shalt  }
0x66: {  	_ =	shalt  }
0x67: {  	_ =	shalt  }
0x68: {  	_ =	shalt  }
0x69: {  	_ =	shalt  }
0x6a: {  	_ =	shalt  }
0x6b: {  	_ =	shalt  }
0x6c: {  	_ =	shalt  }
0x6d: {  	_ =	shalt  }
0x6e: {  	_ =	shalt  }
0x6f: {  	_ =	shalt  }
0x70: {  	_ =	shalt  }
0x71: {  	_ =	shalt  }
0x72: {  	_ =	shalt  }
0x73: {  	_ =	shalt  }
0x74: {  	_ =	shalt  }
0x75: {  	_ =	shalt  }
0x76: {  	_ =	shalt  }
0x77: {  	_ =	shalt  }
0x78: {  	_ =	shalt  }
0x79: {  	_ =	shalt  }
0x7a: {  	_ =	shalt  }
0x7b: {  	_ =	shalt  }
0x7c: {  	_ =	shalt  }
0x7d: {  	_ =	shalt  }
0x7e: {  	_ =	shalt  }
0x7f: {  	_ =	shalt  }
0x80: {  	_ =	shalt  }
0x81: {  	_ =	shalt  }
0x82: {  	_ =	shalt  }
0x83: {  	_ =	shalt  }
0x84: {  	_ =	shalt  }
0x85: {  	_ =	shalt  }
0x86: {  	_ =	shalt  }
0x87: {  	_ =	shalt  }
.Lfunc_end0:
.L_simem_size_0:
called_computation.1_lowered:
.L_overlay_start_0:
0x88: {  	s2 =	sld [smem:$0x3FD9]  }
0x89: {  	s3 =	sld [smem:$0x3FFE];
	_ =	sdelay $0x1  }
0x8a: {  	s1 =	srdreg.scid  }
0x8b: {  	s0 =	sand.u32 $0x1, s1  }
0x8c: {  	s17 =	sshll.u32 s0, $0xA;
	s2 =	sadd.s32 s3, s2  }
0x8d: {  	s2 =	sadd.s32 s2, s17  }
0x8e: {  	[smem:$0x3FC2] =	sst s2  }
0x8f: {  	_ = 	snop  }
0x90: {  	s2 =	sld [smem:$0x3FD0];
	(tm) =	ssettm $0x1  }
0x91: {  	s18 =	sld [smem:$0x3FFB];
	_ =	sdelay $0x3  }
0x92: {  	_ =	strace s18  }
0x93: {  	s3 =	sld [smem:$0x3FFC];
	_ =	sdelay $0x3  }
0x94: {  	_ =	strace s3  }
0x95: {  	s3 =	sld [smem:$0x3FFD];
	_ =	sdelay $0x3  }
0x96: {  	_ =	strace s3  }
0x97: {  	_ =	strace $0x8FFFFFFF  }
0x98: {  	s19 =	sld [smem:$0x3FDB];
	_ =	sdelay $0x1  }
0x99: {  	s4 =	simm.s32 $_scs_section_size  }
0x9a: {  	s5 =	simm.s32 $_size__tile_overlayer_lowered;
	s6 =	simm.s32 $_tile_overlayer_lowered  }
0x9b: {  	s22 =	simm.s32 $0x1BFF;
	s21 =	sshll.u32 s6, $0x1;
	s3 =	sadd.s32 s4, s19  }
0x9c: {  	s7 =	simm.s32 $0x0;
	s20 =	sshll.u32 s5, $0x1;
	s5 =	sadd.s32 s21, s3  }
0x9d: {  	[timem:s7], [sflag:s22] =	dma.local [hbm:s5], s20  }
0x9e: {  	_ =	swait.ge [sflag:s22], s20  }
0x9f: {  	s4 =	ssub.s32 $0x0, s20;
	[sflag:s22] =	ssyncset.done $0x0  }
0xa0: {  	[sflag:s22] =	ssyncadd.s32 s4;
	_ =	sdelay $0x1  }
0xa1: {  	s23 =	simm.s32 $0x1B8B  }
0xa2: {  	_ =	swait.ge [sflag:s23], $0x1  }
0xa3: {  	[sflag:s23] =	ssyncset.done $0x0  }
0xa4: {  	s25 =	simm.s32 $0x1B8E;
	s24 =	sld [smem:$0x3FFE];
	[sflag:s23] =	ssyncadd.s32 $0xFFFFFFFF  }
0xa5: {  	s26 =	simm.s32 $execute0_lowered;
	[smem:$0x3FD2] =	sst s25  }
0xa6: {  	s5 =	sshll.u32 s26, $0x1;
	_ =	strace $0x80000049;
	[dreg:$0x1] =	wrdreg $0xFFFFFFFF  }
0xa7: {  	s28 =	simm.s32 $_size_execute0_lowered;
	s3 =	sadd.s32 s3, s5;
	[dreg:$0x0] =	wrdreg $0x0  }
0xa8: {  	s5 =	sshll.u32 s28, $0x1;
	[dreg:$0x2] =	wrdreg s3  }
0xa9: {  	[dreg:$0x3] =	wrdreg s5  }
0xaa: {  	[dreg:$0x4] =	wrdreg $0xC0  }
0xab: {  	_ =	task [dreg:s7], $0x5FFFF  }
0xac: {  	[dreg:$0x1] =	wrdreg $0xFFFFFFFF  }
0xad: {  	[dreg:$0x0] =	wrdreg $0x60  }
0xae: {  	[dreg:$0x2] =	wrdreg s24  }
0xaf: {  	[dreg:$0x3] =	wrdreg s2  }
0xb0: {  	[dreg:$0x4] =	wrdreg $0x149600  }
0xb1: {  	[dreg:$0x5] =	wrdreg $0x9  }
0xb2: {  	_ =	task.clear_ibuf [dreg:s7], $0x6FFFF;
	_ =	strace $0x90000049  }
0xb3: {  	s29 =	simm.s32 $0x9;
	_ =	strace $0x8000004B  }
0xb4: {  	_ =	swait.ge [sflag:s29], $0x1  }
0xb5: {  	[sflag:s29] =	ssyncadd.s32 $0xFFFFFFFF  }
0xb6: {  	_ =	strace $0x9000004B  }
0xb7: {  	_ =	sfence  }
0xb8: {  	s30 =	sld [smem:$0x0];
	_ =	sdelay $0x2  }
0xb9: {  	s31 =	sshll.u32 s1, $0xD;
	s1 =	sshrl.u32 s1, $0x2  }
0xba: {  	s3 =	sand.u32 $0x4000, s31;
	s1 =	sadd.s32 s1, s30  }
0xbb: {  	s0 =	sor.u32 s3, s0;
	s1 =	sshll.u32 s1, $0x11  }
0xbc: {  	s0 =	sor.u32 s1, s0  }
0xbd: {  	s0 =	sadd.s32 $0x8F2B, s0  }
0xbe: {  	[sflag:s0] =	ssyncadd.remote.s32 $0x1  }
0xbf: {  	_ =	sfence.sel $0xFFFF  }
0xc0: {  	[dreg:$0x0] =	wrdreg $0xFFFFFFFF;
	(pc) =	sbr.abs _section_cstart, $3  }
0xc1: {  	[dreg:$0x1] =	wrdreg $0xFFFFFFFF  }
0xc2: {  	_ =	task.clear_ibuf [dreg:s7], $0x2FFFF;
	_ =	strace $0x9FFFFFFF  }
0xc3: {  	(tm) =	ssettm $0x7FFFFFFF  }
tec
execute0_lowered:
.L_overlay_start_1:
0x0: {  	(tag) =	ssettag $0x1  }
0x1: {  	s0 =	rddreg [dreg:$0x0]  }
0x2: {  	s1 =	rddreg [dreg:$0x1]  }
0x3: {  	s6 =	srdreg.scid;
	s2 =	rddreg [dreg:$0x2]  }
0x4: {  	s16 =	stileid.u32;
	s3 =	simm.s32 $0x0;
	s29 =	simm.s32 $0xC8  }
0x5: {  	s30 =	simm.s32 $0x4E20;
	s31 =	simm.s32 $0x8020;
	s7 =	sand.u32 $0x1, s6  }
0x6: {  	s9 =	smul.u32 $0xA000, s16;
	[smem:$0x7FF] =	sst s3;
	s12 =	sadd.s32 $0x56200, s0  }
0x7: {  	s14 =	smul.u32 $0x1400, s16;
	s26 =	sshll.u32 s16, $0x6;
	s4 =	sshll.u32 s7, $0x4  }
0x8: {  	_ =	strace $0x8000004A;
	s13 =	ssub.s32 $0x2, s7;
	s7 =	smul.u32 $0x14000, s7  }
0x9: {  	[dreg:$0x4] =	wrdreg s26;
	s8 =	sor.u32 s16, s4;
	s5 =	sshrl.u32 s9, $0x3  }
0xa: {  	s25 =	sshrl.u32 s13, $0x1;
	s9 =	sadd.s32 s9, s2;
	s16 =	sand.u32 $0x3, s6  }
0xb: {  	s6 =	sshrl.u32 s6, $0x2;
	s4 =	smul.u32 $0x4E2, s8;
	s11 =	sadd.s32 s5, s0  }
0xc: {  	s5 =	sadd.s32 $0x7E200, s0;
	s15 =	smul.u32 $0x28, s8;
	[dreg:$0x5] =	wrdreg s9  }
0xd: {  	s9 =	sor.u32 $0x1C0C, s26;
	[dreg:$0xb] =	wrdreg s6;
	s6 =	simm.s32 $0x9  }
0xe: {  	s22 =	sadd.s32 $0x42200, s11;
	s11 =	simm.s32 $0xE420;
	s10 =	sadd.s32 s4, s0  }
0xf: {  	s4 =	sadd.s32 $0x2E200, s0;
	s1 =	sadd.s32 s1, s15;
	[dreg:$0x6] =	wrdreg s22  }
0x10: {  	s0 =	ssub.s32 s13, s25;
	[dreg:$0x7] =	wrdreg s1;
	s15 =	sadd.s32 $0xB800, s10  }
0x11: {  	s13 =	sadd.s32 s14, s7;
	s10 =	sadd.s32 $0x1A00, s10;
	[dreg:$0x8] =	wrdreg s15  }
0x12: {  	s14 =	smul.u32 $0x5000, s8;
	s1 =	sxor.u32 $0x5, s16;
	[dreg:$0x9] =	wrdreg s10  }
0x13: {  	s8 =	smul.u32 $0xA00, s8;
	s0 =	smax.u32 s0, $0x1;
	[dreg:$0xc] =	wrdreg s1  }
0x14: {  	s28 =	sadd.s32 s12, s13;
	s7 =	sshrl.u32 s14, $0x3;
	[dreg:$0x15] =	wrdreg s0  }
0x15: {  	s18 =	sadd.s32 s12, s8;
	s21 =	sadd.s32 s4, s8;
	[dreg:$0xa] =	wrdreg s28  }
0x16: {  	s23 =	sadd.s32 s5, s8;
	s10 =	simm.s32 $0x5;
	[dreg:$0xd] =	wrdreg s18  }
0x17: {  	s15 =	simm.s32 $0x8;
	s17 =	sadd.s32 s12, s7;
	[dreg:$0xf] =	wrdreg s21  }
0x18: {  	s20 =	sadd.s32 $0x500, s7;
	[dreg:$0x10] =	wrdreg s23;
	s7 =	simm.s32 $0x1  }
0x19: {  	s18 =	simm.s32 $0x3;
	s23 =	simm.s32 $0xB;
	s19 =	sadd.s32 $0x14000, s17  }
0x1a: {  	s24 =	sadd.s32 s12, s20;
	s1 =	sadd.s32 $0x14500, s17;
	[dreg:$0xe] =	wrdreg s19  }
.Ltmp0:
0x1b: {  	s25 =	sadd.s32 s4, s20;
	[dreg:$0x11] =	wrdreg s24;
	(pc) =	sbr.rel .LBB2_1-.Ltmp0, $4  }
0x1c: {  	s26 =	sadd.s32 s5, s20;
	s12 =	simm.s32 $0x2;
	[dreg:$0x12] =	wrdreg s1  }
0x1d: {  	s17 =	simm.s32 $0x11620;
	s20 =	simm.s32 $0xA;
	[dreg:$0x13] =	wrdreg s25  }
0x1e: {  	[dreg:$0x14] =	wrdreg s26;
	s25 =	simm.s32 $0xC;
	s26 =	simm.s32 $0x14820  }
0x1f: {  	s1 =	simm.s32 $0xB220;
	s19 =	simm.s32 $0x6;
	s24 =	simm.s32 $0x0  }
.LBB2_11:
0x20: {  	_ =	swait.ge [sflag:s6], $0x3200  }
0x21: {  	[sflag:s6] =	ssyncset.done $0x0  }
0x22: {  	[sflag:s6] =	ssyncadd.s32 $0xFFFFCE00  }
0x23: {  	_ =	swait.ge [sflag:s20], $0x3200  }
0x24: {  	[sflag:s20] =	ssyncset.done $0x0  }
0x25: {  	[sflag:s20] =	ssyncadd.s32 $0xFFFFCE00  }
0x26: {  	[bflag:$0x0] =	sbarrier.arrive $0xFFFF  }
0x27: {  	s28 =	rddreg [dreg:$0xa]  }
0x28: {  	[hbm:s28], [sflag:s9] =	dma.local [spmem:s16], $0x1400  }
0x29: {  	_ =	swait.ge [sflag:s25], $0x1400  }
0x2a: {  	s24 =	sadd.s32 $0x1, s24;
	s0 =	rddreg [dreg:$0x15]  }
0x2b: {  	p0 =	sne.s32 s24, s0  }
.Ltmp1:
0x2c: {  	_ = 	snop;
	(pc) =	sbr.rel @!p0 .LBB2_12-.Ltmp1, $3  }
0x2d: {  	_ =	sdelay $0x1  }
0x2e: {  	[sflag:s25] =	ssyncset.done $0x0  }
0x2f: {  	[sflag:s25] =	ssyncadd.s32 $0xFFFFEC00  }
.LBB2_1:
0x30: {  	s0 =	rddreg [dreg:$0x5]  }
0x31: {  	s16 =	sshrl.u32 s0, $0x3  }
0x32: {  	[spmem:s16], [sflag:s9] =	dma.local [hbm:s22], $0x1400  }
0x33: {  	_ =	swait.ge [sflag:s25], $0x1400  }
0x34: {  	[sflag:s25] =	ssyncset.done $0x0  }
0x35: {  	s8 =	rddreg [dreg:$0x7];
	[sflag:s25] =	ssyncadd.s32 $0xFFFFEC00  }
0x36: {  	[tilespmem:s26], [sflag:$0xC] =	stream.linear.gather [hbm4b:s8+s3], $0x140, $0x38;
	[tilespmem:$0x1E960] =	vst v63  }
0x37: {  	_ =	swait.ge [sflag:s25], $0x140  }
0x38: {  	[sflag:s25] =	ssyncset.done $0x0  }
0x39: {  	s13 =	rddreg [dreg:$0x8];
	[sflag:s25] =	ssyncadd.s32 $0xFFFFFEC0  }
0x3a: {  	[tilespmem:s3], [sflag:$0xC] =	stream.linear.gather [hbm4b:s13+s3], $0x2710, $0x38;
	[tilespmem:$0x1E960] =	vst v63  }
0x3b: {  	_ =	swait.ge [sflag:s25], $0x2710  }
0x3c: {  	[sflag:s25] =	ssyncset.done $0x0  }
0x3d: {  	s8 =	simm.s32 $0x2710;
	s14 =	rddreg [dreg:$0x9];
	[sflag:s25] =	ssyncadd.s32 $0xFFFFD8F0  }
0x3e: {  	[tilespmem:s8], [sflag:$0xC] =	stream.linear.gather [hbm4b:s14+s3], $0x2710, $0x38;
	[tilespmem:$0x1E960] =	vst v63  }
0x3f: {  	_ =	swait.ge [sflag:s25], $0x2710  }
0x40: {  	[sflag:s25] =	ssyncset.done $0x0  }
0x41: {  	[sflag:s25] =	ssyncadd.s32 $0xFFFFD8F0  }
0x42: {  	[bflag:$0x0] =	sbarrier.arrive $0xFFFF  }
0x43: {  	[tilespmem:s30], [sflag:$0x1] =	stream.indirect.gather [hbm4b:s4+s29], $0x40, s3, s29, $0xb8;
	[tilespmem:$0x1E960] =	vst v63  }
0x44: {  	_ = 	snop  }
0x45: {  	[tilespmem:s31], [sflag:$0x2] =	stream.indirect.gather [hbm4b:s4+s29], $0x40, s29, s29, $0xb8;
	[tilespmem:$0x1E960] =	vst v63  }
0x46: {  	s21 =	simm.s32 $0x190  }
0x47: {  	[tilespmem:s1], [sflag:$0x3] =	stream.indirect.gather [hbm4b:s4+s29], $0x40, s21, s29, $0xb8;
	[tilespmem:$0x1E960] =	vst v63  }
0x48: {  	_ =	swait.ge [sflag:s7], $0x3200  }
0x49: {  	[sflag:s7] =	ssyncset.done $0x0  }
0x4a: {  	[sflag:s7] =	ssyncadd.s32 $0xFFFFCE00  }
0x4b: {  	[spmem:s2] =	stream.indirect.scatter.add.f32 [tilespmem:s30], [sflag:$0x6], $0x40, s8, s29, $0xb8;
	[tilespmem:$0x1E960] =	vst v63  }
0x4c: {  	s22 =	simm.s32 $0x258  }
0x4d: {  	[tilespmem:s11], [sflag:$0x4] =	stream.indirect.gather [hbm4b:s4+s29], $0x40, s22, s29, $0xb8;
	[tilespmem:$0x1E960] =	vst v63  }
0x4e: {  	_ =	swait.ge [sflag:s12], $0x3200  }
0x4f: {  	[sflag:s12] =	ssyncset.done $0x0  }
0x50: {  	s8 =	simm.s32 $0x27D8;
	[sflag:s12] =	ssyncadd.s32 $0xFFFFCE00  }
0x51: {  	[spmem:s2] =	stream.indirect.scatter.add.f32 [tilespmem:s31], [sflag:$0x7], $0x40, s8, s29, $0xb8;
	[tilespmem:$0x1E960] =	vst v63  }
0x52: {  	s13 =	simm.s32 $0x320  }
0x53: {  	[tilespmem:s17], [sflag:$0x5] =	stream.indirect.gather [hbm4b:s4+s29], $0x40, s13, s29, $0xb8;
	[tilespmem:$0x1E960] =	vst v63  }
0x54: {  	_ =	swait.ge [sflag:s18], $0x3200  }
0x55: {  	[sflag:s18] =	ssyncset.done $0x0  }
0x56: {  	s14 =	simm.s32 $0x28A0;
	[sflag:s18] =	ssyncadd.s32 $0xFFFFCE00  }
0x57: {  	[spmem:s2] =	stream.indirect.scatter.add.f32 [tilespmem:s1], [sflag:$0x8], $0x40, s14, s29, $0xb8;
	[tilespmem:$0x1E960] =	vst v63  }
0x58: {  	_ =	swait.ge [sflag:s19], $0x3200  }
0x59: {  	[sflag:s19] =	ssyncset.done $0x0  }
0x5a: {  	s21 =	simm.s32 $0x3E8;
	s22 =	simm.s32 $0x4;
	[sflag:s19] =	ssyncadd.s32 $0xFFFFCE00  }
0x5b: {  	[tilespmem:s30], [sflag:$0x1] =	stream.indirect.gather [hbm4b:s4+s29], $0x40, s21, s29, $0xb8;
	[tilespmem:$0x1E960] =	vst v63  }
0x5c: {  	_ =	swait.ge [sflag:s22], $0x3200  }
0x5d: {  	[sflag:s22] =	ssyncset.done $0x0  }
0x5e: {  	s8 =	simm.s32 $0x2968;
	s13 =	simm.s32 $0x7;
	[sflag:s22] =	ssyncadd.s32 $0xFFFFCE00  }
0x5f: {  	[spmem:s2] =	stream.indirect.scatter.add.f32 [tilespmem:s11], [sflag:$0x9], $0x40, s8, s29, $0xb8;
	[tilespmem:$0x1E960] =	vst v63  }
0x60: {  	_ =	swait.ge [sflag:s13], $0x3200  }
0x61: {  	[sflag:s13] =	ssyncset.done $0x0  }
0x62: {  	s14 =	simm.s32 $0x4B0;
	[sflag:s13] =	ssyncadd.s32 $0xFFFFCE00  }
0x63: {  	[tilespmem:s31], [sflag:$0x2] =	stream.indirect.gather [hbm4b:s4+s29], $0x40, s14, s29, $0xb8;
	[tilespmem:$0x1E960] =	vst v63  }
0x64: {  	_ =	swait.ge [sflag:s10], $0x3200  }
0x65: {  	[sflag:s10] =	ssyncset.done $0x0  }
0x66: {  	s21 =	simm.s32 $0x2A30;
	[sflag:s10] =	ssyncadd.s32 $0xFFFFCE00  }
0x67: {  	[spmem:s2] =	stream.indirect.scatter.add.f32 [tilespmem:s17], [sflag:$0xA], $0x40, s21, s29, $0xb8;
	[tilespmem:$0x1E960] =	vst v63  }
0x68: {  	_ =	swait.ge [sflag:s15], $0x3200  }
0x69: {  	[sflag:s15] =	ssyncset.done $0x0  }
0x6a: {  	s0 =	simm.s32 $0x0;
	s22 =	simm.s32 $0x578;
	[sflag:s15] =	ssyncadd.s32 $0xFFFFCE00  }
0x6b: {  	[tilespmem:s1], [sflag:$0x3] =	stream.indirect.gather [hbm4b:s4+s29], $0x40, s22, s29, $0xb8;
	[tilespmem:$0x1E960] =	vst v63  }
.LBB2_2:
0x6c: {  	_ =	swait.ge [sflag:s7], $0x3200  }
0x6d: {  	s8 =	sshra.s32 s0, $0x2;
	[sflag:s7] =	ssyncset.done $0x0  }
0x6e: {  	s13 =	sadd.s32 $0x2AF8, s8;
	[sflag:s7] =	ssyncadd.s32 $0xFFFFCE00  }
0x6f: {  	[spmem:s2] =	stream.indirect.scatter.add.f32 [tilespmem:s30], [sflag:$0x6], $0x40, s13, s29, $0xb8;
	[tilespmem:$0x1E960] =	vst v63  }
0x70: {  	_ =	swait.ge [sflag:s6], $0x3200  }
0x71: {  	[sflag:s6] =	ssyncset.done $0x0  }
0x72: {  	s21 =	sadd.s32 $0x640, s8;
	[sflag:s6] =	ssyncadd.s32 $0xFFFFCE00  }
0x73: {  	[tilespmem:s11], [sflag:$0x4] =	stream.indirect.gather [hbm4b:s4+s29], $0x40, s21, s29, $0xb8;
	[tilespmem:$0x1E960] =	vst v63  }
0x74: {  	_ =	swait.ge [sflag:s12], $0x3200  }
0x75: {  	[sflag:s12] =	ssyncset.done $0x0  }
0x76: {  	s22 =	sadd.s32 $0x2BC0, s8;
	[sflag:s12] =	ssyncadd.s32 $0xFFFFCE00  }
0x77: {  	[spmem:s2] =	stream.indirect.scatter.add.f32 [tilespmem:s31], [sflag:$0x7], $0x40, s22, s29, $0xb8;
	[tilespmem:$0x1E960] =	vst v63  }
0x78: {  	_ =	swait.ge [sflag:s20], $0x3200  }
0x79: {  	[sflag:s20] =	ssyncset.done $0x0  }
0x7a: {  	s14 =	sadd.s32 $0x708, s8;
	[sflag:s20] =	ssyncadd.s32 $0xFFFFCE00  }
0x7b: {  	[tilespmem:s17], [sflag:$0x5] =	stream.indirect.gather [hbm4b:s4+s29], $0x40, s14, s29, $0xb8;
	[tilespmem:$0x1E960] =	vst v63  }
0x7c: {  	_ =	swait.ge [sflag:s18], $0x3200  }
0x7d: {  	[sflag:s18] =	ssyncset.done $0x0  }
0x7e: {  	s21 =	sadd.s32 $0x2C88, s8;
	[sflag:s18] =	ssyncadd.s32 $0xFFFFCE00  }
0x7f: {  	[spmem:s2] =	stream.indirect.scatter.add.f32 [tilespmem:s1], [sflag:$0x8], $0x40, s21, s29, $0xb8;
	[tilespmem:$0x1E960] =	vst v63  }
0x80: {  	_ =	swait.ge [sflag:s19], $0x3200  }
0x81: {  	p0 =	seq.s32 s0, $0x7D00;
	[sflag:s19] =	ssyncset.done $0x0  }
0x82: {  	s13 =	simm.s32 @p0 $0x4;
	[sflag:s19] =	ssyncadd.s32 $0xFFFFCE00  }
0x83: {  	_ =	swait.ge @p0 [sflag:s13], $0x3200  }
0x84: {  	[sflag:s13] =	ssyncset.done @p0 $0x0  }
0x85: {  	[sflag:s13] =	ssyncadd.s32 @p0 $0xFFFFCE00;
	s13 =	sshra.s32 @p0 s0, $0x2  }
0x86: {  	s14 =	simm.s32 @p0 $0xC8;
	s21 =	simm.s32 @p0 $0xE420;
	s13 =	sadd.s32 @p0 $0x2D50, s13  }
0x87: {  	[spmem:s2] =	stream.indirect.scatter.add.f32 @p0 [tilespmem:s21], [sflag:$0x9], $0x40, s13, s14, $0xb8;
	[tilespmem:$0x1E960] =	vst v63  }
0x88: {  	s13 =	simm.s32 @p0 $0x7  }
0x89: {  	_ =	swait.ge @p0 [sflag:s13], $0x3200  }
0x8a: {  	[sflag:s13] =	ssyncset.done @p0 $0x0  }
0x8b: {  	[sflag:s13] =	ssyncadd.s32 @p0 $0xFFFFCE00;
	s13 =	sshra.s32 @!p0 s0, $0x2  }
0x8c: {  	s22 =	simm.s32 @!p0 $0x4E20;
	s21 =	simm.s32 @!p0 $0xC8;
	s14 =	sadd.s32 @!p0 $0x7D0, s13  }
0x8d: {  	[tilespmem:s22], [sflag:$0x1] =	stream.indirect.gather @!p0 [hbm4b:s4+s21], $0x40, s14, s21, $0xb8;
	[tilespmem:$0x1E960] =	vst v63  }
0x8e: {  	s14 =	simm.s32 @!p0 $0x4  }
0x8f: {  	_ =	swait.ge @!p0 [sflag:s14], $0x3200  }
0x90: {  	[sflag:s14] =	ssyncset.done @!p0 $0x0  }
0x91: {  	s22 =	simm.s32 @!p0 $0xE420;
	[sflag:s14] =	ssyncadd.s32 @!p0 $0xFFFFCE00;
	s14 =	sadd.s32 @!p0 $0x2D50, s13  }
0x92: {  	[spmem:s2] =	stream.indirect.scatter.add.f32 @!p0 [tilespmem:s22], [sflag:$0x9], $0x40, s14, s21, $0xb8;
	[tilespmem:$0x1E960] =	vst v63  }
0x93: {  	s14 =	simm.s32 @!p0 $0x7  }
0x94: {  	_ =	swait.ge @!p0 [sflag:s14], $0x3200  }
0x95: {  	[sflag:s14] =	ssyncset.done @!p0 $0x0  }
0x96: {  	s13 =	sadd.s32 @!p0 $0x898, s13;
	[sflag:s14] =	ssyncadd.s32 @!p0 $0xFFFFCE00;
	s14 =	simm.s32 @!p0 $0x8020  }
0x97: {  	[tilespmem:s14], [sflag:$0x2] =	stream.indirect.gather @!p0 [hbm4b:s4+s21], $0x40, s13, s21, $0xb8;
	[tilespmem:$0x1E960] =	vst v63  }
0x98: {  	_ =	swait.ge [sflag:s10], $0x3200  }
0x99: {  	[sflag:s10] =	ssyncset.done $0x0  }
.Ltmp2:
0x9a: {  	s22 =	sadd.s32 $0x2E18, s8;
	[sflag:s10] =	ssyncadd.s32 $0xFFFFCE00;
	(pc) =	sbr.rel @p0 .LBB2_4-.Ltmp2, $4  }
0x9b: {  	[spmem:s2] =	stream.indirect.scatter.add.f32 [tilespmem:s17], [sflag:$0xA], $0x40, s22, s29, $0xb8;
	[tilespmem:$0x1E960] =	vst v63  }
0x9c: {  	_ =	swait.ge [sflag:s15], $0x3200  }
0x9d: {  	[sflag:s15] =	ssyncset.done $0x0  }
0x9e: {  	[sflag:s15] =	ssyncadd.s32 $0xFFFFCE00  }
.Ltmp3:
0x9f: {  	(pc) =	sbr.rel .LBB2_2-.Ltmp3, $3  }
0xa0: {  	_ =	sdelay $0x1  }
0xa1: {  	s8 =	sadd.s32 $0x960, s8;
	s0 =	sadd.s32 $0xFA0, s0  }
0xa2: {  	[tilespmem:s1], [sflag:$0x3] =	stream.indirect.gather [hbm4b:s4+s29], $0x40, s8, s29, $0xb8;
	[tilespmem:$0x1E960] =	vst v63  }
.LBB2_4:
0xa3: {  	_ =	swait.ge [sflag:s6], $0x3200  }
0xa4: {  	[sflag:s6] =	ssyncset.done $0x0  }
0xa5: {  	[sflag:s6] =	ssyncadd.s32 $0xFFFFCE00  }
0xa6: {  	_ =	swait.ge [sflag:s20], $0x3200  }
0xa7: {  	[sflag:s20] =	ssyncset.done $0x0  }
0xa8: {  	[sflag:s20] =	ssyncadd.s32 $0xFFFFCE00  }
0xa9: {  	[bflag:$0x0] =	sbarrier.arrive $0xFFFF  }
0xaa: {  	[hbm:s28], [sflag:s9] =	dma.local [spmem:s16], $0x1400  }
0xab: {  	_ =	swait.ge [sflag:s25], $0x1400  }
0xac: {  	[sflag:s25] =	ssyncset.done $0x0  }
0xad: {  	[sflag:s25] =	ssyncadd.s32 $0xFFFFEC00  }
0xae: {  	s0 =	simm.s32 $0x100000;
	[bflag:$0x0] =	sbarrier.arrive $0xFFFF  }
0xaf: {  	[smem:s0], [sflag:$0x0] =	smem.add.s32 $0x0;
	s0 =	simm.s32 $0x0  }
0xb0: {  	_ =	swait.done [sflag:s0]  }
0xb1: {  	s8 =	ssyncread [sflag:$0x0];
	s13 =	rddreg [dreg:$0xb]  }
0xb2: {  	s21 =	rddreg [dreg:$0x4]  }
0xb3: {  	s14 =	rddreg [dreg:$0xc]  }
0xb4: {  	s14 =	sshll.u32 s14, $0xE;
	s8 =	sadd.s32 s13, s8;
	s13 =	sor.u32 $0x1C0B, s21  }
0xb5: {  	[sflag:s0] =	ssyncset.s32 $0x0;
	s21 =	sor.u32 s14, s13;
	s8 =	sshll.u32 s8, $0x11  }
0xb6: {  	[sflag:s0] =	ssyncset.done $0x0;
	s8 =	sor.u32 s8, s21  }
0xb7: {  	[sflag:s8] =	ssyncadd.remote.s32 $0x1  }
0xb8: {  	_ =	swait.ge [sflag:s23], $0x1  }
0xb9: {  	[sflag:s23] =	ssyncset.done $0x0  }
0xba: {  	s22 =	rddreg [dreg:$0xd];
	[sflag:s23] =	ssyncadd.s32 $0xFFFFFFFF  }
0xbb: {  	[tilespmem:s30], [sflag:$0x1] =	stream.linear.gather [hbm4b:s22+s0], $0x2800, $0x38;
	[tilespmem:$0x1E960] =	vst v63  }
0xbc: {  	s13 =	rddreg [dreg:$0xe]  }
0xbd: {  	[tilespmem:s31], [sflag:$0x2] =	stream.linear.gather [hbm4b:s13+s0], $0x2800, $0x38;
	[tilespmem:$0x1E960] =	vst v63  }
0xbe: {  	s14 =	rddreg [dreg:$0xf]  }
0xbf: {  	[tilespmem:s1], [sflag:$0x3] =	stream.linear.gather [hbm4b:s14+s0], $0x2800, $0x38;
	[tilespmem:$0x1E960] =	vst v63  }
0xc0: {  	_ =	swait.ge [sflag:s7], $0x2800  }
0xc1: {  	[sflag:s7] =	ssyncset.done $0x0  }
0xc2: {  	[sflag:s7] =	ssyncadd.s32 $0xFFFFD800  }
0xc3: {  	_ =	swait.ge [sflag:s12], $0x2800  }
0xc4: {  	[sflag:s12] =	ssyncset.done $0x0  }
0xc5: {  	[sflag:s12] =	ssyncadd.s32 $0xFFFFD800  }
0xc6: {  	v0 =	vmov s0;
	_ =	swait.ge [sflag:s18], $0x2800  }
0xc7: {  	[sflag:s18] =	ssyncset.done $0x0  }
0xc8: {  	s22 =	simm.s32 $0x4E40;
	[sflag:s18] =	ssyncadd.s32 $0xFFFFD800  }
0xc9: {  	s28 =	simm.s32 $0x8040;
	v1 =	vld [tilespmem:s22+$0xFFFFFFE0]  }
0xca: {  	v2 =	vld [tilespmem:s28+$0xFFFFFFE0]  }
0xcb: {  	s8 =	simm.s32 $0xB240;
	v0 =	vld.idx.msk [tilespmem:v0+s26+$0x0], $0xffff  }
0xcc: {  	v3 =	vld [tilespmem:s8+$0xFFFFFFE0];
	_ =	sdelay $0x2  }
0xcd: {  	v1 =	vadd.f32 v2, v1;
	_ =	sdelay $0x1  }
0xce: {  	v0 =	vmul.f32 v0, v0;
	v1 =	vadd.f32 v3, v1;
	_ =	sdelay $0x1  }
0xcf: {  	v1 =	vmul.f32 v1, v0  }
0xd0: {  	s13 =	simm.s32 $0xE440  }
0xd1: {  	[tilespmem:s13+$0xFFFFFFE0] =	vst v1  }
0xd2: {  	v1 =	vld [tilespmem:s22+$0xFFFFFFF0]  }
0xd3: {  	v2 =	vld [tilespmem:s28+$0xFFFFFFF0];
	_ =	sdelay $0x1  }
0xd4: {  	v3 =	vld [tilespmem:s8+$0xFFFFFFF0];
	_ =	sdelay $0x2  }
0xd5: {  	v1 =	vadd.f32 v2, v1;
	_ =	sdelay $0x1  }
0xd6: {  	v1 =	vadd.f32 v3, v1;
	_ =	sdelay $0x1  }
0xd7: {  	v1 =	vmul.f32 v1, v0;
	_ =	sdelay $0x1  }
0xd8: {  	[tilespmem:s13+$0xFFFFFFF0] =	vst v1  }
0xd9: {  	v1 =	vld [tilespmem:s22+$0x0]  }
0xda: {  	v2 =	vld [tilespmem:s28+$0x0];
	_ =	sdelay $0x1  }
0xdb: {  	v3 =	vld [tilespmem:s8+$0x0];
	_ =	sdelay $0x2  }
0xdc: {  	v1 =	vadd.f32 v2, v1;
	_ =	sdelay $0x1  }
0xdd: {  	v1 =	vadd.f32 v3, v1;
	_ =	sdelay $0x1  }
0xde: {  	v1 =	vmul.f32 v1, v0;
	_ =	sdelay $0x1  }
0xdf: {  	[tilespmem:s13+$0x0] =	vst v1  }
0xe0: {  	v2 =	vld [tilespmem:s22+$0x10]  }
0xe1: {  	v3 =	vld [tilespmem:s28+$0x10];
	_ =	sdelay $0x1  }
0xe2: {  	v1 =	vld [tilespmem:s8+$0x10];
	_ =	sdelay $0x2  }
0xe3: {  	v2 =	vadd.f32 v3, v2  }
0xe4: {  	s14 =	simm.s32 $0x1;
	s0 =	simm.s32 $0xE440;
	s22 =	simm.s32 $0x4E80  }
.LBB2_5:
0xe5: {  	v1 =	vadd.f32 v1, v2;
	s28 =	sadd.s32 $0x40, s28;
	s8 =	sadd.s32 $0x40, s8;
	s13 =	sadd.s32 $0x40, s13  }
0xe6: {  	v2 =	vmov s14;
	p0 =	sne.s32 s14, $0x9F;
	s14 =	sadd.s32 $0x1, s14  }
0xe7: {  	v0 =	vmul.f32 v1, v0;
	_ =	sdelay $0x1  }
0xe8: {  	[tilespmem:s0+$0x10] =	vst v0;
	s0 =	smov.u32 s13  }
0xe9: {  	v0 =	vld [tilespmem:s22+$0xFFFFFFE0]  }
0xea: {  	v1 =	vld [tilespmem:s28+$0xFFFFFFE0]  }
0xeb: {  	v2 =	vld.idx.msk [tilespmem:v2+s26+$0x0], $0xffff  }
0xec: {  	v3 =	vld [tilespmem:s8+$0xFFFFFFE0];
	_ =	sdelay $0x2  }
0xed: {  	v1 =	vadd.f32 v1, v0;
	_ =	sdelay $0x1  }
0xee: {  	v0 =	vmul.f32 v2, v2;
	v1 =	vadd.f32 v3, v1;
	_ =	sdelay $0x1  }
0xef: {  	v1 =	vmul.f32 v1, v0;
	_ =	sdelay $0x1  }
0xf0: {  	[tilespmem:s13+$0xFFFFFFE0] =	vst v1  }
0xf1: {  	v1 =	vld [tilespmem:s22+$0xFFFFFFF0]  }
0xf2: {  	v2 =	vld [tilespmem:s28+$0xFFFFFFF0];
	_ =	sdelay $0x1  }
0xf3: {  	v3 =	vld [tilespmem:s8+$0xFFFFFFF0];
	_ =	sdelay $0x2  }
0xf4: {  	v1 =	vadd.f32 v2, v1;
	_ =	sdelay $0x1  }
0xf5: {  	v1 =	vadd.f32 v3, v1;
	_ =	sdelay $0x1  }
0xf6: {  	v1 =	vmul.f32 v1, v0;
	_ =	sdelay $0x1  }
0xf7: {  	[tilespmem:s13+$0xFFFFFFF0] =	vst v1  }
0xf8: {  	v1 =	vld [tilespmem:s22+$0x0]  }
0xf9: {  	v2 =	vld [tilespmem:s28+$0x0];
	_ =	sdelay $0x1  }
0xfa: {  	v3 =	vld [tilespmem:s8+$0x0];
	_ =	sdelay $0x2  }
0xfb: {  	v1 =	vadd.f32 v2, v1;
	_ =	sdelay $0x1  }
0xfc: {  	v1 =	vadd.f32 v3, v1;
	_ =	sdelay $0x1  }
0xfd: {  	v1 =	vmul.f32 v1, v0;
	_ =	sdelay $0x1  }
0xfe: {  	[tilespmem:s13+$0x0] =	vst v1  }
0xff: {  	v2 =	vld [tilespmem:s22+$0x10]  }
0x100: {  	v3 =	vld [tilespmem:s28+$0x10]  }
0x101: {  	v1 =	vld [tilespmem:s8+$0x10]  }
.Ltmp4:
0x102: {  	(pc) =	sbr.rel @p0 .LBB2_5-.Ltmp4, $3  }
0x103: {  	_ =	sdelay $0x1  }
0x104: {  	v2 =	vadd.f32 v3, v2  }
0x105: {  	s22 =	sadd.s32 $0x40, s22  }
0x106: {  	v1 =	vadd.f32 v1, v2;
	_ =	sdelay $0x1  }
0x107: {  	v0 =	vmul.f32 v1, v0;
	_ =	sdelay $0x1  }
0x108: {  	s14 =	rddreg [dreg:$0x10];
	[tilespmem:s0+$0x10] =	vst v0  }
0x109: {  	[hbm4b:s14+s3] =	stream.linear.scatter [tilespmem:s11], [sflag:$0xC], $0x2800, $0x38;
	[tilespmem:$0x1E960] =	vst v63  }
0x10a: {  	_ =	swait.ge [sflag:s25], $0x2800  }
0x10b: {  	[sflag:s25] =	ssyncset.done $0x0  }
0x10c: {  	s22 =	rddreg [dreg:$0x11];
	[sflag:s25] =	ssyncadd.s32 $0xFFFFD800  }
0x10d: {  	[tilespmem:s30], [sflag:$0x1] =	stream.linear.gather [hbm4b:s22+s3], $0x2800, $0x38;
	[tilespmem:$0x1E960] =	vst v63  }
0x10e: {  	s8 =	rddreg [dreg:$0x12]  }
0x10f: {  	[tilespmem:s31], [sflag:$0x2] =	stream.linear.gather [hbm4b:s8+s3], $0x2800, $0x38;
	[tilespmem:$0x1E960] =	vst v63  }
0x110: {  	s13 =	rddreg [dreg:$0x13]  }
0x111: {  	[tilespmem:s1], [sflag:$0x3] =	stream.linear.gather [hbm4b:s13+s3], $0x2800, $0x38;
	[tilespmem:$0x1E960] =	vst v63  }
0x112: {  	_ =	swait.ge [sflag:s7], $0x2800  }
0x113: {  	[sflag:s7] =	ssyncset.done $0x0  }
0x114: {  	[sflag:s7] =	ssyncadd.s32 $0xFFFFD800  }
0x115: {  	_ =	swait.ge [sflag:s12], $0x2800  }
0x116: {  	[sflag:s12] =	ssyncset.done $0x0  }
0x117: {  	s14 =	simm.s32 $0xA0;
	[sflag:s12] =	ssyncadd.s32 $0xFFFFD800  }
0x118: {  	v0 =	vmov s14;
	_ =	swait.ge [sflag:s18], $0x2800  }
0x119: {  	[sflag:s18] =	ssyncset.done $0x0  }
0x11a: {  	s22 =	simm.s32 $0x4E40;
	[sflag:s18] =	ssyncadd.s32 $0xFFFFD800  }
0x11b: {  	s28 =	simm.s32 $0x8040;
	v1 =	vld [tilespmem:s22+$0xFFFFFFE0]  }
0x11c: {  	v2 =	vld [tilespmem:s28+$0xFFFFFFE0]  }
0x11d: {  	s8 =	simm.s32 $0xB240;
	v0 =	vld.idx.msk [tilespmem:v0+s26+$0x0], $0xffff  }
0x11e: {  	v3 =	vld [tilespmem:s8+$0xFFFFFFE0];
	_ =	sdelay $0x2  }
0x11f: {  	v1 =	vadd.f32 v2, v1;
	_ =	sdelay $0x1  }
0x120: {  	v0 =	vmul.f32 v0, v0;
	v1 =	vadd.f32 v3, v1;
	_ =	sdelay $0x1  }
0x121: {  	v1 =	vmul.f32 v1, v0  }
0x122: {  	s13 =	simm.s32 $0xE440  }
0x123: {  	[tilespmem:s13+$0xFFFFFFE0] =	vst v1  }
0x124: {  	v1 =	vld [tilespmem:s22+$0xFFFFFFF0]  }
0x125: {  	v2 =	vld [tilespmem:s28+$0xFFFFFFF0];
	_ =	sdelay $0x1  }
0x126: {  	v3 =	vld [tilespmem:s8+$0xFFFFFFF0];
	_ =	sdelay $0x2  }
0x127: {  	v1 =	vadd.f32 v2, v1;
	_ =	sdelay $0x1  }
0x128: {  	v1 =	vadd.f32 v3, v1;
	_ =	sdelay $0x1  }
0x129: {  	v1 =	vmul.f32 v1, v0;
	_ =	sdelay $0x1  }
0x12a: {  	[tilespmem:s13+$0xFFFFFFF0] =	vst v1  }
0x12b: {  	v1 =	vld [tilespmem:s22+$0x0]  }
0x12c: {  	v2 =	vld [tilespmem:s28+$0x0];
	_ =	sdelay $0x1  }
0x12d: {  	v3 =	vld [tilespmem:s8+$0x0];
	_ =	sdelay $0x2  }
0x12e: {  	v1 =	vadd.f32 v2, v1;
	_ =	sdelay $0x1  }
0x12f: {  	v1 =	vadd.f32 v3, v1;
	_ =	sdelay $0x1  }
0x130: {  	v1 =	vmul.f32 v1, v0;
	_ =	sdelay $0x1  }
0x131: {  	[tilespmem:s13+$0x0] =	vst v1  }
0x132: {  	v2 =	vld [tilespmem:s22+$0x10]  }
0x133: {  	v3 =	vld [tilespmem:s28+$0x10];
	_ =	sdelay $0x1  }
0x134: {  	v1 =	vld [tilespmem:s8+$0x10];
	_ =	sdelay $0x2  }
0x135: {  	v2 =	vadd.f32 v3, v2  }
0x136: {  	s0 =	simm.s32 $0xE440;
	s14 =	simm.s32 $0xA1;
	s22 =	simm.s32 $0x4E80  }
.LBB2_7:
0x137: {  	v1 =	vadd.f32 v1, v2;
	s28 =	sadd.s32 $0x40, s28;
	s8 =	sadd.s32 $0x40, s8;
	s13 =	sadd.s32 $0x40, s13  }
0x138: {  	v2 =	vmov s14;
	p0 =	sne.s32 s14, $0x13F;
	s14 =	sadd.s32 $0x1, s14  }
0x139: {  	v0 =	vmul.f32 v1, v0;
	_ =	sdelay $0x1  }
0x13a: {  	[tilespmem:s0+$0x10] =	vst v0;
	s0 =	smov.u32 s13  }
0x13b: {  	v0 =	vld [tilespmem:s22+$0xFFFFFFE0]  }
0x13c: {  	v1 =	vld [tilespmem:s28+$0xFFFFFFE0]  }
0x13d: {  	v2 =	vld.idx.msk [tilespmem:v2+s26+$0x0], $0xffff  }
0x13e: {  	v3 =	vld [tilespmem:s8+$0xFFFFFFE0];
	_ =	sdelay $0x2  }
0x13f: {  	v1 =	vadd.f32 v1, v0;
	_ =	sdelay $0x1  }
0x140: {  	v0 =	vmul.f32 v2, v2;
	v1 =	vadd.f32 v3, v1;
	_ =	sdelay $0x1  }
0x141: {  	v1 =	vmul.f32 v1, v0;
	_ =	sdelay $0x1  }
0x142: {  	[tilespmem:s13+$0xFFFFFFE0] =	vst v1  }
0x143: {  	v1 =	vld [tilespmem:s22+$0xFFFFFFF0]  }
0x144: {  	v2 =	vld [tilespmem:s28+$0xFFFFFFF0];
	_ =	sdelay $0x1  }
0x145: {  	v3 =	vld [tilespmem:s8+$0xFFFFFFF0];
	_ =	sdelay $0x2  }
0x146: {  	v1 =	vadd.f32 v2, v1;
	_ =	sdelay $0x1  }
0x147: {  	v1 =	vadd.f32 v3, v1;
	_ =	sdelay $0x1  }
0x148: {  	v1 =	vmul.f32 v1, v0;
	_ =	sdelay $0x1  }
0x149: {  	[tilespmem:s13+$0xFFFFFFF0] =	vst v1  }
0x14a: {  	v1 =	vld [tilespmem:s22+$0x0]  }
0x14b: {  	v2 =	vld [tilespmem:s28+$0x0];
	_ =	sdelay $0x1  }
0x14c: {  	v3 =	vld [tilespmem:s8+$0x0];
	_ =	sdelay $0x2  }
0x14d: {  	v1 =	vadd.f32 v2, v1;
	_ =	sdelay $0x1  }
0x14e: {  	v1 =	vadd.f32 v3, v1;
	_ =	sdelay $0x1  }
0x14f: {  	v1 =	vmul.f32 v1, v0;
	_ =	sdelay $0x1  }
0x150: {  	[tilespmem:s13+$0x0] =	vst v1  }
0x151: {  	v2 =	vld [tilespmem:s22+$0x10]  }
0x152: {  	v3 =	vld [tilespmem:s28+$0x10]  }
0x153: {  	v1 =	vld [tilespmem:s8+$0x10]  }
.Ltmp5:
0x154: {  	(pc) =	sbr.rel @p0 .LBB2_7-.Ltmp5, $3  }
0x155: {  	_ =	sdelay $0x1  }
0x156: {  	v2 =	vadd.f32 v3, v2  }
0x157: {  	s22 =	sadd.s32 $0x40, s22  }
0x158: {  	v1 =	vadd.f32 v1, v2;
	_ =	sdelay $0x1  }
0x159: {  	v0 =	vmul.f32 v1, v0;
	_ =	sdelay $0x1  }
0x15a: {  	s28 =	simm.s32 $0x0;
	s8 =	rddreg [dreg:$0x14];
	[tilespmem:s0+$0x10] =	vst v0  }
0x15b: {  	[hbm4b:s8+s28] =	stream.linear.scatter [tilespmem:s11], [sflag:$0xC], $0x2800, $0x38;
	[tilespmem:$0x1E960] =	vst v63  }
0x15c: {  	_ =	swait.ge [sflag:s25], $0x2800  }
0x15d: {  	[sflag:s25] =	ssyncset.done $0x0  }
0x15e: {  	[sflag:s25] =	ssyncadd.s32 $0xFFFFD800  }
0x15f: {  	s13 =	simm.s32 $0x100000;
	[bflag:$0x0] =	sbarrier.arrive $0xFFFF  }
0x160: {  	[smem:s13], [sflag:$0x0] =	smem.add.s32 $0x0  }
0x161: {  	_ =	swait.done [sflag:s28]  }
0x162: {  	s14 =	ssyncread [sflag:$0x0];
	_ =	sdelay $0x1  }
0x163: {  	s8 =	rddreg [dreg:$0xb]  }
0x164: {  	s0 =	sadd.s32 s8, s14  }
0x165: {  	[sflag:s28] =	ssyncset.s32 $0x0;
	s0 =	sshll.u32 s0, $0x11  }
0x166: {  	[sflag:s28] =	ssyncset.done $0x0;
	s0 =	sor.u32 s0, s21  }
0x167: {  	[sflag:s0] =	ssyncadd.remote.s32 $0x1  }
0x168: {  	_ =	swait.ge [sflag:s23], $0x1  }
0x169: {  	[sflag:s23] =	ssyncset.done $0x0  }
0x16a: {  	s22 =	rddreg [dreg:$0x6];
	[sflag:s23] =	ssyncadd.s32 $0xFFFFFFFF  }
0x16b: {  	[spmem:s16], [sflag:s9] =	dma.local [hbm:s22], $0x1400  }
0x16c: {  	_ =	swait.ge [sflag:s25], $0x1400  }
0x16d: {  	[sflag:s25] =	ssyncset.done $0x0  }
0x16e: {  	[sflag:s25] =	ssyncadd.s32 $0xFFFFEC00  }
0x16f: {  	[bflag:$0x0] =	sbarrier.arrive $0xFFFF  }
0x170: {  	[tilespmem:s30], [sflag:$0x1] =	stream.indirect.gather [hbm4b:s5+s29], $0x40, s28, s29, $0xb8;
	[tilespmem:$0x1E960] =	vst v63  }
0x171: {  	_ = 	snop  }
0x172: {  	[tilespmem:s31], [sflag:$0x2] =	stream.indirect.gather [hbm4b:s5+s29], $0x40, s29, s29, $0xb8;
	[tilespmem:$0x1E960] =	vst v63  }
0x173: {  	s21 =	simm.s32 $0x190  }
0x174: {  	[tilespmem:s1], [sflag:$0x3] =	stream.indirect.gather [hbm4b:s5+s29], $0x40, s21, s29, $0xb8;
	[tilespmem:$0x1E960] =	vst v63  }
0x175: {  	_ =	swait.ge [sflag:s7], $0x3200  }
0x176: {  	[sflag:s7] =	ssyncset.done $0x0  }
0x177: {  	s8 =	simm.s32 $0x2710;
	[sflag:s7] =	ssyncadd.s32 $0xFFFFCE00  }
0x178: {  	[spmem:s2] =	stream.indirect.scatter.add.f32 [tilespmem:s30], [sflag:$0x6], $0x40, s8, s29, $0xb8;
	[tilespmem:$0x1E960] =	vst v63  }
0x179: {  	s13 =	simm.s32 $0x258  }
0x17a: {  	[tilespmem:s11], [sflag:$0x4] =	stream.indirect.gather [hbm4b:s5+s29], $0x40, s13, s29, $0xb8;
	[tilespmem:$0x1E960] =	vst v63  }
0x17b: {  	_ =	swait.ge [sflag:s12], $0x3200  }
0x17c: {  	[sflag:s12] =	ssyncset.done $0x0  }
0x17d: {  	s14 =	simm.s32 $0x27D8;
	[sflag:s12] =	ssyncadd.s32 $0xFFFFCE00  }
0x17e: {  	[spmem:s2] =	stream.indirect.scatter.add.f32 [tilespmem:s31], [sflag:$0x7], $0x40, s14, s29, $0xb8;
	[tilespmem:$0x1E960] =	vst v63  }
0x17f: {  	s21 =	simm.s32 $0x320  }
0x180: {  	[tilespmem:s17], [sflag:$0x5] =	stream.indirect.gather [hbm4b:s5+s29], $0x40, s21, s29, $0xb8;
	[tilespmem:$0x1E960] =	vst v63  }
0x181: {  	_ =	swait.ge [sflag:s18], $0x3200  }
0x182: {  	[sflag:s18] =	ssyncset.done $0x0  }
0x183: {  	s8 =	simm.s32 $0x28A0;
	[sflag:s18] =	ssyncadd.s32 $0xFFFFCE00  }
0x184: {  	[spmem:s2] =	stream.indirect.scatter.add.f32 [tilespmem:s1], [sflag:$0x8], $0x40, s8, s29, $0xb8;
	[tilespmem:$0x1E960] =	vst v63  }
0x185: {  	_ =	swait.ge [sflag:s19], $0x3200  }
0x186: {  	[sflag:s19] =	ssyncset.done $0x0  }
0x187: {  	s13 =	simm.s32 $0x3E8;
	s14 =	simm.s32 $0x4;
	[sflag:s19] =	ssyncadd.s32 $0xFFFFCE00  }
0x188: {  	[tilespmem:s30], [sflag:$0x1] =	stream.indirect.gather [hbm4b:s5+s29], $0x40, s13, s29, $0xb8;
	[tilespmem:$0x1E960] =	vst v63  }
0x189: {  	_ =	swait.ge [sflag:s14], $0x3200  }
0x18a: {  	[sflag:s14] =	ssyncset.done $0x0  }
0x18b: {  	s21 =	simm.s32 $0x2968;
	s8 =	simm.s32 $0x7;
	[sflag:s14] =	ssyncadd.s32 $0xFFFFCE00  }
0x18c: {  	[spmem:s2] =	stream.indirect.scatter.add.f32 [tilespmem:s11], [sflag:$0x9], $0x40, s21, s29, $0xb8;
	[tilespmem:$0x1E960] =	vst v63  }
0x18d: {  	_ =	swait.ge [sflag:s8], $0x3200  }
0x18e: {  	[sflag:s8] =	ssyncset.done $0x0  }
0x18f: {  	s13 =	simm.s32 $0x4B0;
	[sflag:s8] =	ssyncadd.s32 $0xFFFFCE00  }
0x190: {  	[tilespmem:s31], [sflag:$0x2] =	stream.indirect.gather [hbm4b:s5+s29], $0x40, s13, s29, $0xb8;
	[tilespmem:$0x1E960] =	vst v63  }
0x191: {  	_ =	swait.ge [sflag:s10], $0x3200  }
0x192: {  	[sflag:s10] =	ssyncset.done $0x0  }
0x193: {  	s14 =	simm.s32 $0x2A30;
	[sflag:s10] =	ssyncadd.s32 $0xFFFFCE00  }
0x194: {  	[spmem:s2] =	stream.indirect.scatter.add.f32 [tilespmem:s17], [sflag:$0xA], $0x40, s14, s29, $0xb8;
	[tilespmem:$0x1E960] =	vst v63  }
0x195: {  	_ =	swait.ge [sflag:s15], $0x3200  }
0x196: {  	[sflag:s15] =	ssyncset.done $0x0  }
0x197: {  	s21 =	simm.s32 $0x578;
	[sflag:s15] =	ssyncadd.s32 $0xFFFFCE00  }
0x198: {  	[tilespmem:s1], [sflag:$0x3] =	stream.indirect.gather [hbm4b:s5+s29], $0x40, s21, s29, $0xb8;
	[tilespmem:$0x1E960] =	vst v63  }
.LBB2_9:
0x199: {  	_ =	swait.ge [sflag:s7], $0x3200  }
0x19a: {  	s0 =	sshra.s32 s28, $0x2;
	[sflag:s7] =	ssyncset.done $0x0  }
0x19b: {  	s8 =	sadd.s32 $0x2AF8, s0;
	[sflag:s7] =	ssyncadd.s32 $0xFFFFCE00  }
0x19c: {  	[spmem:s2] =	stream.indirect.scatter.add.f32 [tilespmem:s30], [sflag:$0x6], $0x40, s8, s29, $0xb8;
	[tilespmem:$0x1E960] =	vst v63  }
0x19d: {  	_ =	swait.ge [sflag:s6], $0x3200  }
0x19e: {  	[sflag:s6] =	ssyncset.done $0x0  }
0x19f: {  	s14 =	sadd.s32 $0x640, s0;
	[sflag:s6] =	ssyncadd.s32 $0xFFFFCE00  }
0x1a0: {  	[tilespmem:s11], [sflag:$0x4] =	stream.indirect.gather [hbm4b:s5+s29], $0x40, s14, s29, $0xb8;
	[tilespmem:$0x1E960] =	vst v63  }
0x1a1: {  	_ =	swait.ge [sflag:s12], $0x3200  }
0x1a2: {  	[sflag:s12] =	ssyncset.done $0x0  }
0x1a3: {  	s21 =	sadd.s32 $0x2BC0, s0;
	[sflag:s12] =	ssyncadd.s32 $0xFFFFCE00  }
0x1a4: {  	[spmem:s2] =	stream.indirect.scatter.add.f32 [tilespmem:s31], [sflag:$0x7], $0x40, s21, s29, $0xb8;
	[tilespmem:$0x1E960] =	vst v63  }
0x1a5: {  	_ =	swait.ge [sflag:s20], $0x3200  }
0x1a6: {  	[sflag:s20] =	ssyncset.done $0x0  }
0x1a7: {  	s13 =	sadd.s32 $0x708, s0;
	[sflag:s20] =	ssyncadd.s32 $0xFFFFCE00  }
0x1a8: {  	[tilespmem:s17], [sflag:$0x5] =	stream.indirect.gather [hbm4b:s5+s29], $0x40, s13, s29, $0xb8;
	[tilespmem:$0x1E960] =	vst v63  }
0x1a9: {  	_ =	swait.ge [sflag:s18], $0x3200  }
0x1aa: {  	[sflag:s18] =	ssyncset.done $0x0  }
0x1ab: {  	s14 =	sadd.s32 $0x2C88, s0;
	[sflag:s18] =	ssyncadd.s32 $0xFFFFCE00  }
0x1ac: {  	[spmem:s2] =	stream.indirect.scatter.add.f32 [tilespmem:s1], [sflag:$0x8], $0x40, s14, s29, $0xb8;
	[tilespmem:$0x1E960] =	vst v63  }
0x1ad: {  	_ =	swait.ge [sflag:s19], $0x3200  }
0x1ae: {  	p0 =	seq.s32 s28, $0x7D00;
	[sflag:s19] =	ssyncset.done $0x0  }
0x1af: {  	s8 =	simm.s32 @p0 $0x4;
	[sflag:s19] =	ssyncadd.s32 $0xFFFFCE00  }
0x1b0: {  	_ =	swait.ge @p0 [sflag:s8], $0x3200  }
0x1b1: {  	[sflag:s8] =	ssyncset.done @p0 $0x0  }
0x1b2: {  	[sflag:s8] =	ssyncadd.s32 @p0 $0xFFFFCE00;
	s8 =	sshra.s32 @p0 s28, $0x2  }
0x1b3: {  	s13 =	simm.s32 @p0 $0xC8;
	s14 =	simm.s32 @p0 $0xE420;
	s8 =	sadd.s32 @p0 $0x2D50, s8  }
0x1b4: {  	[spmem:s2] =	stream.indirect.scatter.add.f32 @p0 [tilespmem:s14], [sflag:$0x9], $0x40, s8, s13, $0xb8;
	[tilespmem:$0x1E960] =	vst v63  }
0x1b5: {  	s8 =	simm.s32 @p0 $0x7  }
0x1b6: {  	_ =	swait.ge @p0 [sflag:s8], $0x3200  }
0x1b7: {  	[sflag:s8] =	ssyncset.done @p0 $0x0  }
0x1b8: {  	[sflag:s8] =	ssyncadd.s32 @p0 $0xFFFFCE00;
	s8 =	sshra.s32 @!p0 s28, $0x2  }
0x1b9: {  	s21 =	simm.s32 @!p0 $0x4E20;
	s14 =	simm.s32 @!p0 $0xC8;
	s13 =	sadd.s32 @!p0 $0x7D0, s8  }
0x1ba: {  	[tilespmem:s21], [sflag:$0x1] =	stream.indirect.gather @!p0 [hbm4b:s5+s14], $0x40, s13, s14, $0xb8;
	[tilespmem:$0x1E960] =	vst v63  }
0x1bb: {  	s13 =	simm.s32 @!p0 $0x4  }
0x1bc: {  	_ =	swait.ge @!p0 [sflag:s13], $0x3200  }
0x1bd: {  	[sflag:s13] =	ssyncset.done @!p0 $0x0  }
0x1be: {  	s21 =	simm.s32 @!p0 $0xE420;
	[sflag:s13] =	ssyncadd.s32 @!p0 $0xFFFFCE00;
	s13 =	sadd.s32 @!p0 $0x2D50, s8  }
0x1bf: {  	[spmem:s2] =	stream.indirect.scatter.add.f32 @!p0 [tilespmem:s21], [sflag:$0x9], $0x40, s13, s14, $0xb8;
	[tilespmem:$0x1E960] =	vst v63  }
0x1c0: {  	s13 =	simm.s32 @!p0 $0x7  }
0x1c1: {  	_ =	swait.ge @!p0 [sflag:s13], $0x3200  }
0x1c2: {  	[sflag:s13] =	ssyncset.done @!p0 $0x0  }
0x1c3: {  	s8 =	sadd.s32 @!p0 $0x898, s8;
	[sflag:s13] =	ssyncadd.s32 @!p0 $0xFFFFCE00;
	s13 =	simm.s32 @!p0 $0x8020  }
0x1c4: {  	[tilespmem:s13], [sflag:$0x2] =	stream.indirect.gather @!p0 [hbm4b:s5+s14], $0x40, s8, s14, $0xb8;
	[tilespmem:$0x1E960] =	vst v63  }
0x1c5: {  	_ =	swait.ge [sflag:s10], $0x3200  }
0x1c6: {  	[sflag:s10] =	ssyncset.done $0x0  }
.Ltmp6:
0x1c7: {  	s21 =	sadd.s32 $0x2E18, s0;
	[sflag:s10] =	ssyncadd.s32 $0xFFFFCE00;
	(pc) =	sbr.rel @p0 .LBB2_11-.Ltmp6, $4  }
0x1c8: {  	[spmem:s2] =	stream.indirect.scatter.add.f32 [tilespmem:s17], [sflag:$0xA], $0x40, s21, s29, $0xb8;
	[tilespmem:$0x1E960] =	vst v63  }
0x1c9: {  	_ =	swait.ge [sflag:s15], $0x3200  }
0x1ca: {  	[sflag:s15] =	ssyncset.done $0x0  }
0x1cb: {  	[sflag:s15] =	ssyncadd.s32 $0xFFFFCE00  }
.Ltmp7:
0x1cc: {  	(pc) =	sbr.rel .LBB2_9-.Ltmp7, $3  }
0x1cd: {  	_ =	sdelay $0x1  }
0x1ce: {  	s0 =	sadd.s32 $0x960, s0;
	s28 =	sadd.s32 $0xFA0, s28  }
0x1cf: {  	[tilespmem:s1], [sflag:$0x3] =	stream.indirect.gather [hbm4b:s5+s29], $0x40, s0, s29, $0xb8;
	[tilespmem:$0x1E960] =	vst v63  }
.LBB2_12:
0x1d0: {  	_ =	sfence.sel $0x180000  }
0x1d1: {  	[bflag:$0x0] =	sbarrier.arrive $0xFFFF  }
0x1d2: {  	_ =	strace $0x9000004A  }
0x1d3: {  	s0 =	stileid.u32;
	[bflag:$0x2] =	sbarrier.arrive $0xFFFF  }
0x1d4: {  	p0 =	sne.s32 s0, $0x0;
	s0 =	rddreg [dreg:$0x3]  }
0x1d5: {  	s0 =	sadd.s32 @!p0 $0x100000, s0  }
0x1d6: {  	[sflag:s0] =	ssyncadd.tile.s32 @!p0 $0x1;
	_ =	shalt  }
.Lfunc_end2:
_tile_overlayer_lowered:
.L_overlay_start_2:
0x1d7: {  	(tag) =	ssettag $0x2  }
0x1d8: {  	s0 =	rddreg [dreg:$0x0];
	s2 =	stileid.u32  }
0x1d9: {  	s1 =	rddreg [dreg:$0x1];
	p0 =	sne.s32 s2, $0x0  }
0x1da: {  	s3 =	rddreg [dreg:$0x2];
	[bflag:$0x3] =	sbarrier.arrive $0xFFFF;
	s2 =	simm.s32 @!p0 $0x1C0C  }
0x1db: {  	[timem:s3], [sflag:s2] =	dma.local @!p0 [hbm:s0], s1  }
0x1dc: {  	s0 =	simm.s32 @!p0 $0xC  }
0x1dd: {  	_ =	swait.ge @!p0 [sflag:s0], s1  }
0x1de: {  	s1 =	ssub.s32 @!p0 $0x0, s1;
	[sflag:s0] =	ssyncset.done @!p0 $0x0  }
0x1df: {  	[sflag:s0] =	ssyncadd.s32 @!p0 s1  }
0x1e0: {  	[bflag:$0x3] =	sbarrier.arrive $0xFFFF  }
0x1e1: {  	_ =	shalt  }

// kernel: kernel.14.cloned.1.call-start
scs
__scs_entry_jumppad:
0x0: {  	(pc) =	sbr.rel $0x88, $3  }
0x1: {  	(tag) =	ssettag $0x0;
	lr =	simm.s32 $0x1  }
0x2: {  	[smem:$0x3F9B] =	sst lr;
	_ =	strace $0xD0000000  }
0x3: {  	_ = 	snop  }
0x4: {  	_ = 	snop  }
0x5: {  	_ = 	snop  }
0x6: {  	_ = 	snop  }
0x7: {  	_ = 	snop  }
__scs_overlays_trampoline_lowered:
0x8: {  	[smem:$0x3FAA] =	sst s0  }
0x9: {  	[smem:$0x3FAB] =	sst s1  }
0xa: {  	[smem:$0x3FAC] =	sst s2  }
0xb: {  	[smem:$0x3FAD] =	sst s3  }
0xc: {  	[smem:$0x3FAE] =	sst s4  }
0xd: {  	[smem:$0x3FAF] =	sst s5  }
0xe: {  	[smem:$0x3FB0] =	sst s6  }
0xf: {  	[smem:$0x3FB1] =	sst s7  }
0x10: {  	[smem:$0x3FB2] =	sst s8  }
0x11: {  	[smem:$0x3FB3] =	sst s9;
	s0 =	simm.s32 @!p0 $0x0  }
0x12: {  	s1 =	sld [smem:$0x3F99];
	s0 =	simm.s32 @p0 $0x1  }
0x13: {  	[smem:$0x3FB4] =	sst s0;
	s0 =	simm.s32 @!p1 $0x0  }
0x14: {  	s2 =	sld [smem:$0x3F98];
	s0 =	simm.s32 @p1 $0x1  }
0x15: {  	[smem:$0x3FB5] =	sst s0;
	s0 =	simm.s32 @!p2 $0x0  }
0x16: {  	s3 =	sld [smem:$0x3FDB];
	s0 =	simm.s32 @p2 $0x1  }
0x17: {  	s4 =	simm.s32 $0x1BF5;
	[smem:$0x3FB7] =	sst s0  }
0x18: {  	s0 =	sld [smem:$0x3F9A];
	_ =	swait.ge [sflag:s4], $0x0  }
0x19: {  	s7 =	sld [smem:$0x3F9B]  }
0x1a: {  	s8 =	sadd.s32 $0xFFFFE003, lr  }
0x1b: {  	s9 =	sadd.s32 $0xFFFFFEF7, lr;
	s5 =	simm.s32 $0xFFFFFFFF;
	p2 =	slt.u32 s8, $0xFFFFF086  }
0x1c: {  	p1 =	slt.u32 s9, $0xF7A;
	s5 =	simm.s32 @!p2 $0x0  }
0x1d: {  	s5 =	simm.s32 @p1 $0x1;
	p0 =	seq.s32 s7, s2  }
0x1e: {  	s7 =	smul.u32 @!p0 $0xF7A, s2;
	p2 =	seq.s32 @!p0 s5, $0x0  }
0x1f: {  	s9 =	smul.u32 $0xF7A, s1;
	s8 =	simm.s32 @!p0 $0x1BF5;
	p2 =	por !p2, p0  }
0x20: {  	[sflag:s8] =	ssyncset.s32 @!p0 $0xFFFFF086;
	s6 =	sadd.s32 @!p0 s3, s7;
	s7 =	simm.s32 @!p0 $0x108  }
0x21: {  	s3 =	sadd.s32 s3, s9;
	s6 =	sadd.s32 @!p0 $0x88, s6;
	s7 =	simm.s32 @p2 $0x1082  }
0x22: {  	[simem:s7], [sflag:s8] =	dma.local @!p0 [hbm:s6], $0xF7A  }
0x23: {  	s9 =	sor.u32 $0xD0000000, s2;
	s6 =	simm.s32 $0x108;
	_ =	swait.ge @!p0 [sflag:s8], $0x0  }
0x24: {  	s3 =	sadd.s32 $0x88, s3;
	s6 =	simm.s32 @!p1 $0x1082;
	[sflag:s4] =	ssyncset.s32 $0xFFFFF086  }
0x25: {  	[simem:s6], [sflag:s4] =	dma.local [hbm:s3], $0xF7A  }
0x26: {  	[smem:$0x3F9B] =	sst s1;
	(tag) =	ssettag s2;
	_ =	strace s9  }
0x27: {  	s1 =	sld [smem:$0x3FAB]  }
0x28: {  	s2 =	sld [smem:$0x3FAC]  }
0x29: {  	s4 =	sld [smem:$0x3FAE]  }
0x2a: {  	p0 =	seq.s32 s5, $0x0;
	s5 =	sld [smem:$0x3FAF]  }
0x2b: {  	s6 =	sld [smem:$0x3FB0]  }
0x2c: {  	s7 =	sld [smem:$0x3FB1]  }
0x2d: {  	s3 =	simm.s32 $0x108;
	s8 =	sld [smem:$0x3FB2]  }
0x2e: {  	s3 =	simm.s32 @!p0 $0x1082;
	s9 =	sld [smem:$0x3FB3]  }
0x2f: {  	lr =	sadd.s32 s0, s3;
	s0 =	sld [smem:$0x3FAA]  }
0x30: {  	s3 =	sld [smem:$0x3FAD]  }
0x31: {  	[smem:$0x3FB6] =	sst s10  }
0x32: {  	s10 =	sld [smem:$0x3FB4];
	_ =	sdelay $0x3  }
0x33: {  	p0 =	seq.s32 s10, $0x1;
	s10 =	sld [smem:$0x3FB6];
	_ =	sdelay $0x3  }
0x34: {  	[smem:$0x3FB6] =	sst s10  }
0x35: {  	s10 =	sld [smem:$0x3FB5];
	_ =	sdelay $0x3  }
0x36: {  	p1 =	seq.s32 s10, $0x1;
	s10 =	sld [smem:$0x3FB6];
	_ =	sdelay $0x3  }
0x37: {  	[smem:$0x3FB6] =	sst s10  }
0x38: {  	s10 =	sld [smem:$0x3FB7]  }
0x39: {  	_ = 	snop;
	(pc) =	sbr.ind lr, $3  }
0x3a: {  	_ = 	snop  }
0x3b: {  	_ = 	snop  }
0x3c: {  	p2 =	seq.s32 s10, $0x1;
	s10 =	sld [smem:$0x3FB6]  }
0x3d: {  	_ =	shalt  }
0x3e: {  	_ =	shalt  }
0x3f: {  	_ =	shalt  }
0x40: {  	_ =	shalt  }
0x41: {  	_ =	shalt  }
0x42: {  	_ =	shalt  }
0x43: {  	_ =	shalt  }
0x44: {  	_ =	shalt  }
0x45: {  	_ =	shalt  }
0x46: {  	_ =	shalt  }
0x47: {  	_ =	shalt  }
0x48: {  	_ =	shalt  }
0x49: {  	_ =	shalt  }
0x4a: {  	_ =	shalt  }
0x4b: {  	_ =	shalt  }
0x4c: {  	_ =	shalt  }
0x4d: {  	_ =	shalt  }
0x4e: {  	_ =	shalt  }
0x4f: {  	_ =	shalt  }
0x50: {  	_ =	shalt  }
0x51: {  	_ =	shalt  }
0x52: {  	_ =	shalt  }
0x53: {  	_ =	shalt  }
0x54: {  	_ =	shalt  }
0x55: {  	_ =	shalt  }
0x56: {  	_ =	shalt  }
0x57: {  	_ =	shalt  }
0x58: {  	_ =	shalt  }
0x59: {  	_ =	shalt  }
0x5a: {  	_ =	shalt  }
0x5b: {  	_ =	shalt  }
0x5c: {  	_ =	shalt  }
0x5d: {  	_ =	shalt  }
0x5e: {  	_ =	shalt  }
0x5f: {  	_ =	shalt  }
0x60: {  	_ =	shalt  }
0x61: {  	_ =	shalt  }
0x62: {  	_ =	shalt  }
0x63: {  	_ =	shalt  }
0x64: {  	_ =	shalt  }
0x65: {  	_ =	shalt  }
0x66: {  	_ =	shalt  }
0x67: {  	_ =	shalt  }
0x68: {  	_ =	shalt  }
0x69: {  	_ =	shalt  }
0x6a: {  	_ =	shalt  }
0x6b: {  	_ =	shalt  }
0x6c: {  	_ =	shalt  }
0x6d: {  	_ =	shalt  }
0x6e: {  	_ =	shalt  }
0x6f: {  	_ =	shalt  }
0x70: {  	_ =	shalt  }
0x71: {  	_ =	shalt  }
0x72: {  	_ =	shalt  }
0x73: {  	_ =	shalt  }
0x74: {  	_ =	shalt  }
0x75: {  	_ =	shalt  }
0x76: {  	_ =	shalt  }
0x77: {  	_ =	shalt  }
0x78: {  	_ =	shalt  }
0x79: {  	_ =	shalt  }
0x7a: {  	_ =	shalt  }
0x7b: {  	_ =	shalt  }
0x7c: {  	_ =	shalt  }
0x7d: {  	_ =	shalt  }
0x7e: {  	_ =	shalt  }
0x7f: {  	_ =	shalt  }
0x80: {  	_ =	shalt  }
0x81: {  	_ =	shalt  }
0x82: {  	_ =	shalt  }
0x83: {  	_ =	shalt  }
0x84: {  	_ =	shalt  }
0x85: {  	_ =	shalt  }
0x86: {  	_ =	shalt  }
0x87: {  	_ =	shalt  }
.Lfunc_end0:
.L_simem_size_0:
called_computation.2_lowered:
.L_overlay_start_0:
0x88: {  	s2 =	sld [smem:$0x3FD9]  }
0x89: {  	s3 =	sld [smem:$0x3FFE];
	_ =	sdelay $0x1  }
0x8a: {  	s1 =	srdreg.scid  }
0x8b: {  	s0 =	sand.u32 $0x1, s1  }
0x8c: {  	s17 =	sshll.u32 s0, $0xA;
	s2 =	sadd.s32 s3, s2  }
0x8d: {  	s2 =	sadd.s32 s2, s17  }
0x8e: {  	[smem:$0x3FC2] =	sst s2  }
0x8f: {  	_ = 	snop  }
0x90: {  	s2 =	sld [smem:$0x3FD0];
	(tm) =	ssettm $0x1  }
0x91: {  	s18 =	sld [smem:$0x3FFB];
	_ =	sdelay $0x3  }
0x92: {  	_ =	strace s18  }
0x93: {  	s3 =	sld [smem:$0x3FFC];
	_ =	sdelay $0x3  }
0x94: {  	_ =	strace s3  }
0x95: {  	s3 =	sld [smem:$0x3FFD];
	_ =	sdelay $0x3  }
0x96: {  	_ =	strace s3  }
0x97: {  	_ =	strace $0x8FFFFFFF  }
0x98: {  	s19 =	sld [smem:$0x3FDB];
	_ =	sdelay $0x1  }
0x99: {  	s4 =	simm.s32 $_scs_section_size  }
0x9a: {  	s5 =	simm.s32 $_size__tile_overlayer_lowered;
	s6 =	simm.s32 $_tile_overlayer_lowered  }
0x9b: {  	s22 =	simm.s32 $0x1BFF;
	s21 =	sshll.u32 s6, $0x1;
	s3 =	sadd.s32 s4, s19  }
0x9c: {  	s7 =	simm.s32 $0x0;
	s20 =	sshll.u32 s5, $0x1;
	s5 =	sadd.s32 s21, s3  }
0x9d: {  	[timem:s7], [sflag:s22] =	dma.local [hbm:s5], s20  }
0x9e: {  	_ =	swait.ge [sflag:s22], s20  }
0x9f: {  	s4 =	ssub.s32 $0x0, s20;
	[sflag:s22] =	ssyncset.done $0x0  }
0xa0: {  	[sflag:s22] =	ssyncadd.s32 s4;
	_ =	sdelay $0x1  }
0xa1: {  	s23 =	simm.s32 $0x1B8B  }
0xa2: {  	_ =	swait.ge [sflag:s23], $0x1  }
0xa3: {  	[sflag:s23] =	ssyncset.done $0x0  }
0xa4: {  	s25 =	simm.s32 $0x1B8E;
	s24 =	sld [smem:$0x3FFE];
	[sflag:s23] =	ssyncadd.s32 $0xFFFFFFFF  }
0xa5: {  	s26 =	simm.s32 $execute0_lowered;
	[smem:$0x3FD2] =	sst s25  }
0xa6: {  	s5 =	sshll.u32 s26, $0x1;
	_ =	strace $0x8000004C;
	[dreg:$0x1] =	wrdreg $0xFFFFFFFF  }
0xa7: {  	s28 =	simm.s32 $_size_execute0_lowered;
	s3 =	sadd.s32 s3, s5;
	[dreg:$0x0] =	wrdreg $0x0  }
0xa8: {  	s5 =	sshll.u32 s28, $0x1;
	[dreg:$0x2] =	wrdreg s3  }
0xa9: {  	[dreg:$0x3] =	wrdreg s5  }
0xaa: {  	[dreg:$0x4] =	wrdreg $0xC0  }
0xab: {  	_ =	task [dreg:s7], $0x5FFFF  }
0xac: {  	[dreg:$0x1] =	wrdreg $0xFFFFFFFF  }
0xad: {  	[dreg:$0x0] =	wrdreg $0x60  }
0xae: {  	[dreg:$0x2] =	wrdreg s24  }
0xaf: {  	[dreg:$0x3] =	wrdreg s2  }
0xb0: {  	[dreg:$0x4] =	wrdreg $0xEC400  }
0xb1: {  	[dreg:$0x5] =	wrdreg $0x9  }
0xb2: {  	_ =	task.clear_ibuf [dreg:s7], $0x6FFFF;
	_ =	strace $0x9000004C  }
0xb3: {  	s29 =	simm.s32 $0x9;
	_ =	strace $0x8000004E  }
0xb4: {  	_ =	swait.ge [sflag:s29], $0x1  }
0xb5: {  	[sflag:s29] =	ssyncadd.s32 $0xFFFFFFFF  }
0xb6: {  	_ =	strace $0x9000004E  }
0xb7: {  	_ =	sfence  }
0xb8: {  	s30 =	sld [smem:$0x0];
	_ =	sdelay $0x2  }
0xb9: {  	s31 =	sshll.u32 s1, $0xD;
	s1 =	sshrl.u32 s1, $0x2  }
0xba: {  	s3 =	sand.u32 $0x4000, s31;
	s1 =	sadd.s32 s1, s30  }
0xbb: {  	s0 =	sor.u32 s3, s0;
	s1 =	sshll.u32 s1, $0x11  }
0xbc: {  	s0 =	sor.u32 s1, s0  }
0xbd: {  	s0 =	sadd.s32 $0x8F2B, s0  }
0xbe: {  	[sflag:s0] =	ssyncadd.remote.s32 $0x1  }
0xbf: {  	_ =	sfence.sel $0xFFFF  }
0xc0: {  	[dreg:$0x0] =	wrdreg $0xFFFFFFFF;
	(pc) =	sbr.abs _section_cstart, $3  }
0xc1: {  	[dreg:$0x1] =	wrdreg $0xFFFFFFFF  }
0xc2: {  	_ =	task.clear_ibuf [dreg:s7], $0x2FFFF;
	_ =	strace $0x9FFFFFFF  }
0xc3: {  	(tm) =	ssettm $0x7FFFFFFF  }
tec
execute0_lowered:
.L_overlay_start_1:
0x0: {  	(tag) =	ssettag $0x1  }
0x1: {  	s0 =	srdreg.scid;
	s5 =	rddreg [dreg:$0x0]  }
0x2: {  	s15 =	stileid.u32;
	s6 =	rddreg [dreg:$0x1];
	s31 =	simm.s32 $0x0  }
0x3: {  	s29 =	simm.s32 $0x1F4;
	s28 =	simm.s32 $0x6;
	s30 =	simm.s32 $0x4EC0  }
0x4: {  	s1 =	sand.u32 $0x1, s0;
	s8 =	smul.u32 $0x2800, s15;
	[smem:$0x7FF] =	sst s31  }
0x5: {  	s12 =	sadd.s32 $0x6A00, s5;
	s14 =	smul.u32 $0x500, s15;
	s3 =	sshll.u32 s15, $0x6  }
0x6: {  	s21 =	sand.u32 $0x3, s0;
	s0 =	sshrl.u32 s0, $0x2;
	s2 =	sshll.u32 s1, $0x4  }
0x7: {  	s11 =	ssub.s32 $0x2, s1;
	s1 =	smul.u32 $0x5000, s1;
	s19 =	sor.u32 $0x1C0C, s3  }
0x8: {  	s23 =	sxor.u32 $0x5, s21;
	s7 =	sor.u32 s15, s2;
	s2 =	rddreg [dreg:$0x2]  }
0x9: {  	s21 =	simm.s32 $0xC;
	_ =	strace $0x8000004D;
	[dreg:$0x5] =	wrdreg s3  }
0xa: {  	s9 =	sshrl.u32 s8, $0x3;
	s13 =	sshrl.u32 s11, $0x1;
	[dreg:$0x17] =	wrdreg s0  }
0xb: {  	[dreg:$0xc] =	wrdreg s23;
	s23 =	simm.s32 $0x4AD0;
	s4 =	smul.u32 $0x4EC, s7  }
0xc: {  	[dreg:$0xb] =	wrdreg s19;
	s9 =	sadd.s32 s9, s5;
	s26 =	smul.u32 $0x28, s7  }
0xd: {  	s11 =	ssub.s32 s11, s13;
	s8 =	sadd.s32 s8, s2;
	s17 =	smul.u32 $0x1400, s7  }
0xe: {  	s1 =	sadd.s32 s14, s1;
	s20 =	smul.u32 $0x280, s7;
	s14 =	simm.s32 $0xA  }
0xf: {  	s7 =	simm.s32 $0x6E00;
	s13 =	simm.s32 $0x0;
	[dreg:$0x4] =	wrdreg s8  }
0x10: {  	s16 =	sadd.s32 $0x29200, s9;
	s1 =	sadd.s32 s12, s1;
	[dreg:$0x16] =	wrdreg s13  }
0x11: {  	s10 =	sadd.s32 s4, s5;
	s4 =	sadd.s32 $0x1A00, s5;
	s5 =	sadd.s32 $0x2E200, s5  }
0x12: {  	s6 =	sadd.s32 s6, s26;
	[dreg:$0xa] =	wrdreg s1;
	s22 =	sshrl.u32 s17, $0x3  }
0x13: {  	s24 =	sadd.s32 s12, s20;
	s17 =	simm.s32 $0xAC80;
	[dreg:$0x6] =	wrdreg s16  }
0x14: {  	[dreg:$0x7] =	wrdreg s6;
	s15 =	sadd.s32 $0x1F400, s10;
	s18 =	sadd.s32 $0x15600, s10  }
0x15: {  	[dreg:$0xd] =	wrdreg s24;
	s25 =	sadd.s32 s12, s22;
	s3 =	sadd.s32 s4, s20  }
0x16: {  	s0 =	sadd.s32 $0x140, s22;
	s1 =	sadd.s32 s5, s20;
	[dreg:$0x8] =	wrdreg s15  }
0x17: {  	s6 =	simm.s32 $0x2;
	s20 =	simm.s32 $0x7;
	[dreg:$0x9] =	wrdreg s18  }
0x18: {  	s24 =	simm.s32 $0x8;
	s22 =	simm.s32 $0x48D8;
	[dreg:$0xf] =	wrdreg s3  }
0x19: {  	s26 =	sadd.s32 $0x5000, s25;
	[dreg:$0x10] =	wrdreg s1;
	s8 =	sadd.s32 s12, s0  }
0x1a: {  	s9 =	sadd.s32 $0x5140, s25;
	s10 =	sadd.s32 s4, s0;
	[dreg:$0xe] =	wrdreg s26  }
0x1b: {  	s0 =	sadd.s32 s5, s0;
	s12 =	smax.u32 s11, $0x1;
	[dreg:$0x11] =	wrdreg s8  }
0x1c: {  	s1 =	simm.s32 $0x1;
	s3 =	simm.s32 $0xCBC0;
	[dreg:$0x12] =	wrdreg s9  }
0x1d: {  	s15 =	simm.s32 $0x3;
	s11 =	simm.s32 $0x4;
	[dreg:$0x13] =	wrdreg s10  }
0x1e: {  	s18 =	simm.s32 $0x46E0;
	s25 =	simm.s32 $0x2568;
	[dreg:$0x14] =	wrdreg s0  }
0x1f: {  	[dreg:$0x15] =	wrdreg s12;
	s26 =	simm.s32 $0xEB00;
	s10 =	simm.s32 $0x5  }
0x20: {  	s12 =	simm.s32 $0x9;
	s9 =	simm.s32 $0x4CC8;
	s0 =	simm.s32 $0x8D40  }
.LBB2_1:
0x21: {  	s8 =	rddreg [dreg:$0x4]  }
0x22: {  	s8 =	sshrl.u32 s8, $0x3  }
0x23: {  	[spmem:s8], [sflag:s19] =	dma.local [hbm:s16], $0x500  }
0x24: {  	_ =	swait.ge [sflag:s21], $0x500  }
0x25: {  	[sflag:s21] =	ssyncset.done $0x0  }
0x26: {  	s16 =	rddreg [dreg:$0x7];
	[sflag:s21] =	ssyncadd.s32 $0xFFFFFB00  }
0x27: {  	[tilespmem:s26], [sflag:$0xC] =	stream.linear.gather [hbm4b:s16+s31], $0x140, $0x38;
	[tilespmem:$0x11440] =	vst v63  }
0x28: {  	_ =	swait.ge [sflag:s21], $0x140  }
0x29: {  	[sflag:s21] =	ssyncset.done $0x0  }
0x2a: {  	s16 =	rddreg [dreg:$0x8];
	[sflag:s21] =	ssyncadd.s32 $0xFFFFFEC0  }
0x2b: {  	[tilespmem:s31], [sflag:$0xC] =	stream.linear.gather [hbm4b:s16+s31], $0x2760, $0x38;
	[tilespmem:$0x11440] =	vst v63  }
0x2c: {  	_ =	swait.ge [sflag:s21], $0x2760  }
0x2d: {  	s13 =	smov.u32 s19;
	s19 =	smov.u32 s8;
	[sflag:s21] =	ssyncset.done $0x0  }
0x2e: {  	s16 =	simm.s32 $0x2760;
	s8 =	rddreg [dreg:$0x9];
	[sflag:s21] =	ssyncadd.s32 $0xFFFFD8A0  }
0x2f: {  	[tilespmem:s16], [sflag:$0xC] =	stream.linear.gather [hbm4b:s8+s31], $0x2760, $0x38;
	[tilespmem:$0x11440] =	vst v63  }
0x30: {  	_ =	swait.ge [sflag:s21], $0x2760  }
0x31: {  	[sflag:s21] =	ssyncset.done $0x0  }
0x32: {  	[sflag:s21] =	ssyncadd.s32 $0xFFFFD8A0  }
0x33: {  	[bflag:$0x0] =	sbarrier.arrive $0xFFFF  }
0x34: {  	[tilespmem:s30], [sflag:$0x1] =	stream.indirect.gather [hbm4b:s4+s29], $0x10, s31, s29, $0xb8;
	[tilespmem:$0x11440] =	vst v63  }
0x35: {  	s8 =	simm.s32 $0x1F8  }
0x36: {  	[tilespmem:s7], [sflag:$0x2] =	stream.indirect.gather [hbm4b:s4+s29], $0x10, s8, s29, $0xb8;
	[tilespmem:$0x11440] =	vst v63  }
0x37: {  	s8 =	simm.s32 $0x3F0  }
0x38: {  	[tilespmem:s0], [sflag:$0x3] =	stream.indirect.gather [hbm4b:s4+s29], $0x10, s8, s29, $0xb8;
	[tilespmem:$0x11440] =	vst v63  }
0x39: {  	_ =	swait.ge [sflag:s1], $0x1F40  }
0x3a: {  	[sflag:s1] =	ssyncset.done $0x0  }
0x3b: {  	[sflag:s1] =	ssyncadd.s32 $0xFFFFE0C0  }
0x3c: {  	[spmem:s2] =	stream.indirect.scatter.add.f32 [tilespmem:s30], [sflag:$0x6], $0x10, s16, s29, $0xb8;
	[tilespmem:$0x11440] =	vst v63  }
0x3d: {  	s16 =	simm.s32 $0x5E8  }
0x3e: {  	[tilespmem:s17], [sflag:$0x4] =	stream.indirect.gather [hbm4b:s4+s29], $0x10, s16, s29, $0xb8;
	[tilespmem:$0x11440] =	vst v63  }
0x3f: {  	_ =	swait.ge [sflag:s6], $0x1F40  }
0x40: {  	[sflag:s6] =	ssyncset.done $0x0  }
0x41: {  	s16 =	simm.s32 $0x2958;
	[sflag:s6] =	ssyncadd.s32 $0xFFFFE0C0  }
0x42: {  	[spmem:s2] =	stream.indirect.scatter.add.f32 [tilespmem:s7], [sflag:$0x7], $0x10, s16, s29, $0xb8;
	[tilespmem:$0x11440] =	vst v63  }
0x43: {  	s16 =	simm.s32 $0x7E0  }
0x44: {  	[tilespmem:s3], [sflag:$0x5] =	stream.indirect.gather [hbm4b:s4+s29], $0x10, s16, s29, $0xb8;
	[tilespmem:$0x11440] =	vst v63  }
0x45: {  	_ =	swait.ge [sflag:s15], $0x1F40  }
0x46: {  	[sflag:s15] =	ssyncset.done $0x0  }
0x47: {  	s16 =	simm.s32 $0x2B50;
	[sflag:s15] =	ssyncadd.s32 $0xFFFFE0C0  }
0x48: {  	[spmem:s2] =	stream.indirect.scatter.add.f32 [tilespmem:s0], [sflag:$0x8], $0x10, s16, s29, $0xb8;
	[tilespmem:$0x11440] =	vst v63  }
0x49: {  	_ =	swait.ge [sflag:s28], $0x1F40  }
0x4a: {  	[sflag:s28] =	ssyncset.done $0x0  }
0x4b: {  	s16 =	simm.s32 $0x9D8;
	[sflag:s28] =	ssyncadd.s32 $0xFFFFE0C0  }
0x4c: {  	[tilespmem:s30], [sflag:$0x1] =	stream.indirect.gather [hbm4b:s4+s29], $0x10, s16, s29, $0xb8;
	[tilespmem:$0x11440] =	vst v63  }
0x4d: {  	_ =	swait.ge [sflag:s11], $0x1F40  }
0x4e: {  	[sflag:s11] =	ssyncset.done $0x0  }
0x4f: {  	s16 =	simm.s32 $0x2D48;
	[sflag:s11] =	ssyncadd.s32 $0xFFFFE0C0  }
0x50: {  	[spmem:s2] =	stream.indirect.scatter.add.f32 [tilespmem:s17], [sflag:$0x9], $0x10, s16, s29, $0xb8;
	[tilespmem:$0x11440] =	vst v63  }
0x51: {  	_ =	swait.ge [sflag:s20], $0x1F40  }
0x52: {  	[sflag:s20] =	ssyncset.done $0x0  }
0x53: {  	s16 =	simm.s32 $0xBD0;
	[sflag:s20] =	ssyncadd.s32 $0xFFFFE0C0  }
0x54: {  	[tilespmem:s7], [sflag:$0x2] =	stream.indirect.gather [hbm4b:s4+s29], $0x10, s16, s29, $0xb8;
	[tilespmem:$0x11440] =	vst v63  }
0x55: {  	_ =	swait.ge [sflag:s10], $0x1F40  }
0x56: {  	[sflag:s10] =	ssyncset.done $0x0  }
0x57: {  	s16 =	simm.s32 $0x2F40;
	[sflag:s10] =	ssyncadd.s32 $0xFFFFE0C0  }
0x58: {  	[spmem:s2] =	stream.indirect.scatter.add.f32 [tilespmem:s3], [sflag:$0xA], $0x10, s16, s29, $0xb8;
	[tilespmem:$0x11440] =	vst v63  }
0x59: {  	_ =	swait.ge [sflag:s24], $0x1F40  }
0x5a: {  	[sflag:s24] =	ssyncset.done $0x0  }
0x5b: {  	s16 =	simm.s32 $0xDC8;
	[sflag:s24] =	ssyncadd.s32 $0xFFFFE0C0  }
0x5c: {  	[tilespmem:s0], [sflag:$0x3] =	stream.indirect.gather [hbm4b:s4+s29], $0x10, s16, s29, $0xb8;
	[tilespmem:$0x11440] =	vst v63  }
0x5d: {  	_ =	swait.ge [sflag:s1], $0x1F40  }
0x5e: {  	[sflag:s1] =	ssyncset.done $0x0  }
0x5f: {  	s16 =	simm.s32 $0x3138;
	[sflag:s1] =	ssyncadd.s32 $0xFFFFE0C0  }
0x60: {  	[spmem:s2] =	stream.indirect.scatter.add.f32 [tilespmem:s30], [sflag:$0x6], $0x10, s16, s29, $0xb8;
	[tilespmem:$0x11440] =	vst v63  }
0x61: {  	_ =	swait.ge [sflag:s12], $0x1F40  }
0x62: {  	[sflag:s12] =	ssyncset.done $0x0  }
0x63: {  	s16 =	simm.s32 $0xFC0;
	[sflag:s12] =	ssyncadd.s32 $0xFFFFE0C0  }
0x64: {  	[tilespmem:s17], [sflag:$0x4] =	stream.indirect.gather [hbm4b:s4+s29], $0x10, s16, s29, $0xb8;
	[tilespmem:$0x11440] =	vst v63  }
0x65: {  	_ =	swait.ge [sflag:s6], $0x1F40  }
0x66: {  	[sflag:s6] =	ssyncset.done $0x0  }
0x67: {  	s16 =	simm.s32 $0x3330;
	[sflag:s6] =	ssyncadd.s32 $0xFFFFE0C0  }
0x68: {  	[spmem:s2] =	stream.indirect.scatter.add.f32 [tilespmem:s7], [sflag:$0x7], $0x10, s16, s29, $0xb8;
	[tilespmem:$0x11440] =	vst v63  }
0x69: {  	_ =	swait.ge [sflag:s14], $0x1F40  }
0x6a: {  	[sflag:s14] =	ssyncset.done $0x0  }
0x6b: {  	s16 =	simm.s32 $0x11B8;
	[sflag:s14] =	ssyncadd.s32 $0xFFFFE0C0  }
0x6c: {  	[tilespmem:s3], [sflag:$0x5] =	stream.indirect.gather [hbm4b:s4+s29], $0x10, s16, s29, $0xb8;
	[tilespmem:$0x11440] =	vst v63  }
0x6d: {  	_ =	swait.ge [sflag:s15], $0x1F40  }
0x6e: {  	[sflag:s15] =	ssyncset.done $0x0  }
0x6f: {  	s16 =	simm.s32 $0x3528;
	[sflag:s15] =	ssyncadd.s32 $0xFFFFE0C0  }
0x70: {  	[spmem:s2] =	stream.indirect.scatter.add.f32 [tilespmem:s0], [sflag:$0x8], $0x10, s16, s29, $0xb8;
	[tilespmem:$0x11440] =	vst v63  }
0x71: {  	_ =	swait.ge [sflag:s28], $0x1F40  }
0x72: {  	[sflag:s28] =	ssyncset.done $0x0  }
0x73: {  	s16 =	simm.s32 $0x13B0;
	[sflag:s28] =	ssyncadd.s32 $0xFFFFE0C0  }
0x74: {  	[tilespmem:s30], [sflag:$0x1] =	stream.indirect.gather [hbm4b:s4+s29], $0x10, s16, s29, $0xb8;
	[tilespmem:$0x11440] =	vst v63  }
0x75: {  	_ =	swait.ge [sflag:s11], $0x1F40  }
0x76: {  	[sflag:s11] =	ssyncset.done $0x0  }
0x77: {  	s16 =	simm.s32 $0x3720;
	[sflag:s11] =	ssyncadd.s32 $0xFFFFE0C0  }
0x78: {  	[spmem:s2] =	stream.indirect.scatter.add.f32 [tilespmem:s17], [sflag:$0x9], $0x10, s16, s29, $0xb8;
	[tilespmem:$0x11440] =	vst v63  }
0x79: {  	_ =	swait.ge [sflag:s20], $0x1F40  }
0x7a: {  	[sflag:s20] =	ssyncset.done $0x0  }
0x7b: {  	s16 =	simm.s32 $0x15A8;
	[sflag:s20] =	ssyncadd.s32 $0xFFFFE0C0  }
0x7c: {  	[tilespmem:s7], [sflag:$0x2] =	stream.indirect.gather [hbm4b:s4+s29], $0x10, s16, s29, $0xb8;
	[tilespmem:$0x11440] =	vst v63  }
0x7d: {  	_ =	swait.ge [sflag:s10], $0x1F40  }
0x7e: {  	[sflag:s10] =	ssyncset.done $0x0  }
0x7f: {  	s16 =	simm.s32 $0x3918;
	[sflag:s10] =	ssyncadd.s32 $0xFFFFE0C0  }
0x80: {  	[spmem:s2] =	stream.indirect.scatter.add.f32 [tilespmem:s3], [sflag:$0xA], $0x10, s16, s29, $0xb8;
	[tilespmem:$0x11440] =	vst v63  }
0x81: {  	_ =	swait.ge [sflag:s24], $0x1F40  }
0x82: {  	[sflag:s24] =	ssyncset.done $0x0  }
0x83: {  	s16 =	simm.s32 $0x17A0;
	[sflag:s24] =	ssyncadd.s32 $0xFFFFE0C0  }
0x84: {  	[tilespmem:s0], [sflag:$0x3] =	stream.indirect.gather [hbm4b:s4+s29], $0x10, s16, s29, $0xb8;
	[tilespmem:$0x11440] =	vst v63  }
0x85: {  	_ =	swait.ge [sflag:s1], $0x1F40  }
0x86: {  	[sflag:s1] =	ssyncset.done $0x0  }
0x87: {  	s16 =	simm.s32 $0x3B10;
	[sflag:s1] =	ssyncadd.s32 $0xFFFFE0C0  }
0x88: {  	[spmem:s2] =	stream.indirect.scatter.add.f32 [tilespmem:s30], [sflag:$0x6], $0x10, s16, s29, $0xb8;
	[tilespmem:$0x11440] =	vst v63  }
0x89: {  	_ =	swait.ge [sflag:s12], $0x1F40  }
0x8a: {  	[sflag:s12] =	ssyncset.done $0x0  }
0x8b: {  	s16 =	simm.s32 $0x1998;
	[sflag:s12] =	ssyncadd.s32 $0xFFFFE0C0  }
0x8c: {  	[tilespmem:s17], [sflag:$0x4] =	stream.indirect.gather [hbm4b:s4+s29], $0x10, s16, s29, $0xb8;
	[tilespmem:$0x11440] =	vst v63  }
0x8d: {  	_ =	swait.ge [sflag:s6], $0x1F40  }
0x8e: {  	[sflag:s6] =	ssyncset.done $0x0  }
0x8f: {  	s16 =	simm.s32 $0x3D08;
	[sflag:s6] =	ssyncadd.s32 $0xFFFFE0C0  }
0x90: {  	[spmem:s2] =	stream.indirect.scatter.add.f32 [tilespmem:s7], [sflag:$0x7], $0x10, s16, s29, $0xb8;
	[tilespmem:$0x11440] =	vst v63  }
0x91: {  	_ =	swait.ge [sflag:s14], $0x1F40  }
0x92: {  	[sflag:s14] =	ssyncset.done $0x0  }
0x93: {  	s16 =	simm.s32 $0x1B90;
	[sflag:s14] =	ssyncadd.s32 $0xFFFFE0C0  }
0x94: {  	[tilespmem:s3], [sflag:$0x5] =	stream.indirect.gather [hbm4b:s4+s29], $0x10, s16, s29, $0xb8;
	[tilespmem:$0x11440] =	vst v63  }
0x95: {  	_ =	swait.ge [sflag:s15], $0x1F40  }
0x96: {  	[sflag:s15] =	ssyncset.done $0x0  }
0x97: {  	s16 =	simm.s32 $0x3F00;
	[sflag:s15] =	ssyncadd.s32 $0xFFFFE0C0  }
0x98: {  	[spmem:s2] =	stream.indirect.scatter.add.f32 [tilespmem:s0], [sflag:$0x8], $0x10, s16, s29, $0xb8;
	[tilespmem:$0x11440] =	vst v63  }
0x99: {  	_ =	swait.ge [sflag:s28], $0x1F40  }
0x9a: {  	[sflag:s28] =	ssyncset.done $0x0  }
0x9b: {  	s16 =	simm.s32 $0x1D88;
	[sflag:s28] =	ssyncadd.s32 $0xFFFFE0C0  }
0x9c: {  	[tilespmem:s30], [sflag:$0x1] =	stream.indirect.gather [hbm4b:s4+s29], $0x10, s16, s29, $0xb8;
	[tilespmem:$0x11440] =	vst v63  }
0x9d: {  	_ =	swait.ge [sflag:s11], $0x1F40  }
0x9e: {  	[sflag:s11] =	ssyncset.done $0x0  }
0x9f: {  	s16 =	simm.s32 $0x40F8;
	[sflag:s11] =	ssyncadd.s32 $0xFFFFE0C0  }
0xa0: {  	[spmem:s2] =	stream.indirect.scatter.add.f32 [tilespmem:s17], [sflag:$0x9], $0x10, s16, s29, $0xb8;
	[tilespmem:$0x11440] =	vst v63  }
0xa1: {  	_ =	swait.ge [sflag:s20], $0x1F40  }
0xa2: {  	[sflag:s20] =	ssyncset.done $0x0  }
0xa3: {  	s16 =	simm.s32 $0x1F80;
	[sflag:s20] =	ssyncadd.s32 $0xFFFFE0C0  }
0xa4: {  	[tilespmem:s7], [sflag:$0x2] =	stream.indirect.gather [hbm4b:s4+s29], $0x10, s16, s29, $0xb8;
	[tilespmem:$0x11440] =	vst v63  }
0xa5: {  	_ =	swait.ge [sflag:s10], $0x1F40  }
0xa6: {  	[sflag:s10] =	ssyncset.done $0x0  }
0xa7: {  	s16 =	simm.s32 $0x42F0;
	[sflag:s10] =	ssyncadd.s32 $0xFFFFE0C0  }
0xa8: {  	[spmem:s2] =	stream.indirect.scatter.add.f32 [tilespmem:s3], [sflag:$0xA], $0x10, s16, s29, $0xb8;
	[tilespmem:$0x11440] =	vst v63  }
0xa9: {  	_ =	swait.ge [sflag:s24], $0x1F40  }
0xaa: {  	[sflag:s24] =	ssyncset.done $0x0  }
0xab: {  	s16 =	simm.s32 $0x2178;
	[sflag:s24] =	ssyncadd.s32 $0xFFFFE0C0  }
0xac: {  	[tilespmem:s0], [sflag:$0x3] =	stream.indirect.gather [hbm4b:s4+s29], $0x10, s16, s29, $0xb8;
	[tilespmem:$0x11440] =	vst v63  }
0xad: {  	_ =	swait.ge [sflag:s1], $0x1F40  }
0xae: {  	[sflag:s1] =	ssyncset.done $0x0  }
0xaf: {  	s16 =	simm.s32 $0x44E8;
	[sflag:s1] =	ssyncadd.s32 $0xFFFFE0C0  }
0xb0: {  	[spmem:s2] =	stream.indirect.scatter.add.f32 [tilespmem:s30], [sflag:$0x6], $0x10, s16, s29, $0xb8;
	[tilespmem:$0x11440] =	vst v63  }
0xb1: {  	_ =	swait.ge [sflag:s12], $0x1F40  }
0xb2: {  	[sflag:s12] =	ssyncset.done $0x0  }
0xb3: {  	s16 =	simm.s32 $0x2370;
	[sflag:s12] =	ssyncadd.s32 $0xFFFFE0C0  }
0xb4: {  	[tilespmem:s17], [sflag:$0x4] =	stream.indirect.gather [hbm4b:s4+s29], $0x10, s16, s29, $0xb8;
	[tilespmem:$0x11440] =	vst v63  }
0xb5: {  	_ =	swait.ge [sflag:s6], $0x1F40  }
0xb6: {  	[sflag:s6] =	ssyncset.done $0x0  }
0xb7: {  	[sflag:s6] =	ssyncadd.s32 $0xFFFFE0C0  }
0xb8: {  	[spmem:s2] =	stream.indirect.scatter.add.f32 [tilespmem:s7], [sflag:$0x7], $0x10, s18, s29, $0xb8;
	[tilespmem:$0x11440] =	vst v63  }
0xb9: {  	_ =	swait.ge [sflag:s14], $0x1F40  }
0xba: {  	[sflag:s14] =	ssyncset.done $0x0  }
0xbb: {  	[sflag:s14] =	ssyncadd.s32 $0xFFFFE0C0  }
0xbc: {  	[tilespmem:s3], [sflag:$0x5] =	stream.indirect.gather [hbm4b:s4+s29], $0x10, s25, s29, $0xb8;
	[tilespmem:$0x11440] =	vst v63  }
0xbd: {  	_ =	swait.ge [sflag:s15], $0x1F40  }
0xbe: {  	[sflag:s15] =	ssyncset.done $0x0  }
0xbf: {  	[sflag:s15] =	ssyncadd.s32 $0xFFFFE0C0  }
0xc0: {  	[spmem:s2] =	stream.indirect.scatter.add.f32 [tilespmem:s0], [sflag:$0x8], $0x10, s22, s29, $0xb8;
	[tilespmem:$0x11440] =	vst v63  }
0xc1: {  	_ =	swait.ge [sflag:s28], $0x1F40  }
0xc2: {  	[sflag:s28] =	ssyncset.done $0x0  }
0xc3: {  	[sflag:s28] =	ssyncadd.s32 $0xFFFFE0C0  }
0xc4: {  	_ =	swait.ge [sflag:s11], $0x1F40  }
0xc5: {  	[sflag:s11] =	ssyncset.done $0x0  }
0xc6: {  	[sflag:s11] =	ssyncadd.s32 $0xFFFFE0C0  }
0xc7: {  	[spmem:s2] =	stream.indirect.scatter.add.f32 [tilespmem:s17], [sflag:$0x9], $0x10, s23, s29, $0xb8;
	[tilespmem:$0x11440] =	vst v63  }
0xc8: {  	_ =	swait.ge [sflag:s20], $0x1F40  }
0xc9: {  	[sflag:s20] =	ssyncset.done $0x0  }
0xca: {  	[sflag:s20] =	ssyncadd.s32 $0xFFFFE0C0  }
0xcb: {  	_ =	swait.ge [sflag:s10], $0x1F40  }
0xcc: {  	[sflag:s10] =	ssyncset.done $0x0  }
0xcd: {  	[sflag:s10] =	ssyncadd.s32 $0xFFFFE0C0  }
0xce: {  	[spmem:s2] =	stream.indirect.scatter.add.f32 [tilespmem:s3], [sflag:$0xA], $0x10, s9, s29, $0xb8;
	[tilespmem:$0x11440] =	vst v63  }
0xcf: {  	_ =	swait.ge [sflag:s24], $0x1F40  }
0xd0: {  	[sflag:s24] =	ssyncset.done $0x0  }
0xd1: {  	[sflag:s24] =	ssyncadd.s32 $0xFFFFE0C0  }
0xd2: {  	_ =	swait.ge [sflag:s12], $0x1F40  }
0xd3: {  	[sflag:s12] =	ssyncset.done $0x0  }
0xd4: {  	[sflag:s12] =	ssyncadd.s32 $0xFFFFE0C0  }
0xd5: {  	_ =	swait.ge [sflag:s14], $0x1F40  }
0xd6: {  	[sflag:s14] =	ssyncset.done $0x0  }
0xd7: {  	[sflag:s14] =	ssyncadd.s32 $0xFFFFE0C0  }
0xd8: {  	[bflag:$0x0] =	sbarrier.arrive $0xFFFF  }
0xd9: {  	s12 =	rddreg [dreg:$0xa]  }
0xda: {  	[hbm:s12], [sflag:s13] =	dma.local [spmem:s19], $0x500  }
0xdb: {  	_ =	swait.ge [sflag:s21], $0x500  }
0xdc: {  	[sflag:s21] =	ssyncset.done $0x0  }
0xdd: {  	[sflag:s21] =	ssyncadd.s32 $0xFFFFFB00  }
0xde: {  	s14 =	simm.s32 $0x100000;
	[bflag:$0x0] =	sbarrier.arrive $0xFFFF  }
0xdf: {  	[smem:s14], [sflag:$0x0] =	smem.add.s32 $0x0  }
0xe0: {  	_ =	swait.done [sflag:s31]  }
0xe1: {  	s16 =	ssyncread [sflag:$0x0];
	s18 =	rddreg [dreg:$0x17]  }
0xe2: {  	s20 =	smov.u32 s19;
	s19 =	rddreg [dreg:$0x5]  }
0xe3: {  	s21 =	rddreg [dreg:$0xc];
	[sflag:s31] =	ssyncset.s32 $0x0  }
0xe4: {  	s13 =	sor.u32 $0x1C0B, s19;
	s14 =	sshll.u32 s21, $0xE;
	s8 =	sadd.s32 s18, s16  }
0xe5: {  	s9 =	smov.u32 s18;
	s18 =	sor.u32 s14, s13;
	s8 =	sshll.u32 s8, $0x11  }
0xe6: {  	[sflag:s31] =	ssyncset.done $0x0;
	s8 =	sor.u32 s8, s18  }
0xe7: {  	s22 =	simm.s32 $0xB;
	[sflag:s8] =	ssyncadd.remote.s32 $0x1  }
0xe8: {  	_ =	swait.ge [sflag:s22], $0x1  }
0xe9: {  	[sflag:s22] =	ssyncset.done $0x0  }
0xea: {  	s23 =	rddreg [dreg:$0xd];
	[sflag:s22] =	ssyncadd.s32 $0xFFFFFFFF  }
0xeb: {  	[tilespmem:s30], [sflag:$0x1] =	stream.linear.gather [hbm4b:s23+s31], $0xA00, $0x38;
	[tilespmem:$0x11440] =	vst v63  }
0xec: {  	s24 =	rddreg [dreg:$0xe]  }
0xed: {  	[tilespmem:s7], [sflag:$0x2] =	stream.linear.gather [hbm4b:s24+s31], $0xA00, $0x38;
	[tilespmem:$0x11440] =	vst v63  }
0xee: {  	s25 =	rddreg [dreg:$0xf]  }
0xef: {  	[tilespmem:s0], [sflag:$0x3] =	stream.linear.gather [hbm4b:s25+s31], $0xA00, $0x38;
	[tilespmem:$0x11440] =	vst v63  }
0xf0: {  	_ =	swait.ge [sflag:s1], $0xA00  }
0xf1: {  	[sflag:s1] =	ssyncset.done $0x0  }
0xf2: {  	[sflag:s1] =	ssyncadd.s32 $0xFFFFF600  }
0xf3: {  	_ =	swait.ge [sflag:s6], $0xA00  }
0xf4: {  	[sflag:s6] =	ssyncset.done $0x0  }
0xf5: {  	[sflag:s6] =	ssyncadd.s32 $0xFFFFF600  }
0xf6: {  	v0 =	vmov s31;
	_ =	swait.ge [sflag:s15], $0xA00  }
0xf7: {  	[sflag:s15] =	ssyncset.done $0x0  }
0xf8: {  	[sflag:s15] =	ssyncadd.s32 $0xFFFFF600  }
0xf9: {  	v1 =	vld [tilespmem:s30+$0x0]  }
0xfa: {  	v2 =	vld [tilespmem:s7+$0x0]  }
0xfb: {  	v0 =	vld.idx.msk [tilespmem:v0+s26+$0x0], $0xffff  }
0xfc: {  	v3 =	vld [tilespmem:s0+$0x0];
	_ =	sdelay $0x2  }
0xfd: {  	v1 =	vadd.f32 v2, v1;
	_ =	sdelay $0x1  }
0xfe: {  	v0 =	vmul.f32 v0, v0;
	v1 =	vadd.f32 v3, v1  }
0xff: {  	s30 =	simm.s32 $0x1  }
0x100: {  	v2 =	vmov s30;
	v0 =	vmul.f32 v1, v0;
	_ =	sdelay $0x1  }
0x101: {  	s28 =	simm.s32 $0x4ED0;
	[tilespmem:s17+$0x0] =	vst v0  }
0x102: {  	s8 =	simm.s32 $0x6E10;
	v0 =	vld [tilespmem:s28+$0x0]  }
0x103: {  	v1 =	vld [tilespmem:s8+$0x0]  }
0x104: {  	s13 =	simm.s32 $0x8D50;
	v2 =	vld.idx.msk [tilespmem:v2+s26+$0x0], $0xffff  }
0x105: {  	v3 =	vld [tilespmem:s13+$0x0];
	_ =	sdelay $0x2  }
0x106: {  	s11 =	simm.s32 $0x100000;
	v0 =	vadd.f32 v1, v0  }
0x107: {  	s10 =	simm.s32 $0xC;
	s3 =	simm.s32 $0x0;
	s12 =	simm.s32 $0xB  }
0x108: {  	s19 =	simm.s32 $0xAC80;
	s14 =	simm.s32 $0x3;
	s16 =	simm.s32 $0xAC80;
	v1 =	vmul.f32 v2, v2;
	v2 =	vadd.f32 v3, v0  }
0x109: {  	s22 =	simm.s32 $0x6E00;
	s23 =	simm.s32 $0x8D40;
	s31 =	simm.s32 $0x2  }
0x10a: {  	s7 =	simm.s32 $0x7;
	s0 =	simm.s32 $0x8;
	s17 =	simm.s32 $0x4EC0;
	v0 =	vmov s31;
	v1 =	vmul.f32 v2, v1  }
.LBB2_2:
0x10b: {  	p0 =	sne.s32 s14, $0x9F;
	s19 =	sadd.s32 $0x10, s19  }
0x10c: {  	s28 =	sadd.s32 $0x10, s28;
	[tilespmem:s19+$0x0] =	vst v1  }
0x10d: {  	s8 =	sadd.s32 $0x10, s8;
	v1 =	vld [tilespmem:s28+$0x0]  }
0x10e: {  	v2 =	vld [tilespmem:s8+$0x0]  }
0x10f: {  	s13 =	sadd.s32 $0x10, s13;
	v0 =	vld.idx.msk [tilespmem:v0+s26+$0x0], $0xffff  }
0x110: {  	v3 =	vld [tilespmem:s13+$0x0];
	_ =	sdelay $0x2  }
.Ltmp0:
0x111: {  	v1 =	vadd.f32 v2, v1;
	(pc) =	sbr.rel @p0 .LBB2_2-.Ltmp0, $3  }
0x112: {  	_ = 	snop  }
0x113: {  	v2 =	vmul.f32 v0, v0;
	v1 =	vadd.f32 v3, v1;
	_ =	sdelay $0x1  }
0x114: {  	v0 =	vmov s14;
	s14 =	sadd.s32 $0x1, s14;
	v1 =	vmul.f32 v1, v2  }
0x115: {  	s14 =	sadd.s32 $0x10, s19  }
0x116: {  	s31 =	sadd.s32 $0x10, s28;
	[tilespmem:s14+$0x0] =	vst v1  }
0x117: {  	s8 =	sadd.s32 $0x10, s8;
	v1 =	vld [tilespmem:s31+$0x0]  }
0x118: {  	v2 =	vld [tilespmem:s8+$0x0]  }
0x119: {  	s21 =	sadd.s32 $0x10, s13;
	v0 =	vld.idx.msk [tilespmem:v0+s26+$0x0], $0xffff  }
0x11a: {  	v3 =	vld [tilespmem:s21+$0x0];
	_ =	sdelay $0x2  }
0x11b: {  	v1 =	vadd.f32 v2, v1;
	_ =	sdelay $0x1  }
0x11c: {  	v0 =	vmul.f32 v0, v0;
	v1 =	vadd.f32 v3, v1;
	_ =	sdelay $0x1  }
0x11d: {  	v0 =	vmul.f32 v1, v0  }
0x11e: {  	s24 =	sadd.s32 $0x10, s14  }
0x11f: {  	s28 =	simm.s32 $0xAC80;
	s25 =	rddreg [dreg:$0x10];
	[tilespmem:s24+$0x0] =	vst v0  }
0x120: {  	[hbm4b:s25+s3] =	stream.linear.scatter [tilespmem:s28], [sflag:$0xC], $0xA00, $0x38;
	[tilespmem:$0x11440] =	vst v63  }
0x121: {  	_ =	swait.ge [sflag:s10], $0xA00  }
0x122: {  	[sflag:s10] =	ssyncset.done $0x0  }
0x123: {  	s8 =	simm.s32 $0x4EC0;
	s30 =	rddreg [dreg:$0x11];
	[sflag:s10] =	ssyncadd.s32 $0xFFFFF600  }
0x124: {  	[tilespmem:s8], [sflag:$0x1] =	stream.linear.gather [hbm4b:s30+s3], $0xA00, $0x38;
	[tilespmem:$0x11440] =	vst v63  }
0x125: {  	s31 =	simm.s32 $0x6E00;
	s19 =	rddreg [dreg:$0x12]  }
0x126: {  	[tilespmem:s31], [sflag:$0x2] =	stream.linear.gather [hbm4b:s19+s3], $0xA00, $0x38;
	[tilespmem:$0x11440] =	vst v63  }
0x127: {  	s21 =	simm.s32 $0x8D40;
	s24 =	rddreg [dreg:$0x13]  }
0x128: {  	[tilespmem:s21], [sflag:$0x3] =	stream.linear.gather [hbm4b:s24+s3], $0xA00, $0x38;
	[tilespmem:$0x11440] =	vst v63  }
0x129: {  	_ =	swait.ge [sflag:s1], $0xA00  }
0x12a: {  	[sflag:s1] =	ssyncset.done $0x0  }
0x12b: {  	[sflag:s1] =	ssyncadd.s32 $0xFFFFF600  }
0x12c: {  	_ =	swait.ge [sflag:s6], $0xA00  }
0x12d: {  	[sflag:s6] =	ssyncset.done $0x0  }
0x12e: {  	s25 =	simm.s32 $0xA0;
	[sflag:s6] =	ssyncadd.s32 $0xFFFFF600  }
0x12f: {  	v0 =	vmov s25;
	_ =	swait.ge [sflag:s15], $0xA00  }
0x130: {  	[sflag:s15] =	ssyncset.done $0x0  }
0x131: {  	[sflag:s15] =	ssyncadd.s32 $0xFFFFF600  }
0x132: {  	v1 =	vld [tilespmem:s8+$0x0]  }
0x133: {  	v2 =	vld [tilespmem:s31+$0x0]  }
0x134: {  	v0 =	vld.idx.msk [tilespmem:v0+s26+$0x0], $0xffff  }
0x135: {  	v3 =	vld [tilespmem:s21+$0x0];
	_ =	sdelay $0x2  }
0x136: {  	v1 =	vadd.f32 v2, v1;
	_ =	sdelay $0x1  }
0x137: {  	v0 =	vmul.f32 v0, v0;
	v1 =	vadd.f32 v3, v1  }
0x138: {  	s30 =	simm.s32 $0xA1  }
0x139: {  	v2 =	vmov s30;
	v0 =	vmul.f32 v1, v0;
	_ =	sdelay $0x1  }
0x13a: {  	s8 =	simm.s32 $0x4ED0;
	[tilespmem:s28+$0x0] =	vst v0  }
0x13b: {  	s13 =	simm.s32 $0x6E10;
	v0 =	vld [tilespmem:s8+$0x0]  }
0x13c: {  	v1 =	vld [tilespmem:s13+$0x0]  }
0x13d: {  	s14 =	simm.s32 $0x8D50;
	v2 =	vld.idx.msk [tilespmem:v2+s26+$0x0], $0xffff  }
0x13e: {  	v3 =	vld [tilespmem:s14+$0x0];
	_ =	sdelay $0x2  }
0x13f: {  	v0 =	vadd.f32 v1, v0;
	_ =	sdelay $0x1  }
0x140: {  	v1 =	vmul.f32 v2, v2;
	v2 =	vadd.f32 v3, v0  }
0x141: {  	s31 =	simm.s32 $0xA2  }
0x142: {  	s19 =	simm.s32 $0xA3;
	v0 =	vmov s31;
	v1 =	vmul.f32 v2, v1  }
.LBB2_4:
0x143: {  	p0 =	sne.s32 s19, $0x13F;
	s28 =	sadd.s32 $0x10, s28  }
0x144: {  	s8 =	sadd.s32 $0x10, s8;
	[tilespmem:s28+$0x0] =	vst v1  }
0x145: {  	s13 =	sadd.s32 $0x10, s13;
	v1 =	vld [tilespmem:s8+$0x0]  }
0x146: {  	v2 =	vld [tilespmem:s13+$0x0]  }
0x147: {  	s14 =	sadd.s32 $0x10, s14;
	v0 =	vld.idx.msk [tilespmem:v0+s26+$0x0], $0xffff  }
0x148: {  	v3 =	vld [tilespmem:s14+$0x0];
	_ =	sdelay $0x2  }
.Ltmp1:
0x149: {  	v1 =	vadd.f32 v2, v1;
	(pc) =	sbr.rel @p0 .LBB2_4-.Ltmp1, $3  }
0x14a: {  	_ = 	snop  }
0x14b: {  	v2 =	vmul.f32 v0, v0;
	v1 =	vadd.f32 v3, v1;
	_ =	sdelay $0x1  }
0x14c: {  	v0 =	vmov s19;
	s19 =	sadd.s32 $0x1, s19;
	v1 =	vmul.f32 v1, v2  }
0x14d: {  	s19 =	sadd.s32 $0x10, s28  }
0x14e: {  	s8 =	sadd.s32 $0x10, s8;
	[tilespmem:s19+$0x0] =	vst v1  }
0x14f: {  	s13 =	sadd.s32 $0x10, s13;
	v1 =	vld [tilespmem:s8+$0x0]  }
0x150: {  	s14 =	sadd.s32 $0x10, s14;
	v2 =	vld [tilespmem:s13+$0x0]  }
0x151: {  	v3 =	vld [tilespmem:s14+$0x0]  }
0x152: {  	v0 =	vld.idx.msk [tilespmem:v0+s26+$0x0], $0xffff;
	_ =	sdelay $0x2  }
0x153: {  	v1 =	vadd.f32 v2, v1;
	_ =	sdelay $0x1  }
0x154: {  	v0 =	vmul.f32 v0, v0;
	v1 =	vadd.f32 v3, v1;
	_ =	sdelay $0x1  }
0x155: {  	v0 =	vmul.f32 v1, v0  }
0x156: {  	s19 =	sadd.s32 $0x10, s19  }
0x157: {  	s21 =	rddreg [dreg:$0x14];
	[tilespmem:s19+$0x0] =	vst v0  }
0x158: {  	[hbm4b:s21+s3] =	stream.linear.scatter [tilespmem:s16], [sflag:$0xC], $0xA00, $0x38;
	[tilespmem:$0x11440] =	vst v63  }
0x159: {  	_ =	swait.ge [sflag:s10], $0xA00  }
0x15a: {  	[sflag:s10] =	ssyncset.done $0x0  }
0x15b: {  	[sflag:s10] =	ssyncadd.s32 $0xFFFFF600  }
0x15c: {  	[bflag:$0x0] =	sbarrier.arrive $0xFFFF  }
0x15d: {  	[smem:s11], [sflag:$0x0] =	smem.add.s32 $0x0  }
0x15e: {  	_ =	swait.done [sflag:s3]  }
0x15f: {  	s24 =	ssyncread [sflag:$0x0];
	_ =	sdelay $0x2  }
0x160: {  	s8 =	sadd.s32 s9, s24  }
0x161: {  	[sflag:s3] =	ssyncset.s32 $0x0;
	s8 =	sshll.u32 s8, $0x11  }
0x162: {  	[sflag:s3] =	ssyncset.done $0x0;
	s8 =	sor.u32 s8, s18  }
0x163: {  	[sflag:s8] =	ssyncadd.remote.s32 $0x1  }
0x164: {  	_ =	swait.ge [sflag:s12], $0x1  }
0x165: {  	[sflag:s12] =	ssyncset.done $0x0;
	s25 =	rddreg [dreg:$0x6]  }
0x166: {  	s13 =	rddreg [dreg:$0xb];
	[sflag:s12] =	ssyncadd.s32 $0xFFFFFFFF  }
0x167: {  	[spmem:s20], [sflag:s13] =	dma.local [hbm:s25], $0x500  }
0x168: {  	_ =	swait.ge [sflag:s10], $0x500  }
0x169: {  	[sflag:s10] =	ssyncset.done $0x0  }
0x16a: {  	[sflag:s10] =	ssyncadd.s32 $0xFFFFFB00  }
0x16b: {  	[bflag:$0x0] =	sbarrier.arrive $0xFFFF  }
0x16c: {  	[tilespmem:s17], [sflag:$0x1] =	stream.indirect.gather [hbm4b:s5+s29], $0x10, s3, s29, $0xb8;
	[tilespmem:$0x11440] =	vst v63  }
0x16d: {  	s9 =	simm.s32 $0x1F8  }
0x16e: {  	[tilespmem:s22], [sflag:$0x2] =	stream.indirect.gather [hbm4b:s5+s29], $0x10, s9, s29, $0xb8;
	[tilespmem:$0x11440] =	vst v63  }
0x16f: {  	s10 =	simm.s32 $0x3F0  }
0x170: {  	[tilespmem:s23], [sflag:$0x3] =	stream.indirect.gather [hbm4b:s5+s29], $0x10, s10, s29, $0xb8;
	[tilespmem:$0x11440] =	vst v63  }
0x171: {  	_ =	swait.ge [sflag:s1], $0x1F40  }
0x172: {  	[sflag:s1] =	ssyncset.done $0x0  }
0x173: {  	s11 =	simm.s32 $0x2760;
	[sflag:s1] =	ssyncadd.s32 $0xFFFFE0C0  }
0x174: {  	[spmem:s2] =	stream.indirect.scatter.add.f32 [tilespmem:s17], [sflag:$0x6], $0x10, s11, s29, $0xb8;
	[tilespmem:$0x11440] =	vst v63  }
0x175: {  	s12 =	simm.s32 $0x5E8  }
0x176: {  	[tilespmem:s16], [sflag:$0x4] =	stream.indirect.gather [hbm4b:s5+s29], $0x10, s12, s29, $0xb8;
	[tilespmem:$0x11440] =	vst v63  }
0x177: {  	_ =	swait.ge [sflag:s6], $0x1F40  }
0x178: {  	[sflag:s6] =	ssyncset.done $0x0  }
0x179: {  	s14 =	simm.s32 $0x2958;
	[sflag:s6] =	ssyncadd.s32 $0xFFFFE0C0  }
0x17a: {  	[spmem:s2] =	stream.indirect.scatter.add.f32 [tilespmem:s22], [sflag:$0x7], $0x10, s14, s29, $0xb8;
	[tilespmem:$0x11440] =	vst v63  }
0x17b: {  	s18 =	simm.s32 $0x7E0;
	s3 =	simm.s32 $0xCBC0  }
0x17c: {  	[tilespmem:s3], [sflag:$0x5] =	stream.indirect.gather [hbm4b:s5+s29], $0x10, s18, s29, $0xb8;
	[tilespmem:$0x11440] =	vst v63  }
0x17d: {  	_ =	swait.ge [sflag:s15], $0x1F40  }
0x17e: {  	[sflag:s15] =	ssyncset.done $0x0  }
0x17f: {  	s28 =	simm.s32 $0x6;
	s19 =	simm.s32 $0x2B50;
	[sflag:s15] =	ssyncadd.s32 $0xFFFFE0C0  }
0x180: {  	[spmem:s2] =	stream.indirect.scatter.add.f32 [tilespmem:s23], [sflag:$0x8], $0x10, s19, s29, $0xb8;
	[tilespmem:$0x11440] =	vst v63  }
0x181: {  	_ =	swait.ge [sflag:s28], $0x1F40  }
0x182: {  	s8 =	smov.u32 s20;
	[sflag:s28] =	ssyncset.done $0x0  }
0x183: {  	s20 =	simm.s32 $0x9D8;
	s11 =	simm.s32 $0x4;
	[sflag:s28] =	ssyncadd.s32 $0xFFFFE0C0  }
0x184: {  	[tilespmem:s17], [sflag:$0x1] =	stream.indirect.gather [hbm4b:s5+s29], $0x10, s20, s29, $0xb8;
	[tilespmem:$0x11440] =	vst v63  }
0x185: {  	_ =	swait.ge [sflag:s11], $0x1F40  }
0x186: {  	[sflag:s11] =	ssyncset.done $0x0  }
0x187: {  	s21 =	simm.s32 $0x2D48;
	[sflag:s11] =	ssyncadd.s32 $0xFFFFE0C0  }
0x188: {  	[spmem:s2] =	stream.indirect.scatter.add.f32 [tilespmem:s16], [sflag:$0x9], $0x10, s21, s29, $0xb8;
	[tilespmem:$0x11440] =	vst v63  }
0x189: {  	_ =	swait.ge [sflag:s7], $0x1F40  }
0x18a: {  	[sflag:s7] =	ssyncset.done $0x0  }
0x18b: {  	s24 =	simm.s32 $0xBD0;
	s10 =	simm.s32 $0x5;
	[sflag:s7] =	ssyncadd.s32 $0xFFFFE0C0  }
0x18c: {  	[tilespmem:s22], [sflag:$0x2] =	stream.indirect.gather [hbm4b:s5+s29], $0x10, s24, s29, $0xb8;
	[tilespmem:$0x11440] =	vst v63  }
0x18d: {  	_ =	swait.ge [sflag:s10], $0x1F40  }
0x18e: {  	[sflag:s10] =	ssyncset.done $0x0  }
0x18f: {  	s25 =	simm.s32 $0x2F40;
	[sflag:s10] =	ssyncadd.s32 $0xFFFFE0C0  }
0x190: {  	[spmem:s2] =	stream.indirect.scatter.add.f32 [tilespmem:s3], [sflag:$0xA], $0x10, s25, s29, $0xb8;
	[tilespmem:$0x11440] =	vst v63  }
0x191: {  	_ =	swait.ge [sflag:s0], $0x1F40  }
0x192: {  	[sflag:s0] =	ssyncset.done $0x0  }
0x193: {  	s9 =	simm.s32 $0xDC8;
	[sflag:s0] =	ssyncadd.s32 $0xFFFFE0C0  }
0x194: {  	[tilespmem:s23], [sflag:$0x3] =	stream.indirect.gather [hbm4b:s5+s29], $0x10, s9, s29, $0xb8;
	[tilespmem:$0x11440] =	vst v63  }
0x195: {  	_ =	swait.ge [sflag:s1], $0x1F40  }
0x196: {  	[sflag:s1] =	ssyncset.done $0x0  }
0x197: {  	s12 =	simm.s32 $0x3138;
	[sflag:s1] =	ssyncadd.s32 $0xFFFFE0C0  }
0x198: {  	[spmem:s2] =	stream.indirect.scatter.add.f32 [tilespmem:s17], [sflag:$0x6], $0x10, s12, s29, $0xb8;
	[tilespmem:$0x11440] =	vst v63  }
0x199: {  	s12 =	simm.s32 $0x9  }
0x19a: {  	_ =	swait.ge [sflag:s12], $0x1F40  }
0x19b: {  	[sflag:s12] =	ssyncset.done $0x0  }
0x19c: {  	s14 =	simm.s32 $0xFC0;
	[sflag:s12] =	ssyncadd.s32 $0xFFFFE0C0  }
0x19d: {  	[tilespmem:s16], [sflag:$0x4] =	stream.indirect.gather [hbm4b:s5+s29], $0x10, s14, s29, $0xb8;
	[tilespmem:$0x11440] =	vst v63  }
0x19e: {  	_ =	swait.ge [sflag:s6], $0x1F40  }
0x19f: {  	[sflag:s6] =	ssyncset.done $0x0  }
0x1a0: {  	s18 =	simm.s32 $0x3330;
	s14 =	simm.s32 $0xA;
	[sflag:s6] =	ssyncadd.s32 $0xFFFFE0C0  }
0x1a1: {  	[spmem:s2] =	stream.indirect.scatter.add.f32 [tilespmem:s22], [sflag:$0x7], $0x10, s18, s29, $0xb8;
	[tilespmem:$0x11440] =	vst v63  }
0x1a2: {  	_ =	swait.ge [sflag:s14], $0x1F40  }
0x1a3: {  	[sflag:s14] =	ssyncset.done $0x0  }
0x1a4: {  	s19 =	simm.s32 $0x11B8;
	[sflag:s14] =	ssyncadd.s32 $0xFFFFE0C0  }
0x1a5: {  	[tilespmem:s3], [sflag:$0x5] =	stream.indirect.gather [hbm4b:s5+s29], $0x10, s19, s29, $0xb8;
	[tilespmem:$0x11440] =	vst v63  }
0x1a6: {  	_ =	swait.ge [sflag:s15], $0x1F40  }
0x1a7: {  	[sflag:s15] =	ssyncset.done $0x0  }
0x1a8: {  	s25 =	simm.s32 $0x3528;
	[sflag:s15] =	ssyncadd.s32 $0xFFFFE0C0  }
0x1a9: {  	[spmem:s2] =	stream.indirect.scatter.add.f32 [tilespmem:s23], [sflag:$0x8], $0x10, s25, s29, $0xb8;
	[tilespmem:$0x11440] =	vst v63  }
0x1aa: {  	_ =	swait.ge [sflag:s28], $0x1F40  }
0x1ab: {  	[sflag:s28] =	ssyncset.done $0x0  }
0x1ac: {  	s7 =	simm.s32 $0x13B0;
	[sflag:s28] =	ssyncadd.s32 $0xFFFFE0C0  }
0x1ad: {  	[tilespmem:s17], [sflag:$0x1] =	stream.indirect.gather [hbm4b:s5+s29], $0x10, s7, s29, $0xb8;
	[tilespmem:$0x11440] =	vst v63  }
0x1ae: {  	_ =	swait.ge [sflag:s11], $0x1F40  }
0x1af: {  	[sflag:s11] =	ssyncset.done $0x0  }
0x1b0: {  	s20 =	simm.s32 $0x7;
	s9 =	simm.s32 $0x3720;
	[sflag:s11] =	ssyncadd.s32 $0xFFFFE0C0  }
0x1b1: {  	[spmem:s2] =	stream.indirect.scatter.add.f32 [tilespmem:s16], [sflag:$0x9], $0x10, s9, s29, $0xb8;
	[tilespmem:$0x11440] =	vst v63  }
0x1b2: {  	_ =	swait.ge [sflag:s20], $0x1F40  }
0x1b3: {  	[sflag:s20] =	ssyncset.done $0x0  }
0x1b4: {  	s18 =	simm.s32 $0x15A8;
	[sflag:s20] =	ssyncadd.s32 $0xFFFFE0C0  }
0x1b5: {  	[tilespmem:s22], [sflag:$0x2] =	stream.indirect.gather [hbm4b:s5+s29], $0x10, s18, s29, $0xb8;
	[tilespmem:$0x11440] =	vst v63  }
0x1b6: {  	_ =	swait.ge [sflag:s10], $0x1F40  }
0x1b7: {  	[sflag:s10] =	ssyncset.done $0x0  }
0x1b8: {  	s24 =	simm.s32 $0x8;
	s19 =	simm.s32 $0x3918;
	[sflag:s10] =	ssyncadd.s32 $0xFFFFE0C0  }
0x1b9: {  	[spmem:s2] =	stream.indirect.scatter.add.f32 [tilespmem:s3], [sflag:$0xA], $0x10, s19, s29, $0xb8;
	[tilespmem:$0x11440] =	vst v63  }
0x1ba: {  	_ =	swait.ge [sflag:s24], $0x1F40  }
0x1bb: {  	[sflag:s24] =	ssyncset.done $0x0  }
0x1bc: {  	s25 =	simm.s32 $0x17A0;
	[sflag:s24] =	ssyncadd.s32 $0xFFFFE0C0  }
0x1bd: {  	[tilespmem:s23], [sflag:$0x3] =	stream.indirect.gather [hbm4b:s5+s29], $0x10, s25, s29, $0xb8;
	[tilespmem:$0x11440] =	vst v63  }
0x1be: {  	_ =	swait.ge [sflag:s1], $0x1F40  }
0x1bf: {  	[sflag:s1] =	ssyncset.done $0x0  }
0x1c0: {  	s7 =	simm.s32 $0x3B10;
	[sflag:s1] =	ssyncadd.s32 $0xFFFFE0C0  }
0x1c1: {  	[spmem:s2] =	stream.indirect.scatter.add.f32 [tilespmem:s17], [sflag:$0x6], $0x10, s7, s29, $0xb8;
	[tilespmem:$0x11440] =	vst v63  }
0x1c2: {  	_ =	swait.ge [sflag:s12], $0x1F40  }
0x1c3: {  	[sflag:s12] =	ssyncset.done $0x0  }
0x1c4: {  	s9 =	simm.s32 $0x1998;
	[sflag:s12] =	ssyncadd.s32 $0xFFFFE0C0  }
0x1c5: {  	[tilespmem:s16], [sflag:$0x4] =	stream.indirect.gather [hbm4b:s5+s29], $0x10, s9, s29, $0xb8;
	[tilespmem:$0x11440] =	vst v63  }
0x1c6: {  	_ =	swait.ge [sflag:s6], $0x1F40  }
0x1c7: {  	[sflag:s6] =	ssyncset.done $0x0  }
0x1c8: {  	s18 =	simm.s32 $0x3D08;
	[sflag:s6] =	ssyncadd.s32 $0xFFFFE0C0  }
0x1c9: {  	[spmem:s2] =	stream.indirect.scatter.add.f32 [tilespmem:s22], [sflag:$0x7], $0x10, s18, s29, $0xb8;
	[tilespmem:$0x11440] =	vst v63  }
0x1ca: {  	_ =	swait.ge [sflag:s14], $0x1F40  }
0x1cb: {  	[sflag:s14] =	ssyncset.done $0x0  }
0x1cc: {  	s19 =	simm.s32 $0x1B90;
	[sflag:s14] =	ssyncadd.s32 $0xFFFFE0C0  }
0x1cd: {  	[tilespmem:s3], [sflag:$0x5] =	stream.indirect.gather [hbm4b:s5+s29], $0x10, s19, s29, $0xb8;
	[tilespmem:$0x11440] =	vst v63  }
0x1ce: {  	_ =	swait.ge [sflag:s15], $0x1F40  }
0x1cf: {  	[sflag:s15] =	ssyncset.done $0x0  }
0x1d0: {  	s25 =	simm.s32 $0x3F00;
	[sflag:s15] =	ssyncadd.s32 $0xFFFFE0C0  }
0x1d1: {  	[spmem:s2] =	stream.indirect.scatter.add.f32 [tilespmem:s23], [sflag:$0x8], $0x10, s25, s29, $0xb8;
	[tilespmem:$0x11440] =	vst v63  }
0x1d2: {  	_ =	swait.ge [sflag:s28], $0x1F40  }
0x1d3: {  	[sflag:s28] =	ssyncset.done $0x0  }
0x1d4: {  	s7 =	simm.s32 $0x1D88;
	[sflag:s28] =	ssyncadd.s32 $0xFFFFE0C0  }
0x1d5: {  	[tilespmem:s17], [sflag:$0x1] =	stream.indirect.gather [hbm4b:s5+s29], $0x10, s7, s29, $0xb8;
	[tilespmem:$0x11440] =	vst v63  }
0x1d6: {  	_ =	swait.ge [sflag:s11], $0x1F40  }
0x1d7: {  	[sflag:s11] =	ssyncset.done $0x0  }
0x1d8: {  	s9 =	simm.s32 $0x40F8;
	[sflag:s11] =	ssyncadd.s32 $0xFFFFE0C0  }
0x1d9: {  	[spmem:s2] =	stream.indirect.scatter.add.f32 [tilespmem:s16], [sflag:$0x9], $0x10, s9, s29, $0xb8;
	[tilespmem:$0x11440] =	vst v63  }
0x1da: {  	_ =	swait.ge [sflag:s20], $0x1F40  }
0x1db: {  	[sflag:s20] =	ssyncset.done $0x0  }
0x1dc: {  	s16 =	simm.s32 $0x1F80;
	[sflag:s20] =	ssyncadd.s32 $0xFFFFE0C0  }
0x1dd: {  	[tilespmem:s22], [sflag:$0x2] =	stream.indirect.gather [hbm4b:s5+s29], $0x10, s16, s29, $0xb8;
	[tilespmem:$0x11440] =	vst v63  }
0x1de: {  	_ =	swait.ge [sflag:s10], $0x1F40  }
0x1df: {  	[sflag:s10] =	ssyncset.done $0x0  }
0x1e0: {  	s18 =	simm.s32 $0x42F0;
	[sflag:s10] =	ssyncadd.s32 $0xFFFFE0C0  }
0x1e1: {  	[spmem:s2] =	stream.indirect.scatter.add.f32 [tilespmem:s3], [sflag:$0xA], $0x10, s18, s29, $0xb8;
	[tilespmem:$0x11440] =	vst v63  }
0x1e2: {  	_ =	swait.ge [sflag:s24], $0x1F40  }
0x1e3: {  	[sflag:s24] =	ssyncset.done $0x0  }
0x1e4: {  	s19 =	simm.s32 $0x2178;
	[sflag:s24] =	ssyncadd.s32 $0xFFFFE0C0  }
0x1e5: {  	[tilespmem:s23], [sflag:$0x3] =	stream.indirect.gather [hbm4b:s5+s29], $0x10, s19, s29, $0xb8;
	[tilespmem:$0x11440] =	vst v63  }
0x1e6: {  	_ =	swait.ge [sflag:s1], $0x1F40  }
0x1e7: {  	[sflag:s1] =	ssyncset.done $0x0  }
0x1e8: {  	s25 =	simm.s32 $0x44E8;
	[sflag:s1] =	ssyncadd.s32 $0xFFFFE0C0  }
0x1e9: {  	[spmem:s2] =	stream.indirect.scatter.add.f32 [tilespmem:s17], [sflag:$0x6], $0x10, s25, s29, $0xb8;
	[tilespmem:$0x11440] =	vst v63  }
0x1ea: {  	_ =	swait.ge [sflag:s12], $0x1F40  }
0x1eb: {  	[sflag:s12] =	ssyncset.done $0x0  }
0x1ec: {  	s7 =	simm.s32 $0x2370;
	s17 =	simm.s32 $0xAC80;
	[sflag:s12] =	ssyncadd.s32 $0xFFFFE0C0  }
0x1ed: {  	[tilespmem:s17], [sflag:$0x4] =	stream.indirect.gather [hbm4b:s5+s29], $0x10, s7, s29, $0xb8;
	[tilespmem:$0x11440] =	vst v63  }
0x1ee: {  	_ =	swait.ge [sflag:s6], $0x1F40  }
0x1ef: {  	[sflag:s6] =	ssyncset.done $0x0  }
0x1f0: {  	s18 =	simm.s32 $0x46E0;
	[sflag:s6] =	ssyncadd.s32 $0xFFFFE0C0  }
0x1f1: {  	[spmem:s2] =	stream.indirect.scatter.add.f32 [tilespmem:s22], [sflag:$0x7], $0x10, s18, s29, $0xb8;
	[tilespmem:$0x11440] =	vst v63  }
0x1f2: {  	_ =	swait.ge [sflag:s14], $0x1F40  }
0x1f3: {  	[sflag:s14] =	ssyncset.done $0x0  }
0x1f4: {  	s25 =	simm.s32 $0x2568;
	[sflag:s14] =	ssyncadd.s32 $0xFFFFE0C0  }
0x1f5: {  	[tilespmem:s3], [sflag:$0x5] =	stream.indirect.gather [hbm4b:s5+s29], $0x10, s25, s29, $0xb8;
	[tilespmem:$0x11440] =	vst v63  }
0x1f6: {  	_ =	swait.ge [sflag:s15], $0x1F40  }
0x1f7: {  	[sflag:s15] =	ssyncset.done $0x0  }
0x1f8: {  	s22 =	simm.s32 $0x48D8;
	[sflag:s15] =	ssyncadd.s32 $0xFFFFE0C0  }
0x1f9: {  	[spmem:s2] =	stream.indirect.scatter.add.f32 [tilespmem:s23], [sflag:$0x8], $0x10, s22, s29, $0xb8;
	[tilespmem:$0x11440] =	vst v63  }
0x1fa: {  	_ =	swait.ge [sflag:s28], $0x1F40  }
0x1fb: {  	[sflag:s28] =	ssyncset.done $0x0  }
0x1fc: {  	[sflag:s28] =	ssyncadd.s32 $0xFFFFE0C0  }
0x1fd: {  	_ =	swait.ge [sflag:s11], $0x1F40  }
0x1fe: {  	[sflag:s11] =	ssyncset.done $0x0  }
0x1ff: {  	s23 =	simm.s32 $0x4AD0;
	[sflag:s11] =	ssyncadd.s32 $0xFFFFE0C0  }
0x200: {  	[spmem:s2] =	stream.indirect.scatter.add.f32 [tilespmem:s17], [sflag:$0x9], $0x10, s23, s29, $0xb8;
	[tilespmem:$0x11440] =	vst v63  }
0x201: {  	_ =	swait.ge [sflag:s20], $0x1F40  }
0x202: {  	[sflag:s20] =	ssyncset.done $0x0  }
0x203: {  	[sflag:s20] =	ssyncadd.s32 $0xFFFFE0C0  }
0x204: {  	_ =	swait.ge [sflag:s10], $0x1F40  }
0x205: {  	[sflag:s10] =	ssyncset.done $0x0  }
0x206: {  	s9 =	simm.s32 $0x4CC8;
	[sflag:s10] =	ssyncadd.s32 $0xFFFFE0C0  }
0x207: {  	[spmem:s2] =	stream.indirect.scatter.add.f32 [tilespmem:s3], [sflag:$0xA], $0x10, s9, s29, $0xb8;
	[tilespmem:$0x11440] =	vst v63  }
0x208: {  	_ =	swait.ge [sflag:s24], $0x1F40  }
0x209: {  	[sflag:s24] =	ssyncset.done $0x0  }
0x20a: {  	[sflag:s24] =	ssyncadd.s32 $0xFFFFE0C0  }
0x20b: {  	_ =	swait.ge [sflag:s12], $0x1F40  }
0x20c: {  	[sflag:s12] =	ssyncset.done $0x0  }
0x20d: {  	[sflag:s12] =	ssyncadd.s32 $0xFFFFE0C0  }
0x20e: {  	_ =	swait.ge [sflag:s14], $0x1F40  }
0x20f: {  	[sflag:s14] =	ssyncset.done $0x0  }
0x210: {  	[sflag:s14] =	ssyncadd.s32 $0xFFFFE0C0  }
0x211: {  	[bflag:$0x0] =	sbarrier.arrive $0xFFFF  }
0x212: {  	s21 =	simm.s32 $0xC;
	s16 =	rddreg [dreg:$0xa]  }
0x213: {  	[hbm:s16], [sflag:s13] =	dma.local [spmem:s8], $0x500  }
0x214: {  	s16 =	rddreg [dreg:$0x6];
	_ =	swait.ge [sflag:s21], $0x500  }
0x215: {  	s8 =	rddreg [dreg:$0x16]  }
0x216: {  	s19 =	smov.u32 s13;
	s13 =	sadd.s32 $0x1, s8;
	s8 =	rddreg [dreg:$0x15]  }
0x217: {  	p0 =	sne.s32 s13, s8  }
.Ltmp2:
0x218: {  	_ = 	snop;
	(pc) =	sbr.rel @p0 .LBB2_1-.Ltmp2, $4  }
0x219: {  	_ = 	snop  }
0x21a: {  	s31 =	simm.s32 $0x0  }
0x21b: {  	s30 =	simm.s32 $0x4EC0;
	s0 =	simm.s32 $0x8D40;
	[sflag:s21] =	ssyncset.done $0x0  }
0x21c: {  	s7 =	simm.s32 $0x6E00;
	[sflag:s21] =	ssyncadd.s32 $0xFFFFFB00;
	[dreg:$0x16] =	wrdreg s13  }
0x21d: {  	_ =	sfence.sel $0x180000  }
0x21e: {  	[bflag:$0x0] =	sbarrier.arrive $0xFFFF  }
0x21f: {  	_ =	strace $0x9000004D  }
0x220: {  	s0 =	stileid.u32;
	[bflag:$0x2] =	sbarrier.arrive $0xFFFF  }
0x221: {  	p0 =	sne.s32 s0, $0x0;
	s0 =	rddreg [dreg:$0x3]  }
0x222: {  	s0 =	sadd.s32 @!p0 $0x100000, s0  }
0x223: {  	[sflag:s0] =	ssyncadd.tile.s32 @!p0 $0x1;
	_ =	shalt  }
.Lfunc_end2:
_tile_overlayer_lowered:
.L_overlay_start_2:
0x224: {  	(tag) =	ssettag $0x2  }
0x225: {  	s0 =	rddreg [dreg:$0x0];
	s2 =	stileid.u32  }
0x226: {  	s1 =	rddreg [dreg:$0x1];
	p0 =	sne.s32 s2, $0x0  }
0x227: {  	s3 =	rddreg [dreg:$0x2];
	[bflag:$0x3] =	sbarrier.arrive $0xFFFF;
	s2 =	simm.s32 @!p0 $0x1C0C  }
0x228: {  	[timem:s3], [sflag:s2] =	dma.local @!p0 [hbm:s0], s1  }
0x229: {  	s0 =	simm.s32 @!p0 $0xC  }
0x22a: {  	_ =	swait.ge @!p0 [sflag:s0], s1  }
0x22b: {  	s1 =	ssub.s32 @!p0 $0x0, s1;
	[sflag:s0] =	ssyncset.done @!p0 $0x0  }
0x22c: {  	[sflag:s0] =	ssyncadd.s32 @!p0 s1  }
0x22d: {  	[bflag:$0x3] =	sbarrier.arrive $0xFFFF  }
0x22e: {  	_ =	shalt  }

// kernel: kernel.8.cloned.1.call-start
scs
__scs_entry_jumppad:
0x0: {  	(pc) =	sbr.rel $0x88, $3  }
0x1: {  	(tag) =	ssettag $0x0;
	lr =	simm.s32 $0x1  }
0x2: {  	[smem:$0x3F9B] =	sst lr;
	_ =	strace $0xD0000000  }
0x3: {  	_ = 	snop  }
0x4: {  	_ = 	snop  }
0x5: {  	_ = 	snop  }
0x6: {  	_ = 	snop  }
0x7: {  	_ = 	snop  }
__scs_overlays_trampoline_lowered:
0x8: {  	[smem:$0x3FAA] =	sst s0  }
0x9: {  	[smem:$0x3FAB] =	sst s1  }
0xa: {  	[smem:$0x3FAC] =	sst s2  }
0xb: {  	[smem:$0x3FAD] =	sst s3  }
0xc: {  	[smem:$0x3FAE] =	sst s4  }
0xd: {  	[smem:$0x3FAF] =	sst s5  }
0xe: {  	[smem:$0x3FB0] =	sst s6  }
0xf: {  	[smem:$0x3FB1] =	sst s7  }
0x10: {  	[smem:$0x3FB2] =	sst s8  }
0x11: {  	[smem:$0x3FB3] =	sst s9;
	s0 =	simm.s32 @!p0 $0x0  }
0x12: {  	s1 =	sld [smem:$0x3F99];
	s0 =	simm.s32 @p0 $0x1  }
0x13: {  	[smem:$0x3FB4] =	sst s0;
	s0 =	simm.s32 @!p1 $0x0  }
0x14: {  	s2 =	sld [smem:$0x3F98];
	s0 =	simm.s32 @p1 $0x1  }
0x15: {  	[smem:$0x3FB5] =	sst s0;
	s0 =	simm.s32 @!p2 $0x0  }
0x16: {  	s3 =	sld [smem:$0x3FDB];
	s0 =	simm.s32 @p2 $0x1  }
0x17: {  	s4 =	simm.s32 $0x1BF5;
	[smem:$0x3FB7] =	sst s0  }
0x18: {  	s0 =	sld [smem:$0x3F9A];
	_ =	swait.ge [sflag:s4], $0x0  }
0x19: {  	s7 =	sld [smem:$0x3F9B]  }
0x1a: {  	s8 =	sadd.s32 $0xFFFFE003, lr  }
0x1b: {  	s9 =	sadd.s32 $0xFFFFFEF7, lr;
	s5 =	simm.s32 $0xFFFFFFFF;
	p2 =	slt.u32 s8, $0xFFFFF086  }
0x1c: {  	p1 =	slt.u32 s9, $0xF7A;
	s5 =	simm.s32 @!p2 $0x0  }
0x1d: {  	s5 =	simm.s32 @p1 $0x1;
	p0 =	seq.s32 s7, s2  }
0x1e: {  	s7 =	smul.u32 @!p0 $0xF7A, s2;
	p2 =	seq.s32 @!p0 s5, $0x0  }
0x1f: {  	s9 =	smul.u32 $0xF7A, s1;
	s8 =	simm.s32 @!p0 $0x1BF5;
	p2 =	por !p2, p0  }
0x20: {  	[sflag:s8] =	ssyncset.s32 @!p0 $0xFFFFF086;
	s6 =	sadd.s32 @!p0 s3, s7;
	s7 =	simm.s32 @!p0 $0x108  }
0x21: {  	s3 =	sadd.s32 s3, s9;
	s6 =	sadd.s32 @!p0 $0x88, s6;
	s7 =	simm.s32 @p2 $0x1082  }
0x22: {  	[simem:s7], [sflag:s8] =	dma.local @!p0 [hbm:s6], $0xF7A  }
0x23: {  	s9 =	sor.u32 $0xD0000000, s2;
	s6 =	simm.s32 $0x108;
	_ =	swait.ge @!p0 [sflag:s8], $0x0  }
0x24: {  	s3 =	sadd.s32 $0x88, s3;
	s6 =	simm.s32 @!p1 $0x1082;
	[sflag:s4] =	ssyncset.s32 $0xFFFFF086  }
0x25: {  	[simem:s6], [sflag:s4] =	dma.local [hbm:s3], $0xF7A  }
0x26: {  	[smem:$0x3F9B] =	sst s1;
	(tag) =	ssettag s2;
	_ =	strace s9  }
0x27: {  	s1 =	sld [smem:$0x3FAB]  }
0x28: {  	s2 =	sld [smem:$0x3FAC]  }
0x29: {  	s4 =	sld [smem:$0x3FAE]  }
0x2a: {  	p0 =	seq.s32 s5, $0x0;
	s5 =	sld [smem:$0x3FAF]  }
0x2b: {  	s6 =	sld [smem:$0x3FB0]  }
0x2c: {  	s7 =	sld [smem:$0x3FB1]  }
0x2d: {  	s3 =	simm.s32 $0x108;
	s8 =	sld [smem:$0x3FB2]  }
0x2e: {  	s3 =	simm.s32 @!p0 $0x1082;
	s9 =	sld [smem:$0x3FB3]  }
0x2f: {  	lr =	sadd.s32 s0, s3;
	s0 =	sld [smem:$0x3FAA]  }
0x30: {  	s3 =	sld [smem:$0x3FAD]  }
0x31: {  	[smem:$0x3FB6] =	sst s10  }
0x32: {  	s10 =	sld [smem:$0x3FB4];
	_ =	sdelay $0x3  }
0x33: {  	p0 =	seq.s32 s10, $0x1;
	s10 =	sld [smem:$0x3FB6];
	_ =	sdelay $0x3  }
0x34: {  	[smem:$0x3FB6] =	sst s10  }
0x35: {  	s10 =	sld [smem:$0x3FB5];
	_ =	sdelay $0x3  }
0x36: {  	p1 =	seq.s32 s10, $0x1;
	s10 =	sld [smem:$0x3FB6];
	_ =	sdelay $0x3  }
0x37: {  	[smem:$0x3FB6] =	sst s10  }
0x38: {  	s10 =	sld [smem:$0x3FB7]  }
0x39: {  	_ = 	snop;
	(pc) =	sbr.ind lr, $3  }
0x3a: {  	_ = 	snop  }
0x3b: {  	_ = 	snop  }
0x3c: {  	p2 =	seq.s32 s10, $0x1;
	s10 =	sld [smem:$0x3FB6]  }
0x3d: {  	_ =	shalt  }
0x3e: {  	_ =	shalt  }
0x3f: {  	_ =	shalt  }
0x40: {  	_ =	shalt  }
0x41: {  	_ =	shalt  }
0x42: {  	_ =	shalt  }
0x43: {  	_ =	shalt  }
0x44: {  	_ =	shalt  }
0x45: {  	_ =	shalt  }
0x46: {  	_ =	shalt  }
0x47: {  	_ =	shalt  }
0x48: {  	_ =	shalt  }
0x49: {  	_ =	shalt  }
0x4a: {  	_ =	shalt  }
0x4b: {  	_ =	shalt  }
0x4c: {  	_ =	shalt  }
0x4d: {  	_ =	shalt  }
0x4e: {  	_ =	shalt  }
0x4f: {  	_ =	shalt  }
0x50: {  	_ =	shalt  }
0x51: {  	_ =	shalt  }
0x52: {  	_ =	shalt  }
0x53: {  	_ =	shalt  }
0x54: {  	_ =	shalt  }
0x55: {  	_ =	shalt  }
0x56: {  	_ =	shalt  }
0x57: {  	_ =	shalt  }
0x58: {  	_ =	shalt  }
0x59: {  	_ =	shalt  }
0x5a: {  	_ =	shalt  }
0x5b: {  	_ =	shalt  }
0x5c: {  	_ =	shalt  }
0x5d: {  	_ =	shalt  }
0x5e: {  	_ =	shalt  }
0x5f: {  	_ =	shalt  }
0x60: {  	_ =	shalt  }
0x61: {  	_ =	shalt  }
0x62: {  	_ =	shalt  }
0x63: {  	_ =	shalt  }
0x64: {  	_ =	shalt  }
0x65: {  	_ =	shalt  }
0x66: {  	_ =	shalt  }
0x67: {  	_ =	shalt  }
0x68: {  	_ =	shalt  }
0x69: {  	_ =	shalt  }
0x6a: {  	_ =	shalt  }
0x6b: {  	_ =	shalt  }
0x6c: {  	_ =	shalt  }
0x6d: {  	_ =	shalt  }
0x6e: {  	_ =	shalt  }
0x6f: {  	_ =	shalt  }
0x70: {  	_ =	shalt  }
0x71: {  	_ =	shalt  }
0x72: {  	_ =	shalt  }
0x73: {  	_ =	shalt  }
0x74: {  	_ =	shalt  }
0x75: {  	_ =	shalt  }
0x76: {  	_ =	shalt  }
0x77: {  	_ =	shalt  }
0x78: {  	_ =	shalt  }
0x79: {  	_ =	shalt  }
0x7a: {  	_ =	shalt  }
0x7b: {  	_ =	shalt  }
0x7c: {  	_ =	shalt  }
0x7d: {  	_ =	shalt  }
0x7e: {  	_ =	shalt  }
0x7f: {  	_ =	shalt  }
0x80: {  	_ =	shalt  }
0x81: {  	_ =	shalt  }
0x82: {  	_ =	shalt  }
0x83: {  	_ =	shalt  }
0x84: {  	_ =	shalt  }
0x85: {  	_ =	shalt  }
0x86: {  	_ =	shalt  }
0x87: {  	_ =	shalt  }
.Lfunc_end0:
.L_simem_size_0:
called_computation_lowered:
.L_overlay_start_0:
0x88: {  	s2 =	sld [smem:$0x3FD9]  }
0x89: {  	s3 =	sld [smem:$0x3FFE];
	_ =	sdelay $0x1  }
0x8a: {  	s1 =	srdreg.scid  }
0x8b: {  	s0 =	sand.u32 $0x1, s1  }
0x8c: {  	s16 =	sshll.u32 s0, $0xA;
	s2 =	sadd.s32 s3, s2  }
0x8d: {  	s2 =	sadd.s32 s2, s16  }
0x8e: {  	[smem:$0x3FC2] =	sst s2  }
0x8f: {  	_ = 	snop  }
0x90: {  	(tm) =	ssettm $0x1  }
0x91: {  	s17 =	sld [smem:$0x3FFB];
	_ =	sdelay $0x3  }
0x92: {  	_ =	strace s17  }
0x93: {  	s2 =	sld [smem:$0x3FFC];
	_ =	sdelay $0x3  }
0x94: {  	_ =	strace s2  }
0x95: {  	s2 =	sld [smem:$0x3FFD];
	_ =	sdelay $0x3  }
0x96: {  	_ =	strace s2  }
0x97: {  	_ =	strace $0x8FFFFFFF  }
0x98: {  	s18 =	sld [smem:$0x3FDB];
	_ =	sdelay $0x1  }
0x99: {  	s19 =	simm.s32 $_scs_section_size  }
0x9a: {  	s4 =	simm.s32 $_size__tile_overlayer_lowered;
	s5 =	simm.s32 $_tile_overlayer_lowered  }
0x9b: {  	s22 =	simm.s32 $0x1BFF;
	s21 =	sshll.u32 s5, $0x1;
	s2 =	sadd.s32 s19, s18  }
0x9c: {  	s6 =	simm.s32 $0x0;
	s20 =	sshll.u32 s4, $0x1;
	s4 =	sadd.s32 s21, s2  }
0x9d: {  	[timem:s6], [sflag:s22] =	dma.local [hbm:s4], s20  }
0x9e: {  	_ =	swait.ge [sflag:s22], s20  }
0x9f: {  	s3 =	ssub.s32 $0x0, s20;
	[sflag:s22] =	ssyncset.done $0x0  }
0xa0: {  	[sflag:s22] =	ssyncadd.s32 s3;
	_ =	sdelay $0x1  }
0xa1: {  	s23 =	simm.s32 $0x1B8B  }
0xa2: {  	_ =	swait.ge [sflag:s23], $0x1  }
0xa3: {  	[sflag:s23] =	ssyncset.done $0x0  }
0xa4: {  	s25 =	simm.s32 $0x1B8E;
	s24 =	sld [smem:$0x3FFE];
	[sflag:s23] =	ssyncadd.s32 $0xFFFFFFFF  }
0xa5: {  	s26 =	simm.s32 $execute0_lowered;
	[smem:$0x3FD2] =	sst s25  }
0xa6: {  	s4 =	sshll.u32 s26, $0x1;
	_ =	strace $0x80000046;
	[dreg:$0x1] =	wrdreg $0xFFFFFFFF  }
0xa7: {  	s28 =	simm.s32 $_size_execute0_lowered;
	s2 =	sadd.s32 s2, s4;
	[dreg:$0x0] =	wrdreg $0x0  }
0xa8: {  	s4 =	sshll.u32 s28, $0x1;
	[dreg:$0x2] =	wrdreg s2  }
0xa9: {  	[dreg:$0x3] =	wrdreg s4  }
0xaa: {  	[dreg:$0x4] =	wrdreg $0xC0  }
0xab: {  	_ =	task [dreg:s6], $0x5FFFF  }
0xac: {  	[dreg:$0x1] =	wrdreg $0xFFFFFFFF  }
0xad: {  	[dreg:$0x0] =	wrdreg $0x60  }
0xae: {  	[dreg:$0x2] =	wrdreg s24  }
0xaf: {  	[dreg:$0x3] =	wrdreg $0xEB000  }
0xb0: {  	[dreg:$0x4] =	wrdreg $0x9  }
0xb1: {  	_ =	task.clear_ibuf [dreg:s6], $0x5FFFF;
	_ =	strace $0x90000046  }
0xb2: {  	s29 =	simm.s32 $0x9;
	_ =	strace $0x80000048  }
0xb3: {  	_ =	swait.ge [sflag:s29], $0x1  }
0xb4: {  	[sflag:s29] =	ssyncadd.s32 $0xFFFFFFFF  }
0xb5: {  	_ =	strace $0x90000048  }
0xb6: {  	_ =	sfence  }
0xb7: {  	s30 =	sld [smem:$0x0];
	_ =	sdelay $0x2  }
0xb8: {  	s31 =	sshll.u32 s1, $0xD;
	s1 =	sshrl.u32 s1, $0x2  }
0xb9: {  	s3 =	sand.u32 $0x4000, s31;
	s1 =	sadd.s32 s1, s30  }
0xba: {  	s0 =	sor.u32 s3, s0;
	s1 =	sshll.u32 s1, $0x11  }
0xbb: {  	s0 =	sor.u32 s1, s0  }
0xbc: {  	s0 =	sadd.s32 $0x8F2B, s0  }
0xbd: {  	[sflag:s0] =	ssyncadd.remote.s32 $0x1  }
0xbe: {  	_ =	sfence.sel $0xFFFF  }
0xbf: {  	[dreg:$0x0] =	wrdreg $0xFFFFFFFF;
	(pc) =	sbr.abs _section_cstart, $3  }
0xc0: {  	[dreg:$0x1] =	wrdreg $0xFFFFFFFF  }
0xc1: {  	_ =	task.clear_ibuf [dreg:s6], $0x2FFFF;
	_ =	strace $0x9FFFFFFF  }
0xc2: {  	(tm) =	ssettm $0x7FFFFFFF  }
0xc3: {  	_ =	shalt  }
tec
execute0_lowered:
.L_overlay_start_1:
0x0: {  	(tag) =	ssettag $0x1  }
0x1: {  	s1 =	rddreg [dreg:$0x0]  }
0x2: {  	s2 =	rddreg [dreg:$0x1];
	s30 =	simm.s32 $0x0  }
0x3: {  	s20 =	simm.s32 $0x1F8;
	[smem:$0x7FF] =	sst s30  }
0x4: {  	s21 =	simm.s32 $0x3F0;
	_ =	strace $0x80000047;
	[dreg:$0x7] =	wrdreg s20  }
0x5: {  	s0 =	srdreg.scid;
	s22 =	simm.s32 $0x5E8;
	[dreg:$0x8] =	wrdreg s21  }
0x6: {  	s23 =	stileid.u32;
	s24 =	simm.s32 $0x2958;
	[dreg:$0x9] =	wrdreg s22  }
0x7: {  	s25 =	simm.s32 $0x7E0;
	s26 =	simm.s32 $0x2B50;
	[dreg:$0xa] =	wrdreg s24  }
0x8: {  	s8 =	simm.s32 $0xBD0;
	s9 =	simm.s32 $0x2F40;
	[dreg:$0xb] =	wrdreg s25  }
0x9: {  	s10 =	simm.s32 $0xDC8;
	s12 =	simm.s32 $0x3138;
	[dreg:$0xc] =	wrdreg s26  }
0xa: {  	s13 =	simm.s32 $0xFC0;
	s14 =	simm.s32 $0x3330;
	[dreg:$0xf] =	wrdreg s8  }
0xb: {  	s15 =	simm.s32 $0x11B8;
	s16 =	simm.s32 $0x3528;
	[dreg:$0x10] =	wrdreg s9  }
0xc: {  	s31 =	simm.s32 $0x2760;
	s17 =	simm.s32 $0x13B0;
	[dreg:$0x11] =	wrdreg s10  }
0xd: {  	p0 =	por $0x0, $0x0;
	s29 =	simm.s32 $0x46E0;
	[dreg:$0x12] =	wrdreg s12  }
0xe: {  	s28 =	simm.s32 $0x2568;
	s4 =	smul.u32 $0x2800, s23;
	[dreg:$0x13] =	wrdreg s13  }
0xf: {  	s0 =	sand.u32 $0x1, s0;
	s6 =	smul.u32 $0x500, s23;
	[dreg:$0x14] =	wrdreg s14  }
0x10: {  	s11 =	sshll.u32 s23, $0x6;
	s3 =	sshll.u32 s0, $0x4;
	[dreg:$0x15] =	wrdreg s15  }
0x11: {  	s7 =	smul.u32 $0x5000, s0;
	s0 =	ssub.s32 $0x2, s0;
	[dreg:$0x16] =	wrdreg s16  }
0x12: {  	[dreg:$0x17] =	wrdreg s17;
	s12 =	simm.s32 $0x4EC0;
	s20 =	simm.s32 $0x3918  }
0x13: {  	s10 =	simm.s32 $0x8D40;
	s21 =	simm.s32 $0x17A0;
	[dreg:$0x1a] =	wrdreg s20  }
0x14: {  	s22 =	simm.s32 $0x1;
	s24 =	simm.s32 $0x3B10;
	[dreg:$0x1b] =	wrdreg s21  }
0x15: {  	s9 =	simm.s32 $0xAC80;
	s25 =	simm.s32 $0x1998;
	[dreg:$0x1c] =	wrdreg s24  }
0x16: {  	s26 =	simm.s32 $0x3D08;
	s8 =	simm.s32 $0xCBC0;
	[dreg:$0x1d] =	wrdreg s25  }
0x17: {  	s13 =	simm.s32 $0x1B90;
	s14 =	simm.s32 $0x3F00;
	[dreg:$0x1e] =	wrdreg s26  }
0x18: {  	s15 =	simm.s32 $0x1D88;
	s16 =	simm.s32 $0x40F8;
	[dreg:$0x1f] =	wrdreg s13  }
0x19: {  	s17 =	simm.s32 $0x1F80;
	s3 =	sor.u32 s23, s3;
	[smem:$0x7F7] =	sst s14  }
0x1a: {  	s5 =	sshrl.u32 s4, $0x3;
	s4 =	sadd.s32 s4, s2;
	[smem:$0x7F8] =	sst s15  }
0x1b: {  	s21 =	simm.s32 $0x2;
	s20 =	simm.s32 $0x3;
	[smem:$0x7F9] =	sst s16  }
0x1c: {  	s15 =	simm.s32 $0x7;
	s16 =	simm.s32 $0x5;
	[smem:$0x7FA] =	sst s17  }
0x1d: {  	s24 =	simm.s32 $0x42F0;
	s13 =	simm.s32 $0x8;
	s25 =	simm.s32 $0x2178  }
0x1e: {  	s14 =	simm.s32 $0x9;
	s26 =	simm.s32 $0x44E8;
	s17 =	simm.s32 $0xA  }
0x1f: {  	s3 =	smul.u32 $0x4EC, s3;
	s5 =	sadd.s32 s5, s1;
	[smem:$0x7FB] =	sst s24  }
0x20: {  	s6 =	sadd.s32 s6, s7;
	s7 =	sshrl.u32 s0, $0x1;
	[smem:$0x7FC] =	sst s25  }
0x21: {  	s4 =	sshrl.u32 s4, $0x3;
	[smem:$0x7FD] =	sst s26;
	s26 =	simm.s32 $0x48D8  }
0x22: {  	s25 =	simm.s32 $0x4AD0;
	s24 =	simm.s32 $0x4CC8;
	s5 =	sadd.s32 $0x29200, s5  }
0x23: {  	s6 =	sadd.s32 s6, s1;
	s0 =	ssub.s32 s0, s7;
	s7 =	simm.s32 $0x1F4  }
0x24: {  	s3 =	sadd.s32 s3, s1;
	[dreg:$0x3] =	wrdreg s5;
	s19 =	sadd.s32 $0x33200, s6  }
0x25: {  	s6 =	sadd.s32 $0x2E200, s1;
	s5 =	simm.s32 $0x2D48;
	[dreg:$0x6] =	wrdreg s19  }
0x26: {  	s0 =	smax.u32 s0, $0x1;
	s18 =	sadd.s32 $0x1F400, s3;
	[dreg:$0xe] =	wrdreg s5  }
0x27: {  	p1 =	sne.s32 s0, $0x1;
	s1 =	sadd.s32 $0xFFFFFFFF, s0;
	s0 =	rddreg [dreg:$0x3]  }
.Ltmp0:
0x28: {  	s3 =	sadd.s32 $0x15600, s3;
	[dreg:$0x4] =	wrdreg s18;
	(pc) =	sbr.rel @!p1 .LBB2_1-.Ltmp0, $4  }
0x29: {  	s5 =	simm.s32 $0xB;
	s19 =	simm.s32 $0x15A8;
	[dreg:$0x5] =	wrdreg s3  }
0x2a: {  	s3 =	simm.s32 $0x9D8;
	s18 =	simm.s32 $0x3720;
	[dreg:$0x19] =	wrdreg s19  }
0x2b: {  	s19 =	simm.s32 $0x4;
	[dreg:$0xd] =	wrdreg s3;
	s3 =	sor.u32 $0x1C0B, s11  }
0x2c: {  	[dreg:$0x18] =	wrdreg s18;
	s11 =	simm.s32 $0x6E00;
	s18 =	simm.s32 $0x6  }
0x2d: {  	[spmem:s4], [sflag:s3] =	dma.local [hbm:s0], $0x500  }
0x2e: {  	_ =	swait.ge [sflag:s5], $0x500  }
0x2f: {  	[sflag:s5] =	ssyncset.done $0x0  }
0x30: {  	s23 =	rddreg [dreg:$0x4];
	[sflag:s5] =	ssyncadd.s32 $0xFFFFFB00  }
0x31: {  	[tilespmem:s30], [sflag:$0xB] =	stream.linear.gather [hbm4b:s23+s30], $0x2760, $0x38;
	[tilespmem:$0x11300] =	vst v63  }
0x32: {  	_ =	swait.ge [sflag:s5], $0x2760  }
0x33: {  	[sflag:s5] =	ssyncset.done $0x0  }
0x34: {  	s23 =	rddreg [dreg:$0x5];
	[sflag:s5] =	ssyncadd.s32 $0xFFFFD8A0  }
0x35: {  	[tilespmem:s31], [sflag:$0xB] =	stream.linear.gather [hbm4b:s23+s30], $0x2760, $0x38;
	[tilespmem:$0x11300] =	vst v63  }
0x36: {  	_ =	swait.ge [sflag:s5], $0x2760  }
0x37: {  	[sflag:s5] =	ssyncset.done $0x0  }
0x38: {  	[sflag:s5] =	ssyncadd.s32 $0xFFFFD8A0  }
0x39: {  	[bflag:$0x0] =	sbarrier.arrive $0xFFFF  }
0x3a: {  	[tilespmem:s12], [sflag:$0x1] =	stream.indirect.gather [hbm4b:s6+s7], $0x10, s30, s7, $0xb8;
	[tilespmem:$0x11300] =	vst v63  }
0x3b: {  	s0 =	rddreg [dreg:$0x7]  }
0x3c: {  	[tilespmem:s11], [sflag:$0x2] =	stream.indirect.gather [hbm4b:s6+s7], $0x10, s0, s7, $0xb8;
	[tilespmem:$0x11300] =	vst v63  }
0x3d: {  	s23 =	smov.u32 s1;
	s1 =	rddreg [dreg:$0x8]  }
0x3e: {  	[tilespmem:s10], [sflag:$0x3] =	stream.indirect.gather [hbm4b:s6+s7], $0x10, s1, s7, $0xb8;
	[tilespmem:$0x11300] =	vst v63  }
0x3f: {  	_ =	swait.ge [sflag:s22], $0x1F40  }
0x40: {  	[sflag:s22] =	ssyncset.done $0x0  }
0x41: {  	[sflag:s22] =	ssyncadd.s32 $0xFFFFE0C0  }
0x42: {  	[spmem:s2] =	stream.indirect.scatter.add.f32 [tilespmem:s12], [sflag:$0x6], $0x10, s31, s7, $0xb8;
	[tilespmem:$0x11300] =	vst v63  }
0x43: {  	s1 =	rddreg [dreg:$0x9]  }
0x44: {  	[tilespmem:s9], [sflag:$0x4] =	stream.indirect.gather [hbm4b:s6+s7], $0x10, s1, s7, $0xb8;
	[tilespmem:$0x11300] =	vst v63  }
0x45: {  	_ =	swait.ge [sflag:s21], $0x1F40  }
0x46: {  	[sflag:s21] =	ssyncset.done $0x0  }
0x47: {  	s0 =	rddreg [dreg:$0xa];
	[sflag:s21] =	ssyncadd.s32 $0xFFFFE0C0  }
0x48: {  	[spmem:s2] =	stream.indirect.scatter.add.f32 [tilespmem:s11], [sflag:$0x7], $0x10, s0, s7, $0xb8;
	[tilespmem:$0x11300] =	vst v63  }
0x49: {  	s1 =	rddreg [dreg:$0xb]  }
0x4a: {  	[tilespmem:s8], [sflag:$0x5] =	stream.indirect.gather [hbm4b:s6+s7], $0x10, s1, s7, $0xb8;
	[tilespmem:$0x11300] =	vst v63  }
0x4b: {  	_ =	swait.ge [sflag:s20], $0x1F40  }
0x4c: {  	[sflag:s20] =	ssyncset.done $0x0  }
0x4d: {  	s1 =	rddreg [dreg:$0xc];
	[sflag:s20] =	ssyncadd.s32 $0xFFFFE0C0  }
0x4e: {  	[spmem:s2] =	stream.indirect.scatter.add.f32 [tilespmem:s10], [sflag:$0x8], $0x10, s1, s7, $0xb8;
	[tilespmem:$0x11300] =	vst v63  }
0x4f: {  	_ =	swait.ge [sflag:s18], $0x1F40  }
0x50: {  	[sflag:s18] =	ssyncset.done $0x0  }
0x51: {  	s1 =	rddreg [dreg:$0xd];
	[sflag:s18] =	ssyncadd.s32 $0xFFFFE0C0  }
0x52: {  	[tilespmem:s12], [sflag:$0x1] =	stream.indirect.gather [hbm4b:s6+s7], $0x10, s1, s7, $0xb8;
	[tilespmem:$0x11300] =	vst v63  }
0x53: {  	_ =	swait.ge [sflag:s19], $0x1F40  }
0x54: {  	[sflag:s19] =	ssyncset.done $0x0  }
0x55: {  	s1 =	rddreg [dreg:$0xe];
	[sflag:s19] =	ssyncadd.s32 $0xFFFFE0C0  }
0x56: {  	[spmem:s2] =	stream.indirect.scatter.add.f32 [tilespmem:s9], [sflag:$0x9], $0x10, s1, s7, $0xb8;
	[tilespmem:$0x11300] =	vst v63  }
0x57: {  	_ =	swait.ge [sflag:s15], $0x1F40  }
0x58: {  	[sflag:s15] =	ssyncset.done $0x0  }
0x59: {  	s1 =	rddreg [dreg:$0xf];
	[sflag:s15] =	ssyncadd.s32 $0xFFFFE0C0  }
0x5a: {  	[tilespmem:s11], [sflag:$0x2] =	stream.indirect.gather [hbm4b:s6+s7], $0x10, s1, s7, $0xb8;
	[tilespmem:$0x11300] =	vst v63  }
0x5b: {  	_ =	swait.ge [sflag:s16], $0x1F40  }
0x5c: {  	[sflag:s16] =	ssyncset.done $0x0  }
0x5d: {  	s1 =	rddreg [dreg:$0x10];
	[sflag:s16] =	ssyncadd.s32 $0xFFFFE0C0  }
0x5e: {  	[spmem:s2] =	stream.indirect.scatter.add.f32 [tilespmem:s8], [sflag:$0xA], $0x10, s1, s7, $0xb8;
	[tilespmem:$0x11300] =	vst v63  }
0x5f: {  	_ =	swait.ge [sflag:s13], $0x1F40  }
0x60: {  	[sflag:s13] =	ssyncset.done $0x0  }
0x61: {  	s1 =	rddreg [dreg:$0x11];
	[sflag:s13] =	ssyncadd.s32 $0xFFFFE0C0  }
0x62: {  	[tilespmem:s10], [sflag:$0x3] =	stream.indirect.gather [hbm4b:s6+s7], $0x10, s1, s7, $0xb8;
	[tilespmem:$0x11300] =	vst v63  }
0x63: {  	_ =	swait.ge [sflag:s22], $0x1F40  }
0x64: {  	[sflag:s22] =	ssyncset.done $0x0  }
0x65: {  	s1 =	rddreg [dreg:$0x12];
	[sflag:s22] =	ssyncadd.s32 $0xFFFFE0C0  }
0x66: {  	[spmem:s2] =	stream.indirect.scatter.add.f32 [tilespmem:s12], [sflag:$0x6], $0x10, s1, s7, $0xb8;
	[tilespmem:$0x11300] =	vst v63  }
0x67: {  	_ =	swait.ge [sflag:s14], $0x1F40  }
0x68: {  	[sflag:s14] =	ssyncset.done $0x0  }
0x69: {  	s1 =	rddreg [dreg:$0x13];
	[sflag:s14] =	ssyncadd.s32 $0xFFFFE0C0  }
0x6a: {  	[tilespmem:s9], [sflag:$0x4] =	stream.indirect.gather [hbm4b:s6+s7], $0x10, s1, s7, $0xb8;
	[tilespmem:$0x11300] =	vst v63  }
0x6b: {  	_ =	swait.ge [sflag:s21], $0x1F40  }
0x6c: {  	[sflag:s21] =	ssyncset.done $0x0  }
0x6d: {  	s1 =	rddreg [dreg:$0x14];
	[sflag:s21] =	ssyncadd.s32 $0xFFFFE0C0  }
0x6e: {  	[spmem:s2] =	stream.indirect.scatter.add.f32 [tilespmem:s11], [sflag:$0x7], $0x10, s1, s7, $0xb8;
	[tilespmem:$0x11300] =	vst v63  }
0x6f: {  	_ =	swait.ge [sflag:s17], $0x1F40  }
0x70: {  	[sflag:s17] =	ssyncset.done $0x0  }
0x71: {  	s1 =	rddreg [dreg:$0x15];
	[sflag:s17] =	ssyncadd.s32 $0xFFFFE0C0  }
0x72: {  	[tilespmem:s8], [sflag:$0x5] =	stream.indirect.gather [hbm4b:s6+s7], $0x10, s1, s7, $0xb8;
	[tilespmem:$0x11300] =	vst v63  }
0x73: {  	_ =	swait.ge [sflag:s20], $0x1F40  }
0x74: {  	[sflag:s20] =	ssyncset.done $0x0  }
0x75: {  	s1 =	rddreg [dreg:$0x16];
	[sflag:s20] =	ssyncadd.s32 $0xFFFFE0C0  }
0x76: {  	[spmem:s2] =	stream.indirect.scatter.add.f32 [tilespmem:s10], [sflag:$0x8], $0x10, s1, s7, $0xb8;
	[tilespmem:$0x11300] =	vst v63  }
0x77: {  	_ =	swait.ge [sflag:s18], $0x1F40  }
0x78: {  	[sflag:s18] =	ssyncset.done $0x0  }
0x79: {  	s1 =	rddreg [dreg:$0x17];
	[sflag:s18] =	ssyncadd.s32 $0xFFFFE0C0  }
0x7a: {  	[tilespmem:s12], [sflag:$0x1] =	stream.indirect.gather [hbm4b:s6+s7], $0x10, s1, s7, $0xb8;
	[tilespmem:$0x11300] =	vst v63  }
0x7b: {  	_ =	swait.ge [sflag:s19], $0x1F40  }
0x7c: {  	[sflag:s19] =	ssyncset.done $0x0  }
0x7d: {  	s1 =	rddreg [dreg:$0x18];
	[sflag:s19] =	ssyncadd.s32 $0xFFFFE0C0  }
0x7e: {  	[spmem:s2] =	stream.indirect.scatter.add.f32 [tilespmem:s9], [sflag:$0x9], $0x10, s1, s7, $0xb8;
	[tilespmem:$0x11300] =	vst v63  }
0x7f: {  	_ =	swait.ge [sflag:s15], $0x1F40  }
0x80: {  	[sflag:s15] =	ssyncset.done $0x0  }
0x81: {  	s1 =	rddreg [dreg:$0x19];
	[sflag:s15] =	ssyncadd.s32 $0xFFFFE0C0  }
0x82: {  	[tilespmem:s11], [sflag:$0x2] =	stream.indirect.gather [hbm4b:s6+s7], $0x10, s1, s7, $0xb8;
	[tilespmem:$0x11300] =	vst v63  }
0x83: {  	_ =	swait.ge [sflag:s16], $0x1F40  }
0x84: {  	[sflag:s16] =	ssyncset.done $0x0  }
0x85: {  	s1 =	rddreg [dreg:$0x1a];
	[sflag:s16] =	ssyncadd.s32 $0xFFFFE0C0  }
0x86: {  	[spmem:s2] =	stream.indirect.scatter.add.f32 [tilespmem:s8], [sflag:$0xA], $0x10, s1, s7, $0xb8;
	[tilespmem:$0x11300] =	vst v63  }
0x87: {  	_ =	swait.ge [sflag:s13], $0x1F40  }
0x88: {  	[sflag:s13] =	ssyncset.done $0x0  }
0x89: {  	s1 =	rddreg [dreg:$0x1b];
	[sflag:s13] =	ssyncadd.s32 $0xFFFFE0C0  }
0x8a: {  	[tilespmem:s10], [sflag:$0x3] =	stream.indirect.gather [hbm4b:s6+s7], $0x10, s1, s7, $0xb8;
	[tilespmem:$0x11300] =	vst v63  }
0x8b: {  	_ =	swait.ge [sflag:s22], $0x1F40  }
0x8c: {  	[sflag:s22] =	ssyncset.done $0x0  }
0x8d: {  	s1 =	rddreg [dreg:$0x1c];
	[sflag:s22] =	ssyncadd.s32 $0xFFFFE0C0  }
0x8e: {  	[spmem:s2] =	stream.indirect.scatter.add.f32 [tilespmem:s12], [sflag:$0x6], $0x10, s1, s7, $0xb8;
	[tilespmem:$0x11300] =	vst v63  }
0x8f: {  	_ =	swait.ge [sflag:s14], $0x1F40  }
0x90: {  	[sflag:s14] =	ssyncset.done $0x0  }
0x91: {  	s1 =	rddreg [dreg:$0x1d];
	[sflag:s14] =	ssyncadd.s32 $0xFFFFE0C0  }
0x92: {  	[tilespmem:s9], [sflag:$0x4] =	stream.indirect.gather [hbm4b:s6+s7], $0x10, s1, s7, $0xb8;
	[tilespmem:$0x11300] =	vst v63  }
0x93: {  	_ =	swait.ge [sflag:s21], $0x1F40  }
0x94: {  	[sflag:s21] =	ssyncset.done $0x0  }
0x95: {  	s1 =	rddreg [dreg:$0x1e];
	[sflag:s21] =	ssyncadd.s32 $0xFFFFE0C0  }
0x96: {  	[spmem:s2] =	stream.indirect.scatter.add.f32 [tilespmem:s11], [sflag:$0x7], $0x10, s1, s7, $0xb8;
	[tilespmem:$0x11300] =	vst v63  }
0x97: {  	_ =	swait.ge [sflag:s17], $0x1F40  }
0x98: {  	[sflag:s17] =	ssyncset.done $0x0  }
0x99: {  	s1 =	rddreg [dreg:$0x1f];
	[sflag:s17] =	ssyncadd.s32 $0xFFFFE0C0  }
0x9a: {  	[tilespmem:s8], [sflag:$0x5] =	stream.indirect.gather [hbm4b:s6+s7], $0x10, s1, s7, $0xb8;
	[tilespmem:$0x11300] =	vst v63  }
0x9b: {  	_ =	swait.ge [sflag:s20], $0x1F40  }
0x9c: {  	s1 =	sld [smem:$0x7F7]  }
0x9d: {  	[sflag:s20] =	ssyncset.done $0x0  }
0x9e: {  	[sflag:s20] =	ssyncadd.s32 $0xFFFFE0C0  }
0x9f: {  	[spmem:s2] =	stream.indirect.scatter.add.f32 [tilespmem:s10], [sflag:$0x8], $0x10, s1, s7, $0xb8;
	[tilespmem:$0x11300] =	vst v63  }
0xa0: {  	_ =	swait.ge [sflag:s18], $0x1F40  }
0xa1: {  	s1 =	sld [smem:$0x7F8]  }
0xa2: {  	[sflag:s18] =	ssyncset.done $0x0  }
0xa3: {  	[sflag:s18] =	ssyncadd.s32 $0xFFFFE0C0  }
0xa4: {  	[tilespmem:s12], [sflag:$0x1] =	stream.indirect.gather [hbm4b:s6+s7], $0x10, s1, s7, $0xb8;
	[tilespmem:$0x11300] =	vst v63  }
0xa5: {  	_ =	swait.ge [sflag:s19], $0x1F40  }
0xa6: {  	s1 =	sld [smem:$0x7F9]  }
0xa7: {  	[sflag:s19] =	ssyncset.done $0x0  }
0xa8: {  	[sflag:s19] =	ssyncadd.s32 $0xFFFFE0C0  }
0xa9: {  	[spmem:s2] =	stream.indirect.scatter.add.f32 [tilespmem:s9], [sflag:$0x9], $0x10, s1, s7, $0xb8;
	[tilespmem:$0x11300] =	vst v63  }
0xaa: {  	_ =	swait.ge [sflag:s15], $0x1F40  }
0xab: {  	s1 =	sld [smem:$0x7FA]  }
0xac: {  	[sflag:s15] =	ssyncset.done $0x0  }
0xad: {  	[sflag:s15] =	ssyncadd.s32 $0xFFFFE0C0  }
0xae: {  	[tilespmem:s11], [sflag:$0x2] =	stream.indirect.gather [hbm4b:s6+s7], $0x10, s1, s7, $0xb8;
	[tilespmem:$0x11300] =	vst v63  }
0xaf: {  	_ =	swait.ge [sflag:s16], $0x1F40  }
0xb0: {  	s1 =	sld [smem:$0x7FB]  }
0xb1: {  	[sflag:s16] =	ssyncset.done $0x0  }
0xb2: {  	[sflag:s16] =	ssyncadd.s32 $0xFFFFE0C0  }
0xb3: {  	[spmem:s2] =	stream.indirect.scatter.add.f32 [tilespmem:s8], [sflag:$0xA], $0x10, s1, s7, $0xb8;
	[tilespmem:$0x11300] =	vst v63  }
0xb4: {  	_ =	swait.ge [sflag:s13], $0x1F40  }
0xb5: {  	s1 =	sld [smem:$0x7FC]  }
0xb6: {  	[sflag:s13] =	ssyncset.done $0x0  }
0xb7: {  	[sflag:s13] =	ssyncadd.s32 $0xFFFFE0C0  }
0xb8: {  	[tilespmem:s10], [sflag:$0x3] =	stream.indirect.gather [hbm4b:s6+s7], $0x10, s1, s7, $0xb8;
	[tilespmem:$0x11300] =	vst v63  }
0xb9: {  	_ =	swait.ge [sflag:s22], $0x1F40  }
0xba: {  	s1 =	sld [smem:$0x7FD]  }
0xbb: {  	[sflag:s22] =	ssyncset.done $0x0  }
0xbc: {  	[sflag:s22] =	ssyncadd.s32 $0xFFFFE0C0  }
0xbd: {  	[spmem:s2] =	stream.indirect.scatter.add.f32 [tilespmem:s12], [sflag:$0x6], $0x10, s1, s7, $0xb8;
	[tilespmem:$0x11300] =	vst v63  }
0xbe: {  	_ =	swait.ge [sflag:s14], $0x1F40  }
0xbf: {  	[sflag:s14] =	ssyncset.done $0x0  }
0xc0: {  	s1 =	simm.s32 $0x2370;
	[sflag:s14] =	ssyncadd.s32 $0xFFFFE0C0  }
0xc1: {  	[tilespmem:s9], [sflag:$0x4] =	stream.indirect.gather [hbm4b:s6+s7], $0x10, s1, s7, $0xb8;
	[tilespmem:$0x11300] =	vst v63  }
0xc2: {  	_ =	swait.ge [sflag:s21], $0x1F40  }
0xc3: {  	[sflag:s21] =	ssyncset.done $0x0  }
0xc4: {  	[sflag:s21] =	ssyncadd.s32 $0xFFFFE0C0  }
0xc5: {  	[spmem:s2] =	stream.indirect.scatter.add.f32 [tilespmem:s11], [sflag:$0x7], $0x10, s29, s7, $0xb8;
	[tilespmem:$0x11300] =	vst v63  }
0xc6: {  	_ =	swait.ge [sflag:s17], $0x1F40  }
0xc7: {  	[sflag:s17] =	ssyncset.done $0x0  }
0xc8: {  	[sflag:s17] =	ssyncadd.s32 $0xFFFFE0C0  }
0xc9: {  	[tilespmem:s8], [sflag:$0x5] =	stream.indirect.gather [hbm4b:s6+s7], $0x10, s28, s7, $0xb8;
	[tilespmem:$0x11300] =	vst v63  }
0xca: {  	_ =	swait.ge [sflag:s20], $0x1F40  }
0xcb: {  	[sflag:s20] =	ssyncset.done $0x0  }
0xcc: {  	[sflag:s20] =	ssyncadd.s32 $0xFFFFE0C0  }
0xcd: {  	[spmem:s2] =	stream.indirect.scatter.add.f32 [tilespmem:s10], [sflag:$0x8], $0x10, s26, s7, $0xb8;
	[tilespmem:$0x11300] =	vst v63  }
0xce: {  	_ =	swait.ge [sflag:s18], $0x1F40  }
0xcf: {  	[sflag:s18] =	ssyncset.done $0x0  }
0xd0: {  	[sflag:s18] =	ssyncadd.s32 $0xFFFFE0C0  }
0xd1: {  	_ =	swait.ge [sflag:s19], $0x1F40  }
0xd2: {  	[sflag:s19] =	ssyncset.done $0x0  }
0xd3: {  	[sflag:s19] =	ssyncadd.s32 $0xFFFFE0C0  }
0xd4: {  	[spmem:s2] =	stream.indirect.scatter.add.f32 [tilespmem:s9], [sflag:$0x9], $0x10, s25, s7, $0xb8;
	[tilespmem:$0x11300] =	vst v63  }
0xd5: {  	_ =	swait.ge [sflag:s15], $0x1F40  }
0xd6: {  	[sflag:s15] =	ssyncset.done $0x0  }
0xd7: {  	[sflag:s15] =	ssyncadd.s32 $0xFFFFE0C0  }
0xd8: {  	_ =	swait.ge [sflag:s16], $0x1F40  }
0xd9: {  	[sflag:s16] =	ssyncset.done $0x0  }
0xda: {  	[sflag:s16] =	ssyncadd.s32 $0xFFFFE0C0  }
0xdb: {  	[spmem:s2] =	stream.indirect.scatter.add.f32 [tilespmem:s8], [sflag:$0xA], $0x10, s24, s7, $0xb8;
	[tilespmem:$0x11300] =	vst v63  }
0xdc: {  	_ =	swait.ge [sflag:s13], $0x1F40  }
0xdd: {  	[sflag:s13] =	ssyncset.done $0x0  }
0xde: {  	[sflag:s13] =	ssyncadd.s32 $0xFFFFE0C0  }
0xdf: {  	_ =	swait.ge [sflag:s14], $0x1F40  }
0xe0: {  	[sflag:s14] =	ssyncset.done $0x0  }
0xe1: {  	[sflag:s14] =	ssyncadd.s32 $0xFFFFE0C0  }
0xe2: {  	_ =	swait.ge [sflag:s17], $0x1F40  }
0xe3: {  	[sflag:s17] =	ssyncset.done $0x0  }
0xe4: {  	p1 =	sne.s32 s23, $0x1;
	[sflag:s17] =	ssyncadd.s32 $0xFFFFE0C0  }
.Ltmp1:
0xe5: {  	[bflag:$0x0] =	sbarrier.arrive $0xFFFF;
	(pc) =	sbr.rel @!p1 .LBB2_3-.Ltmp1, $4  }
0xe6: {  	s1 =	rddreg [dreg:$0x6]  }
0xe7: {  	[hbm:s1], [sflag:s3] =	dma.local [spmem:s4], $0x500  }
0xe8: {  	p0 =	por $0x1, $0x1;
	_ =	swait.ge [sflag:s5], $0x500  }
0xe9: {  	s1 =	sadd.s32 $0xFFFFFFFF, s23;
	s0 =	rddreg [dreg:$0x3];
	[sflag:s5] =	ssyncset.done $0x0  }
.LBB2_4:
0xea: {  	[sflag:s5] =	ssyncadd.s32 $0xFFFFFB00  }
0xeb: {  	[spmem:s4], [sflag:s3] =	dma.local [hbm:s0], $0x500  }
0xec: {  	_ =	swait.ge [sflag:s5], $0x500  }
0xed: {  	[sflag:s5] =	ssyncset.done $0x0  }
0xee: {  	s23 =	rddreg [dreg:$0x4];
	[sflag:s5] =	ssyncadd.s32 $0xFFFFFB00  }
0xef: {  	[tilespmem:s30], [sflag:$0xB] =	stream.linear.gather [hbm4b:s23+s30], $0x2760, $0x38;
	[tilespmem:$0x11300] =	vst v63  }
0xf0: {  	_ =	swait.ge [sflag:s5], $0x2760  }
0xf1: {  	[sflag:s5] =	ssyncset.done $0x0  }
0xf2: {  	s23 =	rddreg [dreg:$0x5];
	[sflag:s5] =	ssyncadd.s32 $0xFFFFD8A0  }
0xf3: {  	[tilespmem:s31], [sflag:$0xB] =	stream.linear.gather [hbm4b:s23+s30], $0x2760, $0x38;
	[tilespmem:$0x11300] =	vst v63  }
0xf4: {  	_ =	swait.ge [sflag:s5], $0x2760  }
0xf5: {  	[sflag:s5] =	ssyncset.done $0x0  }
0xf6: {  	[sflag:s5] =	ssyncadd.s32 $0xFFFFD8A0  }
0xf7: {  	[bflag:$0x0] =	sbarrier.arrive $0xFFFF  }
0xf8: {  	[tilespmem:s12], [sflag:$0x1] =	stream.indirect.gather [hbm4b:s6+s7], $0x10, s30, s7, $0xb8;
	[tilespmem:$0x11300] =	vst v63  }
0xf9: {  	s0 =	rddreg [dreg:$0x7]  }
0xfa: {  	[tilespmem:s11], [sflag:$0x2] =	stream.indirect.gather [hbm4b:s6+s7], $0x10, s0, s7, $0xb8;
	[tilespmem:$0x11300] =	vst v63  }
0xfb: {  	s23 =	rddreg [dreg:$0x8]  }
0xfc: {  	[tilespmem:s10], [sflag:$0x3] =	stream.indirect.gather [hbm4b:s6+s7], $0x10, s23, s7, $0xb8;
	[tilespmem:$0x11300] =	vst v63  }
0xfd: {  	_ =	swait.ge [sflag:s22], $0x1F40  }
0xfe: {  	[sflag:s22] =	ssyncset.done $0x0  }
0xff: {  	[sflag:s22] =	ssyncadd.s32 $0xFFFFE0C0  }
0x100: {  	[spmem:s2] =	stream.indirect.scatter.add.f32 [tilespmem:s12], [sflag:$0x6], $0x10, s31, s7, $0xb8;
	[tilespmem:$0x11300] =	vst v63  }
0x101: {  	s23 =	rddreg [dreg:$0x9]  }
0x102: {  	[tilespmem:s9], [sflag:$0x4] =	stream.indirect.gather [hbm4b:s6+s7], $0x10, s23, s7, $0xb8;
	[tilespmem:$0x11300] =	vst v63  }
0x103: {  	_ =	swait.ge [sflag:s21], $0x1F40  }
0x104: {  	[sflag:s21] =	ssyncset.done $0x0  }
0x105: {  	s0 =	rddreg [dreg:$0xa];
	[sflag:s21] =	ssyncadd.s32 $0xFFFFE0C0  }
0x106: {  	[spmem:s2] =	stream.indirect.scatter.add.f32 [tilespmem:s11], [sflag:$0x7], $0x10, s0, s7, $0xb8;
	[tilespmem:$0x11300] =	vst v63  }
0x107: {  	s23 =	rddreg [dreg:$0xb]  }
0x108: {  	[tilespmem:s8], [sflag:$0x5] =	stream.indirect.gather [hbm4b:s6+s7], $0x10, s23, s7, $0xb8;
	[tilespmem:$0x11300] =	vst v63  }
0x109: {  	_ =	swait.ge [sflag:s20], $0x1F40  }
0x10a: {  	[sflag:s20] =	ssyncset.done $0x0  }
0x10b: {  	s23 =	rddreg [dreg:$0xc];
	[sflag:s20] =	ssyncadd.s32 $0xFFFFE0C0  }
0x10c: {  	[spmem:s2] =	stream.indirect.scatter.add.f32 [tilespmem:s10], [sflag:$0x8], $0x10, s23, s7, $0xb8;
	[tilespmem:$0x11300] =	vst v63  }
0x10d: {  	_ =	swait.ge [sflag:s18], $0x1F40  }
0x10e: {  	[sflag:s18] =	ssyncset.done $0x0  }
0x10f: {  	s23 =	rddreg [dreg:$0xd];
	[sflag:s18] =	ssyncadd.s32 $0xFFFFE0C0  }
0x110: {  	[tilespmem:s12], [sflag:$0x1] =	stream.indirect.gather [hbm4b:s6+s7], $0x10, s23, s7, $0xb8;
	[tilespmem:$0x11300] =	vst v63  }
0x111: {  	_ =	swait.ge [sflag:s19], $0x1F40  }
0x112: {  	[sflag:s19] =	ssyncset.done $0x0  }
0x113: {  	s23 =	rddreg [dreg:$0xe];
	[sflag:s19] =	ssyncadd.s32 $0xFFFFE0C0  }
0x114: {  	[spmem:s2] =	stream.indirect.scatter.add.f32 [tilespmem:s9], [sflag:$0x9], $0x10, s23, s7, $0xb8;
	[tilespmem:$0x11300] =	vst v63  }
0x115: {  	_ =	swait.ge [sflag:s15], $0x1F40  }
0x116: {  	[sflag:s15] =	ssyncset.done $0x0  }
0x117: {  	s23 =	rddreg [dreg:$0xf];
	[sflag:s15] =	ssyncadd.s32 $0xFFFFE0C0  }
0x118: {  	[tilespmem:s11], [sflag:$0x2] =	stream.indirect.gather [hbm4b:s6+s7], $0x10, s23, s7, $0xb8;
	[tilespmem:$0x11300] =	vst v63  }
0x119: {  	_ =	swait.ge [sflag:s16], $0x1F40  }
0x11a: {  	[sflag:s16] =	ssyncset.done $0x0  }
0x11b: {  	s23 =	rddreg [dreg:$0x10];
	[sflag:s16] =	ssyncadd.s32 $0xFFFFE0C0  }
0x11c: {  	[spmem:s2] =	stream.indirect.scatter.add.f32 [tilespmem:s8], [sflag:$0xA], $0x10, s23, s7, $0xb8;
	[tilespmem:$0x11300] =	vst v63  }
0x11d: {  	_ =	swait.ge [sflag:s13], $0x1F40  }
0x11e: {  	[sflag:s13] =	ssyncset.done $0x0  }
0x11f: {  	s23 =	rddreg [dreg:$0x11];
	[sflag:s13] =	ssyncadd.s32 $0xFFFFE0C0  }
0x120: {  	[tilespmem:s10], [sflag:$0x3] =	stream.indirect.gather [hbm4b:s6+s7], $0x10, s23, s7, $0xb8;
	[tilespmem:$0x11300] =	vst v63  }
0x121: {  	_ =	swait.ge [sflag:s22], $0x1F40  }
0x122: {  	[sflag:s22] =	ssyncset.done $0x0  }
0x123: {  	s23 =	rddreg [dreg:$0x12];
	[sflag:s22] =	ssyncadd.s32 $0xFFFFE0C0  }
0x124: {  	[spmem:s2] =	stream.indirect.scatter.add.f32 [tilespmem:s12], [sflag:$0x6], $0x10, s23, s7, $0xb8;
	[tilespmem:$0x11300] =	vst v63  }
0x125: {  	_ =	swait.ge [sflag:s14], $0x1F40  }
0x126: {  	[sflag:s14] =	ssyncset.done $0x0  }
0x127: {  	s23 =	rddreg [dreg:$0x13];
	[sflag:s14] =	ssyncadd.s32 $0xFFFFE0C0  }
0x128: {  	[tilespmem:s9], [sflag:$0x4] =	stream.indirect.gather [hbm4b:s6+s7], $0x10, s23, s7, $0xb8;
	[tilespmem:$0x11300] =	vst v63  }
0x129: {  	_ =	swait.ge [sflag:s21], $0x1F40  }
0x12a: {  	[sflag:s21] =	ssyncset.done $0x0  }
0x12b: {  	s23 =	rddreg [dreg:$0x14];
	[sflag:s21] =	ssyncadd.s32 $0xFFFFE0C0  }
0x12c: {  	[spmem:s2] =	stream.indirect.scatter.add.f32 [tilespmem:s11], [sflag:$0x7], $0x10, s23, s7, $0xb8;
	[tilespmem:$0x11300] =	vst v63  }
0x12d: {  	_ =	swait.ge [sflag:s17], $0x1F40  }
0x12e: {  	[sflag:s17] =	ssyncset.done $0x0  }
0x12f: {  	s23 =	rddreg [dreg:$0x15];
	[sflag:s17] =	ssyncadd.s32 $0xFFFFE0C0  }
0x130: {  	[tilespmem:s8], [sflag:$0x5] =	stream.indirect.gather [hbm4b:s6+s7], $0x10, s23, s7, $0xb8;
	[tilespmem:$0x11300] =	vst v63  }
0x131: {  	_ =	swait.ge [sflag:s20], $0x1F40  }
0x132: {  	[sflag:s20] =	ssyncset.done $0x0  }
0x133: {  	s23 =	rddreg [dreg:$0x16];
	[sflag:s20] =	ssyncadd.s32 $0xFFFFE0C0  }
0x134: {  	[spmem:s2] =	stream.indirect.scatter.add.f32 [tilespmem:s10], [sflag:$0x8], $0x10, s23, s7, $0xb8;
	[tilespmem:$0x11300] =	vst v63  }
0x135: {  	_ =	swait.ge [sflag:s18], $0x1F40  }
0x136: {  	[sflag:s18] =	ssyncset.done $0x0  }
0x137: {  	s23 =	rddreg [dreg:$0x17];
	[sflag:s18] =	ssyncadd.s32 $0xFFFFE0C0  }
0x138: {  	[tilespmem:s12], [sflag:$0x1] =	stream.indirect.gather [hbm4b:s6+s7], $0x10, s23, s7, $0xb8;
	[tilespmem:$0x11300] =	vst v63  }
0x139: {  	_ =	swait.ge [sflag:s19], $0x1F40  }
0x13a: {  	[sflag:s19] =	ssyncset.done $0x0  }
0x13b: {  	s23 =	rddreg [dreg:$0x18];
	[sflag:s19] =	ssyncadd.s32 $0xFFFFE0C0  }
0x13c: {  	[spmem:s2] =	stream.indirect.scatter.add.f32 [tilespmem:s9], [sflag:$0x9], $0x10, s23, s7, $0xb8;
	[tilespmem:$0x11300] =	vst v63  }
0x13d: {  	_ =	swait.ge [sflag:s15], $0x1F40  }
0x13e: {  	[sflag:s15] =	ssyncset.done $0x0  }
0x13f: {  	s23 =	rddreg [dreg:$0x19];
	[sflag:s15] =	ssyncadd.s32 $0xFFFFE0C0  }
0x140: {  	[tilespmem:s11], [sflag:$0x2] =	stream.indirect.gather [hbm4b:s6+s7], $0x10, s23, s7, $0xb8;
	[tilespmem:$0x11300] =	vst v63  }
0x141: {  	_ =	swait.ge [sflag:s16], $0x1F40  }
0x142: {  	[sflag:s16] =	ssyncset.done $0x0  }
0x143: {  	s23 =	rddreg [dreg:$0x1a];
	[sflag:s16] =	ssyncadd.s32 $0xFFFFE0C0  }
0x144: {  	[spmem:s2] =	stream.indirect.scatter.add.f32 [tilespmem:s8], [sflag:$0xA], $0x10, s23, s7, $0xb8;
	[tilespmem:$0x11300] =	vst v63  }
0x145: {  	_ =	swait.ge [sflag:s13], $0x1F40  }
0x146: {  	[sflag:s13] =	ssyncset.done $0x0  }
0x147: {  	s23 =	rddreg [dreg:$0x1b];
	[sflag:s13] =	ssyncadd.s32 $0xFFFFE0C0  }
0x148: {  	[tilespmem:s10], [sflag:$0x3] =	stream.indirect.gather [hbm4b:s6+s7], $0x10, s23, s7, $0xb8;
	[tilespmem:$0x11300] =	vst v63  }
0x149: {  	_ =	swait.ge [sflag:s22], $0x1F40  }
0x14a: {  	[sflag:s22] =	ssyncset.done $0x0  }
0x14b: {  	s23 =	rddreg [dreg:$0x1c];
	[sflag:s22] =	ssyncadd.s32 $0xFFFFE0C0  }
0x14c: {  	[spmem:s2] =	stream.indirect.scatter.add.f32 [tilespmem:s12], [sflag:$0x6], $0x10, s23, s7, $0xb8;
	[tilespmem:$0x11300] =	vst v63  }
0x14d: {  	_ =	swait.ge [sflag:s14], $0x1F40  }
0x14e: {  	[sflag:s14] =	ssyncset.done $0x0  }
0x14f: {  	s23 =	rddreg [dreg:$0x1d];
	[sflag:s14] =	ssyncadd.s32 $0xFFFFE0C0  }
0x150: {  	[tilespmem:s9], [sflag:$0x4] =	stream.indirect.gather [hbm4b:s6+s7], $0x10, s23, s7, $0xb8;
	[tilespmem:$0x11300] =	vst v63  }
0x151: {  	_ =	swait.ge [sflag:s21], $0x1F40  }
0x152: {  	[sflag:s21] =	ssyncset.done $0x0  }
0x153: {  	s23 =	rddreg [dreg:$0x1e];
	[sflag:s21] =	ssyncadd.s32 $0xFFFFE0C0  }
0x154: {  	[spmem:s2] =	stream.indirect.scatter.add.f32 [tilespmem:s11], [sflag:$0x7], $0x10, s23, s7, $0xb8;
	[tilespmem:$0x11300] =	vst v63  }
0x155: {  	_ =	swait.ge [sflag:s17], $0x1F40  }
0x156: {  	[sflag:s17] =	ssyncset.done $0x0  }
0x157: {  	s23 =	rddreg [dreg:$0x1f];
	[sflag:s17] =	ssyncadd.s32 $0xFFFFE0C0  }
0x158: {  	[tilespmem:s8], [sflag:$0x5] =	stream.indirect.gather [hbm4b:s6+s7], $0x10, s23, s7, $0xb8;
	[tilespmem:$0x11300] =	vst v63  }
0x159: {  	_ =	swait.ge [sflag:s20], $0x1F40  }
0x15a: {  	s23 =	sld [smem:$0x7F7]  }
0x15b: {  	[sflag:s20] =	ssyncset.done $0x0  }
0x15c: {  	[sflag:s20] =	ssyncadd.s32 $0xFFFFE0C0  }
0x15d: {  	[spmem:s2] =	stream.indirect.scatter.add.f32 [tilespmem:s10], [sflag:$0x8], $0x10, s23, s7, $0xb8;
	[tilespmem:$0x11300] =	vst v63  }
0x15e: {  	_ =	swait.ge [sflag:s18], $0x1F40  }
0x15f: {  	s23 =	sld [smem:$0x7F8]  }
0x160: {  	[sflag:s18] =	ssyncset.done $0x0  }
0x161: {  	[sflag:s18] =	ssyncadd.s32 $0xFFFFE0C0  }
0x162: {  	[tilespmem:s12], [sflag:$0x1] =	stream.indirect.gather [hbm4b:s6+s7], $0x10, s23, s7, $0xb8;
	[tilespmem:$0x11300] =	vst v63  }
0x163: {  	_ =	swait.ge [sflag:s19], $0x1F40  }
0x164: {  	s23 =	sld [smem:$0x7F9]  }
0x165: {  	[sflag:s19] =	ssyncset.done $0x0  }
0x166: {  	[sflag:s19] =	ssyncadd.s32 $0xFFFFE0C0  }
0x167: {  	[spmem:s2] =	stream.indirect.scatter.add.f32 [tilespmem:s9], [sflag:$0x9], $0x10, s23, s7, $0xb8;
	[tilespmem:$0x11300] =	vst v63  }
0x168: {  	_ =	swait.ge [sflag:s15], $0x1F40  }
0x169: {  	s23 =	sld [smem:$0x7FA]  }
0x16a: {  	[sflag:s15] =	ssyncset.done $0x0  }
0x16b: {  	[sflag:s15] =	ssyncadd.s32 $0xFFFFE0C0  }
0x16c: {  	[tilespmem:s11], [sflag:$0x2] =	stream.indirect.gather [hbm4b:s6+s7], $0x10, s23, s7, $0xb8;
	[tilespmem:$0x11300] =	vst v63  }
0x16d: {  	_ =	swait.ge [sflag:s16], $0x1F40  }
0x16e: {  	s23 =	sld [smem:$0x7FB]  }
0x16f: {  	[sflag:s16] =	ssyncset.done $0x0  }
0x170: {  	[sflag:s16] =	ssyncadd.s32 $0xFFFFE0C0  }
0x171: {  	[spmem:s2] =	stream.indirect.scatter.add.f32 [tilespmem:s8], [sflag:$0xA], $0x10, s23, s7, $0xb8;
	[tilespmem:$0x11300] =	vst v63  }
0x172: {  	_ =	swait.ge [sflag:s13], $0x1F40  }
0x173: {  	s23 =	sld [smem:$0x7FC]  }
0x174: {  	[sflag:s13] =	ssyncset.done $0x0  }
0x175: {  	[sflag:s13] =	ssyncadd.s32 $0xFFFFE0C0  }
0x176: {  	[tilespmem:s10], [sflag:$0x3] =	stream.indirect.gather [hbm4b:s6+s7], $0x10, s23, s7, $0xb8;
	[tilespmem:$0x11300] =	vst v63  }
0x177: {  	_ =	swait.ge [sflag:s22], $0x1F40  }
0x178: {  	s23 =	sld [smem:$0x7FD]  }
0x179: {  	[sflag:s22] =	ssyncset.done $0x0  }
0x17a: {  	[sflag:s22] =	ssyncadd.s32 $0xFFFFE0C0  }
0x17b: {  	[spmem:s2] =	stream.indirect.scatter.add.f32 [tilespmem:s12], [sflag:$0x6], $0x10, s23, s7, $0xb8;
	[tilespmem:$0x11300] =	vst v63  }
0x17c: {  	_ =	swait.ge [sflag:s14], $0x1F40  }
0x17d: {  	[sflag:s14] =	ssyncset.done $0x0  }
0x17e: {  	s23 =	simm.s32 $0x2370;
	[sflag:s14] =	ssyncadd.s32 $0xFFFFE0C0  }
0x17f: {  	[tilespmem:s9], [sflag:$0x4] =	stream.indirect.gather [hbm4b:s6+s7], $0x10, s23, s7, $0xb8;
	[tilespmem:$0x11300] =	vst v63  }
0x180: {  	_ =	swait.ge [sflag:s21], $0x1F40  }
0x181: {  	[sflag:s21] =	ssyncset.done $0x0  }
0x182: {  	[sflag:s21] =	ssyncadd.s32 $0xFFFFE0C0  }
0x183: {  	[spmem:s2] =	stream.indirect.scatter.add.f32 [tilespmem:s11], [sflag:$0x7], $0x10, s29, s7, $0xb8;
	[tilespmem:$0x11300] =	vst v63  }
0x184: {  	_ =	swait.ge [sflag:s17], $0x1F40  }
0x185: {  	[sflag:s17] =	ssyncset.done $0x0  }
0x186: {  	[sflag:s17] =	ssyncadd.s32 $0xFFFFE0C0  }
0x187: {  	[tilespmem:s8], [sflag:$0x5] =	stream.indirect.gather [hbm4b:s6+s7], $0x10, s28, s7, $0xb8;
	[tilespmem:$0x11300] =	vst v63  }
0x188: {  	_ =	swait.ge [sflag:s20], $0x1F40  }
0x189: {  	[sflag:s20] =	ssyncset.done $0x0  }
0x18a: {  	[sflag:s20] =	ssyncadd.s32 $0xFFFFE0C0  }
0x18b: {  	[spmem:s2] =	stream.indirect.scatter.add.f32 [tilespmem:s10], [sflag:$0x8], $0x10, s26, s7, $0xb8;
	[tilespmem:$0x11300] =	vst v63  }
0x18c: {  	_ =	swait.ge [sflag:s18], $0x1F40  }
0x18d: {  	[sflag:s18] =	ssyncset.done $0x0  }
0x18e: {  	[sflag:s18] =	ssyncadd.s32 $0xFFFFE0C0  }
0x18f: {  	_ =	swait.ge [sflag:s19], $0x1F40  }
0x190: {  	[sflag:s19] =	ssyncset.done $0x0  }
0x191: {  	[sflag:s19] =	ssyncadd.s32 $0xFFFFE0C0  }
0x192: {  	[spmem:s2] =	stream.indirect.scatter.add.f32 [tilespmem:s9], [sflag:$0x9], $0x10, s25, s7, $0xb8;
	[tilespmem:$0x11300] =	vst v63  }
0x193: {  	_ =	swait.ge [sflag:s15], $0x1F40  }
0x194: {  	[sflag:s15] =	ssyncset.done $0x0  }
0x195: {  	[sflag:s15] =	ssyncadd.s32 $0xFFFFE0C0  }
0x196: {  	_ =	swait.ge [sflag:s16], $0x1F40  }
0x197: {  	[sflag:s16] =	ssyncset.done $0x0  }
0x198: {  	[sflag:s16] =	ssyncadd.s32 $0xFFFFE0C0  }
0x199: {  	[spmem:s2] =	stream.indirect.scatter.add.f32 [tilespmem:s8], [sflag:$0xA], $0x10, s24, s7, $0xb8;
	[tilespmem:$0x11300] =	vst v63  }
0x19a: {  	_ =	swait.ge [sflag:s13], $0x1F40  }
0x19b: {  	[sflag:s13] =	ssyncset.done $0x0  }
0x19c: {  	[sflag:s13] =	ssyncadd.s32 $0xFFFFE0C0  }
0x19d: {  	_ =	swait.ge [sflag:s14], $0x1F40  }
0x19e: {  	[sflag:s14] =	ssyncset.done $0x0  }
0x19f: {  	[sflag:s14] =	ssyncadd.s32 $0xFFFFE0C0  }
0x1a0: {  	_ =	swait.ge [sflag:s17], $0x1F40  }
0x1a1: {  	[sflag:s17] =	ssyncset.done $0x0  }
0x1a2: {  	p1 =	sne.s32 s1, $0x1;
	[sflag:s17] =	ssyncadd.s32 $0xFFFFE0C0  }
.Ltmp2:
0x1a3: {  	[bflag:$0x0] =	sbarrier.arrive $0xFFFF;
	(pc) =	sbr.rel @p1 .LBB2_4-.Ltmp2, $4  }
0x1a4: {  	s23 =	rddreg [dreg:$0x6]  }
0x1a5: {  	[hbm:s23], [sflag:s3] =	dma.local [spmem:s4], $0x500  }
0x1a6: {  	_ =	swait.ge [sflag:s5], $0x500  }
0x1a7: {  	s1 =	sadd.s32 $0xFFFFFFFF, s1;
	s0 =	rddreg [dreg:$0x3];
	[sflag:s5] =	ssyncset.done $0x0  }
0x1a8: {  	s24 =	simm.s32 $0x2370;
	s29 =	simm.s32 $0x46E0;
	s28 =	simm.s32 $0x2568  }
0x1a9: {  	s26 =	simm.s32 $0x48D8;
	s25 =	simm.s32 $0x4AD0;
	s23 =	stileid.u32  }
.LBB2_6:
0x1aa: {  	[sflag:s5] =	ssyncadd.s32 @p0 $0xFFFFFB00  }
0x1ab: {  	[spmem:s4], [sflag:s3] =	dma.local [hbm:s0], $0x500  }
0x1ac: {  	_ =	swait.ge [sflag:s5], $0x500  }
0x1ad: {  	[sflag:s5] =	ssyncset.done $0x0  }
0x1ae: {  	s1 =	rddreg [dreg:$0x4];
	[sflag:s5] =	ssyncadd.s32 $0xFFFFFB00  }
0x1af: {  	[tilespmem:s30], [sflag:$0xB] =	stream.linear.gather [hbm4b:s1+s30], $0x2760, $0x38;
	[tilespmem:$0x11300] =	vst v63  }
0x1b0: {  	_ =	swait.ge [sflag:s5], $0x2760  }
0x1b1: {  	[sflag:s5] =	ssyncset.done $0x0  }
0x1b2: {  	s1 =	rddreg [dreg:$0x5];
	[sflag:s5] =	ssyncadd.s32 $0xFFFFD8A0  }
0x1b3: {  	[tilespmem:s31], [sflag:$0xB] =	stream.linear.gather [hbm4b:s1+s30], $0x2760, $0x38;
	[tilespmem:$0x11300] =	vst v63  }
0x1b4: {  	_ =	swait.ge [sflag:s5], $0x2760  }
0x1b5: {  	[sflag:s5] =	ssyncset.done $0x0  }
0x1b6: {  	[sflag:s5] =	ssyncadd.s32 $0xFFFFD8A0  }
0x1b7: {  	[bflag:$0x0] =	sbarrier.arrive $0xFFFF  }
0x1b8: {  	[tilespmem:s12], [sflag:$0x1] =	stream.indirect.gather [hbm4b:s6+s7], $0x10, s30, s7, $0xb8;
	[tilespmem:$0x11300] =	vst v63  }
0x1b9: {  	s0 =	rddreg [dreg:$0x7]  }
0x1ba: {  	[tilespmem:s11], [sflag:$0x2] =	stream.indirect.gather [hbm4b:s6+s7], $0x10, s0, s7, $0xb8;
	[tilespmem:$0x11300] =	vst v63  }
0x1bb: {  	s1 =	rddreg [dreg:$0x8]  }
0x1bc: {  	[tilespmem:s10], [sflag:$0x3] =	stream.indirect.gather [hbm4b:s6+s7], $0x10, s1, s7, $0xb8;
	[tilespmem:$0x11300] =	vst v63  }
0x1bd: {  	_ =	swait.ge [sflag:s22], $0x1F40  }
0x1be: {  	[sflag:s22] =	ssyncset.done $0x0  }
0x1bf: {  	[sflag:s22] =	ssyncadd.s32 $0xFFFFE0C0  }
0x1c0: {  	[spmem:s2] =	stream.indirect.scatter.add.f32 [tilespmem:s12], [sflag:$0x6], $0x10, s31, s7, $0xb8;
	[tilespmem:$0x11300] =	vst v63  }
0x1c1: {  	s1 =	rddreg [dreg:$0x9]  }
0x1c2: {  	[tilespmem:s9], [sflag:$0x4] =	stream.indirect.gather [hbm4b:s6+s7], $0x10, s1, s7, $0xb8;
	[tilespmem:$0x11300] =	vst v63  }
0x1c3: {  	_ =	swait.ge [sflag:s21], $0x1F40  }
0x1c4: {  	[sflag:s21] =	ssyncset.done $0x0  }
0x1c5: {  	s30 =	rddreg [dreg:$0xa];
	[sflag:s21] =	ssyncadd.s32 $0xFFFFE0C0  }
0x1c6: {  	[spmem:s2] =	stream.indirect.scatter.add.f32 [tilespmem:s11], [sflag:$0x7], $0x10, s30, s7, $0xb8;
	[tilespmem:$0x11300] =	vst v63  }
0x1c7: {  	s31 =	rddreg [dreg:$0xb]  }
0x1c8: {  	[tilespmem:s8], [sflag:$0x5] =	stream.indirect.gather [hbm4b:s6+s7], $0x10, s31, s7, $0xb8;
	[tilespmem:$0x11300] =	vst v63  }
0x1c9: {  	_ =	swait.ge [sflag:s20], $0x1F40  }
0x1ca: {  	[sflag:s20] =	ssyncset.done $0x0  }
0x1cb: {  	s30 =	rddreg [dreg:$0xc];
	[sflag:s20] =	ssyncadd.s32 $0xFFFFE0C0  }
0x1cc: {  	[spmem:s2] =	stream.indirect.scatter.add.f32 [tilespmem:s10], [sflag:$0x8], $0x10, s30, s7, $0xb8;
	[tilespmem:$0x11300] =	vst v63  }
0x1cd: {  	_ =	swait.ge [sflag:s18], $0x1F40  }
0x1ce: {  	[sflag:s18] =	ssyncset.done $0x0  }
0x1cf: {  	s31 =	rddreg [dreg:$0xd];
	[sflag:s18] =	ssyncadd.s32 $0xFFFFE0C0  }
0x1d0: {  	[tilespmem:s12], [sflag:$0x1] =	stream.indirect.gather [hbm4b:s6+s7], $0x10, s31, s7, $0xb8;
	[tilespmem:$0x11300] =	vst v63  }
0x1d1: {  	_ =	swait.ge [sflag:s19], $0x1F40  }
0x1d2: {  	[sflag:s19] =	ssyncset.done $0x0  }
0x1d3: {  	s1 =	rddreg [dreg:$0xe];
	[sflag:s19] =	ssyncadd.s32 $0xFFFFE0C0  }
0x1d4: {  	[spmem:s2] =	stream.indirect.scatter.add.f32 [tilespmem:s9], [sflag:$0x9], $0x10, s1, s7, $0xb8;
	[tilespmem:$0x11300] =	vst v63  }
0x1d5: {  	_ =	swait.ge [sflag:s15], $0x1F40  }
0x1d6: {  	[sflag:s15] =	ssyncset.done $0x0  }
0x1d7: {  	s30 =	rddreg [dreg:$0xf];
	[sflag:s15] =	ssyncadd.s32 $0xFFFFE0C0  }
0x1d8: {  	[tilespmem:s11], [sflag:$0x2] =	stream.indirect.gather [hbm4b:s6+s7], $0x10, s30, s7, $0xb8;
	[tilespmem:$0x11300] =	vst v63  }
0x1d9: {  	_ =	swait.ge [sflag:s16], $0x1F40  }
0x1da: {  	[sflag:s16] =	ssyncset.done $0x0  }
0x1db: {  	s31 =	rddreg [dreg:$0x10];
	[sflag:s16] =	ssyncadd.s32 $0xFFFFE0C0  }
0x1dc: {  	[spmem:s2] =	stream.indirect.scatter.add.f32 [tilespmem:s8], [sflag:$0xA], $0x10, s31, s7, $0xb8;
	[tilespmem:$0x11300] =	vst v63  }
0x1dd: {  	_ =	swait.ge [sflag:s13], $0x1F40  }
0x1de: {  	[sflag:s13] =	ssyncset.done $0x0  }
0x1df: {  	s1 =	rddreg [dreg:$0x11];
	[sflag:s13] =	ssyncadd.s32 $0xFFFFE0C0  }
0x1e0: {  	[tilespmem:s10], [sflag:$0x3] =	stream.indirect.gather [hbm4b:s6+s7], $0x10, s1, s7, $0xb8;
	[tilespmem:$0x11300] =	vst v63  }
0x1e1: {  	_ =	swait.ge [sflag:s22], $0x1F40  }
0x1e2: {  	[sflag:s22] =	ssyncset.done $0x0  }
0x1e3: {  	s30 =	rddreg [dreg:$0x12];
	[sflag:s22] =	ssyncadd.s32 $0xFFFFE0C0  }
0x1e4: {  	[spmem:s2] =	stream.indirect.scatter.add.f32 [tilespmem:s12], [sflag:$0x6], $0x10, s30, s7, $0xb8;
	[tilespmem:$0x11300] =	vst v63  }
0x1e5: {  	_ =	swait.ge [sflag:s14], $0x1F40  }
0x1e6: {  	[sflag:s14] =	ssyncset.done $0x0  }
0x1e7: {  	s31 =	rddreg [dreg:$0x13];
	[sflag:s14] =	ssyncadd.s32 $0xFFFFE0C0  }
0x1e8: {  	[tilespmem:s9], [sflag:$0x4] =	stream.indirect.gather [hbm4b:s6+s7], $0x10, s31, s7, $0xb8;
	[tilespmem:$0x11300] =	vst v63  }
0x1e9: {  	_ =	swait.ge [sflag:s21], $0x1F40  }
0x1ea: {  	[sflag:s21] =	ssyncset.done $0x0  }
0x1eb: {  	s1 =	rddreg [dreg:$0x14];
	[sflag:s21] =	ssyncadd.s32 $0xFFFFE0C0  }
0x1ec: {  	[spmem:s2] =	stream.indirect.scatter.add.f32 [tilespmem:s11], [sflag:$0x7], $0x10, s1, s7, $0xb8;
	[tilespmem:$0x11300] =	vst v63  }
0x1ed: {  	_ =	swait.ge [sflag:s17], $0x1F40  }
0x1ee: {  	[sflag:s17] =	ssyncset.done $0x0  }
0x1ef: {  	s30 =	rddreg [dreg:$0x15];
	[sflag:s17] =	ssyncadd.s32 $0xFFFFE0C0  }
0x1f0: {  	[tilespmem:s8], [sflag:$0x5] =	stream.indirect.gather [hbm4b:s6+s7], $0x10, s30, s7, $0xb8;
	[tilespmem:$0x11300] =	vst v63  }
0x1f1: {  	_ =	swait.ge [sflag:s20], $0x1F40  }
0x1f2: {  	[sflag:s20] =	ssyncset.done $0x0  }
0x1f3: {  	s31 =	rddreg [dreg:$0x16];
	[sflag:s20] =	ssyncadd.s32 $0xFFFFE0C0  }
0x1f4: {  	[spmem:s2] =	stream.indirect.scatter.add.f32 [tilespmem:s10], [sflag:$0x8], $0x10, s31, s7, $0xb8;
	[tilespmem:$0x11300] =	vst v63  }
0x1f5: {  	_ =	swait.ge [sflag:s18], $0x1F40  }
0x1f6: {  	[sflag:s18] =	ssyncset.done $0x0  }
0x1f7: {  	s1 =	rddreg [dreg:$0x17];
	[sflag:s18] =	ssyncadd.s32 $0xFFFFE0C0  }
0x1f8: {  	[tilespmem:s12], [sflag:$0x1] =	stream.indirect.gather [hbm4b:s6+s7], $0x10, s1, s7, $0xb8;
	[tilespmem:$0x11300] =	vst v63  }
0x1f9: {  	_ =	swait.ge [sflag:s19], $0x1F40  }
0x1fa: {  	[sflag:s19] =	ssyncset.done $0x0  }
0x1fb: {  	s30 =	rddreg [dreg:$0x18];
	[sflag:s19] =	ssyncadd.s32 $0xFFFFE0C0  }
0x1fc: {  	[spmem:s2] =	stream.indirect.scatter.add.f32 [tilespmem:s9], [sflag:$0x9], $0x10, s30, s7, $0xb8;
	[tilespmem:$0x11300] =	vst v63  }
0x1fd: {  	_ =	swait.ge [sflag:s15], $0x1F40  }
0x1fe: {  	[sflag:s15] =	ssyncset.done $0x0  }
0x1ff: {  	s31 =	rddreg [dreg:$0x19];
	[sflag:s15] =	ssyncadd.s32 $0xFFFFE0C0  }
0x200: {  	[tilespmem:s11], [sflag:$0x2] =	stream.indirect.gather [hbm4b:s6+s7], $0x10, s31, s7, $0xb8;
	[tilespmem:$0x11300] =	vst v63  }
0x201: {  	_ =	swait.ge [sflag:s16], $0x1F40  }
0x202: {  	[sflag:s16] =	ssyncset.done $0x0  }
0x203: {  	s1 =	rddreg [dreg:$0x1a];
	[sflag:s16] =	ssyncadd.s32 $0xFFFFE0C0  }
0x204: {  	[spmem:s2] =	stream.indirect.scatter.add.f32 [tilespmem:s8], [sflag:$0xA], $0x10, s1, s7, $0xb8;
	[tilespmem:$0x11300] =	vst v63  }
0x205: {  	_ =	swait.ge [sflag:s13], $0x1F40  }
0x206: {  	[sflag:s13] =	ssyncset.done $0x0  }
0x207: {  	s30 =	rddreg [dreg:$0x1b];
	[sflag:s13] =	ssyncadd.s32 $0xFFFFE0C0  }
0x208: {  	[tilespmem:s10], [sflag:$0x3] =	stream.indirect.gather [hbm4b:s6+s7], $0x10, s30, s7, $0xb8;
	[tilespmem:$0x11300] =	vst v63  }
0x209: {  	_ =	swait.ge [sflag:s22], $0x1F40  }
0x20a: {  	[sflag:s22] =	ssyncset.done $0x0  }
0x20b: {  	s31 =	rddreg [dreg:$0x1c];
	[sflag:s22] =	ssyncadd.s32 $0xFFFFE0C0  }
0x20c: {  	[spmem:s2] =	stream.indirect.scatter.add.f32 [tilespmem:s12], [sflag:$0x6], $0x10, s31, s7, $0xb8;
	[tilespmem:$0x11300] =	vst v63  }
0x20d: {  	_ =	swait.ge [sflag:s14], $0x1F40  }
0x20e: {  	[sflag:s14] =	ssyncset.done $0x0  }
0x20f: {  	s1 =	rddreg [dreg:$0x1d];
	[sflag:s14] =	ssyncadd.s32 $0xFFFFE0C0  }
0x210: {  	[tilespmem:s9], [sflag:$0x4] =	stream.indirect.gather [hbm4b:s6+s7], $0x10, s1, s7, $0xb8;
	[tilespmem:$0x11300] =	vst v63  }
0x211: {  	_ =	swait.ge [sflag:s21], $0x1F40  }
0x212: {  	[sflag:s21] =	ssyncset.done $0x0  }
0x213: {  	s30 =	rddreg [dreg:$0x1e];
	[sflag:s21] =	ssyncadd.s32 $0xFFFFE0C0  }
0x214: {  	[spmem:s2] =	stream.indirect.scatter.add.f32 [tilespmem:s11], [sflag:$0x7], $0x10, s30, s7, $0xb8;
	[tilespmem:$0x11300] =	vst v63  }
0x215: {  	_ =	swait.ge [sflag:s17], $0x1F40  }
0x216: {  	[sflag:s17] =	ssyncset.done $0x0  }
0x217: {  	s31 =	rddreg [dreg:$0x1f];
	[sflag:s17] =	ssyncadd.s32 $0xFFFFE0C0  }
0x218: {  	[tilespmem:s8], [sflag:$0x5] =	stream.indirect.gather [hbm4b:s6+s7], $0x10, s31, s7, $0xb8;
	[tilespmem:$0x11300] =	vst v63  }
0x219: {  	_ =	swait.ge [sflag:s20], $0x1F40  }
0x21a: {  	s1 =	sld [smem:$0x7F7]  }
0x21b: {  	[sflag:s20] =	ssyncset.done $0x0  }
0x21c: {  	[sflag:s20] =	ssyncadd.s32 $0xFFFFE0C0  }
0x21d: {  	[spmem:s2] =	stream.indirect.scatter.add.f32 [tilespmem:s10], [sflag:$0x8], $0x10, s1, s7, $0xb8;
	[tilespmem:$0x11300] =	vst v63  }
0x21e: {  	_ =	swait.ge [sflag:s18], $0x1F40  }
0x21f: {  	s30 =	sld [smem:$0x7F8]  }
0x220: {  	[sflag:s18] =	ssyncset.done $0x0  }
0x221: {  	[sflag:s18] =	ssyncadd.s32 $0xFFFFE0C0  }
0x222: {  	[tilespmem:s12], [sflag:$0x1] =	stream.indirect.gather [hbm4b:s6+s7], $0x10, s30, s7, $0xb8;
	[tilespmem:$0x11300] =	vst v63  }
0x223: {  	_ =	swait.ge [sflag:s19], $0x1F40  }
0x224: {  	s31 =	sld [smem:$0x7F9]  }
0x225: {  	[sflag:s19] =	ssyncset.done $0x0  }
0x226: {  	[sflag:s19] =	ssyncadd.s32 $0xFFFFE0C0  }
0x227: {  	[spmem:s2] =	stream.indirect.scatter.add.f32 [tilespmem:s9], [sflag:$0x9], $0x10, s31, s7, $0xb8;
	[tilespmem:$0x11300] =	vst v63  }
0x228: {  	_ =	swait.ge [sflag:s15], $0x1F40  }
0x229: {  	s1 =	sld [smem:$0x7FA]  }
0x22a: {  	[sflag:s15] =	ssyncset.done $0x0  }
0x22b: {  	[sflag:s15] =	ssyncadd.s32 $0xFFFFE0C0  }
0x22c: {  	[tilespmem:s11], [sflag:$0x2] =	stream.indirect.gather [hbm4b:s6+s7], $0x10, s1, s7, $0xb8;
	[tilespmem:$0x11300] =	vst v63  }
0x22d: {  	_ =	swait.ge [sflag:s16], $0x1F40  }
0x22e: {  	s30 =	sld [smem:$0x7FB]  }
0x22f: {  	[sflag:s16] =	ssyncset.done $0x0  }
0x230: {  	[sflag:s16] =	ssyncadd.s32 $0xFFFFE0C0  }
0x231: {  	[spmem:s2] =	stream.indirect.scatter.add.f32 [tilespmem:s8], [sflag:$0xA], $0x10, s30, s7, $0xb8;
	[tilespmem:$0x11300] =	vst v63  }
0x232: {  	_ =	swait.ge [sflag:s13], $0x1F40  }
0x233: {  	s31 =	sld [smem:$0x7FC]  }
0x234: {  	[sflag:s13] =	ssyncset.done $0x0  }
0x235: {  	[sflag:s13] =	ssyncadd.s32 $0xFFFFE0C0  }
0x236: {  	[tilespmem:s10], [sflag:$0x3] =	stream.indirect.gather [hbm4b:s6+s7], $0x10, s31, s7, $0xb8;
	[tilespmem:$0x11300] =	vst v63  }
0x237: {  	_ =	swait.ge [sflag:s22], $0x1F40  }
0x238: {  	s1 =	sld [smem:$0x7FD]  }
0x239: {  	[sflag:s22] =	ssyncset.done $0x0  }
0x23a: {  	[sflag:s22] =	ssyncadd.s32 $0xFFFFE0C0  }
0x23b: {  	[spmem:s2] =	stream.indirect.scatter.add.f32 [tilespmem:s12], [sflag:$0x6], $0x10, s1, s7, $0xb8;
	[tilespmem:$0x11300] =	vst v63  }
0x23c: {  	_ =	swait.ge [sflag:s14], $0x1F40  }
0x23d: {  	[sflag:s14] =	ssyncset.done $0x0  }
0x23e: {  	[sflag:s14] =	ssyncadd.s32 $0xFFFFE0C0  }
0x23f: {  	[tilespmem:s9], [sflag:$0x4] =	stream.indirect.gather [hbm4b:s6+s7], $0x10, s24, s7, $0xb8;
	[tilespmem:$0x11300] =	vst v63  }
0x240: {  	_ =	swait.ge [sflag:s21], $0x1F40  }
0x241: {  	[sflag:s21] =	ssyncset.done $0x0  }
0x242: {  	[sflag:s21] =	ssyncadd.s32 $0xFFFFE0C0  }
0x243: {  	[spmem:s2] =	stream.indirect.scatter.add.f32 [tilespmem:s11], [sflag:$0x7], $0x10, s29, s7, $0xb8;
	[tilespmem:$0x11300] =	vst v63  }
0x244: {  	_ =	swait.ge [sflag:s17], $0x1F40  }
0x245: {  	[sflag:s17] =	ssyncset.done $0x0  }
0x246: {  	[sflag:s17] =	ssyncadd.s32 $0xFFFFE0C0  }
0x247: {  	[tilespmem:s8], [sflag:$0x5] =	stream.indirect.gather [hbm4b:s6+s7], $0x10, s28, s7, $0xb8;
	[tilespmem:$0x11300] =	vst v63  }
0x248: {  	_ =	swait.ge [sflag:s20], $0x1F40  }
0x249: {  	[sflag:s20] =	ssyncset.done $0x0  }
0x24a: {  	[sflag:s20] =	ssyncadd.s32 $0xFFFFE0C0  }
0x24b: {  	[spmem:s2] =	stream.indirect.scatter.add.f32 [tilespmem:s10], [sflag:$0x8], $0x10, s26, s7, $0xb8;
	[tilespmem:$0x11300] =	vst v63  }
0x24c: {  	_ =	swait.ge [sflag:s18], $0x1F40  }
0x24d: {  	[sflag:s18] =	ssyncset.done $0x0  }
0x24e: {  	[sflag:s18] =	ssyncadd.s32 $0xFFFFE0C0  }
0x24f: {  	_ =	swait.ge [sflag:s19], $0x1F40  }
0x250: {  	[sflag:s19] =	ssyncset.done $0x0  }
0x251: {  	[sflag:s19] =	ssyncadd.s32 $0xFFFFE0C0  }
0x252: {  	[spmem:s2] =	stream.indirect.scatter.add.f32 [tilespmem:s9], [sflag:$0x9], $0x10, s25, s7, $0xb8;
	[tilespmem:$0x11300] =	vst v63  }
0x253: {  	_ =	swait.ge [sflag:s15], $0x1F40  }
0x254: {  	[sflag:s15] =	ssyncset.done $0x0  }
0x255: {  	[sflag:s15] =	ssyncadd.s32 $0xFFFFE0C0  }
0x256: {  	_ =	swait.ge [sflag:s16], $0x1F40  }
0x257: {  	[sflag:s16] =	ssyncset.done $0x0  }
0x258: {  	s30 =	simm.s32 $0x4CC8;
	[sflag:s16] =	ssyncadd.s32 $0xFFFFE0C0  }
0x259: {  	[spmem:s2] =	stream.indirect.scatter.add.f32 [tilespmem:s8], [sflag:$0xA], $0x10, s30, s7, $0xb8;
	[tilespmem:$0x11300] =	vst v63  }
0x25a: {  	_ =	swait.ge [sflag:s13], $0x1F40  }
0x25b: {  	[sflag:s13] =	ssyncset.done $0x0  }
0x25c: {  	[sflag:s13] =	ssyncadd.s32 $0xFFFFE0C0  }
0x25d: {  	_ =	swait.ge [sflag:s14], $0x1F40  }
0x25e: {  	[sflag:s14] =	ssyncset.done $0x0  }
0x25f: {  	[sflag:s14] =	ssyncadd.s32 $0xFFFFE0C0  }
0x260: {  	_ =	swait.ge [sflag:s17], $0x1F40  }
0x261: {  	[sflag:s17] =	ssyncset.done $0x0  }
0x262: {  	[sflag:s17] =	ssyncadd.s32 $0xFFFFE0C0  }
0x263: {  	[bflag:$0x0] =	sbarrier.arrive $0xFFFF  }
0x264: {  	s31 =	rddreg [dreg:$0x6]  }
0x265: {  	[hbm:s31], [sflag:s3] =	dma.local [spmem:s4], $0x500  }
0x266: {  	_ =	swait.ge [sflag:s5], $0x500  }
0x267: {  	[sflag:s5] =	ssyncset.done $0x0  }
0x268: {  	[sflag:s5] =	ssyncadd.s32 $0xFFFFFB00  }
0x269: {  	_ =	sfence.sel $0x180000  }
0x26a: {  	[bflag:$0x0] =	sbarrier.arrive $0xFFFF  }
0x26b: {  	_ =	strace $0x90000047  }
0x26c: {  	[bflag:$0x2] =	sbarrier.arrive $0xFFFF  }
0x26d: {  	p0 =	sne.s32 s23, $0x0;
	s0 =	rddreg [dreg:$0x2]  }
0x26e: {  	s0 =	sadd.s32 @!p0 $0x100000, s0  }
0x26f: {  	[sflag:s0] =	ssyncadd.tile.s32 @!p0 $0x1;
	_ =	shalt  }
.LBB2_1:
.Ltmp3:
0x270: {  	(pc) =	sbr.rel .LBB2_6-.Ltmp3, $3  }
0x271: {  	_ =	sdelay $0x1  }
0x272: {  	s24 =	simm.s32 $0x2370;
	s29 =	simm.s32 $0x46E0  }
0x273: {  	s28 =	simm.s32 $0x2568;
	s26 =	simm.s32 $0x48D8;
	s25 =	simm.s32 $0x4AD0  }
.LBB2_3:
.Ltmp4:
0x274: {  	(pc) =	sbr.rel .LBB2_6-.Ltmp4, $3  }
0x275: {  	_ =	sdelay $0x1  }
0x276: {  	s24 =	simm.s32 $0x2370;
	s29 =	simm.s32 $0x46E0;
	s28 =	simm.s32 $0x2568  }
0x277: {  	s26 =	simm.s32 $0x48D8;
	s25 =	simm.s32 $0x4AD0;
	s23 =	stileid.u32  }
.Lfunc_end2:
_tile_overlayer_lowered:
.L_overlay_start_2:
0x278: {  	(tag) =	ssettag $0x2  }
0x279: {  	s0 =	rddreg [dreg:$0x0];
	s2 =	stileid.u32  }
0x27a: {  	s1 =	rddreg [dreg:$0x1];
	p0 =	sne.s32 s2, $0x0  }
0x27b: {  	s3 =	rddreg [dreg:$0x2];
	[bflag:$0x3] =	sbarrier.arrive $0xFFFF;
	s2 =	simm.s32 @!p0 $0x1C0B  }
0x27c: {  	[timem:s3], [sflag:s2] =	dma.local @!p0 [hbm:s0], s1  }
0x27d: {  	s0 =	simm.s32 @!p0 $0xB  }
0x27e: {  	_ =	swait.ge @!p0 [sflag:s0], s1  }
0x27f: {  	s1 =	ssub.s32 @!p0 $0x0, s1;
	[sflag:s0] =	ssyncset.done @!p0 $0x0  }
0x280: {  	[sflag:s0] =	ssyncadd.s32 @!p0 s1  }
0x281: {  	[bflag:$0x3] =	sbarrier.arrive $0xFFFF  }
0x282: {  	_ =	shalt  }

</sc_bundles>
